<compile_context>
chip_gen: v7x
topology: tpu7x:2x2x1
jax: 0.10.2.dev20260603
libtpu: 0.0.44.dev20260713+nightly
codegen_flags: <defaults>
</compile_context>

<pallas_src>
import jax
import jax.numpy as jnp
from jax import lax
from jax.experimental import pallas as pl
from jax.experimental.pallas import tpu as pltpu
from jax.experimental.pallas import tpu_sc as plsc

N = 10000
E = 320000
D = 128
G = 64

NC = 2
NS = 16
NW = NC * NS
E_PER_W = E // NW
CHUNK = 80
STEPS = E_PER_W // CHUNK

N_PAD = 10240
ROWS_PER_TILE = N_PAD // NS
ZCOPIES = ROWS_PER_TILE // CHUNK

RB = 2000
NB = N // RB

_mesh = plsc.VectorSubcoreMesh(core_axis_name="c", subcore_axis_name="s")


def _make_edge_kernel():
    out_type = [jax.ShapeDtypeStruct((NC, N_PAD, D), jnp.float32)]
    scratch = [
        pltpu.VMEM((E_PER_W,), jnp.int32),
        pltpu.VMEM((STEPS, CHUNK), jnp.int32),
        pltpu.VMEM((CHUNK, D), jnp.float32),
        pltpu.VMEM((CHUNK, D), jnp.float32),
        pltpu.VMEM_SHARED((N_PAD, D), jnp.float32),
        pltpu.SemaphoreType.DMA,
        pltpu.SemaphoreType.DMA,
        pltpu.SemaphoreType.DMA,
        pltpu.SemaphoreType.DMA,
    ]

    def body(h_hbm, src2_hbm, dst3_hbm, zrows_hbm, agg_out,
             src_big, dst_big, rows_a, rows_b, acc_sh,
             sem_a, sem_a2, sem_b, sem_b2):
        cid = lax.axis_index("c")
        sid = lax.axis_index("s")
        wid = cid * NS + sid
        r0 = sid * ROWS_PER_TILE

        pltpu.sync_copy(src2_hbm.at[wid], src_big)
        pltpu.sync_copy(dst3_hbm.at[wid], dst_big)

        HC = CHUNK // 2

        def gather(c, buf, sem1, sem2):
            o = pl.multiple_of(c * CHUNK, 8)
            pltpu.async_copy(h_hbm.at[src_big.at[pl.ds(o, HC)]],
                             buf.at[pl.ds(0, HC)], sem1)
            pltpu.async_copy(h_hbm.at[src_big.at[pl.ds(o + HC, HC)]],
                             buf.at[pl.ds(HC, HC)], sem2)

        def gwait(buf, sem1, sem2):
            pltpu.make_async_copy(zrows_hbm.at[pl.ds(0, HC)],
                                  buf.at[pl.ds(0, HC)], sem1).wait()
            pltpu.make_async_copy(zrows_hbm.at[pl.ds(0, HC)],
                                  buf.at[pl.ds(HC, HC)], sem2).wait()

        def scat(c, buf):
            pltpu.sync_copy(buf, acc_sh.at[dst_big.at[c]], add=True)

        gather(0, rows_a, sem_a, sem_a2)

        pltpu.sync_copy(zrows_hbm, rows_b)
        for k in range(ZCOPIES):
            pltpu.sync_copy(rows_b, acc_sh.at[pl.ds(r0 + k * CHUNK, CHUNK)])
        plsc.subcore_barrier()

        def step(j, carry):
            c = 2 * j
            gwait(rows_a, sem_a, sem_a2)
            gather(c + 1, rows_b, sem_b, sem_b2)
            scat(c, rows_a)
            gwait(rows_b, sem_b, sem_b2)
            gather(c + 2, rows_a, sem_a, sem_a2)
            scat(c + 1, rows_b)
            return carry

        lax.fori_loop(0, (STEPS - 1) // 2, step, 0)
        gwait(rows_a, sem_a, sem_a2)
        scat(STEPS - 1, rows_a)
        plsc.subcore_barrier()

        for k in range(ZCOPIES):
            row = r0 + k * CHUNK
            pltpu.sync_copy(acc_sh.at[pl.ds(row, CHUNK)],
                            agg_out.at[cid, pl.ds(row, CHUNK)])

    return pl.kernel(body, out_type=out_type, mesh=_mesh,
                     scratch_types=scratch)


def _make_cnt_kernel():
    out_type = [jax.ShapeDtypeStruct((NC * N_PAD,), jnp.float32)]
    scratch = [
        pltpu.VMEM((STEPS, CHUNK), jnp.int32),
        pltpu.VMEM((N_PAD,), jnp.float32),
        pltpu.VMEM((ROWS_PER_TILE,), jnp.float32),
        pltpu.VMEM((ROWS_PER_TILE,), jnp.float32),
        pltpu.VMEM_SHARED((NS * N_PAD,), jnp.float32),
    ]

    def body(dst3_hbm, cnt_out, dst_big, hist_v, ctmp_v, cacc_v, cnt_sh):
        cid = lax.axis_index("c")
        sid = lax.axis_index("s")
        wid = cid * NS + sid
        r0 = sid * ROWS_PER_TILE

        pltpu.sync_copy(dst3_hbm.at[wid], dst_big)

        def zb(j, carry):
            hist_v[pl.ds(j * 16, 16)] = jnp.zeros((16,), jnp.float32)
            return carry
        lax.fori_loop(0, N_PAD // 16, zb, 0)

        ones16 = jnp.ones((16,), jnp.float32)

        def hb(m, carry):
            for k in range(CHUNK // 16):
                plsc.addupdate_scatter(
                    hist_v, [dst_big[m, pl.ds(k * 16, 16)]], ones16)
            return carry

        lax.fori_loop(0, STEPS, hb, 0)
        pltpu.sync_copy(hist_v, cnt_sh.at[pl.ds(sid * N_PAD, N_PAD)])
        plsc.subcore_barrier()

        for s in range(NS):
            pltpu.sync_copy(cnt_sh.at[pl.ds(s * N_PAD + r0, ROWS_PER_TILE)],
                            ctmp_v)

            def cb(j, carry, first=(s == 0)):
                sl = pl.ds(j * 16, 16)
                if first:
                    cacc_v[sl] = ctmp_v[sl]
                else:
                    cacc_v[sl] = cacc_v[sl] + ctmp_v[sl]
                return carry

            lax.fori_loop(0, ROWS_PER_TILE // 16, cb, 0)
        pltpu.sync_copy(
            cacc_v, cnt_out.at[pl.ds(cid * N_PAD + r0, ROWS_PER_TILE)])

    return pl.kernel(body, out_type=out_type, mesh=_mesh,
                     scratch_types=scratch,
                     compiler_params=pltpu.CompilerParams(
                         needs_layout_passes=False))


_edge_kernel = _make_edge_kernel()
_cnt_kernel = _make_cnt_kernel()


def _mean_matmul(agg_ref, c0_ref, c1_ref, h_ref, wl_ref, bl_ref, wr_ref):
    a = agg_ref[0] + agg_ref[1]
    am = a / jnp.maximum(c0_ref[...] + c1_ref[...], 1.0)
    out = (jnp.dot(am, wl_ref[...], preferred_element_type=jnp.float32)
           + bl_ref[...][None, :]
           + jnp.dot(h_ref[...], wr_ref[...], preferred_element_type=jnp.float32))
    return jnp.maximum(out, 0.0)


def _dense_body(agg_ref, c0_ref, c1_ref, h_ref, wl_ref, bl_ref, wr_ref, out_ref):
    out_ref[...] = _mean_matmul(agg_ref, c0_ref, c1_ref, h_ref, wl_ref, bl_ref,
                                wr_ref)


_DENSE_SPECS = [
    pl.BlockSpec((NC, RB, D), lambda i: (0, i, 0)),
    pl.BlockSpec((RB, 1), lambda i: (i, 0)),
    pl.BlockSpec((RB, 1), lambda i: (i, 0)),
    pl.BlockSpec((RB, D), lambda i: (i, 0)),
    pl.BlockSpec((D, D), lambda i: (0, 0)),
    pl.BlockSpec((D,), lambda i: (0,)),
    pl.BlockSpec((D, D), lambda i: (0, 0)),
]


def _dense(agg2, c0, c1, h, Wl, bl, Wr):
    return pl.pallas_call(
        _dense_body,
        grid=(NB,),
        in_specs=_DENSE_SPECS,
        out_specs=pl.BlockSpec((RB, D), lambda i: (i, 0)),
        out_shape=jax.ShapeDtypeStruct((N, D), jnp.float32),
    )(agg2, c0, c1, h, Wl, bl, Wr)


def _final_body(agg_ref, c0_ref, c1_ref, h_ref, wl_ref, bl_ref, wr_ref, batch_ref,
                wc1_ref, bc1_ref, wc2_ref, bc2_ref, out_ref, pool, cntg):
    i = pl.program_id(0)

    @pl.when(i == 0)
    def _init():
        pool[...] = jnp.zeros_like(pool)
        cntg[...] = jnp.zeros_like(cntg)

    h3 = _mean_matmul(agg_ref, c0_ref, c1_ref, h_ref, wl_ref, bl_ref, wr_ref)
    b = batch_ref[0]
    oh = (lax.broadcasted_iota(jnp.int32, (G, RB), 0)
          == jnp.broadcast_to(b, (G, RB))).astype(jnp.float32)
    pool[...] += jnp.dot(oh, h3, preferred_element_type=jnp.float32,
                         precision=lax.Precision.HIGHEST)
    cntg[...] += jnp.broadcast_to(jnp.sum(oh, axis=1, keepdims=True), (G, D))

    @pl.when(i == NB - 1)
    def _fin():
        g = pool[...] / jnp.maximum(cntg[...], 1.0)
        z = jnp.maximum(
            jnp.dot(g, wc1_ref[...], preferred_element_type=jnp.float32)
            + bc1_ref[...][None, :], 0.0)
        out_ref[...] = (jnp.dot(z, wc2_ref[...], preferred_element_type=jnp.float32)
                        + bc2_ref[...][None, :])


def _dense_final(agg2, c0, c1, h, Wl, bl, Wr, batch3, Wc1, bc1, Wc2, bc2):
    return pl.pallas_call(
        _final_body,
        grid=(NB,),
        in_specs=_DENSE_SPECS + [
            pl.BlockSpec((1, 1, RB), lambda i: (i, 0, 0)),
            pl.BlockSpec((D, D), lambda i: (0, 0)),
            pl.BlockSpec((D,), lambda i: (0,)),
            pl.BlockSpec((D, 2), lambda i: (0, 0)),
            pl.BlockSpec((2,), lambda i: (0,)),
        ],
        out_specs=pl.BlockSpec((G, 2), lambda i: (0, 0)),
        out_shape=jax.ShapeDtypeStruct((G, 2), jnp.float32),
        scratch_shapes=[
            pltpu.VMEM((G, D), jnp.float32),
            pltpu.VMEM((G, D), jnp.float32),
        ],
    )(agg2, c0, c1, h, Wl, bl, Wr, batch3, Wc1, bc1, Wc2, bc2)


def kernel(x, edge_index, batch, Wl0, bl0, Wr0, Wl1, bl1, Wr1, Wl2, bl2, Wr2,
           Wc1, bc1, Wc2, bc2):
    src = edge_index[0].reshape(NW, E_PER_W)
    dst = edge_index[1].reshape(NW, STEPS, CHUNK)
    zrows = jnp.zeros((CHUNK, D), jnp.float32)

    (cnt_flat,) = _cnt_kernel(dst)
    (agg0,) = _edge_kernel(x, src, dst, zrows)
    c0 = cnt_flat[:N_PAD].reshape(N_PAD, 1)
    c1 = cnt_flat[N_PAD:].reshape(N_PAD, 1)
    h1 = _dense(agg0, c0, c1, x, Wl0, bl0, Wr0)
    (agg1,) = _edge_kernel(h1, src, dst, zrows)
    h2 = _dense(agg1, c0, c1, h1, Wl1, bl1, Wr1)
    (agg2,) = _edge_kernel(h2, src, dst, zrows)
    batch3 = batch.reshape(NB, 1, RB)
    return _dense_final(agg2, c0, c1, h2, Wl2, bl2, Wr2, batch3,
                        Wc1, bc1, Wc2, bc2)

# --- scband reference (transcript-rebuilt; emitter-appended) ---
"""Pipeline reference for scband-gnn-4312147165498 (READ-ONLY COPY).

The authoritative reference and input builder live on the scoring server;
editing this copy changes nothing except your own understanding.
"""

import jax, jax.numpy as jnp
import numpy as np

N = 10000
E = 320000
D = 128
H = 128
G = 64

def setup_inputs(seed: int = 0) -> dict:
    key = jax.random.key(seed)
    ks = jax.random.split(key, 20)
    s = 0.05
    inp = {}
    inp['x'] = jax.random.normal(ks[0], (N, D), dtype=jnp.float32)
    inp['edge_index'] = jax.random.randint(ks[1], (2, E), 0, N, dtype=jnp.int32)
    inp['batch'] = jnp.sort(jax.random.randint(ks[2], (N,), 0, G, dtype=jnp.int32))
    # SAGE layer 0: in D -> H
    inp['Wl0'] = jax.random.normal(ks[3], (D, H), dtype=jnp.float32) * s
    inp['bl0'] = jnp.zeros((H,), dtype=jnp.float32)
    inp['Wr0'] = jax.random.normal(ks[4], (D, H), dtype=jnp.float32) * s
    # SAGE layers 1,2: H -> H
    inp['Wl1'] = jax.random.normal(ks[5], (H, H), dtype=jnp.float32) * s
    inp['bl1'] = jnp.zeros((H,), dtype=jnp.float32)
    inp['Wr1'] = jax.random.normal(ks[6], (H, H), dtype=jnp.float32) * s
    inp['Wl2'] = jax.random.normal(ks[7], (H, H), dtype=jnp.float32) * s
    inp['bl2'] = jnp.zeros((H,), dtype=jnp.float32)
    inp['Wr2'] = jax.random.normal(ks[8], (H, H), dtype=jnp.float32) * s
    # classifier: Linear(H,H) -> ReLU -> Linear(H,2)
    inp['Wc1'] = jax.random.normal(ks[9], (H, H), dtype=jnp.float32) * s
    inp['bc1'] = jnp.zeros((H,), dtype=jnp.float32)
    inp['Wc2'] = jax.random.normal(ks[10], (H, 2), dtype=jnp.float32) * s
    inp['bc2'] = jnp.zeros((2,), dtype=jnp.float32)
    return inp

def _sage_layer(h, src, dst, Wl, bl, Wr):
    # PyG SAGEConv (aggr='mean', root_weight=True): out = lin_l(mean_j x_j) + lin_r(x_i)
    msg = jnp.take(h, src, axis=0)
    agg = jax.ops.segment_sum(msg, dst, num_segments=N)
    cnt = jax.ops.segment_sum(jnp.ones((src.shape[0],), jnp.float32), dst, num_segments=N)
    agg = agg / jnp.maximum(cnt, 1.0)[:, None]
    return agg @ Wl + bl + h @ Wr

def reference(x, edge_index, batch, Wl0, bl0, Wr0, Wl1, bl1, Wr1, Wl2, bl2, Wr2, Wc1, bc1, Wc2, bc2):
    src, dst = edge_index[0], edge_index[1]
    h = x
    for (Wl, bl, Wr) in ((Wl0, bl0, Wr0), (Wl1, bl1, Wr1), (Wl2, bl2, Wr2)):
        h = jax.nn.relu(_sage_layer(h, src, dst, Wl, bl, Wr))
        # dropout p=0.0 / eval mode -> identity
    # global_mean_pool over batch assignment
    s = jax.ops.segment_sum(h, batch, num_segments=G)
    c = jax.ops.segment_sum(jnp.ones((N,), jnp.float32), batch, num_segments=G)
    g = s / jnp.maximum(c, 1.0)[:, None]
    z = jax.nn.relu(g @ Wc1 + bc1)
    return z @ Wc2 + bc2

if __name__ == "__main__":
    import jax
    _d = setup_inputs()
    print(jax.jit(kernel)(*tuple(_d.values())))

</pallas_src>

<mosaic_0001>
#map = affine_map<(d0, d1) -> (0, 0)>
#map1 = affine_map<(d0, d1) -> (0, 0, 0)>
module attributes {stable_mosaic.version = 14 : i64} {
  func.func @body(%arg0: i32, %arg1: i32, %arg2: memref<10000x128xf32, #tpu.memory_space<hbm>>, %arg3: memref<32x10000xi32, #tpu.memory_space<hbm>>, %arg4: memref<32x125x80xi32, #tpu.memory_space<hbm>>, %arg5: memref<80x128xf32, #tpu.memory_space<hbm>>, %arg6: memref<2x10240x128xf32, #tpu.memory_space<hbm>>, %arg7: memref<10000xi32, #tpu.memory_space<vmem>>, %arg8: memref<125x80xi32, #tpu.memory_space<vmem>>, %arg9: memref<80x128xf32, #tpu.memory_space<vmem>>, %arg10: memref<80x128xf32, #tpu.memory_space<vmem>>, %arg11: memref<10240x128xf32, #tpu.memory_space<vmem_shared>>, %arg12: memref<!tpu.dma_semaphore, #tpu.memory_space<semaphore_mem>>, %arg13: memref<!tpu.dma_semaphore, #tpu.memory_space<semaphore_mem>>, %arg14: memref<!tpu.dma_semaphore, #tpu.memory_space<semaphore_mem>>, %arg15: memref<!tpu.dma_semaphore, #tpu.memory_space<semaphore_mem>>) attributes {dimension_semantics = [#tpu.dimension_semantics<core_parallel>, #tpu.dimension_semantics<subcore_parallel>], iteration_bounds = array<i64: 2, 16>, scalar_prefetch = 0 : i64, scratch_operands = 9 : i64, tpu.core_type = #tpu.core_type<sc_vector_subcore>, window_params = [{transform_indices = #map}, {transform_indices = #map}, {transform_indices = #map1}, {transform_indices = #map}, {transform_indices = #map1}]} {
    %mul3A = arith.constant 16 : i32
    %mul3A_0 = arith.muli %arg0, %mul3A : i32
    %add3A = arith.addi %mul3A_0, %arg1 : i32
    %mul3A_1 = arith.constant 640 : i32
    %mul3A_2 = arith.muli %arg1, %mul3A_1 : i32
    "tpu.region"() ({
      %run_scoped3A_80 = tpu.sem_alloc : memref<!tpu.dma_semaphore, #tpu.memory_space<semaphore_mem>>
      %dma_start3A_81 = arith.constant 0 : i32
      %dma_start3A_82 = tpu.memref_slice %arg3[%add3A, %dma_start3A_81] : memref<32x10000xi32, #tpu.memory_space<hbm>> -> memref<1x10000xi32, #tpu.memory_space<hbm>>
      %dma_start3A_83 = tpu.memref_squeeze %dma_start3A_82 : memref<1x10000xi32, #tpu.memory_space<hbm>> -> memref<10000xi32, #tpu.memory_space<hbm>>
      %dma_start3A_84 = arith.constant 0 : i32
      %dma_start3A_85 = tpu.memref_slice %arg3[%add3A, %dma_start3A_84] : memref<32x10000xi32, #tpu.memory_space<hbm>> -> memref<1x10000xi32, #tpu.memory_space<hbm>>
      %dma_start3A_86 = tpu.memref_squeeze %dma_start3A_85 : memref<1x10000xi32, #tpu.memory_space<hbm>> -> memref<10000xi32, #tpu.memory_space<hbm>>
      tpu.enqueue_dma source(%dma_start3A_86 : memref<10000xi32, #tpu.memory_space<hbm>>) target(%arg7 : memref<10000xi32, #tpu.memory_space<vmem>>) target_semaphore(%run_scoped3A_80 : memref<!tpu.dma_semaphore, #tpu.memory_space<semaphore_mem>>)
      %dma_wait3A_87 = arith.constant 0 : i32
      %dma_wait3A_88 = tpu.memref_slice %arg3[%add3A, %dma_wait3A_87] : memref<32x10000xi32, #tpu.memory_space<hbm>> -> memref<1x10000xi32, #tpu.memory_space<hbm>>
      %dma_wait3A_89 = tpu.memref_squeeze %dma_wait3A_88 : memref<1x10000xi32, #tpu.memory_space<hbm>> -> memref<10000xi32, #tpu.memory_space<hbm>>
      %dma_wait3A_90 = arith.constant 0 : i32
      %dma_wait3A_91 = tpu.memref_slice %arg3[%add3A, %dma_wait3A_90] : memref<32x10000xi32, #tpu.memory_space<hbm>> -> memref<1x10000xi32, #tpu.memory_space<hbm>>
      %dma_wait3A_92 = tpu.memref_squeeze %dma_wait3A_91 : memref<1x10000xi32, #tpu.memory_space<hbm>> -> memref<10000xi32, #tpu.memory_space<hbm>>
      tpu.wait_dma2 semaphore(%run_scoped3A_80 : memref<!tpu.dma_semaphore, #tpu.memory_space<semaphore_mem>>) src(%dma_wait3A_92 : memref<10000xi32, #tpu.memory_space<hbm>>) dst(%arg7 : memref<10000xi32, #tpu.memory_space<vmem>>)
      tpu.yield
    }) : () -> ()
    "tpu.region"() ({
      %run_scoped3A_80 = tpu.sem_alloc : memref<!tpu.dma_semaphore, #tpu.memory_space<semaphore_mem>>
      %dma_start3A_81 = arith.constant 0 : i32
      %dma_start3A_82 = arith.constant 0 : i32
      %dma_start3A_83 = tpu.memref_slice %arg4[%add3A, %dma_start3A_81, %dma_start3A_82] : memref<32x125x80xi32, #tpu.memory_space<hbm>> -> memref<1x125x80xi32, #tpu.memory_space<hbm>>
      %dma_start3A_84 = tpu.memref_squeeze %dma_start3A_83 : memref<1x125x80xi32, #tpu.memory_space<hbm>> -> memref<125x80xi32, #tpu.memory_space<hbm>>
      %dma_start3A_85 = arith.constant 0 : i32
      %dma_start3A_86 = arith.constant 0 : i32
      %dma_start3A_87 = tpu.memref_slice %arg4[%add3A, %dma_start3A_85, %dma_start3A_86] : memref<32x125x80xi32, #tpu.memory_space<hbm>> -> memref<1x125x80xi32, #tpu.memory_space<hbm>>
      %dma_start3A_88 = tpu.memref_squeeze %dma_start3A_87 : memref<1x125x80xi32, #tpu.memory_space<hbm>> -> memref<125x80xi32, #tpu.memory_space<hbm>>
      tpu.enqueue_dma source(%dma_start3A_88 : memref<125x80xi32, #tpu.memory_space<hbm>>) target(%arg8 : memref<125x80xi32, #tpu.memory_space<vmem>>) target_semaphore(%run_scoped3A_80 : memref<!tpu.dma_semaphore, #tpu.memory_space<semaphore_mem>>)
      %dma_wait3A_89 = arith.constant 0 : i32
      %dma_wait3A_90 = arith.constant 0 : i32
      %dma_wait3A_91 = tpu.memref_slice %arg4[%add3A, %dma_wait3A_89, %dma_wait3A_90] : memref<32x125x80xi32, #tpu.memory_space<hbm>> -> memref<1x125x80xi32, #tpu.memory_space<hbm>>
      %dma_wait3A_92 = tpu.memref_squeeze %dma_wait3A_91 : memref<1x125x80xi32, #tpu.memory_space<hbm>> -> memref<125x80xi32, #tpu.memory_space<hbm>>
      %dma_wait3A_93 = arith.constant 0 : i32
      %dma_wait3A_94 = arith.constant 0 : i32
      %dma_wait3A_95 = tpu.memref_slice %arg4[%add3A, %dma_wait3A_93, %dma_wait3A_94] : memref<32x125x80xi32, #tpu.memory_space<hbm>> -> memref<1x125x80xi32, #tpu.memory_space<hbm>>
      %dma_wait3A_96 = tpu.memref_squeeze %dma_wait3A_95 : memref<1x125x80xi32, #tpu.memory_space<hbm>> -> memref<125x80xi32, #tpu.memory_space<hbm>>
      tpu.wait_dma2 semaphore(%run_scoped3A_80 : memref<!tpu.dma_semaphore, #tpu.memory_space<semaphore_mem>>) src(%dma_wait3A_96 : memref<125x80xi32, #tpu.memory_space<hbm>>) dst(%arg8 : memref<125x80xi32, #tpu.memory_space<vmem>>)
      tpu.yield
    }) : () -> ()
    %multiple_of3A = arith.constant 0 : i32
    %multiple_of3A_3 = tpu.assume_multiple %multiple_of3A, 8 : i32
    %dma_start3A = arith.constant 0 : i32
    %dma_start3A_4 = arith.constant 0 : i32
    %dma_start3A_5 = tpu.memref_slice %arg9[%dma_start3A, %dma_start3A_4] : memref<80x128xf32, #tpu.memory_space<vmem>> -> memref<40x128xf32, #tpu.memory_space<vmem>>
    %dma_start3A_6 = tpu.memref_slice %arg7[%multiple_of3A_3] : memref<10000xi32, #tpu.memory_space<vmem>> -> memref<40xi32, #tpu.memory_space<vmem>>
    %dma_start3A_7 = arith.constant 0 : i32
    %dma_start3A_8 = arith.constant 0 : i32
    %dma_start3A_9 = tpu.memref_slice %arg2[%dma_start3A_7, %dma_start3A_8] : memref<10000x128xf32, #tpu.memory_space<hbm>> -> memref<10000x128xf32, #tpu.memory_space<hbm>>
    tpu.enqueue_indirect_dma source(%dma_start3A_9 : memref<10000x128xf32, #tpu.memory_space<hbm>>) target(%dma_start3A_5 : memref<40x128xf32, #tpu.memory_space<vmem>>) offsets(%dma_start3A_6 : memref<40xi32, #tpu.memory_space<vmem>>) semaphore(%arg12 : memref<!tpu.dma_semaphore, #tpu.memory_space<semaphore_mem>>)
    %add3A_10 = arith.constant 40 : i32
    %add3A_11 = arith.addi %multiple_of3A_3, %add3A_10 : i32
    %dma_start3A_12 = arith.constant 40 : i32
    %dma_start3A_13 = arith.constant 0 : i32
    %dma_start3A_14 = tpu.memref_slice %arg9[%dma_start3A_12, %dma_start3A_13] : memref<80x128xf32, #tpu.memory_space<vmem>> -> memref<40x128xf32, #tpu.memory_space<vmem>>
    %dma_start3A_15 = tpu.memref_slice %arg7[%add3A_11] : memref<10000xi32, #tpu.memory_space<vmem>> -> memref<40xi32, #tpu.memory_space<vmem>>
    %dma_start3A_16 = arith.constant 0 : i32
    %dma_start3A_17 = arith.constant 0 : i32
    %dma_start3A_18 = tpu.memref_slice %arg2[%dma_start3A_16, %dma_start3A_17] : memref<10000x128xf32, #tpu.memory_space<hbm>> -> memref<10000x128xf32, #tpu.memory_space<hbm>>
    tpu.enqueue_indirect_dma source(%dma_start3A_18 : memref<10000x128xf32, #tpu.memory_space<hbm>>) target(%dma_start3A_14 : memref<40x128xf32, #tpu.memory_space<vmem>>) offsets(%dma_start3A_15 : memref<40xi32, #tpu.memory_space<vmem>>) semaphore(%arg13 : memref<!tpu.dma_semaphore, #tpu.memory_space<semaphore_mem>>)
    "tpu.region"() ({
      %run_scoped3A_80 = tpu.sem_alloc : memref<!tpu.dma_semaphore, #tpu.memory_space<semaphore_mem>>
      tpu.enqueue_dma source(%arg5 : memref<80x128xf32, #tpu.memory_space<hbm>>) target(%arg10 : memref<80x128xf32, #tpu.memory_space<vmem>>) target_semaphore(%run_scoped3A_80 : memref<!tpu.dma_semaphore, #tpu.memory_space<semaphore_mem>>)
      tpu.wait_dma2 semaphore(%run_scoped3A_80 : memref<!tpu.dma_semaphore, #tpu.memory_space<semaphore_mem>>) src(%arg5 : memref<80x128xf32, #tpu.memory_space<hbm>>) dst(%arg10 : memref<80x128xf32, #tpu.memory_space<vmem>>)
      tpu.yield
    }) : () -> ()
    %add3A_19 = arith.constant 0 : i32
    %add3A_20 = arith.addi %mul3A_2, %add3A_19 : i32
    "tpu.region"() ({
      %run_scoped3A_80 = tpu.sem_alloc : memref<!tpu.dma_semaphore, #tpu.memory_space<semaphore_mem>>
      %dma_start3A_81 = arith.constant 0 : i32
      %dma_start3A_82 = tpu.memref_slice %arg11[%add3A_20, %dma_start3A_81] : memref<10240x128xf32, #tpu.memory_space<vmem_shared>> -> memref<80x128xf32, #tpu.memory_space<vmem_shared>>
      %dma_start3A_83 = arith.constant 0 : i32
      %dma_start3A_84 = tpu.memref_slice %arg11[%add3A_20, %dma_start3A_83] : memref<10240x128xf32, #tpu.memory_space<vmem_shared>> -> memref<80x128xf32, #tpu.memory_space<vmem_shared>>
      tpu.enqueue_dma source(%arg10 : memref<80x128xf32, #tpu.memory_space<vmem>>) target(%dma_start3A_84 : memref<80x128xf32, #tpu.memory_space<vmem_shared>>) target_semaphore(%run_scoped3A_80 : memref<!tpu.dma_semaphore, #tpu.memory_space<semaphore_mem>>)
      %dma_wait3A_85 = arith.constant 0 : i32
      %dma_wait3A_86 = tpu.memref_slice %arg11[%add3A_20, %dma_wait3A_85] : memref<10240x128xf32, #tpu.memory_space<vmem_shared>> -> memref<80x128xf32, #tpu.memory_space<vmem_shared>>
      %dma_wait3A_87 = arith.constant 0 : i32
      %dma_wait3A_88 = tpu.memref_slice %arg11[%add3A_20, %dma_wait3A_87] : memref<10240x128xf32, #tpu.memory_space<vmem_shared>> -> memref<80x128xf32, #tpu.memory_space<vmem_shared>>
      tpu.wait_dma2 semaphore(%run_scoped3A_80 : memref<!tpu.dma_semaphore, #tpu.memory_space<semaphore_mem>>) src(%arg10 : memref<80x128xf32, #tpu.memory_space<vmem>>) dst(%dma_wait3A_88 : memref<80x128xf32, #tpu.memory_space<vmem_shared>>)
      tpu.yield
    }) : () -> ()
    %add3A_21 = arith.constant 80 : i32
    %add3A_22 = arith.addi %mul3A_2, %add3A_21 : i32
    "tpu.region"() ({
      %run_scoped3A_80 = tpu.sem_alloc : memref<!tpu.dma_semaphore, #tpu.memory_space<semaphore_mem>>
      %dma_start3A_81 = arith.constant 0 : i32
      %dma_start3A_82 = tpu.memref_slice %arg11[%add3A_22, %dma_start3A_81] : memref<10240x128xf32, #tpu.memory_space<vmem_shared>> -> memref<80x128xf32, #tpu.memory_space<vmem_shared>>
      %dma_start3A_83 = arith.constant 0 : i32
      %dma_start3A_84 = tpu.memref_slice %arg11[%add3A_22, %dma_start3A_83] : memref<10240x128xf32, #tpu.memory_space<vmem_shared>> -> memref<80x128xf32, #tpu.memory_space<vmem_shared>>
      tpu.enqueue_dma source(%arg10 : memref<80x128xf32, #tpu.memory_space<vmem>>) target(%dma_start3A_84 : memref<80x128xf32, #tpu.memory_space<vmem_shared>>) target_semaphore(%run_scoped3A_80 : memref<!tpu.dma_semaphore, #tpu.memory_space<semaphore_mem>>)
      %dma_wait3A_85 = arith.constant 0 : i32
      %dma_wait3A_86 = tpu.memref_slice %arg11[%add3A_22, %dma_wait3A_85] : memref<10240x128xf32, #tpu.memory_space<vmem_shared>> -> memref<80x128xf32, #tpu.memory_space<vmem_shared>>
      %dma_wait3A_87 = arith.constant 0 : i32
      %dma_wait3A_88 = tpu.memref_slice %arg11[%add3A_22, %dma_wait3A_87] : memref<10240x128xf32, #tpu.memory_space<vmem_shared>> -> memref<80x128xf32, #tpu.memory_space<vmem_shared>>
      tpu.wait_dma2 semaphore(%run_scoped3A_80 : memref<!tpu.dma_semaphore, #tpu.memory_space<semaphore_mem>>) src(%arg10 : memref<80x128xf32, #tpu.memory_space<vmem>>) dst(%dma_wait3A_88 : memref<80x128xf32, #tpu.memory_space<vmem_shared>>)
      tpu.yield
    }) : () -> ()
    %add3A_23 = arith.constant 160 : i32
    %add3A_24 = arith.addi %mul3A_2, %add3A_23 : i32
    "tpu.region"() ({
      %run_scoped3A_80 = tpu.sem_alloc : memref<!tpu.dma_semaphore, #tpu.memory_space<semaphore_mem>>
      %dma_start3A_81 = arith.constant 0 : i32
      %dma_start3A_82 = tpu.memref_slice %arg11[%add3A_24, %dma_start3A_81] : memref<10240x128xf32, #tpu.memory_space<vmem_shared>> -> memref<80x128xf32, #tpu.memory_space<vmem_shared>>
      %dma_start3A_83 = arith.constant 0 : i32
      %dma_start3A_84 = tpu.memref_slice %arg11[%add3A_24, %dma_start3A_83] : memref<10240x128xf32, #tpu.memory_space<vmem_shared>> -> memref<80x128xf32, #tpu.memory_space<vmem_shared>>
      tpu.enqueue_dma source(%arg10 : memref<80x128xf32, #tpu.memory_space<vmem>>) target(%dma_start3A_84 : memref<80x128xf32, #tpu.memory_space<vmem_shared>>) target_semaphore(%run_scoped3A_80 : memref<!tpu.dma_semaphore, #tpu.memory_space<semaphore_mem>>)
      %dma_wait3A_85 = arith.constant 0 : i32
      %dma_wait3A_86 = tpu.memref_slice %arg11[%add3A_24, %dma_wait3A_85] : memref<10240x128xf32, #tpu.memory_space<vmem_shared>> -> memref<80x128xf32, #tpu.memory_space<vmem_shared>>
      %dma_wait3A_87 = arith.constant 0 : i32
      %dma_wait3A_88 = tpu.memref_slice %arg11[%add3A_24, %dma_wait3A_87] : memref<10240x128xf32, #tpu.memory_space<vmem_shared>> -> memref<80x128xf32, #tpu.memory_space<vmem_shared>>
      tpu.wait_dma2 semaphore(%run_scoped3A_80 : memref<!tpu.dma_semaphore, #tpu.memory_space<semaphore_mem>>) src(%arg10 : memref<80x128xf32, #tpu.memory_space<vmem>>) dst(%dma_wait3A_88 : memref<80x128xf32, #tpu.memory_space<vmem_shared>>)
      tpu.yield
    }) : () -> ()
    %add3A_25 = arith.constant 240 : i32
    %add3A_26 = arith.addi %mul3A_2, %add3A_25 : i32
    "tpu.region"() ({
      %run_scoped3A_80 = tpu.sem_alloc : memref<!tpu.dma_semaphore, #tpu.memory_space<semaphore_mem>>
      %dma_start3A_81 = arith.constant 0 : i32
      %dma_start3A_82 = tpu.memref_slice %arg11[%add3A_26, %dma_start3A_81] : memref<10240x128xf32, #tpu.memory_space<vmem_shared>> -> memref<80x128xf32, #tpu.memory_space<vmem_shared>>
      %dma_start3A_83 = arith.constant 0 : i32
      %dma_start3A_84 = tpu.memref_slice %arg11[%add3A_26, %dma_start3A_83] : memref<10240x128xf32, #tpu.memory_space<vmem_shared>> -> memref<80x128xf32, #tpu.memory_space<vmem_shared>>
      tpu.enqueue_dma source(%arg10 : memref<80x128xf32, #tpu.memory_space<vmem>>) target(%dma_start3A_84 : memref<80x128xf32, #tpu.memory_space<vmem_shared>>) target_semaphore(%run_scoped3A_80 : memref<!tpu.dma_semaphore, #tpu.memory_space<semaphore_mem>>)
      %dma_wait3A_85 = arith.constant 0 : i32
      %dma_wait3A_86 = tpu.memref_slice %arg11[%add3A_26, %dma_wait3A_85] : memref<10240x128xf32, #tpu.memory_space<vmem_shared>> -> memref<80x128xf32, #tpu.memory_space<vmem_shared>>
      %dma_wait3A_87 = arith.constant 0 : i32
      %dma_wait3A_88 = tpu.memref_slice %arg11[%add3A_26, %dma_wait3A_87] : memref<10240x128xf32, #tpu.memory_space<vmem_shared>> -> memref<80x128xf32, #tpu.memory_space<vmem_shared>>
      tpu.wait_dma2 semaphore(%run_scoped3A_80 : memref<!tpu.dma_semaphore, #tpu.memory_space<semaphore_mem>>) src(%arg10 : memref<80x128xf32, #tpu.memory_space<vmem>>) dst(%dma_wait3A_88 : memref<80x128xf32, #tpu.memory_space<vmem_shared>>)
      tpu.yield
    }) : () -> ()
    %add3A_27 = arith.constant 320 : i32
    %add3A_28 = arith.addi %mul3A_2, %add3A_27 : i32
    "tpu.region"() ({
      %run_scoped3A_80 = tpu.sem_alloc : memref<!tpu.dma_semaphore, #tpu.memory_space<semaphore_mem>>
      %dma_start3A_81 = arith.constant 0 : i32
      %dma_start3A_82 = tpu.memref_slice %arg11[%add3A_28, %dma_start3A_81] : memref<10240x128xf32, #tpu.memory_space<vmem_shared>> -> memref<80x128xf32, #tpu.memory_space<vmem_shared>>
      %dma_start3A_83 = arith.constant 0 : i32
      %dma_start3A_84 = tpu.memref_slice %arg11[%add3A_28, %dma_start3A_83] : memref<10240x128xf32, #tpu.memory_space<vmem_shared>> -> memref<80x128xf32, #tpu.memory_space<vmem_shared>>
      tpu.enqueue_dma source(%arg10 : memref<80x128xf32, #tpu.memory_space<vmem>>) target(%dma_start3A_84 : memref<80x128xf32, #tpu.memory_space<vmem_shared>>) target_semaphore(%run_scoped3A_80 : memref<!tpu.dma_semaphore, #tpu.memory_space<semaphore_mem>>)
      %dma_wait3A_85 = arith.constant 0 : i32
      %dma_wait3A_86 = tpu.memref_slice %arg11[%add3A_28, %dma_wait3A_85] : memref<10240x128xf32, #tpu.memory_space<vmem_shared>> -> memref<80x128xf32, #tpu.memory_space<vmem_shared>>
      %dma_wait3A_87 = arith.constant 0 : i32
      %dma_wait3A_88 = tpu.memref_slice %arg11[%add3A_28, %dma_wait3A_87] : memref<10240x128xf32, #tpu.memory_space<vmem_shared>> -> memref<80x128xf32, #tpu.memory_space<vmem_shared>>
      tpu.wait_dma2 semaphore(%run_scoped3A_80 : memref<!tpu.dma_semaphore, #tpu.memory_space<semaphore_mem>>) src(%arg10 : memref<80x128xf32, #tpu.memory_space<vmem>>) dst(%dma_wait3A_88 : memref<80x128xf32, #tpu.memory_space<vmem_shared>>)
      tpu.yield
    }) : () -> ()
    %add3A_29 = arith.constant 400 : i32
    %add3A_30 = arith.addi %mul3A_2, %add3A_29 : i32
    "tpu.region"() ({
      %run_scoped3A_80 = tpu.sem_alloc : memref<!tpu.dma_semaphore, #tpu.memory_space<semaphore_mem>>
      %dma_start3A_81 = arith.constant 0 : i32
      %dma_start3A_82 = tpu.memref_slice %arg11[%add3A_30, %dma_start3A_81] : memref<10240x128xf32, #tpu.memory_space<vmem_shared>> -> memref<80x128xf32, #tpu.memory_space<vmem_shared>>
      %dma_start3A_83 = arith.constant 0 : i32
      %dma_start3A_84 = tpu.memref_slice %arg11[%add3A_30, %dma_start3A_83] : memref<10240x128xf32, #tpu.memory_space<vmem_shared>> -> memref<80x128xf32, #tpu.memory_space<vmem_shared>>
      tpu.enqueue_dma source(%arg10 : memref<80x128xf32, #tpu.memory_space<vmem>>) target(%dma_start3A_84 : memref<80x128xf32, #tpu.memory_space<vmem_shared>>) target_semaphore(%run_scoped3A_80 : memref<!tpu.dma_semaphore, #tpu.memory_space<semaphore_mem>>)
      %dma_wait3A_85 = arith.constant 0 : i32
      %dma_wait3A_86 = tpu.memref_slice %arg11[%add3A_30, %dma_wait3A_85] : memref<10240x128xf32, #tpu.memory_space<vmem_shared>> -> memref<80x128xf32, #tpu.memory_space<vmem_shared>>
      %dma_wait3A_87 = arith.constant 0 : i32
      %dma_wait3A_88 = tpu.memref_slice %arg11[%add3A_30, %dma_wait3A_87] : memref<10240x128xf32, #tpu.memory_space<vmem_shared>> -> memref<80x128xf32, #tpu.memory_space<vmem_shared>>
      tpu.wait_dma2 semaphore(%run_scoped3A_80 : memref<!tpu.dma_semaphore, #tpu.memory_space<semaphore_mem>>) src(%arg10 : memref<80x128xf32, #tpu.memory_space<vmem>>) dst(%dma_wait3A_88 : memref<80x128xf32, #tpu.memory_space<vmem_shared>>)
      tpu.yield
    }) : () -> ()
    %add3A_31 = arith.constant 480 : i32
    %add3A_32 = arith.addi %mul3A_2, %add3A_31 : i32
    "tpu.region"() ({
      %run_scoped3A_80 = tpu.sem_alloc : memref<!tpu.dma_semaphore, #tpu.memory_space<semaphore_mem>>
      %dma_start3A_81 = arith.constant 0 : i32
      %dma_start3A_82 = tpu.memref_slice %arg11[%add3A_32, %dma_start3A_81] : memref<10240x128xf32, #tpu.memory_space<vmem_shared>> -> memref<80x128xf32, #tpu.memory_space<vmem_shared>>
      %dma_start3A_83 = arith.constant 0 : i32
      %dma_start3A_84 = tpu.memref_slice %arg11[%add3A_32, %dma_start3A_83] : memref<10240x128xf32, #tpu.memory_space<vmem_shared>> -> memref<80x128xf32, #tpu.memory_space<vmem_shared>>
      tpu.enqueue_dma source(%arg10 : memref<80x128xf32, #tpu.memory_space<vmem>>) target(%dma_start3A_84 : memref<80x128xf32, #tpu.memory_space<vmem_shared>>) target_semaphore(%run_scoped3A_80 : memref<!tpu.dma_semaphore, #tpu.memory_space<semaphore_mem>>)
      %dma_wait3A_85 = arith.constant 0 : i32
      %dma_wait3A_86 = tpu.memref_slice %arg11[%add3A_32, %dma_wait3A_85] : memref<10240x128xf32, #tpu.memory_space<vmem_shared>> -> memref<80x128xf32, #tpu.memory_space<vmem_shared>>
      %dma_wait3A_87 = arith.constant 0 : i32
      %dma_wait3A_88 = tpu.memref_slice %arg11[%add3A_32, %dma_wait3A_87] : memref<10240x128xf32, #tpu.memory_space<vmem_shared>> -> memref<80x128xf32, #tpu.memory_space<vmem_shared>>
      tpu.wait_dma2 semaphore(%run_scoped3A_80 : memref<!tpu.dma_semaphore, #tpu.memory_space<semaphore_mem>>) src(%arg10 : memref<80x128xf32, #tpu.memory_space<vmem>>) dst(%dma_wait3A_88 : memref<80x128xf32, #tpu.memory_space<vmem_shared>>)
      tpu.yield
    }) : () -> ()
    %add3A_33 = arith.constant 560 : i32
    %add3A_34 = arith.addi %mul3A_2, %add3A_33 : i32
    "tpu.region"() ({
      %run_scoped3A_80 = tpu.sem_alloc : memref<!tpu.dma_semaphore, #tpu.memory_space<semaphore_mem>>
      %dma_start3A_81 = arith.constant 0 : i32
      %dma_start3A_82 = tpu.memref_slice %arg11[%add3A_34, %dma_start3A_81] : memref<10240x128xf32, #tpu.memory_space<vmem_shared>> -> memref<80x128xf32, #tpu.memory_space<vmem_shared>>
      %dma_start3A_83 = arith.constant 0 : i32
      %dma_start3A_84 = tpu.memref_slice %arg11[%add3A_34, %dma_start3A_83] : memref<10240x128xf32, #tpu.memory_space<vmem_shared>> -> memref<80x128xf32, #tpu.memory_space<vmem_shared>>
      tpu.enqueue_dma source(%arg10 : memref<80x128xf32, #tpu.memory_space<vmem>>) target(%dma_start3A_84 : memref<80x128xf32, #tpu.memory_space<vmem_shared>>) target_semaphore(%run_scoped3A_80 : memref<!tpu.dma_semaphore, #tpu.memory_space<semaphore_mem>>)
      %dma_wait3A_85 = arith.constant 0 : i32
      %dma_wait3A_86 = tpu.memref_slice %arg11[%add3A_34, %dma_wait3A_85] : memref<10240x128xf32, #tpu.memory_space<vmem_shared>> -> memref<80x128xf32, #tpu.memory_space<vmem_shared>>
      %dma_wait3A_87 = arith.constant 0 : i32
      %dma_wait3A_88 = tpu.memref_slice %arg11[%add3A_34, %dma_wait3A_87] : memref<10240x128xf32, #tpu.memory_space<vmem_shared>> -> memref<80x128xf32, #tpu.memory_space<vmem_shared>>
      tpu.wait_dma2 semaphore(%run_scoped3A_80 : memref<!tpu.dma_semaphore, #tpu.memory_space<semaphore_mem>>) src(%arg10 : memref<80x128xf32, #tpu.memory_space<vmem>>) dst(%dma_wait3A_88 : memref<80x128xf32, #tpu.memory_space<vmem_shared>>)
      tpu.yield
    }) : () -> ()
    %barrier3A = arith.constant 0 : index
    tpu.barrier barrier_id(%barrier3A)
    %scan3A = arith.constant 0 : i32
    %scan3A_35 = arith.constant 0 : i32
    %scan3A_36 = arith.constant 62 : i32
    %scan3A_37 = arith.addi %scan3A_35, %scan3A_36 : i32
    %scan3A_38 = arith.constant 1 : i32
    scf.for %scan3A_80 = %scan3A_35 to %scan3A_37 step %scan3A_38  : i32 {
      %mul3A_81 = arith.constant 2 : i32
      %mul3A_82 = arith.muli %mul3A_81, %scan3A_80 : i32
      %dma_wait3A_83 = arith.constant 0 : i32
      %dma_wait3A_84 = arith.constant 0 : i32
      %dma_wait3A_85 = tpu.memref_slice %arg9[%dma_wait3A_83, %dma_wait3A_84] : memref<80x128xf32, #tpu.memory_space<vmem>> -> memref<40x128xf32, #tpu.memory_space<vmem>>
      %dma_wait3A_86 = arith.constant 0 : i32
      %dma_wait3A_87 = arith.constant 0 : i32
      %dma_wait3A_88 = tpu.memref_slice %arg5[%dma_wait3A_86, %dma_wait3A_87] : memref<80x128xf32, #tpu.memory_space<hbm>> -> memref<40x128xf32, #tpu.memory_space<hbm>>
      %dma_wait3A_89 = arith.constant 0 : i32
      %dma_wait3A_90 = arith.constant 0 : i32
      %dma_wait3A_91 = tpu.memref_slice %arg9[%dma_wait3A_89, %dma_wait3A_90] : memref<80x128xf32, #tpu.memory_space<vmem>> -> memref<40x128xf32, #tpu.memory_space<vmem>>
      %dma_wait3A_92 = arith.constant 0 : i32
      %dma_wait3A_93 = arith.constant 0 : i32
      %dma_wait3A_94 = tpu.memref_slice %arg5[%dma_wait3A_92, %dma_wait3A_93] : memref<80x128xf32, #tpu.memory_space<hbm>> -> memref<40x128xf32, #tpu.memory_space<hbm>>
      tpu.wait_dma2 semaphore(%arg12 : memref<!tpu.dma_semaphore, #tpu.memory_space<semaphore_mem>>) src(%dma_wait3A_94 : memref<40x128xf32, #tpu.memory_space<hbm>>) dst(%dma_wait3A_91 : memref<40x128xf32, #tpu.memory_space<vmem>>)
      %dma_wait3A_95 = arith.constant 40 : i32
      %dma_wait3A_96 = arith.constant 0 : i32
      %dma_wait3A_97 = tpu.memref_slice %arg9[%dma_wait3A_95, %dma_wait3A_96] : memref<80x128xf32, #tpu.memory_space<vmem>> -> memref<40x128xf32, #tpu.memory_space<vmem>>
      %dma_wait3A_98 = arith.constant 0 : i32
      %dma_wait3A_99 = arith.constant 0 : i32
      %dma_wait3A_100 = tpu.memref_slice %arg5[%dma_wait3A_98, %dma_wait3A_99] : memref<80x128xf32, #tpu.memory_space<hbm>> -> memref<40x128xf32, #tpu.memory_space<hbm>>
      %dma_wait3A_101 = arith.constant 40 : i32
      %dma_wait3A_102 = arith.constant 0 : i32
      %dma_wait3A_103 = tpu.memref_slice %arg9[%dma_wait3A_101, %dma_wait3A_102] : memref<80x128xf32, #tpu.memory_space<vmem>> -> memref<40x128xf32, #tpu.memory_space<vmem>>
      %dma_wait3A_104 = arith.constant 0 : i32
      %dma_wait3A_105 = arith.constant 0 : i32
      %dma_wait3A_106 = tpu.memref_slice %arg5[%dma_wait3A_104, %dma_wait3A_105] : memref<80x128xf32, #tpu.memory_space<hbm>> -> memref<40x128xf32, #tpu.memory_space<hbm>>
      tpu.wait_dma2 semaphore(%arg13 : memref<!tpu.dma_semaphore, #tpu.memory_space<semaphore_mem>>) src(%dma_wait3A_106 : memref<40x128xf32, #tpu.memory_space<hbm>>) dst(%dma_wait3A_103 : memref<40x128xf32, #tpu.memory_space<vmem>>)
      %add3A_107 = arith.constant 1 : i32
      %add3A_108 = arith.addi %mul3A_82, %add3A_107 : i32
      %mul3A_109 = arith.constant 80 : i32
      %mul3A_110 = arith.muli %add3A_108, %mul3A_109 : i32
      %multiple_of3A_111 = tpu.assume_multiple %mul3A_110, 8 : i32
      %dma_start3A_112 = arith.constant 0 : i32
      %dma_start3A_113 = arith.constant 0 : i32
      %dma_start3A_114 = tpu.memref_slice %arg10[%dma_start3A_112, %dma_start3A_113] : memref<80x128xf32, #tpu.memory_space<vmem>> -> memref<40x128xf32, #tpu.memory_space<vmem>>
      %dma_start3A_115 = tpu.memref_slice %arg7[%multiple_of3A_111] : memref<10000xi32, #tpu.memory_space<vmem>> -> memref<40xi32, #tpu.memory_space<vmem>>
      %dma_start3A_116 = arith.constant 0 : i32
      %dma_start3A_117 = arith.constant 0 : i32
      %dma_start3A_118 = tpu.memref_slice %arg2[%dma_start3A_116, %dma_start3A_117] : memref<10000x128xf32, #tpu.memory_space<hbm>> -> memref<10000x128xf32, #tpu.memory_space<hbm>>
      tpu.enqueue_indirect_dma source(%dma_start3A_118 : memref<10000x128xf32, #tpu.memory_space<hbm>>) target(%dma_start3A_114 : memref<40x128xf32, #tpu.memory_space<vmem>>) offsets(%dma_start3A_115 : memref<40xi32, #tpu.memory_space<vmem>>) semaphore(%arg14 : memref<!tpu.dma_semaphore, #tpu.memory_space<semaphore_mem>>)
      %add3A_119 = arith.constant 40 : i32
      %add3A_120 = arith.addi %multiple_of3A_111, %add3A_119 : i32
      %dma_start3A_121 = arith.constant 40 : i32
      %dma_start3A_122 = arith.constant 0 : i32
      %dma_start3A_123 = tpu.memref_slice %arg10[%dma_start3A_121, %dma_start3A_122] : memref<80x128xf32, #tpu.memory_space<vmem>> -> memref<40x128xf32, #tpu.memory_space<vmem>>
      %dma_start3A_124 = tpu.memref_slice %arg7[%add3A_120] : memref<10000xi32, #tpu.memory_space<vmem>> -> memref<40xi32, #tpu.memory_space<vmem>>
      %dma_start3A_125 = arith.constant 0 : i32
      %dma_start3A_126 = arith.constant 0 : i32
      %dma_start3A_127 = tpu.memref_slice %arg2[%dma_start3A_125, %dma_start3A_126] : memref<10000x128xf32, #tpu.memory_space<hbm>> -> memref<10000x128xf32, #tpu.memory_space<hbm>>
      tpu.enqueue_indirect_dma source(%dma_start3A_127 : memref<10000x128xf32, #tpu.memory_space<hbm>>) target(%dma_start3A_123 : memref<40x128xf32, #tpu.memory_space<vmem>>) offsets(%dma_start3A_124 : memref<40xi32, #tpu.memory_space<vmem>>) semaphore(%arg15 : memref<!tpu.dma_semaphore, #tpu.memory_space<semaphore_mem>>)
      "tpu.region"() ({
        %run_scoped3A_175 = tpu.sem_alloc : memref<!tpu.dma_semaphore, #tpu.memory_space<semaphore_mem>>
        %dma_start3A_176 = arith.constant 0 : i32
        %dma_start3A_177 = tpu.memref_slice %arg8[%mul3A_82, %dma_start3A_176] : memref<125x80xi32, #tpu.memory_space<vmem>> -> memref<1x80xi32, #tpu.memory_space<vmem>>
        %dma_start3A_178 = tpu.memref_squeeze %dma_start3A_177 : memref<1x80xi32, #tpu.memory_space<vmem>> -> memref<80xi32, #tpu.memory_space<vmem>>
        %dma_start3A_179 = arith.constant 0 : i32
        %dma_start3A_180 = arith.constant 0 : i32
        %dma_start3A_181 = tpu.memref_slice %arg11[%dma_start3A_179, %dma_start3A_180] : memref<10240x128xf32, #tpu.memory_space<vmem_shared>> -> memref<10240x128xf32, #tpu.memory_space<vmem_shared>>
        tpu.enqueue_indirect_dma source(%arg9 : memref<80x128xf32, #tpu.memory_space<vmem>>) target(%dma_start3A_181 : memref<10240x128xf32, #tpu.memory_space<vmem_shared>>) offsets(%dma_start3A_178 : memref<80xi32, #tpu.memory_space<vmem>>) semaphore(%run_scoped3A_175 : memref<!tpu.dma_semaphore, #tpu.memory_space<semaphore_mem>>) {add = true}
        %dma_wait3A_182 = arith.constant 0 : i32
        %dma_wait3A_183 = tpu.memref_slice %arg8[%mul3A_82, %dma_wait3A_182] : memref<125x80xi32, #tpu.memory_space<vmem>> -> memref<1x80xi32, #tpu.memory_space<vmem>>
        %dma_wait3A_184 = tpu.memref_squeeze %dma_wait3A_183 : memref<1x80xi32, #tpu.memory_space<vmem>> -> memref<80xi32, #tpu.memory_space<vmem>>
        %dma_wait3A_185 = arith.constant 0 : i32
        %dma_wait3A_186 = arith.constant 0 : i32
        %dma_wait3A_187 = tpu.memref_slice %arg11[%dma_wait3A_185, %dma_wait3A_186] : memref<10240x128xf32, #tpu.memory_space<vmem_shared>> -> memref<10240x128xf32, #tpu.memory_space<vmem_shared>>
        tpu.wait_indirect_dma semaphore(%run_scoped3A_175 : memref<!tpu.dma_semaphore, #tpu.memory_space<semaphore_mem>>) src(%arg9 : memref<80x128xf32, #tpu.memory_space<vmem>>) dst(%dma_wait3A_187 : memref<10240x128xf32, #tpu.memory_space<vmem_shared>>)
        tpu.yield
      }) : () -> ()
      %dma_wait3A_128 = arith.constant 0 : i32
      %dma_wait3A_129 = arith.constant 0 : i32
      %dma_wait3A_130 = tpu.memref_slice %arg10[%dma_wait3A_128, %dma_wait3A_129] : memref<80x128xf32, #tpu.memory_space<vmem>> -> memref<40x128xf32, #tpu.memory_space<vmem>>
      %dma_wait3A_131 = arith.constant 0 : i32
      %dma_wait3A_132 = arith.constant 0 : i32
      %dma_wait3A_133 = tpu.memref_slice %arg5[%dma_wait3A_131, %dma_wait3A_132] : memref<80x128xf32, #tpu.memory_space<hbm>> -> memref<40x128xf32, #tpu.memory_space<hbm>>
      %dma_wait3A_134 = arith.constant 0 : i32
      %dma_wait3A_135 = arith.constant 0 : i32
      %dma_wait3A_136 = tpu.memref_slice %arg10[%dma_wait3A_134, %dma_wait3A_135] : memref<80x128xf32, #tpu.memory_space<vmem>> -> memref<40x128xf32, #tpu.memory_space<vmem>>
      %dma_wait3A_137 = arith.constant 0 : i32
      %dma_wait3A_138 = arith.constant 0 : i32
      %dma_wait3A_139 = tpu.memref_slice %arg5[%dma_wait3A_137, %dma_wait3A_138] : memref<80x128xf32, #tpu.memory_space<hbm>> -> memref<40x128xf32, #tpu.memory_space<hbm>>
      tpu.wait_dma2 semaphore(%arg14 : memref<!tpu.dma_semaphore, #tpu.memory_space<semaphore_mem>>) src(%dma_wait3A_139 : memref<40x128xf32, #tpu.memory_space<hbm>>) dst(%dma_wait3A_136 : memref<40x128xf32, #tpu.memory_space<vmem>>)
      %dma_wait3A_140 = arith.constant 40 : i32
      %dma_wait3A_141 = arith.constant 0 : i32
      %dma_wait3A_142 = tpu.memref_slice %arg10[%dma_wait3A_140, %dma_wait3A_141] : memref<80x128xf32, #tpu.memory_space<vmem>> -> memref<40x128xf32, #tpu.memory_space<vmem>>
      %dma_wait3A_143 = arith.constant 0 : i32
      %dma_wait3A_144 = arith.constant 0 : i32
      %dma_wait3A_145 = tpu.memref_slice %arg5[%dma_wait3A_143, %dma_wait3A_144] : memref<80x128xf32, #tpu.memory_space<hbm>> -> memref<40x128xf32, #tpu.memory_space<hbm>>
      %dma_wait3A_146 = arith.constant 40 : i32
      %dma_wait3A_147 = arith.constant 0 : i32
      %dma_wait3A_148 = tpu.memref_slice %arg10[%dma_wait3A_146, %dma_wait3A_147] : memref<80x128xf32, #tpu.memory_space<vmem>> -> memref<40x128xf32, #tpu.memory_space<vmem>>
      %dma_wait3A_149 = arith.constant 0 : i32
      %dma_wait3A_150 = arith.constant 0 : i32
      %dma_wait3A_151 = tpu.memref_slice %arg5[%dma_wait3A_149, %dma_wait3A_150] : memref<80x128xf32, #tpu.memory_space<hbm>> -> memref<40x128xf32, #tpu.memory_space<hbm>>
      tpu.wait_dma2 semaphore(%arg15 : memref<!tpu.dma_semaphore, #tpu.memory_space<semaphore_mem>>) src(%dma_wait3A_151 : memref<40x128xf32, #tpu.memory_space<hbm>>) dst(%dma_wait3A_148 : memref<40x128xf32, #tpu.memory_space<vmem>>)
      %add3A_152 = arith.constant 2 : i32
      %add3A_153 = arith.addi %mul3A_82, %add3A_152 : i32
      %mul3A_154 = arith.constant 80 : i32
      %mul3A_155 = arith.muli %add3A_153, %mul3A_154 : i32
      %multiple_of3A_156 = tpu.assume_multiple %mul3A_155, 8 : i32
      %dma_start3A_157 = arith.constant 0 : i32
      %dma_start3A_158 = arith.constant 0 : i32
      %dma_start3A_159 = tpu.memref_slice %arg9[%dma_start3A_157, %dma_start3A_158] : memref<80x128xf32, #tpu.memory_space<vmem>> -> memref<40x128xf32, #tpu.memory_space<vmem>>
      %dma_start3A_160 = tpu.memref_slice %arg7[%multiple_of3A_156] : memref<10000xi32, #tpu.memory_space<vmem>> -> memref<40xi32, #tpu.memory_space<vmem>>
      %dma_start3A_161 = arith.constant 0 : i32
      %dma_start3A_162 = arith.constant 0 : i32
      %dma_start3A_163 = tpu.memref_slice %arg2[%dma_start3A_161, %dma_start3A_162] : memref<10000x128xf32, #tpu.memory_space<hbm>> -> memref<10000x128xf32, #tpu.memory_space<hbm>>
      tpu.enqueue_indirect_dma source(%dma_start3A_163 : memref<10000x128xf32, #tpu.memory_space<hbm>>) target(%dma_start3A_159 : memref<40x128xf32, #tpu.memory_space<vmem>>) offsets(%dma_start3A_160 : memref<40xi32, #tpu.memory_space<vmem>>) semaphore(%arg12 : memref<!tpu.dma_semaphore, #tpu.memory_space<semaphore_mem>>)
      %add3A_164 = arith.constant 40 : i32
      %add3A_165 = arith.addi %multiple_of3A_156, %add3A_164 : i32
      %dma_start3A_166 = arith.constant 40 : i32
      %dma_start3A_167 = arith.constant 0 : i32
      %dma_start3A_168 = tpu.memref_slice %arg9[%dma_start3A_166, %dma_start3A_167] : memref<80x128xf32, #tpu.memory_space<vmem>> -> memref<40x128xf32, #tpu.memory_space<vmem>>
      %dma_start3A_169 = tpu.memref_slice %arg7[%add3A_165] : memref<10000xi32, #tpu.memory_space<vmem>> -> memref<40xi32, #tpu.memory_space<vmem>>
      %dma_start3A_170 = arith.constant 0 : i32
      %dma_start3A_171 = arith.constant 0 : i32
      %dma_start3A_172 = tpu.memref_slice %arg2[%dma_start3A_170, %dma_start3A_171] : memref<10000x128xf32, #tpu.memory_space<hbm>> -> memref<10000x128xf32, #tpu.memory_space<hbm>>
      tpu.enqueue_indirect_dma source(%dma_start3A_172 : memref<10000x128xf32, #tpu.memory_space<hbm>>) target(%dma_start3A_168 : memref<40x128xf32, #tpu.memory_space<vmem>>) offsets(%dma_start3A_169 : memref<40xi32, #tpu.memory_space<vmem>>) semaphore(%arg13 : memref<!tpu.dma_semaphore, #tpu.memory_space<semaphore_mem>>)
      %add3A_173 = arith.constant 1 : i32
      %add3A_174 = arith.addi %mul3A_82, %add3A_173 : i32
      "tpu.region"() ({
        %run_scoped3A_175 = tpu.sem_alloc : memref<!tpu.dma_semaphore, #tpu.memory_space<semaphore_mem>>
        %dma_start3A_176 = arith.constant 0 : i32
        %dma_start3A_177 = tpu.memref_slice %arg8[%add3A_174, %dma_start3A_176] : memref<125x80xi32, #tpu.memory_space<vmem>> -> memref<1x80xi32, #tpu.memory_space<vmem>>
        %dma_start3A_178 = tpu.memref_squeeze %dma_start3A_177 : memref<1x80xi32, #tpu.memory_space<vmem>> -> memref<80xi32, #tpu.memory_space<vmem>>
        %dma_start3A_179 = arith.constant 0 : i32
        %dma_start3A_180 = arith.constant 0 : i32
        %dma_start3A_181 = tpu.memref_slice %arg11[%dma_start3A_179, %dma_start3A_180] : memref<10240x128xf32, #tpu.memory_space<vmem_shared>> -> memref<10240x128xf32, #tpu.memory_space<vmem_shared>>
        tpu.enqueue_indirect_dma source(%arg10 : memref<80x128xf32, #tpu.memory_space<vmem>>) target(%dma_start3A_181 : memref<10240x128xf32, #tpu.memory_space<vmem_shared>>) offsets(%dma_start3A_178 : memref<80xi32, #tpu.memory_space<vmem>>) semaphore(%run_scoped3A_175 : memref<!tpu.dma_semaphore, #tpu.memory_space<semaphore_mem>>) {add = true}
        %dma_wait3A_182 = arith.constant 0 : i32
        %dma_wait3A_183 = tpu.memref_slice %arg8[%add3A_174, %dma_wait3A_182] : memref<125x80xi32, #tpu.memory_space<vmem>> -> memref<1x80xi32, #tpu.memory_space<vmem>>
        %dma_wait3A_184 = tpu.memref_squeeze %dma_wait3A_183 : memref<1x80xi32, #tpu.memory_space<vmem>> -> memref<80xi32, #tpu.memory_space<vmem>>
        %dma_wait3A_185 = arith.constant 0 : i32
        %dma_wait3A_186 = arith.constant 0 : i32
        %dma_wait3A_187 = tpu.memref_slice %arg11[%dma_wait3A_185, %dma_wait3A_186] : memref<10240x128xf32, #tpu.memory_space<vmem_shared>> -> memref<10240x128xf32, #tpu.memory_space<vmem_shared>>
        tpu.wait_indirect_dma semaphore(%run_scoped3A_175 : memref<!tpu.dma_semaphore, #tpu.memory_space<semaphore_mem>>) src(%arg10 : memref<80x128xf32, #tpu.memory_space<vmem>>) dst(%dma_wait3A_187 : memref<10240x128xf32, #tpu.memory_space<vmem_shared>>)
        tpu.yield
      }) : () -> ()
    }
    %scan3A_39 = arith.constant 62 : i32
    %dma_wait3A = arith.constant 0 : i32
    %dma_wait3A_40 = arith.constant 0 : i32
    %dma_wait3A_41 = tpu.memref_slice %arg9[%dma_wait3A, %dma_wait3A_40] : memref<80x128xf32, #tpu.memory_space<vmem>> -> memref<40x128xf32, #tpu.memory_space<vmem>>
    %dma_wait3A_42 = arith.constant 0 : i32
    %dma_wait3A_43 = arith.constant 0 : i32
    %dma_wait3A_44 = tpu.memref_slice %arg5[%dma_wait3A_42, %dma_wait3A_43] : memref<80x128xf32, #tpu.memory_space<hbm>> -> memref<40x128xf32, #tpu.memory_space<hbm>>
    %dma_wait3A_45 = arith.constant 0 : i32
    %dma_wait3A_46 = arith.constant 0 : i32
    %dma_wait3A_47 = tpu.memref_slice %arg9[%dma_wait3A_45, %dma_wait3A_46] : memref<80x128xf32, #tpu.memory_space<vmem>> -> memref<40x128xf32, #tpu.memory_space<vmem>>
    %dma_wait3A_48 = arith.constant 0 : i32
    %dma_wait3A_49 = arith.constant 0 : i32
    %dma_wait3A_50 = tpu.memref_slice %arg5[%dma_wait3A_48, %dma_wait3A_49] : memref<80x128xf32, #tpu.memory_space<hbm>> -> memref<40x128xf32, #tpu.memory_space<hbm>>
    tpu.wait_dma2 semaphore(%arg12 : memref<!tpu.dma_semaphore, #tpu.memory_space<semaphore_mem>>) src(%dma_wait3A_50 : memref<40x128xf32, #tpu.memory_space<hbm>>) dst(%dma_wait3A_47 : memref<40x128xf32, #tpu.memory_space<vmem>>)
    %dma_wait3A_51 = arith.constant 40 : i32
    %dma_wait3A_52 = arith.constant 0 : i32
    %dma_wait3A_53 = tpu.memref_slice %arg9[%dma_wait3A_51, %dma_wait3A_52] : memref<80x128xf32, #tpu.memory_space<vmem>> -> memref<40x128xf32, #tpu.memory_space<vmem>>
    %dma_wait3A_54 = arith.constant 0 : i32
    %dma_wait3A_55 = arith.constant 0 : i32
    %dma_wait3A_56 = tpu.memref_slice %arg5[%dma_wait3A_54, %dma_wait3A_55] : memref<80x128xf32, #tpu.memory_space<hbm>> -> memref<40x128xf32, #tpu.memory_space<hbm>>
    %dma_wait3A_57 = arith.constant 40 : i32
    %dma_wait3A_58 = arith.constant 0 : i32
    %dma_wait3A_59 = tpu.memref_slice %arg9[%dma_wait3A_57, %dma_wait3A_58] : memref<80x128xf32, #tpu.memory_space<vmem>> -> memref<40x128xf32, #tpu.memory_space<vmem>>
    %dma_wait3A_60 = arith.constant 0 : i32
    %dma_wait3A_61 = arith.constant 0 : i32
    %dma_wait3A_62 = tpu.memref_slice %arg5[%dma_wait3A_60, %dma_wait3A_61] : memref<80x128xf32, #tpu.memory_space<hbm>> -> memref<40x128xf32, #tpu.memory_space<hbm>>
    tpu.wait_dma2 semaphore(%arg13 : memref<!tpu.dma_semaphore, #tpu.memory_space<semaphore_mem>>) src(%dma_wait3A_62 : memref<40x128xf32, #tpu.memory_space<hbm>>) dst(%dma_wait3A_59 : memref<40x128xf32, #tpu.memory_space<vmem>>)
    %run_scoped3A = arith.constant 124 : i32
    "tpu.region"() ({
      %run_scoped3A_80 = tpu.sem_alloc : memref<!tpu.dma_semaphore, #tpu.memory_space<semaphore_mem>>
      %dma_start3A_81 = arith.constant 0 : i32
      %dma_start3A_82 = tpu.memref_slice %arg8[%run_scoped3A, %dma_start3A_81] : memref<125x80xi32, #tpu.memory_space<vmem>> -> memref<1x80xi32, #tpu.memory_space<vmem>>
      %dma_start3A_83 = tpu.memref_squeeze %dma_start3A_82 : memref<1x80xi32, #tpu.memory_space<vmem>> -> memref<80xi32, #tpu.memory_space<vmem>>
      %dma_start3A_84 = arith.constant 0 : i32
      %dma_start3A_85 = arith.constant 0 : i32
      %dma_start3A_86 = tpu.memref_slice %arg11[%dma_start3A_84, %dma_start3A_85] : memref<10240x128xf32, #tpu.memory_space<vmem_shared>> -> memref<10240x128xf32, #tpu.memory_space<vmem_shared>>
      tpu.enqueue_indirect_dma source(%arg9 : memref<80x128xf32, #tpu.memory_space<vmem>>) target(%dma_start3A_86 : memref<10240x128xf32, #tpu.memory_space<vmem_shared>>) offsets(%dma_start3A_83 : memref<80xi32, #tpu.memory_space<vmem>>) semaphore(%run_scoped3A_80 : memref<!tpu.dma_semaphore, #tpu.memory_space<semaphore_mem>>) {add = true}
      %dma_wait3A_87 = arith.constant 0 : i32
      %dma_wait3A_88 = tpu.memref_slice %arg8[%run_scoped3A, %dma_wait3A_87] : memref<125x80xi32, #tpu.memory_space<vmem>> -> memref<1x80xi32, #tpu.memory_space<vmem>>
      %dma_wait3A_89 = tpu.memref_squeeze %dma_wait3A_88 : memref<1x80xi32, #tpu.memory_space<vmem>> -> memref<80xi32, #tpu.memory_space<vmem>>
      %dma_wait3A_90 = arith.constant 0 : i32
      %dma_wait3A_91 = arith.constant 0 : i32
      %dma_wait3A_92 = tpu.memref_slice %arg11[%dma_wait3A_90, %dma_wait3A_91] : memref<10240x128xf32, #tpu.memory_space<vmem_shared>> -> memref<10240x128xf32, #tpu.memory_space<vmem_shared>>
      tpu.wait_indirect_dma semaphore(%run_scoped3A_80 : memref<!tpu.dma_semaphore, #tpu.memory_space<semaphore_mem>>) src(%arg9 : memref<80x128xf32, #tpu.memory_space<vmem>>) dst(%dma_wait3A_92 : memref<10240x128xf32, #tpu.memory_space<vmem_shared>>)
      tpu.yield
    }) : () -> ()
    %barrier3A_63 = arith.constant 0 : index
    tpu.barrier barrier_id(%barrier3A_63)
    %add3A_64 = arith.constant 0 : i32
    %add3A_65 = arith.addi %mul3A_2, %add3A_64 : i32
    "tpu.region"() ({
      %run_scoped3A_80 = tpu.sem_alloc : memref<!tpu.dma_semaphore, #tpu.memory_space<semaphore_mem>>
      %dma_start3A_81 = arith.constant 0 : i32
      %dma_start3A_82 = tpu.memref_slice %arg6[%arg0, %add3A_65, %dma_start3A_81] : memref<2x10240x128xf32, #tpu.memory_space<hbm>> -> memref<1x80x128xf32, #tpu.memory_space<hbm>>
      %dma_start3A_83 = tpu.memref_squeeze %dma_start3A_82 : memref<1x80x128xf32, #tpu.memory_space<hbm>> -> memref<80x128xf32, #tpu.memory_space<hbm>>
      %dma_start3A_84 = arith.constant 0 : i32
      %dma_start3A_85 = tpu.memref_slice %arg11[%add3A_65, %dma_start3A_84] : memref<10240x128xf32, #tpu.memory_space<vmem_shared>> -> memref<80x128xf32, #tpu.memory_space<vmem_shared>>
      tpu.enqueue_dma source(%dma_start3A_85 : memref<80x128xf32, #tpu.memory_space<vmem_shared>>) target(%dma_start3A_83 : memref<80x128xf32, #tpu.memory_space<hbm>>) target_semaphore(%run_scoped3A_80 : memref<!tpu.dma_semaphore, #tpu.memory_space<semaphore_mem>>)
      %dma_wait3A_86 = arith.constant 0 : i32
      %dma_wait3A_87 = tpu.memref_slice %arg6[%arg0, %add3A_65, %dma_wait3A_86] : memref<2x10240x128xf32, #tpu.memory_space<hbm>> -> memref<1x80x128xf32, #tpu.memory_space<hbm>>
      %dma_wait3A_88 = tpu.memref_squeeze %dma_wait3A_87 : memref<1x80x128xf32, #tpu.memory_space<hbm>> -> memref<80x128xf32, #tpu.memory_space<hbm>>
      %dma_wait3A_89 = arith.constant 0 : i32
      %dma_wait3A_90 = tpu.memref_slice %arg11[%add3A_65, %dma_wait3A_89] : memref<10240x128xf32, #tpu.memory_space<vmem_shared>> -> memref<80x128xf32, #tpu.memory_space<vmem_shared>>
      tpu.wait_dma2 semaphore(%run_scoped3A_80 : memref<!tpu.dma_semaphore, #tpu.memory_space<semaphore_mem>>) src(%dma_wait3A_90 : memref<80x128xf32, #tpu.memory_space<vmem_shared>>) dst(%dma_wait3A_88 : memref<80x128xf32, #tpu.memory_space<hbm>>)
      tpu.yield
    }) : () -> ()
    %add3A_66 = arith.constant 80 : i32
    %add3A_67 = arith.addi %mul3A_2, %add3A_66 : i32
    "tpu.region"() ({
      %run_scoped3A_80 = tpu.sem_alloc : memref<!tpu.dma_semaphore, #tpu.memory_space<semaphore_mem>>
      %dma_start3A_81 = arith.constant 0 : i32
      %dma_start3A_82 = tpu.memref_slice %arg6[%arg0, %add3A_67, %dma_start3A_81] : memref<2x10240x128xf32, #tpu.memory_space<hbm>> -> memref<1x80x128xf32, #tpu.memory_space<hbm>>
      %dma_start3A_83 = tpu.memref_squeeze %dma_start3A_82 : memref<1x80x128xf32, #tpu.memory_space<hbm>> -> memref<80x128xf32, #tpu.memory_space<hbm>>
      %dma_start3A_84 = arith.constant 0 : i32
      %dma_start3A_85 = tpu.memref_slice %arg11[%add3A_67, %dma_start3A_84] : memref<10240x128xf32, #tpu.memory_space<vmem_shared>> -> memref<80x128xf32, #tpu.memory_space<vmem_shared>>
      tpu.enqueue_dma source(%dma_start3A_85 : memref<80x128xf32, #tpu.memory_space<vmem_shared>>) target(%dma_start3A_83 : memref<80x128xf32, #tpu.memory_space<hbm>>) target_semaphore(%run_scoped3A_80 : memref<!tpu.dma_semaphore, #tpu.memory_space<semaphore_mem>>)
      %dma_wait3A_86 = arith.constant 0 : i32
      %dma_wait3A_87 = tpu.memref_slice %arg6[%arg0, %add3A_67, %dma_wait3A_86] : memref<2x10240x128xf32, #tpu.memory_space<hbm>> -> memref<1x80x128xf32, #tpu.memory_space<hbm>>
      %dma_wait3A_88 = tpu.memref_squeeze %dma_wait3A_87 : memref<1x80x128xf32, #tpu.memory_space<hbm>> -> memref<80x128xf32, #tpu.memory_space<hbm>>
      %dma_wait3A_89 = arith.constant 0 : i32
      %dma_wait3A_90 = tpu.memref_slice %arg11[%add3A_67, %dma_wait3A_89] : memref<10240x128xf32, #tpu.memory_space<vmem_shared>> -> memref<80x128xf32, #tpu.memory_space<vmem_shared>>
      tpu.wait_dma2 semaphore(%run_scoped3A_80 : memref<!tpu.dma_semaphore, #tpu.memory_space<semaphore_mem>>) src(%dma_wait3A_90 : memref<80x128xf32, #tpu.memory_space<vmem_shared>>) dst(%dma_wait3A_88 : memref<80x128xf32, #tpu.memory_space<hbm>>)
      tpu.yield
    }) : () -> ()
    %add3A_68 = arith.constant 160 : i32
    %add3A_69 = arith.addi %mul3A_2, %add3A_68 : i32
    "tpu.region"() ({
      %run_scoped3A_80 = tpu.sem_alloc : memref<!tpu.dma_semaphore, #tpu.memory_space<semaphore_mem>>
      %dma_start3A_81 = arith.constant 0 : i32
      %dma_start3A_82 = tpu.memref_slice %arg6[%arg0, %add3A_69, %dma_start3A_81] : memref<2x10240x128xf32, #tpu.memory_space<hbm>> -> memref<1x80x128xf32, #tpu.memory_space<hbm>>
      %dma_start3A_83 = tpu.memref_squeeze %dma_start3A_82 : memref<1x80x128xf32, #tpu.memory_space<hbm>> -> memref<80x128xf32, #tpu.memory_space<hbm>>
      %dma_start3A_84 = arith.constant 0 : i32
      %dma_start3A_85 = tpu.memref_slice %arg11[%add3A_69, %dma_start3A_84] : memref<10240x128xf32, #tpu.memory_space<vmem_shared>> -> memref<80x128xf32, #tpu.memory_space<vmem_shared>>
      tpu.enqueue_dma source(%dma_start3A_85 : memref<80x128xf32, #tpu.memory_space<vmem_shared>>) target(%dma_start3A_83 : memref<80x128xf32, #tpu.memory_space<hbm>>) target_semaphore(%run_scoped3A_80 : memref<!tpu.dma_semaphore, #tpu.memory_space<semaphore_mem>>)
      %dma_wait3A_86 = arith.constant 0 : i32
      %dma_wait3A_87 = tpu.memref_slice %arg6[%arg0, %add3A_69, %dma_wait3A_86] : memref<2x10240x128xf32, #tpu.memory_space<hbm>> -> memref<1x80x128xf32, #tpu.memory_space<hbm>>
      %dma_wait3A_88 = tpu.memref_squeeze %dma_wait3A_87 : memref<1x80x128xf32, #tpu.memory_space<hbm>> -> memref<80x128xf32, #tpu.memory_space<hbm>>
      %dma_wait3A_89 = arith.constant 0 : i32
      %dma_wait3A_90 = tpu.memref_slice %arg11[%add3A_69, %dma_wait3A_89] : memref<10240x128xf32, #tpu.memory_space<vmem_shared>> -> memref<80x128xf32, #tpu.memory_space<vmem_shared>>
      tpu.wait_dma2 semaphore(%run_scoped3A_80 : memref<!tpu.dma_semaphore, #tpu.memory_space<semaphore_mem>>) src(%dma_wait3A_90 : memref<80x128xf32, #tpu.memory_space<vmem_shared>>) dst(%dma_wait3A_88 : memref<80x128xf32, #tpu.memory_space<hbm>>)
      tpu.yield
    }) : () -> ()
    %add3A_70 = arith.constant 240 : i32
    %add3A_71 = arith.addi %mul3A_2, %add3A_70 : i32
    "tpu.region"() ({
      %run_scoped3A_80 = tpu.sem_alloc : memref<!tpu.dma_semaphore, #tpu.memory_space<semaphore_mem>>
      %dma_start3A_81 = arith.constant 0 : i32
      %dma_start3A_82 = tpu.memref_slice %arg6[%arg0, %add3A_71, %dma_start3A_81] : memref<2x10240x128xf32, #tpu.memory_space<hbm>> -> memref<1x80x128xf32, #tpu.memory_space<hbm>>
      %dma_start3A_83 = tpu.memref_squeeze %dma_start3A_82 : memref<1x80x128xf32, #tpu.memory_space<hbm>> -> memref<80x128xf32, #tpu.memory_space<hbm>>
      %dma_start3A_84 = arith.constant 0 : i32
      %dma_start3A_85 = tpu.memref_slice %arg11[%add3A_71, %dma_start3A_84] : memref<10240x128xf32, #tpu.memory_space<vmem_shared>> -> memref<80x128xf32, #tpu.memory_space<vmem_shared>>
      tpu.enqueue_dma source(%dma_start3A_85 : memref<80x128xf32, #tpu.memory_space<vmem_shared>>) target(%dma_start3A_83 : memref<80x128xf32, #tpu.memory_space<hbm>>) target_semaphore(%run_scoped3A_80 : memref<!tpu.dma_semaphore, #tpu.memory_space<semaphore_mem>>)
      %dma_wait3A_86 = arith.constant 0 : i32
      %dma_wait3A_87 = tpu.memref_slice %arg6[%arg0, %add3A_71, %dma_wait3A_86] : memref<2x10240x128xf32, #tpu.memory_space<hbm>> -> memref<1x80x128xf32, #tpu.memory_space<hbm>>
      %dma_wait3A_88 = tpu.memref_squeeze %dma_wait3A_87 : memref<1x80x128xf32, #tpu.memory_space<hbm>> -> memref<80x128xf32, #tpu.memory_space<hbm>>
      %dma_wait3A_89 = arith.constant 0 : i32
      %dma_wait3A_90 = tpu.memref_slice %arg11[%add3A_71, %dma_wait3A_89] : memref<10240x128xf32, #tpu.memory_space<vmem_shared>> -> memref<80x128xf32, #tpu.memory_space<vmem_shared>>
      tpu.wait_dma2 semaphore(%run_scoped3A_80 : memref<!tpu.dma_semaphore, #tpu.memory_space<semaphore_mem>>) src(%dma_wait3A_90 : memref<80x128xf32, #tpu.memory_space<vmem_shared>>) dst(%dma_wait3A_88 : memref<80x128xf32, #tpu.memory_space<hbm>>)
      tpu.yield
    }) : () -> ()
    %add3A_72 = arith.constant 320 : i32
    %add3A_73 = arith.addi %mul3A_2, %add3A_72 : i32
    "tpu.region"() ({
      %run_scoped3A_80 = tpu.sem_alloc : memref<!tpu.dma_semaphore, #tpu.memory_space<semaphore_mem>>
      %dma_start3A_81 = arith.constant 0 : i32
      %dma_start3A_82 = tpu.memref_slice %arg6[%arg0, %add3A_73, %dma_start3A_81] : memref<2x10240x128xf32, #tpu.memory_space<hbm>> -> memref<1x80x128xf32, #tpu.memory_space<hbm>>
      %dma_start3A_83 = tpu.memref_squeeze %dma_start3A_82 : memref<1x80x128xf32, #tpu.memory_space<hbm>> -> memref<80x128xf32, #tpu.memory_space<hbm>>
      %dma_start3A_84 = arith.constant 0 : i32
      %dma_start3A_85 = tpu.memref_slice %arg11[%add3A_73, %dma_start3A_84] : memref<10240x128xf32, #tpu.memory_space<vmem_shared>> -> memref<80x128xf32, #tpu.memory_space<vmem_shared>>
      tpu.enqueue_dma source(%dma_start3A_85 : memref<80x128xf32, #tpu.memory_space<vmem_shared>>) target(%dma_start3A_83 : memref<80x128xf32, #tpu.memory_space<hbm>>) target_semaphore(%run_scoped3A_80 : memref<!tpu.dma_semaphore, #tpu.memory_space<semaphore_mem>>)
      %dma_wait3A_86 = arith.constant 0 : i32
      %dma_wait3A_87 = tpu.memref_slice %arg6[%arg0, %add3A_73, %dma_wait3A_86] : memref<2x10240x128xf32, #tpu.memory_space<hbm>> -> memref<1x80x128xf32, #tpu.memory_space<hbm>>
      %dma_wait3A_88 = tpu.memref_squeeze %dma_wait3A_87 : memref<1x80x128xf32, #tpu.memory_space<hbm>> -> memref<80x128xf32, #tpu.memory_space<hbm>>
      %dma_wait3A_89 = arith.constant 0 : i32
      %dma_wait3A_90 = tpu.memref_slice %arg11[%add3A_73, %dma_wait3A_89] : memref<10240x128xf32, #tpu.memory_space<vmem_shared>> -> memref<80x128xf32, #tpu.memory_space<vmem_shared>>
      tpu.wait_dma2 semaphore(%run_scoped3A_80 : memref<!tpu.dma_semaphore, #tpu.memory_space<semaphore_mem>>) src(%dma_wait3A_90 : memref<80x128xf32, #tpu.memory_space<vmem_shared>>) dst(%dma_wait3A_88 : memref<80x128xf32, #tpu.memory_space<hbm>>)
      tpu.yield
    }) : () -> ()
    %add3A_74 = arith.constant 400 : i32
    %add3A_75 = arith.addi %mul3A_2, %add3A_74 : i32
    "tpu.region"() ({
      %run_scoped3A_80 = tpu.sem_alloc : memref<!tpu.dma_semaphore, #tpu.memory_space<semaphore_mem>>
      %dma_start3A_81 = arith.constant 0 : i32
      %dma_start3A_82 = tpu.memref_slice %arg6[%arg0, %add3A_75, %dma_start3A_81] : memref<2x10240x128xf32, #tpu.memory_space<hbm>> -> memref<1x80x128xf32, #tpu.memory_space<hbm>>
      %dma_start3A_83 = tpu.memref_squeeze %dma_start3A_82 : memref<1x80x128xf32, #tpu.memory_space<hbm>> -> memref<80x128xf32, #tpu.memory_space<hbm>>
      %dma_start3A_84 = arith.constant 0 : i32
      %dma_start3A_85 = tpu.memref_slice %arg11[%add3A_75, %dma_start3A_84] : memref<10240x128xf32, #tpu.memory_space<vmem_shared>> -> memref<80x128xf32, #tpu.memory_space<vmem_shared>>
      tpu.enqueue_dma source(%dma_start3A_85 : memref<80x128xf32, #tpu.memory_space<vmem_shared>>) target(%dma_start3A_83 : memref<80x128xf32, #tpu.memory_space<hbm>>) target_semaphore(%run_scoped3A_80 : memref<!tpu.dma_semaphore, #tpu.memory_space<semaphore_mem>>)
      %dma_wait3A_86 = arith.constant 0 : i32
      %dma_wait3A_87 = tpu.memref_slice %arg6[%arg0, %add3A_75, %dma_wait3A_86] : memref<2x10240x128xf32, #tpu.memory_space<hbm>> -> memref<1x80x128xf32, #tpu.memory_space<hbm>>
      %dma_wait3A_88 = tpu.memref_squeeze %dma_wait3A_87 : memref<1x80x128xf32, #tpu.memory_space<hbm>> -> memref<80x128xf32, #tpu.memory_space<hbm>>
      %dma_wait3A_89 = arith.constant 0 : i32
      %dma_wait3A_90 = tpu.memref_slice %arg11[%add3A_75, %dma_wait3A_89] : memref<10240x128xf32, #tpu.memory_space<vmem_shared>> -> memref<80x128xf32, #tpu.memory_space<vmem_shared>>
      tpu.wait_dma2 semaphore(%run_scoped3A_80 : memref<!tpu.dma_semaphore, #tpu.memory_space<semaphore_mem>>) src(%dma_wait3A_90 : memref<80x128xf32, #tpu.memory_space<vmem_shared>>) dst(%dma_wait3A_88 : memref<80x128xf32, #tpu.memory_space<hbm>>)
      tpu.yield
    }) : () -> ()
    %add3A_76 = arith.constant 480 : i32
    %add3A_77 = arith.addi %mul3A_2, %add3A_76 : i32
    "tpu.region"() ({
      %run_scoped3A_80 = tpu.sem_alloc : memref<!tpu.dma_semaphore, #tpu.memory_space<semaphore_mem>>
      %dma_start3A_81 = arith.constant 0 : i32
      %dma_start3A_82 = tpu.memref_slice %arg6[%arg0, %add3A_77, %dma_start3A_81] : memref<2x10240x128xf32, #tpu.memory_space<hbm>> -> memref<1x80x128xf32, #tpu.memory_space<hbm>>
      %dma_start3A_83 = tpu.memref_squeeze %dma_start3A_82 : memref<1x80x128xf32, #tpu.memory_space<hbm>> -> memref<80x128xf32, #tpu.memory_space<hbm>>
      %dma_start3A_84 = arith.constant 0 : i32
      %dma_start3A_85 = tpu.memref_slice %arg11[%add3A_77, %dma_start3A_84] : memref<10240x128xf32, #tpu.memory_space<vmem_shared>> -> memref<80x128xf32, #tpu.memory_space<vmem_shared>>
      tpu.enqueue_dma source(%dma_start3A_85 : memref<80x128xf32, #tpu.memory_space<vmem_shared>>) target(%dma_start3A_83 : memref<80x128xf32, #tpu.memory_space<hbm>>) target_semaphore(%run_scoped3A_80 : memref<!tpu.dma_semaphore, #tpu.memory_space<semaphore_mem>>)
      %dma_wait3A_86 = arith.constant 0 : i32
      %dma_wait3A_87 = tpu.memref_slice %arg6[%arg0, %add3A_77, %dma_wait3A_86] : memref<2x10240x128xf32, #tpu.memory_space<hbm>> -> memref<1x80x128xf32, #tpu.memory_space<hbm>>
      %dma_wait3A_88 = tpu.memref_squeeze %dma_wait3A_87 : memref<1x80x128xf32, #tpu.memory_space<hbm>> -> memref<80x128xf32, #tpu.memory_space<hbm>>
      %dma_wait3A_89 = arith.constant 0 : i32
      %dma_wait3A_90 = tpu.memref_slice %arg11[%add3A_77, %dma_wait3A_89] : memref<10240x128xf32, #tpu.memory_space<vmem_shared>> -> memref<80x128xf32, #tpu.memory_space<vmem_shared>>
      tpu.wait_dma2 semaphore(%run_scoped3A_80 : memref<!tpu.dma_semaphore, #tpu.memory_space<semaphore_mem>>) src(%dma_wait3A_90 : memref<80x128xf32, #tpu.memory_space<vmem_shared>>) dst(%dma_wait3A_88 : memref<80x128xf32, #tpu.memory_space<hbm>>)
      tpu.yield
    }) : () -> ()
    %add3A_78 = arith.constant 560 : i32
    %add3A_79 = arith.addi %mul3A_2, %add3A_78 : i32
    "tpu.region"() ({
      %run_scoped3A_80 = tpu.sem_alloc : memref<!tpu.dma_semaphore, #tpu.memory_space<semaphore_mem>>
      %dma_start3A_81 = arith.constant 0 : i32
      %dma_start3A_82 = tpu.memref_slice %arg6[%arg0, %add3A_79, %dma_start3A_81] : memref<2x10240x128xf32, #tpu.memory_space<hbm>> -> memref<1x80x128xf32, #tpu.memory_space<hbm>>
      %dma_start3A_83 = tpu.memref_squeeze %dma_start3A_82 : memref<1x80x128xf32, #tpu.memory_space<hbm>> -> memref<80x128xf32, #tpu.memory_space<hbm>>
      %dma_start3A_84 = arith.constant 0 : i32
      %dma_start3A_85 = tpu.memref_slice %arg11[%add3A_79, %dma_start3A_84] : memref<10240x128xf32, #tpu.memory_space<vmem_shared>> -> memref<80x128xf32, #tpu.memory_space<vmem_shared>>
      tpu.enqueue_dma source(%dma_start3A_85 : memref<80x128xf32, #tpu.memory_space<vmem_shared>>) target(%dma_start3A_83 : memref<80x128xf32, #tpu.memory_space<hbm>>) target_semaphore(%run_scoped3A_80 : memref<!tpu.dma_semaphore, #tpu.memory_space<semaphore_mem>>)
      %dma_wait3A_86 = arith.constant 0 : i32
      %dma_wait3A_87 = tpu.memref_slice %arg6[%arg0, %add3A_79, %dma_wait3A_86] : memref<2x10240x128xf32, #tpu.memory_space<hbm>> -> memref<1x80x128xf32, #tpu.memory_space<hbm>>
      %dma_wait3A_88 = tpu.memref_squeeze %dma_wait3A_87 : memref<1x80x128xf32, #tpu.memory_space<hbm>> -> memref<80x128xf32, #tpu.memory_space<hbm>>
      %dma_wait3A_89 = arith.constant 0 : i32
      %dma_wait3A_90 = tpu.memref_slice %arg11[%add3A_79, %dma_wait3A_89] : memref<10240x128xf32, #tpu.memory_space<vmem_shared>> -> memref<80x128xf32, #tpu.memory_space<vmem_shared>>
      tpu.wait_dma2 semaphore(%run_scoped3A_80 : memref<!tpu.dma_semaphore, #tpu.memory_space<semaphore_mem>>) src(%dma_wait3A_90 : memref<80x128xf32, #tpu.memory_space<vmem_shared>>) dst(%dma_wait3A_88 : memref<80x128xf32, #tpu.memory_space<hbm>>)
      tpu.yield
    }) : () -> ()
    return
  }
}

#map = affine_map<(d0, d1) -> (0, 0, 0)>
#map1 = affine_map<(d0, d1) -> (0)>
module attributes {stable_mosaic.version = 14 : i64} {
  func.func @body(%arg0: i32, %arg1: i32, %arg2: memref<32x125x80xi32, #tpu.memory_space<hbm>>, %arg3: memref<20480xf32, #tpu.memory_space<hbm>>, %arg4: memref<125x80xi32, #tpu.memory_space<vmem>>, %arg5: memref<10240xf32, #tpu.memory_space<vmem>>, %arg6: memref<640xf32, #tpu.memory_space<vmem>>, %arg7: memref<640xf32, #tpu.memory_space<vmem>>, %arg8: memref<163840xf32, #tpu.memory_space<vmem_shared>>) attributes {dimension_semantics = [#tpu.dimension_semantics<core_parallel>, #tpu.dimension_semantics<subcore_parallel>], iteration_bounds = array<i64: 2, 16>, scalar_prefetch = 0 : i64, scratch_operands = 5 : i64, tpu.core_type = #tpu.core_type<sc_vector_subcore>, window_params = [{transform_indices = #map}, {transform_indices = #map1}]} {
    %mul3A = arith.constant 16 : i32
    %mul3A_0 = arith.muli %arg0, %mul3A : i32
    %add3A = arith.addi %mul3A_0, %arg1 : i32
    %mul3A_1 = arith.constant 640 : i32
    %mul3A_2 = arith.muli %arg1, %mul3A_1 : i32
    "tpu.region"() ({
      %run_scoped3A = tpu.sem_alloc : memref<!tpu.dma_semaphore, #tpu.memory_space<semaphore_mem>>
      %dma_start3A = arith.constant 0 : i32
      %dma_start3A_148 = arith.constant 0 : i32
      %dma_start3A_149 = tpu.memref_slice %arg2[%add3A, %dma_start3A, %dma_start3A_148] : memref<32x125x80xi32, #tpu.memory_space<hbm>> -> memref<1x125x80xi32, #tpu.memory_space<hbm>>
      %dma_start3A_150 = tpu.memref_squeeze %dma_start3A_149 : memref<1x125x80xi32, #tpu.memory_space<hbm>> -> memref<125x80xi32, #tpu.memory_space<hbm>>
      %dma_start3A_151 = arith.constant 0 : i32
      %dma_start3A_152 = arith.constant 0 : i32
      %dma_start3A_153 = tpu.memref_slice %arg2[%add3A, %dma_start3A_151, %dma_start3A_152] : memref<32x125x80xi32, #tpu.memory_space<hbm>> -> memref<1x125x80xi32, #tpu.memory_space<hbm>>
      %dma_start3A_154 = tpu.memref_squeeze %dma_start3A_153 : memref<1x125x80xi32, #tpu.memory_space<hbm>> -> memref<125x80xi32, #tpu.memory_space<hbm>>
      tpu.enqueue_dma source(%dma_start3A_154 : memref<125x80xi32, #tpu.memory_space<hbm>>) target(%arg4 : memref<125x80xi32, #tpu.memory_space<vmem>>) target_semaphore(%run_scoped3A : memref<!tpu.dma_semaphore, #tpu.memory_space<semaphore_mem>>)
      %dma_wait3A = arith.constant 0 : i32
      %dma_wait3A_155 = arith.constant 0 : i32
      %dma_wait3A_156 = tpu.memref_slice %arg2[%add3A, %dma_wait3A, %dma_wait3A_155] : memref<32x125x80xi32, #tpu.memory_space<hbm>> -> memref<1x125x80xi32, #tpu.memory_space<hbm>>
      %dma_wait3A_157 = tpu.memref_squeeze %dma_wait3A_156 : memref<1x125x80xi32, #tpu.memory_space<hbm>> -> memref<125x80xi32, #tpu.memory_space<hbm>>
      %dma_wait3A_158 = arith.constant 0 : i32
      %dma_wait3A_159 = arith.constant 0 : i32
      %dma_wait3A_160 = tpu.memref_slice %arg2[%add3A, %dma_wait3A_158, %dma_wait3A_159] : memref<32x125x80xi32, #tpu.memory_space<hbm>> -> memref<1x125x80xi32, #tpu.memory_space<hbm>>
      %dma_wait3A_161 = tpu.memref_squeeze %dma_wait3A_160 : memref<1x125x80xi32, #tpu.memory_space<hbm>> -> memref<125x80xi32, #tpu.memory_space<hbm>>
      tpu.wait_dma2 semaphore(%run_scoped3A : memref<!tpu.dma_semaphore, #tpu.memory_space<semaphore_mem>>) src(%dma_wait3A_161 : memref<125x80xi32, #tpu.memory_space<hbm>>) dst(%arg4 : memref<125x80xi32, #tpu.memory_space<vmem>>)
      tpu.yield
    }) : () -> ()
    %scan3A = arith.constant 0 : i32
    %scan3A_3 = arith.constant 0 : i32
    %scan3A_4 = arith.constant 640 : i32
    %scan3A_5 = arith.addi %scan3A_3, %scan3A_4 : i32
    %scan3A_6 = arith.constant 1 : i32
    scf.for %scan3A_148 = %scan3A_3 to %scan3A_5 step %scan3A_6  : i32 {
      %broadcast_in_dim3A_149 = arith.constant 0.000000e+00 : f32
      %broadcast_in_dim3A_150 = vector.broadcast %broadcast_in_dim3A_149 : f32 to vector<16xf32>
      %mul3A_151 = arith.constant 16 : i32
      %mul3A_152 = arith.muli %scan3A_148, %mul3A_151 : i32
      %swap3A = arith.index_cast %mul3A_152 : i32 to index
      %swap3A_153 = tpu.vector_load %arg5[%swap3A] {strides = array<i32>} : memref<10240xf32, #tpu.memory_space<vmem>>, vector<16xf32>,
      tpu.vector_store %arg5[%swap3A], %broadcast_in_dim3A_150 {strides = array<i32>} : memref<10240xf32, #tpu.memory_space<vmem>>, vector<16xf32>,
    }
    %scan3A_7 = arith.constant 640 : i32
    %broadcast_in_dim3A = arith.constant 1.000000e+00 : f32
    %broadcast_in_dim3A_8 = vector.broadcast %broadcast_in_dim3A : f32 to vector<16xf32>
    %scan3A_9 = arith.constant 0 : i32
    %scan3A_10 = arith.constant 0 : i32
    %scan3A_11 = arith.constant 125 : i32
    %scan3A_12 = arith.addi %scan3A_10, %scan3A_11 : i32
    %scan3A_13 = arith.constant 1 : i32
    scf.for %scan3A_148 = %scan3A_10 to %scan3A_12 step %scan3A_13  : i32 {
      %get3A = arith.index_cast %scan3A_148 : i32 to index
      %get3A_149 = arith.constant 0 : index
      %get3A_150 = tpu.vector_load %arg4[%get3A, %get3A_149] {strides = array<i32>} : memref<125x80xi32, #tpu.memory_space<vmem>>, vector<16xi32>,
      tpu.vector_store_idx %arg5[%get3A_150], %broadcast_in_dim3A_8 {add = true} : memref<10240xf32, #tpu.memory_space<vmem>>[vector<16xi32>], vector<16xf32>,
      %get3A_151 = arith.index_cast %scan3A_148 : i32 to index
      %get3A_152 = arith.constant 16 : index
      %get3A_153 = tpu.vector_load %arg4[%get3A_151, %get3A_152] {strides = array<i32>} : memref<125x80xi32, #tpu.memory_space<vmem>>, vector<16xi32>,
      tpu.vector_store_idx %arg5[%get3A_153], %broadcast_in_dim3A_8 {add = true} : memref<10240xf32, #tpu.memory_space<vmem>>[vector<16xi32>], vector<16xf32>,
      %get3A_154 = arith.index_cast %scan3A_148 : i32 to index
      %get3A_155 = arith.constant 32 : index
      %get3A_156 = tpu.vector_load %arg4[%get3A_154, %get3A_155] {strides = array<i32>} : memref<125x80xi32, #tpu.memory_space<vmem>>, vector<16xi32>,
      tpu.vector_store_idx %arg5[%get3A_156], %broadcast_in_dim3A_8 {add = true} : memref<10240xf32, #tpu.memory_space<vmem>>[vector<16xi32>], vector<16xf32>,
      %get3A_157 = arith.index_cast %scan3A_148 : i32 to index
      %get3A_158 = arith.constant 48 : index
      %get3A_159 = tpu.vector_load %arg4[%get3A_157, %get3A_158] {strides = array<i32>} : memref<125x80xi32, #tpu.memory_space<vmem>>, vector<16xi32>,
      tpu.vector_store_idx %arg5[%get3A_159], %broadcast_in_dim3A_8 {add = true} : memref<10240xf32, #tpu.memory_space<vmem>>[vector<16xi32>], vector<16xf32>,
      %get3A_160 = arith.index_cast %scan3A_148 : i32 to index
      %get3A_161 = arith.constant 64 : index
      %get3A_162 = tpu.vector_load %arg4[%get3A_160, %get3A_161] {strides = array<i32>} : memref<125x80xi32, #tpu.memory_space<vmem>>, vector<16xi32>,
      tpu.vector_store_idx %arg5[%get3A_162], %broadcast_in_dim3A_8 {add = true} : memref<10240xf32, #tpu.memory_space<vmem>>[vector<16xi32>], vector<16xf32>,
    }
    %scan3A_14 = arith.constant 125 : i32
    %mul3A_15 = arith.constant 10240 : i32
    %mul3A_16 = arith.muli %arg1, %mul3A_15 : i32
    "tpu.region"() ({
      %run_scoped3A = tpu.sem_alloc : memref<!tpu.dma_semaphore, #tpu.memory_space<semaphore_mem>>
      %dma_start3A = tpu.memref_slice %arg8[%mul3A_16] : memref<163840xf32, #tpu.memory_space<vmem_shared>> -> memref<10240xf32, #tpu.memory_space<vmem_shared>>
      %dma_start3A_148 = tpu.memref_slice %arg8[%mul3A_16] : memref<163840xf32, #tpu.memory_space<vmem_shared>> -> memref<10240xf32, #tpu.memory_space<vmem_shared>>
      tpu.enqueue_dma source(%arg5 : memref<10240xf32, #tpu.memory_space<vmem>>) target(%dma_start3A_148 : memref<10240xf32, #tpu.memory_space<vmem_shared>>) target_semaphore(%run_scoped3A : memref<!tpu.dma_semaphore, #tpu.memory_space<semaphore_mem>>)
      %dma_wait3A = tpu.memref_slice %arg8[%mul3A_16] : memref<163840xf32, #tpu.memory_space<vmem_shared>> -> memref<10240xf32, #tpu.memory_space<vmem_shared>>
      %dma_wait3A_149 = tpu.memref_slice %arg8[%mul3A_16] : memref<163840xf32, #tpu.memory_space<vmem_shared>> -> memref<10240xf32, #tpu.memory_space<vmem_shared>>
      tpu.wait_dma2 semaphore(%run_scoped3A : memref<!tpu.dma_semaphore, #tpu.memory_space<semaphore_mem>>) src(%arg5 : memref<10240xf32, #tpu.memory_space<vmem>>) dst(%dma_wait3A_149 : memref<10240xf32, #tpu.memory_space<vmem_shared>>)
      tpu.yield
    }) : () -> ()
    %barrier3A = arith.constant 0 : index
    tpu.barrier barrier_id(%barrier3A)
    %add3A_17 = arith.constant 0 : i32
    %add3A_18 = arith.addi %add3A_17, %mul3A_2 : i32
    "tpu.region"() ({
      %run_scoped3A = tpu.sem_alloc : memref<!tpu.dma_semaphore, #tpu.memory_space<semaphore_mem>>
      %dma_start3A = tpu.memref_slice %arg8[%add3A_18] : memref<163840xf32, #tpu.memory_space<vmem_shared>> -> memref<640xf32, #tpu.memory_space<vmem_shared>>
      %dma_start3A_148 = tpu.memref_slice %arg8[%add3A_18] : memref<163840xf32, #tpu.memory_space<vmem_shared>> -> memref<640xf32, #tpu.memory_space<vmem_shared>>
      tpu.enqueue_dma source(%dma_start3A_148 : memref<640xf32, #tpu.memory_space<vmem_shared>>) target(%arg6 : memref<640xf32, #tpu.memory_space<vmem>>) target_semaphore(%run_scoped3A : memref<!tpu.dma_semaphore, #tpu.memory_space<semaphore_mem>>)
      %dma_wait3A = tpu.memref_slice %arg8[%add3A_18] : memref<163840xf32, #tpu.memory_space<vmem_shared>> -> memref<640xf32, #tpu.memory_space<vmem_shared>>
      %dma_wait3A_149 = tpu.memref_slice %arg8[%add3A_18] : memref<163840xf32, #tpu.memory_space<vmem_shared>> -> memref<640xf32, #tpu.memory_space<vmem_shared>>
      tpu.wait_dma2 semaphore(%run_scoped3A : memref<!tpu.dma_semaphore, #tpu.memory_space<semaphore_mem>>) src(%dma_wait3A_149 : memref<640xf32, #tpu.memory_space<vmem_shared>>) dst(%arg6 : memref<640xf32, #tpu.memory_space<vmem>>)
      tpu.yield
    }) : () -> ()
    %scan3A_19 = arith.constant 0 : i32
    %scan3A_20 = arith.constant 0 : i32
    %scan3A_21 = arith.constant 40 : i32
    %scan3A_22 = arith.addi %scan3A_20, %scan3A_21 : i32
    %scan3A_23 = arith.constant 1 : i32
    scf.for %scan3A_148 = %scan3A_20 to %scan3A_22 step %scan3A_23  : i32 {
      %mul3A_149 = arith.constant 16 : i32
      %mul3A_150 = arith.muli %scan3A_148, %mul3A_149 : i32
      %get3A = arith.index_cast %mul3A_150 : i32 to index
      %get3A_151 = tpu.vector_load %arg6[%get3A] {strides = array<i32>} : memref<640xf32, #tpu.memory_space<vmem>>, vector<16xf32>,
      %swap3A = arith.index_cast %mul3A_150 : i32 to index
      %swap3A_152 = tpu.vector_load %arg7[%swap3A] {strides = array<i32>} : memref<640xf32, #tpu.memory_space<vmem>>, vector<16xf32>,
      tpu.vector_store %arg7[%swap3A], %get3A_151 {strides = array<i32>} : memref<640xf32, #tpu.memory_space<vmem>>, vector<16xf32>,
    }
    %scan3A_24 = arith.constant 40 : i32
    %add3A_25 = arith.constant 10240 : i32
    %add3A_26 = arith.addi %add3A_25, %mul3A_2 : i32
    "tpu.region"() ({
      %run_scoped3A = tpu.sem_alloc : memref<!tpu.dma_semaphore, #tpu.memory_space<semaphore_mem>>
      %dma_start3A = tpu.memref_slice %arg8[%add3A_26] : memref<163840xf32, #tpu.memory_space<vmem_shared>> -> memref<640xf32, #tpu.memory_space<vmem_shared>>
      %dma_start3A_148 = tpu.memref_slice %arg8[%add3A_26] : memref<163840xf32, #tpu.memory_space<vmem_shared>> -> memref<640xf32, #tpu.memory_space<vmem_shared>>
      tpu.enqueue_dma source(%dma_start3A_148 : memref<640xf32, #tpu.memory_space<vmem_shared>>) target(%arg6 : memref<640xf32, #tpu.memory_space<vmem>>) target_semaphore(%run_scoped3A : memref<!tpu.dma_semaphore, #tpu.memory_space<semaphore_mem>>)
      %dma_wait3A = tpu.memref_slice %arg8[%add3A_26] : memref<163840xf32, #tpu.memory_space<vmem_shared>> -> memref<640xf32, #tpu.memory_space<vmem_shared>>
      %dma_wait3A_149 = tpu.memref_slice %arg8[%add3A_26] : memref<163840xf32, #tpu.memory_space<vmem_shared>> -> memref<640xf32, #tpu.memory_space<vmem_shared>>
      tpu.wait_dma2 semaphore(%run_scoped3A : memref<!tpu.dma_semaphore, #tpu.memory_space<semaphore_mem>>) src(%dma_wait3A_149 : memref<640xf32, #tpu.memory_space<vmem_shared>>) dst(%arg6 : memref<640xf32, #tpu.memory_space<vmem>>)
      tpu.yield
    }) : () -> ()
    %scan3A_27 = arith.constant 0 : i32
    %scan3A_28 = arith.constant 0 : i32
    %scan3A_29 = arith.constant 40 : i32
    %scan3A_30 = arith.addi %scan3A_28, %scan3A_29 : i32
    %scan3A_31 = arith.constant 1 : i32
    scf.for %scan3A_148 = %scan3A_28 to %scan3A_30 step %scan3A_31  : i32 {
      %mul3A_149 = arith.constant 16 : i32
      %mul3A_150 = arith.muli %scan3A_148, %mul3A_149 : i32
      %get3A = arith.index_cast %mul3A_150 : i32 to index
      %get3A_151 = tpu.vector_load %arg7[%get3A] {strides = array<i32>} : memref<640xf32, #tpu.memory_space<vmem>>, vector<16xf32>,
      %get3A_152 = arith.index_cast %mul3A_150 : i32 to index
      %get3A_153 = tpu.vector_load %arg6[%get3A_152] {strides = array<i32>} : memref<640xf32, #tpu.memory_space<vmem>>, vector<16xf32>,
      %add3A_154 = arith.addf %get3A_151, %get3A_153 : vector<16xf32>
      %swap3A = arith.index_cast %mul3A_150 : i32 to index
      %swap3A_155 = tpu.vector_load %arg7[%swap3A] {strides = array<i32>} : memref<640xf32, #tpu.memory_space<vmem>>, vector<16xf32>,
      tpu.vector_store %arg7[%swap3A], %add3A_154 {strides = array<i32>} : memref<640xf32, #tpu.memory_space<vmem>>, vector<16xf32>,
    }
    %scan3A_32 = arith.constant 40 : i32
    %add3A_33 = arith.constant 20480 : i32
    %add3A_34 = arith.addi %add3A_33, %mul3A_2 : i32
    "tpu.region"() ({
      %run_scoped3A = tpu.sem_alloc : memref<!tpu.dma_semaphore, #tpu.memory_space<semaphore_mem>>
      %dma_start3A = tpu.memref_slice %arg8[%add3A_34] : memref<163840xf32, #tpu.memory_space<vmem_shared>> -> memref<640xf32, #tpu.memory_space<vmem_shared>>
      %dma_start3A_148 = tpu.memref_slice %arg8[%add3A_34] : memref<163840xf32, #tpu.memory_space<vmem_shared>> -> memref<640xf32, #tpu.memory_space<vmem_shared>>
      tpu.enqueue_dma source(%dma_start3A_148 : memref<640xf32, #tpu.memory_space<vmem_shared>>) target(%arg6 : memref<640xf32, #tpu.memory_space<vmem>>) target_semaphore(%run_scoped3A : memref<!tpu.dma_semaphore, #tpu.memory_space<semaphore_mem>>)
      %dma_wait3A = tpu.memref_slice %arg8[%add3A_34] : memref<163840xf32, #tpu.memory_space<vmem_shared>> -> memref<640xf32, #tpu.memory_space<vmem_shared>>
      %dma_wait3A_149 = tpu.memref_slice %arg8[%add3A_34] : memref<163840xf32, #tpu.memory_space<vmem_shared>> -> memref<640xf32, #tpu.memory_space<vmem_shared>>
      tpu.wait_dma2 semaphore(%run_scoped3A : memref<!tpu.dma_semaphore, #tpu.memory_space<semaphore_mem>>) src(%dma_wait3A_149 : memref<640xf32, #tpu.memory_space<vmem_shared>>) dst(%arg6 : memref<640xf32, #tpu.memory_space<vmem>>)
      tpu.yield
    }) : () -> ()
    %scan3A_35 = arith.constant 0 : i32
    %scan3A_36 = arith.constant 0 : i32
    %scan3A_37 = arith.constant 40 : i32
    %scan3A_38 = arith.addi %scan3A_36, %scan3A_37 : i32
    %scan3A_39 = arith.constant 1 : i32
    scf.for %scan3A_148 = %scan3A_36 to %scan3A_38 step %scan3A_39  : i32 {
      %mul3A_149 = arith.constant 16 : i32
      %mul3A_150 = arith.muli %scan3A_148, %mul3A_149 : i32
      %get3A = arith.index_cast %mul3A_150 : i32 to index
      %get3A_151 = tpu.vector_load %arg7[%get3A] {strides = array<i32>} : memref<640xf32, #tpu.memory_space<vmem>>, vector<16xf32>,
      %get3A_152 = arith.index_cast %mul3A_150 : i32 to index
      %get3A_153 = tpu.vector_load %arg6[%get3A_152] {strides = array<i32>} : memref<640xf32, #tpu.memory_space<vmem>>, vector<16xf32>,
      %add3A_154 = arith.addf %get3A_151, %get3A_153 : vector<16xf32>
      %swap3A = arith.index_cast %mul3A_150 : i32 to index
      %swap3A_155 = tpu.vector_load %arg7[%swap3A] {strides = array<i32>} : memref<640xf32, #tpu.memory_space<vmem>>, vector<16xf32>,
      tpu.vector_store %arg7[%swap3A], %add3A_154 {strides = array<i32>} : memref<640xf32, #tpu.memory_space<vmem>>, vector<16xf32>,
    }
    %scan3A_40 = arith.constant 40 : i32
    %add3A_41 = arith.constant 30720 : i32
    %add3A_42 = arith.addi %add3A_41, %mul3A_2 : i32
    "tpu.region"() ({
      %run_scoped3A = tpu.sem_alloc : memref<!tpu.dma_semaphore, #tpu.memory_space<semaphore_mem>>
      %dma_start3A = tpu.memref_slice %arg8[%add3A_42] : memref<163840xf32, #tpu.memory_space<vmem_shared>> -> memref<640xf32, #tpu.memory_space<vmem_shared>>
      %dma_start3A_148 = tpu.memref_slice %arg8[%add3A_42] : memref<163840xf32, #tpu.memory_space<vmem_shared>> -> memref<640xf32, #tpu.memory_space<vmem_shared>>
      tpu.enqueue_dma source(%dma_start3A_148 : memref<640xf32, #tpu.memory_space<vmem_shared>>) target(%arg6 : memref<640xf32, #tpu.memory_space<vmem>>) target_semaphore(%run_scoped3A : memref<!tpu.dma_semaphore, #tpu.memory_space<semaphore_mem>>)
      %dma_wait3A = tpu.memref_slice %arg8[%add3A_42] : memref<163840xf32, #tpu.memory_space<vmem_shared>> -> memref<640xf32, #tpu.memory_space<vmem_shared>>
      %dma_wait3A_149 = tpu.memref_slice %arg8[%add3A_42] : memref<163840xf32, #tpu.memory_space<vmem_shared>> -> memref<640xf32, #tpu.memory_space<vmem_shared>>
      tpu.wait_dma2 semaphore(%run_scoped3A : memref<!tpu.dma_semaphore, #tpu.memory_space<semaphore_mem>>) src(%dma_wait3A_149 : memref<640xf32, #tpu.memory_space<vmem_shared>>) dst(%arg6 : memref<640xf32, #tpu.memory_space<vmem>>)
      tpu.yield
    }) : () -> ()
    %scan3A_43 = arith.constant 0 : i32
    %scan3A_44 = arith.constant 0 : i32
    %scan3A_45 = arith.constant 40 : i32
    %scan3A_46 = arith.addi %scan3A_44, %scan3A_45 : i32
    %scan3A_47 = arith.constant 1 : i32
    scf.for %scan3A_148 = %scan3A_44 to %scan3A_46 step %scan3A_47  : i32 {
      %mul3A_149 = arith.constant 16 : i32
      %mul3A_150 = arith.muli %scan3A_148, %mul3A_149 : i32
      %get3A = arith.index_cast %mul3A_150 : i32 to index
      %get3A_151 = tpu.vector_load %arg7[%get3A] {strides = array<i32>} : memref<640xf32, #tpu.memory_space<vmem>>, vector<16xf32>,
      %get3A_152 = arith.index_cast %mul3A_150 : i32 to index
      %get3A_153 = tpu.vector_load %arg6[%get3A_152] {strides = array<i32>} : memref<640xf32, #tpu.memory_space<vmem>>, vector<16xf32>,
      %add3A_154 = arith.addf %get3A_151, %get3A_153 : vector<16xf32>
      %swap3A = arith.index_cast %mul3A_150 : i32 to index
      %swap3A_155 = tpu.vector_load %arg7[%swap3A] {strides = array<i32>} : memref<640xf32, #tpu.memory_space<vmem>>, vector<16xf32>,
      tpu.vector_store %arg7[%swap3A], %add3A_154 {strides = array<i32>} : memref<640xf32, #tpu.memory_space<vmem>>, vector<16xf32>,
    }
    %scan3A_48 = arith.constant 40 : i32
    %add3A_49 = arith.constant 40960 : i32
    %add3A_50 = arith.addi %add3A_49, %mul3A_2 : i32
    "tpu.region"() ({
      %run_scoped3A = tpu.sem_alloc : memref<!tpu.dma_semaphore, #tpu.memory_space<semaphore_mem>>
      %dma_start3A = tpu.memref_slice %arg8[%add3A_50] : memref<163840xf32, #tpu.memory_space<vmem_shared>> -> memref<640xf32, #tpu.memory_space<vmem_shared>>
      %dma_start3A_148 = tpu.memref_slice %arg8[%add3A_50] : memref<163840xf32, #tpu.memory_space<vmem_shared>> -> memref<640xf32, #tpu.memory_space<vmem_shared>>
      tpu.enqueue_dma source(%dma_start3A_148 : memref<640xf32, #tpu.memory_space<vmem_shared>>) target(%arg6 : memref<640xf32, #tpu.memory_space<vmem>>) target_semaphore(%run_scoped3A : memref<!tpu.dma_semaphore, #tpu.memory_space<semaphore_mem>>)
      %dma_wait3A = tpu.memref_slice %arg8[%add3A_50] : memref<163840xf32, #tpu.memory_space<vmem_shared>> -> memref<640xf32, #tpu.memory_space<vmem_shared>>
      %dma_wait3A_149 = tpu.memref_slice %arg8[%add3A_50] : memref<163840xf32, #tpu.memory_space<vmem_shared>> -> memref<640xf32, #tpu.memory_space<vmem_shared>>
      tpu.wait_dma2 semaphore(%run_scoped3A : memref<!tpu.dma_semaphore, #tpu.memory_space<semaphore_mem>>) src(%dma_wait3A_149 : memref<640xf32, #tpu.memory_space<vmem_shared>>) dst(%arg6 : memref<640xf32, #tpu.memory_space<vmem>>)
      tpu.yield
    }) : () -> ()
    %scan3A_51 = arith.constant 0 : i32
    %scan3A_52 = arith.constant 0 : i32
    %scan3A_53 = arith.constant 40 : i32
    %scan3A_54 = arith.addi %scan3A_52, %scan3A_53 : i32
    %scan3A_55 = arith.constant 1 : i32
    scf.for %scan3A_148 = %scan3A_52 to %scan3A_54 step %scan3A_55  : i32 {
      %mul3A_149 = arith.constant 16 : i32
      %mul3A_150 = arith.muli %scan3A_148, %mul3A_149 : i32
      %get3A = arith.index_cast %mul3A_150 : i32 to index
      %get3A_151 = tpu.vector_load %arg7[%get3A] {strides = array<i32>} : memref<640xf32, #tpu.memory_space<vmem>>, vector<16xf32>,
      %get3A_152 = arith.index_cast %mul3A_150 : i32 to index
      %get3A_153 = tpu.vector_load %arg6[%get3A_152] {strides = array<i32>} : memref<640xf32, #tpu.memory_space<vmem>>, vector<16xf32>,
      %add3A_154 = arith.addf %get3A_151, %get3A_153 : vector<16xf32>
      %swap3A = arith.index_cast %mul3A_150 : i32 to index
      %swap3A_155 = tpu.vector_load %arg7[%swap3A] {strides = array<i32>} : memref<640xf32, #tpu.memory_space<vmem>>, vector<16xf32>,
      tpu.vector_store %arg7[%swap3A], %add3A_154 {strides = array<i32>} : memref<640xf32, #tpu.memory_space<vmem>>, vector<16xf32>,
    }
    %scan3A_56 = arith.constant 40 : i32
    %add3A_57 = arith.constant 51200 : i32
    %add3A_58 = arith.addi %add3A_57, %mul3A_2 : i32
    "tpu.region"() ({
      %run_scoped3A = tpu.sem_alloc : memref<!tpu.dma_semaphore, #tpu.memory_space<semaphore_mem>>
      %dma_start3A = tpu.memref_slice %arg8[%add3A_58] : memref<163840xf32, #tpu.memory_space<vmem_shared>> -> memref<640xf32, #tpu.memory_space<vmem_shared>>
      %dma_start3A_148 = tpu.memref_slice %arg8[%add3A_58] : memref<163840xf32, #tpu.memory_space<vmem_shared>> -> memref<640xf32, #tpu.memory_space<vmem_shared>>
      tpu.enqueue_dma source(%dma_start3A_148 : memref<640xf32, #tpu.memory_space<vmem_shared>>) target(%arg6 : memref<640xf32, #tpu.memory_space<vmem>>) target_semaphore(%run_scoped3A : memref<!tpu.dma_semaphore, #tpu.memory_space<semaphore_mem>>)
      %dma_wait3A = tpu.memref_slice %arg8[%add3A_58] : memref<163840xf32, #tpu.memory_space<vmem_shared>> -> memref<640xf32, #tpu.memory_space<vmem_shared>>
      %dma_wait3A_149 = tpu.memref_slice %arg8[%add3A_58] : memref<163840xf32, #tpu.memory_space<vmem_shared>> -> memref<640xf32, #tpu.memory_space<vmem_shared>>
      tpu.wait_dma2 semaphore(%run_scoped3A : memref<!tpu.dma_semaphore, #tpu.memory_space<semaphore_mem>>) src(%dma_wait3A_149 : memref<640xf32, #tpu.memory_space<vmem_shared>>) dst(%arg6 : memref<640xf32, #tpu.memory_space<vmem>>)
      tpu.yield
    }) : () -> ()
    %scan3A_59 = arith.constant 0 : i32
    %scan3A_60 = arith.constant 0 : i32
    %scan3A_61 = arith.constant 40 : i32
    %scan3A_62 = arith.addi %scan3A_60, %scan3A_61 : i32
    %scan3A_63 = arith.constant 1 : i32
    scf.for %scan3A_148 = %scan3A_60 to %scan3A_62 step %scan3A_63  : i32 {
      %mul3A_149 = arith.constant 16 : i32
      %mul3A_150 = arith.muli %scan3A_148, %mul3A_149 : i32
      %get3A = arith.index_cast %mul3A_150 : i32 to index
      %get3A_151 = tpu.vector_load %arg7[%get3A] {strides = array<i32>} : memref<640xf32, #tpu.memory_space<vmem>>, vector<16xf32>,
      %get3A_152 = arith.index_cast %mul3A_150 : i32 to index
      %get3A_153 = tpu.vector_load %arg6[%get3A_152] {strides = array<i32>} : memref<640xf32, #tpu.memory_space<vmem>>, vector<16xf32>,
      %add3A_154 = arith.addf %get3A_151, %get3A_153 : vector<16xf32>
      %swap3A = arith.index_cast %mul3A_150 : i32 to index
      %swap3A_155 = tpu.vector_load %arg7[%swap3A] {strides = array<i32>} : memref<640xf32, #tpu.memory_space<vmem>>, vector<16xf32>,
      tpu.vector_store %arg7[%swap3A], %add3A_154 {strides = array<i32>} : memref<640xf32, #tpu.memory_space<vmem>>, vector<16xf32>,
    }
    %scan3A_64 = arith.constant 40 : i32
    %add3A_65 = arith.constant 61440 : i32
    %add3A_66 = arith.addi %add3A_65, %mul3A_2 : i32
    "tpu.region"() ({
      %run_scoped3A = tpu.sem_alloc : memref<!tpu.dma_semaphore, #tpu.memory_space<semaphore_mem>>
      %dma_start3A = tpu.memref_slice %arg8[%add3A_66] : memref<163840xf32, #tpu.memory_space<vmem_shared>> -> memref<640xf32, #tpu.memory_space<vmem_shared>>
      %dma_start3A_148 = tpu.memref_slice %arg8[%add3A_66] : memref<163840xf32, #tpu.memory_space<vmem_shared>> -> memref<640xf32, #tpu.memory_space<vmem_shared>>
      tpu.enqueue_dma source(%dma_start3A_148 : memref<640xf32, #tpu.memory_space<vmem_shared>>) target(%arg6 : memref<640xf32, #tpu.memory_space<vmem>>) target_semaphore(%run_scoped3A : memref<!tpu.dma_semaphore, #tpu.memory_space<semaphore_mem>>)
      %dma_wait3A = tpu.memref_slice %arg8[%add3A_66] : memref<163840xf32, #tpu.memory_space<vmem_shared>> -> memref<640xf32, #tpu.memory_space<vmem_shared>>
      %dma_wait3A_149 = tpu.memref_slice %arg8[%add3A_66] : memref<163840xf32, #tpu.memory_space<vmem_shared>> -> memref<640xf32, #tpu.memory_space<vmem_shared>>
      tpu.wait_dma2 semaphore(%run_scoped3A : memref<!tpu.dma_semaphore, #tpu.memory_space<semaphore_mem>>) src(%dma_wait3A_149 : memref<640xf32, #tpu.memory_space<vmem_shared>>) dst(%arg6 : memref<640xf32, #tpu.memory_space<vmem>>)
      tpu.yield
    }) : () -> ()
    %scan3A_67 = arith.constant 0 : i32
    %scan3A_68 = arith.constant 0 : i32
    %scan3A_69 = arith.constant 40 : i32
    %scan3A_70 = arith.addi %scan3A_68, %scan3A_69 : i32
    %scan3A_71 = arith.constant 1 : i32
    scf.for %scan3A_148 = %scan3A_68 to %scan3A_70 step %scan3A_71  : i32 {
      %mul3A_149 = arith.constant 16 : i32
      %mul3A_150 = arith.muli %scan3A_148, %mul3A_149 : i32
      %get3A = arith.index_cast %mul3A_150 : i32 to index
      %get3A_151 = tpu.vector_load %arg7[%get3A] {strides = array<i32>} : memref<640xf32, #tpu.memory_space<vmem>>, vector<16xf32>,
      %get3A_152 = arith.index_cast %mul3A_150 : i32 to index
      %get3A_153 = tpu.vector_load %arg6[%get3A_152] {strides = array<i32>} : memref<640xf32, #tpu.memory_space<vmem>>, vector<16xf32>,
      %add3A_154 = arith.addf %get3A_151, %get3A_153 : vector<16xf32>
      %swap3A = arith.index_cast %mul3A_150 : i32 to index
      %swap3A_155 = tpu.vector_load %arg7[%swap3A] {strides = array<i32>} : memref<640xf32, #tpu.memory_space<vmem>>, vector<16xf32>,
      tpu.vector_store %arg7[%swap3A], %add3A_154 {strides = array<i32>} : memref<640xf32, #tpu.memory_space<vmem>>, vector<16xf32>,
    }
    %scan3A_72 = arith.constant 40 : i32
    %add3A_73 = arith.constant 71680 : i32
    %add3A_74 = arith.addi %add3A_73, %mul3A_2 : i32
    "tpu.region"() ({
      %run_scoped3A = tpu.sem_alloc : memref<!tpu.dma_semaphore, #tpu.memory_space<semaphore_mem>>
      %dma_start3A = tpu.memref_slice %arg8[%add3A_74] : memref<163840xf32, #tpu.memory_space<vmem_shared>> -> memref<640xf32, #tpu.memory_space<vmem_shared>>
      %dma_start3A_148 = tpu.memref_slice %arg8[%add3A_74] : memref<163840xf32, #tpu.memory_space<vmem_shared>> -> memref<640xf32, #tpu.memory_space<vmem_shared>>
      tpu.enqueue_dma source(%dma_start3A_148 : memref<640xf32, #tpu.memory_space<vmem_shared>>) target(%arg6 : memref<640xf32, #tpu.memory_space<vmem>>) target_semaphore(%run_scoped3A : memref<!tpu.dma_semaphore, #tpu.memory_space<semaphore_mem>>)
      %dma_wait3A = tpu.memref_slice %arg8[%add3A_74] : memref<163840xf32, #tpu.memory_space<vmem_shared>> -> memref<640xf32, #tpu.memory_space<vmem_shared>>
      %dma_wait3A_149 = tpu.memref_slice %arg8[%add3A_74] : memref<163840xf32, #tpu.memory_space<vmem_shared>> -> memref<640xf32, #tpu.memory_space<vmem_shared>>
      tpu.wait_dma2 semaphore(%run_scoped3A : memref<!tpu.dma_semaphore, #tpu.memory_space<semaphore_mem>>) src(%dma_wait3A_149 : memref<640xf32, #tpu.memory_space<vmem_shared>>) dst(%arg6 : memref<640xf32, #tpu.memory_space<vmem>>)
      tpu.yield
    }) : () -> ()
    %scan3A_75 = arith.constant 0 : i32
    %scan3A_76 = arith.constant 0 : i32
    %scan3A_77 = arith.constant 40 : i32
    %scan3A_78 = arith.addi %scan3A_76, %scan3A_77 : i32
    %scan3A_79 = arith.constant 1 : i32
    scf.for %scan3A_148 = %scan3A_76 to %scan3A_78 step %scan3A_79  : i32 {
      %mul3A_149 = arith.constant 16 : i32
      %mul3A_150 = arith.muli %scan3A_148, %mul3A_149 : i32
      %get3A = arith.index_cast %mul3A_150 : i32 to index
      %get3A_151 = tpu.vector_load %arg7[%get3A] {strides = array<i32>} : memref<640xf32, #tpu.memory_space<vmem>>, vector<16xf32>,
      %get3A_152 = arith.index_cast %mul3A_150 : i32 to index
      %get3A_153 = tpu.vector_load %arg6[%get3A_152] {strides = array<i32>} : memref<640xf32, #tpu.memory_space<vmem>>, vector<16xf32>,
      %add3A_154 = arith.addf %get3A_151, %get3A_153 : vector<16xf32>
      %swap3A = arith.index_cast %mul3A_150 : i32 to index
      %swap3A_155 = tpu.vector_load %arg7[%swap3A] {strides = array<i32>} : memref<640xf32, #tpu.memory_space<vmem>>, vector<16xf32>,
      tpu.vector_store %arg7[%swap3A], %add3A_154 {strides = array<i32>} : memref<640xf32, #tpu.memory_space<vmem>>, vector<16xf32>,
    }
    %scan3A_80 = arith.constant 40 : i32
    %add3A_81 = arith.constant 81920 : i32
    %add3A_82 = arith.addi %add3A_81, %mul3A_2 : i32
    "tpu.region"() ({
      %run_scoped3A = tpu.sem_alloc : memref<!tpu.dma_semaphore, #tpu.memory_space<semaphore_mem>>
      %dma_start3A = tpu.memref_slice %arg8[%add3A_82] : memref<163840xf32, #tpu.memory_space<vmem_shared>> -> memref<640xf32, #tpu.memory_space<vmem_shared>>
      %dma_start3A_148 = tpu.memref_slice %arg8[%add3A_82] : memref<163840xf32, #tpu.memory_space<vmem_shared>> -> memref<640xf32, #tpu.memory_space<vmem_shared>>
      tpu.enqueue_dma source(%dma_start3A_148 : memref<640xf32, #tpu.memory_space<vmem_shared>>) target(%arg6 : memref<640xf32, #tpu.memory_space<vmem>>) target_semaphore(%run_scoped3A : memref<!tpu.dma_semaphore, #tpu.memory_space<semaphore_mem>>)
      %dma_wait3A = tpu.memref_slice %arg8[%add3A_82] : memref<163840xf32, #tpu.memory_space<vmem_shared>> -> memref<640xf32, #tpu.memory_space<vmem_shared>>
      %dma_wait3A_149 = tpu.memref_slice %arg8[%add3A_82] : memref<163840xf32, #tpu.memory_space<vmem_shared>> -> memref<640xf32, #tpu.memory_space<vmem_shared>>
      tpu.wait_dma2 semaphore(%run_scoped3A : memref<!tpu.dma_semaphore, #tpu.memory_space<semaphore_mem>>) src(%dma_wait3A_149 : memref<640xf32, #tpu.memory_space<vmem_shared>>) dst(%arg6 : memref<640xf32, #tpu.memory_space<vmem>>)
      tpu.yield
    }) : () -> ()
    %scan3A_83 = arith.constant 0 : i32
    %scan3A_84 = arith.constant 0 : i32
    %scan3A_85 = arith.constant 40 : i32
    %scan3A_86 = arith.addi %scan3A_84, %scan3A_85 : i32
    %scan3A_87 = arith.constant 1 : i32
    scf.for %scan3A_148 = %scan3A_84 to %scan3A_86 step %scan3A_87  : i32 {
      %mul3A_149 = arith.constant 16 : i32
      %mul3A_150 = arith.muli %scan3A_148, %mul3A_149 : i32
      %get3A = arith.index_cast %mul3A_150 : i32 to index
      %get3A_151 = tpu.vector_load %arg7[%get3A] {strides = array<i32>} : memref<640xf32, #tpu.memory_space<vmem>>, vector<16xf32>,
      %get3A_152 = arith.index_cast %mul3A_150 : i32 to index
      %get3A_153 = tpu.vector_load %arg6[%get3A_152] {strides = array<i32>} : memref<640xf32, #tpu.memory_space<vmem>>, vector<16xf32>,
      %add3A_154 = arith.addf %get3A_151, %get3A_153 : vector<16xf32>
      %swap3A = arith.index_cast %mul3A_150 : i32 to index
      %swap3A_155 = tpu.vector_load %arg7[%swap3A] {strides = array<i32>} : memref<640xf32, #tpu.memory_space<vmem>>, vector<16xf32>,
      tpu.vector_store %arg7[%swap3A], %add3A_154 {strides = array<i32>} : memref<640xf32, #tpu.memory_space<vmem>>, vector<16xf32>,
    }
    %scan3A_88 = arith.constant 40 : i32
    %add3A_89 = arith.constant 92160 : i32
    %add3A_90 = arith.addi %add3A_89, %mul3A_2 : i32
    "tpu.region"() ({
      %run_scoped3A = tpu.sem_alloc : memref<!tpu.dma_semaphore, #tpu.memory_space<semaphore_mem>>
      %dma_start3A = tpu.memref_slice %arg8[%add3A_90] : memref<163840xf32, #tpu.memory_space<vmem_shared>> -> memref<640xf32, #tpu.memory_space<vmem_shared>>
      %dma_start3A_148 = tpu.memref_slice %arg8[%add3A_90] : memref<163840xf32, #tpu.memory_space<vmem_shared>> -> memref<640xf32, #tpu.memory_space<vmem_shared>>
      tpu.enqueue_dma source(%dma_start3A_148 : memref<640xf32, #tpu.memory_space<vmem_shared>>) target(%arg6 : memref<640xf32, #tpu.memory_space<vmem>>) target_semaphore(%run_scoped3A : memref<!tpu.dma_semaphore, #tpu.memory_space<semaphore_mem>>)
      %dma_wait3A = tpu.memref_slice %arg8[%add3A_90] : memref<163840xf32, #tpu.memory_space<vmem_shared>> -> memref<640xf32, #tpu.memory_space<vmem_shared>>
      %dma_wait3A_149 = tpu.memref_slice %arg8[%add3A_90] : memref<163840xf32, #tpu.memory_space<vmem_shared>> -> memref<640xf32, #tpu.memory_space<vmem_shared>>
      tpu.wait_dma2 semaphore(%run_scoped3A : memref<!tpu.dma_semaphore, #tpu.memory_space<semaphore_mem>>) src(%dma_wait3A_149 : memref<640xf32, #tpu.memory_space<vmem_shared>>) dst(%arg6 : memref<640xf32, #tpu.memory_space<vmem>>)
      tpu.yield
    }) : () -> ()
    %scan3A_91 = arith.constant 0 : i32
    %scan3A_92 = arith.constant 0 : i32
    %scan3A_93 = arith.constant 40 : i32
    %scan3A_94 = arith.addi %scan3A_92, %scan3A_93 : i32
    %scan3A_95 = arith.constant 1 : i32
    scf.for %scan3A_148 = %scan3A_92 to %scan3A_94 step %scan3A_95  : i32 {
      %mul3A_149 = arith.constant 16 : i32
      %mul3A_150 = arith.muli %scan3A_148, %mul3A_149 : i32
      %get3A = arith.index_cast %mul3A_150 : i32 to index
      %get3A_151 = tpu.vector_load %arg7[%get3A] {strides = array<i32>} : memref<640xf32, #tpu.memory_space<vmem>>, vector<16xf32>,
      %get3A_152 = arith.index_cast %mul3A_150 : i32 to index
      %get3A_153 = tpu.vector_load %arg6[%get3A_152] {strides = array<i32>} : memref<640xf32, #tpu.memory_space<vmem>>, vector<16xf32>,
      %add3A_154 = arith.addf %get3A_151, %get3A_153 : vector<16xf32>
      %swap3A = arith.index_cast %mul3A_150 : i32 to index
      %swap3A_155 = tpu.vector_load %arg7[%swap3A] {strides = array<i32>} : memref<640xf32, #tpu.memory_space<vmem>>, vector<16xf32>,
      tpu.vector_store %arg7[%swap3A], %add3A_154 {strides = array<i32>} : memref<640xf32, #tpu.memory_space<vmem>>, vector<16xf32>,
    }
    %scan3A_96 = arith.constant 40 : i32
    %add3A_97 = arith.constant 102400 : i32
    %add3A_98 = arith.addi %add3A_97, %mul3A_2 : i32
    "tpu.region"() ({
      %run_scoped3A = tpu.sem_alloc : memref<!tpu.dma_semaphore, #tpu.memory_space<semaphore_mem>>
      %dma_start3A = tpu.memref_slice %arg8[%add3A_98] : memref<163840xf32, #tpu.memory_space<vmem_shared>> -> memref<640xf32, #tpu.memory_space<vmem_shared>>
      %dma_start3A_148 = tpu.memref_slice %arg8[%add3A_98] : memref<163840xf32, #tpu.memory_space<vmem_shared>> -> memref<640xf32, #tpu.memory_space<vmem_shared>>
      tpu.enqueue_dma source(%dma_start3A_148 : memref<640xf32, #tpu.memory_space<vmem_shared>>) target(%arg6 : memref<640xf32, #tpu.memory_space<vmem>>) target_semaphore(%run_scoped3A : memref<!tpu.dma_semaphore, #tpu.memory_space<semaphore_mem>>)
      %dma_wait3A = tpu.memref_slice %arg8[%add3A_98] : memref<163840xf32, #tpu.memory_space<vmem_shared>> -> memref<640xf32, #tpu.memory_space<vmem_shared>>
      %dma_wait3A_149 = tpu.memref_slice %arg8[%add3A_98] : memref<163840xf32, #tpu.memory_space<vmem_shared>> -> memref<640xf32, #tpu.memory_space<vmem_shared>>
      tpu.wait_dma2 semaphore(%run_scoped3A : memref<!tpu.dma_semaphore, #tpu.memory_space<semaphore_mem>>) src(%dma_wait3A_149 : memref<640xf32, #tpu.memory_space<vmem_shared>>) dst(%arg6 : memref<640xf32, #tpu.memory_space<vmem>>)
      tpu.yield
    }) : () -> ()
    %scan3A_99 = arith.constant 0 : i32
    %scan3A_100 = arith.constant 0 : i32
    %scan3A_101 = arith.constant 40 : i32
    %scan3A_102 = arith.addi %scan3A_100, %scan3A_101 : i32
    %scan3A_103 = arith.constant 1 : i32
    scf.for %scan3A_148 = %scan3A_100 to %scan3A_102 step %scan3A_103  : i32 {
      %mul3A_149 = arith.constant 16 : i32
      %mul3A_150 = arith.muli %scan3A_148, %mul3A_149 : i32
      %get3A = arith.index_cast %mul3A_150 : i32 to index
      %get3A_151 = tpu.vector_load %arg7[%get3A] {strides = array<i32>} : memref<640xf32, #tpu.memory_space<vmem>>, vector<16xf32>,
      %get3A_152 = arith.index_cast %mul3A_150 : i32 to index
      %get3A_153 = tpu.vector_load %arg6[%get3A_152] {strides = array<i32>} : memref<640xf32, #tpu.memory_space<vmem>>, vector<16xf32>,
      %add3A_154 = arith.addf %get3A_151, %get3A_153 : vector<16xf32>
      %swap3A = arith.index_cast %mul3A_150 : i32 to index
      %swap3A_155 = tpu.vector_load %arg7[%swap3A] {strides = array<i32>} : memref<640xf32, #tpu.memory_space<vmem>>, vector<16xf32>,
      tpu.vector_store %arg7[%swap3A], %add3A_154 {strides = array<i32>} : memref<640xf32, #tpu.memory_space<vmem>>, vector<16xf32>,
    }
    %scan3A_104 = arith.constant 40 : i32
    %add3A_105 = arith.constant 112640 : i32
    %add3A_106 = arith.addi %add3A_105, %mul3A_2 : i32
    "tpu.region"() ({
      %run_scoped3A = tpu.sem_alloc : memref<!tpu.dma_semaphore, #tpu.memory_space<semaphore_mem>>
      %dma_start3A = tpu.memref_slice %arg8[%add3A_106] : memref<163840xf32, #tpu.memory_space<vmem_shared>> -> memref<640xf32, #tpu.memory_space<vmem_shared>>
      %dma_start3A_148 = tpu.memref_slice %arg8[%add3A_106] : memref<163840xf32, #tpu.memory_space<vmem_shared>> -> memref<640xf32, #tpu.memory_space<vmem_shared>>
      tpu.enqueue_dma source(%dma_start3A_148 : memref<640xf32, #tpu.memory_space<vmem_shared>>) target(%arg6 : memref<640xf32, #tpu.memory_space<vmem>>) target_semaphore(%run_scoped3A : memref<!tpu.dma_semaphore, #tpu.memory_space<semaphore_mem>>)
      %dma_wait3A = tpu.memref_slice %arg8[%add3A_106] : memref<163840xf32, #tpu.memory_space<vmem_shared>> -> memref<640xf32, #tpu.memory_space<vmem_shared>>
      %dma_wait3A_149 = tpu.memref_slice %arg8[%add3A_106] : memref<163840xf32, #tpu.memory_space<vmem_shared>> -> memref<640xf32, #tpu.memory_space<vmem_shared>>
      tpu.wait_dma2 semaphore(%run_scoped3A : memref<!tpu.dma_semaphore, #tpu.memory_space<semaphore_mem>>) src(%dma_wait3A_149 : memref<640xf32, #tpu.memory_space<vmem_shared>>) dst(%arg6 : memref<640xf32, #tpu.memory_space<vmem>>)
      tpu.yield
    }) : () -> ()
    %scan3A_107 = arith.constant 0 : i32
    %scan3A_108 = arith.constant 0 : i32
    %scan3A_109 = arith.constant 40 : i32
    %scan3A_110 = arith.addi %scan3A_108, %scan3A_109 : i32
    %scan3A_111 = arith.constant 1 : i32
    scf.for %scan3A_148 = %scan3A_108 to %scan3A_110 step %scan3A_111  : i32 {
      %mul3A_149 = arith.constant 16 : i32
      %mul3A_150 = arith.muli %scan3A_148, %mul3A_149 : i32
      %get3A = arith.index_cast %mul3A_150 : i32 to index
      %get3A_151 = tpu.vector_load %arg7[%get3A] {strides = array<i32>} : memref<640xf32, #tpu.memory_space<vmem>>, vector<16xf32>,
      %get3A_152 = arith.index_cast %mul3A_150 : i32 to index
      %get3A_153 = tpu.vector_load %arg6[%get3A_152] {strides = array<i32>} : memref<640xf32, #tpu.memory_space<vmem>>, vector<16xf32>,
      %add3A_154 = arith.addf %get3A_151, %get3A_153 : vector<16xf32>
      %swap3A = arith.index_cast %mul3A_150 : i32 to index
      %swap3A_155 = tpu.vector_load %arg7[%swap3A] {strides = array<i32>} : memref<640xf32, #tpu.memory_space<vmem>>, vector<16xf32>,
      tpu.vector_store %arg7[%swap3A], %add3A_154 {strides = array<i32>} : memref<640xf32, #tpu.memory_space<vmem>>, vector<16xf32>,
    }
    %scan3A_112 = arith.constant 40 : i32
    %add3A_113 = arith.constant 122880 : i32
    %add3A_114 = arith.addi %add3A_113, %mul3A_2 : i32
    "tpu.region"() ({
      %run_scoped3A = tpu.sem_alloc : memref<!tpu.dma_semaphore, #tpu.memory_space<semaphore_mem>>
      %dma_start3A = tpu.memref_slice %arg8[%add3A_114] : memref<163840xf32, #tpu.memory_space<vmem_shared>> -> memref<640xf32, #tpu.memory_space<vmem_shared>>
      %dma_start3A_148 = tpu.memref_slice %arg8[%add3A_114] : memref<163840xf32, #tpu.memory_space<vmem_shared>> -> memref<640xf32, #tpu.memory_space<vmem_shared>>
      tpu.enqueue_dma source(%dma_start3A_148 : memref<640xf32, #tpu.memory_space<vmem_shared>>) target(%arg6 : memref<640xf32, #tpu.memory_space<vmem>>) target_semaphore(%run_scoped3A : memref<!tpu.dma_semaphore, #tpu.memory_space<semaphore_mem>>)
      %dma_wait3A = tpu.memref_slice %arg8[%add3A_114] : memref<163840xf32, #tpu.memory_space<vmem_shared>> -> memref<640xf32, #tpu.memory_space<vmem_shared>>
      %dma_wait3A_149 = tpu.memref_slice %arg8[%add3A_114] : memref<163840xf32, #tpu.memory_space<vmem_shared>> -> memref<640xf32, #tpu.memory_space<vmem_shared>>
      tpu.wait_dma2 semaphore(%run_scoped3A : memref<!tpu.dma_semaphore, #tpu.memory_space<semaphore_mem>>) src(%dma_wait3A_149 : memref<640xf32, #tpu.memory_space<vmem_shared>>) dst(%arg6 : memref<640xf32, #tpu.memory_space<vmem>>)
      tpu.yield
    }) : () -> ()
    %scan3A_115 = arith.constant 0 : i32
    %scan3A_116 = arith.constant 0 : i32
    %scan3A_117 = arith.constant 40 : i32
    %scan3A_118 = arith.addi %scan3A_116, %scan3A_117 : i32
    %scan3A_119 = arith.constant 1 : i32
    scf.for %scan3A_148 = %scan3A_116 to %scan3A_118 step %scan3A_119  : i32 {
      %mul3A_149 = arith.constant 16 : i32
      %mul3A_150 = arith.muli %scan3A_148, %mul3A_149 : i32
      %get3A = arith.index_cast %mul3A_150 : i32 to index
      %get3A_151 = tpu.vector_load %arg7[%get3A] {strides = array<i32>} : memref<640xf32, #tpu.memory_space<vmem>>, vector<16xf32>,
      %get3A_152 = arith.index_cast %mul3A_150 : i32 to index
      %get3A_153 = tpu.vector_load %arg6[%get3A_152] {strides = array<i32>} : memref<640xf32, #tpu.memory_space<vmem>>, vector<16xf32>,
      %add3A_154 = arith.addf %get3A_151, %get3A_153 : vector<16xf32>
      %swap3A = arith.index_cast %mul3A_150 : i32 to index
      %swap3A_155 = tpu.vector_load %arg7[%swap3A] {strides = array<i32>} : memref<640xf32, #tpu.memory_space<vmem>>, vector<16xf32>,
      tpu.vector_store %arg7[%swap3A], %add3A_154 {strides = array<i32>} : memref<640xf32, #tpu.memory_space<vmem>>, vector<16xf32>,
    }
    %scan3A_120 = arith.constant 40 : i32
    %add3A_121 = arith.constant 133120 : i32
    %add3A_122 = arith.addi %add3A_121, %mul3A_2 : i32
    "tpu.region"() ({
      %run_scoped3A = tpu.sem_alloc : memref<!tpu.dma_semaphore, #tpu.memory_space<semaphore_mem>>
      %dma_start3A = tpu.memref_slice %arg8[%add3A_122] : memref<163840xf32, #tpu.memory_space<vmem_shared>> -> memref<640xf32, #tpu.memory_space<vmem_shared>>
      %dma_start3A_148 = tpu.memref_slice %arg8[%add3A_122] : memref<163840xf32, #tpu.memory_space<vmem_shared>> -> memref<640xf32, #tpu.memory_space<vmem_shared>>
      tpu.enqueue_dma source(%dma_start3A_148 : memref<640xf32, #tpu.memory_space<vmem_shared>>) target(%arg6 : memref<640xf32, #tpu.memory_space<vmem>>) target_semaphore(%run_scoped3A : memref<!tpu.dma_semaphore, #tpu.memory_space<semaphore_mem>>)
      %dma_wait3A = tpu.memref_slice %arg8[%add3A_122] : memref<163840xf32, #tpu.memory_space<vmem_shared>> -> memref<640xf32, #tpu.memory_space<vmem_shared>>
      %dma_wait3A_149 = tpu.memref_slice %arg8[%add3A_122] : memref<163840xf32, #tpu.memory_space<vmem_shared>> -> memref<640xf32, #tpu.memory_space<vmem_shared>>
      tpu.wait_dma2 semaphore(%run_scoped3A : memref<!tpu.dma_semaphore, #tpu.memory_space<semaphore_mem>>) src(%dma_wait3A_149 : memref<640xf32, #tpu.memory_space<vmem_shared>>) dst(%arg6 : memref<640xf32, #tpu.memory_space<vmem>>)
      tpu.yield
    }) : () -> ()
    %scan3A_123 = arith.constant 0 : i32
    %scan3A_124 = arith.constant 0 : i32
    %scan3A_125 = arith.constant 40 : i32
    %scan3A_126 = arith.addi %scan3A_124, %scan3A_125 : i32
    %scan3A_127 = arith.constant 1 : i32
    scf.for %scan3A_148 = %scan3A_124 to %scan3A_126 step %scan3A_127  : i32 {
      %mul3A_149 = arith.constant 16 : i32
      %mul3A_150 = arith.muli %scan3A_148, %mul3A_149 : i32
      %get3A = arith.index_cast %mul3A_150 : i32 to index
      %get3A_151 = tpu.vector_load %arg7[%get3A] {strides = array<i32>} : memref<640xf32, #tpu.memory_space<vmem>>, vector<16xf32>,
      %get3A_152 = arith.index_cast %mul3A_150 : i32 to index
      %get3A_153 = tpu.vector_load %arg6[%get3A_152] {strides = array<i32>} : memref<640xf32, #tpu.memory_space<vmem>>, vector<16xf32>,
      %add3A_154 = arith.addf %get3A_151, %get3A_153 : vector<16xf32>
      %swap3A = arith.index_cast %mul3A_150 : i32 to index
      %swap3A_155 = tpu.vector_load %arg7[%swap3A] {strides = array<i32>} : memref<640xf32, #tpu.memory_space<vmem>>, vector<16xf32>,
      tpu.vector_store %arg7[%swap3A], %add3A_154 {strides = array<i32>} : memref<640xf32, #tpu.memory_space<vmem>>, vector<16xf32>,
    }
    %scan3A_128 = arith.constant 40 : i32
    %add3A_129 = arith.constant 143360 : i32
    %add3A_130 = arith.addi %add3A_129, %mul3A_2 : i32
    "tpu.region"() ({
      %run_scoped3A = tpu.sem_alloc : memref<!tpu.dma_semaphore, #tpu.memory_space<semaphore_mem>>
      %dma_start3A = tpu.memref_slice %arg8[%add3A_130] : memref<163840xf32, #tpu.memory_space<vmem_shared>> -> memref<640xf32, #tpu.memory_space<vmem_shared>>
      %dma_start3A_148 = tpu.memref_slice %arg8[%add3A_130] : memref<163840xf32, #tpu.memory_space<vmem_shared>> -> memref<640xf32, #tpu.memory_space<vmem_shared>>
      tpu.enqueue_dma source(%dma_start3A_148 : memref<640xf32, #tpu.memory_space<vmem_shared>>) target(%arg6 : memref<640xf32, #tpu.memory_space<vmem>>) target_semaphore(%run_scoped3A : memref<!tpu.dma_semaphore, #tpu.memory_space<semaphore_mem>>)
      %dma_wait3A = tpu.memref_slice %arg8[%add3A_130] : memref<163840xf32, #tpu.memory_space<vmem_shared>> -> memref<640xf32, #tpu.memory_space<vmem_shared>>
      %dma_wait3A_149 = tpu.memref_slice %arg8[%add3A_130] : memref<163840xf32, #tpu.memory_space<vmem_shared>> -> memref<640xf32, #tpu.memory_space<vmem_shared>>
      tpu.wait_dma2 semaphore(%run_scoped3A : memref<!tpu.dma_semaphore, #tpu.memory_space<semaphore_mem>>) src(%dma_wait3A_149 : memref<640xf32, #tpu.memory_space<vmem_shared>>) dst(%arg6 : memref<640xf32, #tpu.memory_space<vmem>>)
      tpu.yield
    }) : () -> ()
    %scan3A_131 = arith.constant 0 : i32
    %scan3A_132 = arith.constant 0 : i32
    %scan3A_133 = arith.constant 40 : i32
    %scan3A_134 = arith.addi %scan3A_132, %scan3A_133 : i32
    %scan3A_135 = arith.constant 1 : i32
    scf.for %scan3A_148 = %scan3A_132 to %scan3A_134 step %scan3A_135  : i32 {
      %mul3A_149 = arith.constant 16 : i32
      %mul3A_150 = arith.muli %scan3A_148, %mul3A_149 : i32
      %get3A = arith.index_cast %mul3A_150 : i32 to index
      %get3A_151 = tpu.vector_load %arg7[%get3A] {strides = array<i32>} : memref<640xf32, #tpu.memory_space<vmem>>, vector<16xf32>,
      %get3A_152 = arith.index_cast %mul3A_150 : i32 to index
      %get3A_153 = tpu.vector_load %arg6[%get3A_152] {strides = array<i32>} : memref<640xf32, #tpu.memory_space<vmem>>, vector<16xf32>,
      %add3A_154 = arith.addf %get3A_151, %get3A_153 : vector<16xf32>
      %swap3A = arith.index_cast %mul3A_150 : i32 to index
      %swap3A_155 = tpu.vector_load %arg7[%swap3A] {strides = array<i32>} : memref<640xf32, #tpu.memory_space<vmem>>, vector<16xf32>,
      tpu.vector_store %arg7[%swap3A], %add3A_154 {strides = array<i32>} : memref<640xf32, #tpu.memory_space<vmem>>, vector<16xf32>,
    }
    %scan3A_136 = arith.constant 40 : i32
    %add3A_137 = arith.constant 153600 : i32
    %add3A_138 = arith.addi %add3A_137, %mul3A_2 : i32
    "tpu.region"() ({
      %run_scoped3A = tpu.sem_alloc : memref<!tpu.dma_semaphore, #tpu.memory_space<semaphore_mem>>
      %dma_start3A = tpu.memref_slice %arg8[%add3A_138] : memref<163840xf32, #tpu.memory_space<vmem_shared>> -> memref<640xf32, #tpu.memory_space<vmem_shared>>
      %dma_start3A_148 = tpu.memref_slice %arg8[%add3A_138] : memref<163840xf32, #tpu.memory_space<vmem_shared>> -> memref<640xf32, #tpu.memory_space<vmem_shared>>
      tpu.enqueue_dma source(%dma_start3A_148 : memref<640xf32, #tpu.memory_space<vmem_shared>>) target(%arg6 : memref<640xf32, #tpu.memory_space<vmem>>) target_semaphore(%run_scoped3A : memref<!tpu.dma_semaphore, #tpu.memory_space<semaphore_mem>>)
      %dma_wait3A = tpu.memref_slice %arg8[%add3A_138] : memref<163840xf32, #tpu.memory_space<vmem_shared>> -> memref<640xf32, #tpu.memory_space<vmem_shared>>
      %dma_wait3A_149 = tpu.memref_slice %arg8[%add3A_138] : memref<163840xf32, #tpu.memory_space<vmem_shared>> -> memref<640xf32, #tpu.memory_space<vmem_shared>>
      tpu.wait_dma2 semaphore(%run_scoped3A : memref<!tpu.dma_semaphore, #tpu.memory_space<semaphore_mem>>) src(%dma_wait3A_149 : memref<640xf32, #tpu.memory_space<vmem_shared>>) dst(%arg6 : memref<640xf32, #tpu.memory_space<vmem>>)
      tpu.yield
    }) : () -> ()
    %scan3A_139 = arith.constant 0 : i32
    %scan3A_140 = arith.constant 0 : i32
    %scan3A_141 = arith.constant 40 : i32
    %scan3A_142 = arith.addi %scan3A_140, %scan3A_141 : i32
    %scan3A_143 = arith.constant 1 : i32
    scf.for %scan3A_148 = %scan3A_140 to %scan3A_142 step %scan3A_143  : i32 {
      %mul3A_149 = arith.constant 16 : i32
      %mul3A_150 = arith.muli %scan3A_148, %mul3A_149 : i32
      %get3A = arith.index_cast %mul3A_150 : i32 to index
      %get3A_151 = tpu.vector_load %arg7[%get3A] {strides = array<i32>} : memref<640xf32, #tpu.memory_space<vmem>>, vector<16xf32>,
      %get3A_152 = arith.index_cast %mul3A_150 : i32 to index
      %get3A_153 = tpu.vector_load %arg6[%get3A_152] {strides = array<i32>} : memref<640xf32, #tpu.memory_space<vmem>>, vector<16xf32>,
      %add3A_154 = arith.addf %get3A_151, %get3A_153 : vector<16xf32>
      %swap3A = arith.index_cast %mul3A_150 : i32 to index
      %swap3A_155 = tpu.vector_load %arg7[%swap3A] {strides = array<i32>} : memref<640xf32, #tpu.memory_space<vmem>>, vector<16xf32>,
      tpu.vector_store %arg7[%swap3A], %add3A_154 {strides = array<i32>} : memref<640xf32, #tpu.memory_space<vmem>>, vector<16xf32>,
    }
    %scan3A_144 = arith.constant 40 : i32
    %mul3A_145 = arith.constant 10240 : i32
    %mul3A_146 = arith.muli %arg0, %mul3A_145 : i32
    %add3A_147 = arith.addi %mul3A_146, %mul3A_2 : i32
    "tpu.region"() ({
      %run_scoped3A = tpu.sem_alloc : memref<!tpu.dma_semaphore, #tpu.memory_space<semaphore_mem>>
      %dma_start3A = tpu.memref_slice %arg3[%add3A_147] : memref<20480xf32, #tpu.memory_space<hbm>> -> memref<640xf32, #tpu.memory_space<hbm>>
      %dma_start3A_148 = tpu.memref_slice %arg3[%add3A_147] : memref<20480xf32, #tpu.memory_space<hbm>> -> memref<640xf32, #tpu.memory_space<hbm>>
      tpu.enqueue_dma source(%arg7 : memref<640xf32, #tpu.memory_space<vmem>>) target(%dma_start3A_148 : memref<640xf32, #tpu.memory_space<hbm>>) target_semaphore(%run_scoped3A : memref<!tpu.dma_semaphore, #tpu.memory_space<semaphore_mem>>)
      %dma_wait3A = tpu.memref_slice %arg3[%add3A_147] : memref<20480xf32, #tpu.memory_space<hbm>> -> memref<640xf32, #tpu.memory_space<hbm>>
      %dma_wait3A_149 = tpu.memref_slice %arg3[%add3A_147] : memref<20480xf32, #tpu.memory_space<hbm>> -> memref<640xf32, #tpu.memory_space<hbm>>
      tpu.wait_dma2 semaphore(%run_scoped3A : memref<!tpu.dma_semaphore, #tpu.memory_space<semaphore_mem>>) src(%arg7 : memref<640xf32, #tpu.memory_space<vmem>>) dst(%dma_wait3A_149 : memref<640xf32, #tpu.memory_space<hbm>>)
      tpu.yield
    }) : () -> ()
    return
  }
}

#map = affine_map<(d0, d1) -> (0, 0)>
#map1 = affine_map<(d0, d1) -> (0, 0, 0)>
module attributes {stable_mosaic.version = 14 : i64} {
  func.func @body(%arg0: i32, %arg1: i32, %arg2: memref<10000x128xf32, #tpu.memory_space<hbm>>, %arg3: memref<32x10000xi32, #tpu.memory_space<hbm>>, %arg4: memref<32x125x80xi32, #tpu.memory_space<hbm>>, %arg5: memref<80x128xf32, #tpu.memory_space<hbm>>, %arg6: memref<2x10240x128xf32, #tpu.memory_space<hbm>>, %arg7: memref<10000xi32, #tpu.memory_space<vmem>>, %arg8: memref<125x80xi32, #tpu.memory_space<vmem>>, %arg9: memref<80x128xf32, #tpu.memory_space<vmem>>, %arg10: memref<80x128xf32, #tpu.memory_space<vmem>>, %arg11: memref<10240x128xf32, #tpu.memory_space<vmem_shared>>, %arg12: memref<!tpu.dma_semaphore, #tpu.memory_space<semaphore_mem>>, %arg13: memref<!tpu.dma_semaphore, #tpu.memory_space<semaphore_mem>>, %arg14: memref<!tpu.dma_semaphore, #tpu.memory_space<semaphore_mem>>, %arg15: memref<!tpu.dma_semaphore, #tpu.memory_space<semaphore_mem>>) attributes {dimension_semantics = [#tpu.dimension_semantics<core_parallel>, #tpu.dimension_semantics<subcore_parallel>], iteration_bounds = array<i64: 2, 16>, scalar_prefetch = 0 : i64, scratch_operands = 9 : i64, tpu.core_type = #tpu.core_type<sc_vector_subcore>, window_params = [{transform_indices = #map}, {transform_indices = #map}, {transform_indices = #map1}, {transform_indices = #map}, {transform_indices = #map1}]} {
    %mul3A = arith.constant 16 : i32
    %mul3A_0 = arith.muli %arg0, %mul3A : i32
    %add3A = arith.addi %mul3A_0, %arg1 : i32
    %mul3A_1 = arith.constant 640 : i32
    %mul3A_2 = arith.muli %arg1, %mul3A_1 : i32
    "tpu.region"() ({
      %run_scoped3A_80 = tpu.sem_alloc : memref<!tpu.dma_semaphore, #tpu.memory_space<semaphore_mem>>
      %dma_start3A_81 = arith.constant 0 : i32
      %dma_start3A_82 = tpu.memref_slice %arg3[%add3A, %dma_start3A_81] : memref<32x10000xi32, #tpu.memory_space<hbm>> -> memref<1x10000xi32, #tpu.memory_space<hbm>>
      %dma_start3A_83 = tpu.memref_squeeze %dma_start3A_82 : memref<1x10000xi32, #tpu.memory_space<hbm>> -> memref<10000xi32, #tpu.memory_space<hbm>>
      %dma_start3A_84 = arith.constant 0 : i32
      %dma_start3A_85 = tpu.memref_slice %arg3[%add3A, %dma_start3A_84] : memref<32x10000xi32, #tpu.memory_space<hbm>> -> memref<1x10000xi32, #tpu.memory_space<hbm>>
      %dma_start3A_86 = tpu.memref_squeeze %dma_start3A_85 : memref<1x10000xi32, #tpu.memory_space<hbm>> -> memref<10000xi32, #tpu.memory_space<hbm>>
      tpu.enqueue_dma source(%dma_start3A_86 : memref<10000xi32, #tpu.memory_space<hbm>>) target(%arg7 : memref<10000xi32, #tpu.memory_space<vmem>>) target_semaphore(%run_scoped3A_80 : memref<!tpu.dma_semaphore, #tpu.memory_space<semaphore_mem>>)
      %dma_wait3A_87 = arith.constant 0 : i32
      %dma_wait3A_88 = tpu.memref_slice %arg3[%add3A, %dma_wait3A_87] : memref<32x10000xi32, #tpu.memory_space<hbm>> -> memref<1x10000xi32, #tpu.memory_space<hbm>>
      %dma_wait3A_89 = tpu.memref_squeeze %dma_wait3A_88 : memref<1x10000xi32, #tpu.memory_space<hbm>> -> memref<10000xi32, #tpu.memory_space<hbm>>
      %dma_wait3A_90 = arith.constant 0 : i32
      %dma_wait3A_91 = tpu.memref_slice %arg3[%add3A, %dma_wait3A_90] : memref<32x10000xi32, #tpu.memory_space<hbm>> -> memref<1x10000xi32, #tpu.memory_space<hbm>>
      %dma_wait3A_92 = tpu.memref_squeeze %dma_wait3A_91 : memref<1x10000xi32, #tpu.memory_space<hbm>> -> memref<10000xi32, #tpu.memory_space<hbm>>
      tpu.wait_dma2 semaphore(%run_scoped3A_80 : memref<!tpu.dma_semaphore, #tpu.memory_space<semaphore_mem>>) src(%dma_wait3A_92 : memref<10000xi32, #tpu.memory_space<hbm>>) dst(%arg7 : memref<10000xi32, #tpu.memory_space<vmem>>)
      tpu.yield
    }) : () -> ()
    "tpu.region"() ({
      %run_scoped3A_80 = tpu.sem_alloc : memref<!tpu.dma_semaphore, #tpu.memory_space<semaphore_mem>>
      %dma_start3A_81 = arith.constant 0 : i32
      %dma_start3A_82 = arith.constant 0 : i32
      %dma_start3A_83 = tpu.memref_slice %arg4[%add3A, %dma_start3A_81, %dma_start3A_82] : memref<32x125x80xi32, #tpu.memory_space<hbm>> -> memref<1x125x80xi32, #tpu.memory_space<hbm>>
      %dma_start3A_84 = tpu.memref_squeeze %dma_start3A_83 : memref<1x125x80xi32, #tpu.memory_space<hbm>> -> memref<125x80xi32, #tpu.memory_space<hbm>>
      %dma_start3A_85 = arith.constant 0 : i32
      %dma_start3A_86 = arith.constant 0 : i32
      %dma_start3A_87 = tpu.memref_slice %arg4[%add3A, %dma_start3A_85, %dma_start3A_86] : memref<32x125x80xi32, #tpu.memory_space<hbm>> -> memref<1x125x80xi32, #tpu.memory_space<hbm>>
      %dma_start3A_88 = tpu.memref_squeeze %dma_start3A_87 : memref<1x125x80xi32, #tpu.memory_space<hbm>> -> memref<125x80xi32, #tpu.memory_space<hbm>>
      tpu.enqueue_dma source(%dma_start3A_88 : memref<125x80xi32, #tpu.memory_space<hbm>>) target(%arg8 : memref<125x80xi32, #tpu.memory_space<vmem>>) target_semaphore(%run_scoped3A_80 : memref<!tpu.dma_semaphore, #tpu.memory_space<semaphore_mem>>)
      %dma_wait3A_89 = arith.constant 0 : i32
      %dma_wait3A_90 = arith.constant 0 : i32
      %dma_wait3A_91 = tpu.memref_slice %arg4[%add3A, %dma_wait3A_89, %dma_wait3A_90] : memref<32x125x80xi32, #tpu.memory_space<hbm>> -> memref<1x125x80xi32, #tpu.memory_space<hbm>>
      %dma_wait3A_92 = tpu.memref_squeeze %dma_wait3A_91 : memref<1x125x80xi32, #tpu.memory_space<hbm>> -> memref<125x80xi32, #tpu.memory_space<hbm>>
      %dma_wait3A_93 = arith.constant 0 : i32
      %dma_wait3A_94 = arith.constant 0 : i32
      %dma_wait3A_95 = tpu.memref_slice %arg4[%add3A, %dma_wait3A_93, %dma_wait3A_94] : memref<32x125x80xi32, #tpu.memory_space<hbm>> -> memref<1x125x80xi32, #tpu.memory_space<hbm>>
      %dma_wait3A_96 = tpu.memref_squeeze %dma_wait3A_95 : memref<1x125x80xi32, #tpu.memory_space<hbm>> -> memref<125x80xi32, #tpu.memory_space<hbm>>
      tpu.wait_dma2 semaphore(%run_scoped3A_80 : memref<!tpu.dma_semaphore, #tpu.memory_space<semaphore_mem>>) src(%dma_wait3A_96 : memref<125x80xi32, #tpu.memory_space<hbm>>) dst(%arg8 : memref<125x80xi32, #tpu.memory_space<vmem>>)
      tpu.yield
    }) : () -> ()
    %multiple_of3A = arith.constant 0 : i32
    %multiple_of3A_3 = tpu.assume_multiple %multiple_of3A, 8 : i32
    %dma_start3A = arith.constant 0 : i32
    %dma_start3A_4 = arith.constant 0 : i32
    %dma_start3A_5 = tpu.memref_slice %arg9[%dma_start3A, %dma_start3A_4] : memref<80x128xf32, #tpu.memory_space<vmem>> -> memref<40x128xf32, #tpu.memory_space<vmem>>
    %dma_start3A_6 = tpu.memref_slice %arg7[%multiple_of3A_3] : memref<10000xi32, #tpu.memory_space<vmem>> -> memref<40xi32, #tpu.memory_space<vmem>>
    %dma_start3A_7 = arith.constant 0 : i32
    %dma_start3A_8 = arith.constant 0 : i32
    %dma_start3A_9 = tpu.memref_slice %arg2[%dma_start3A_7, %dma_start3A_8] : memref<10000x128xf32, #tpu.memory_space<hbm>> -> memref<10000x128xf32, #tpu.memory_space<hbm>>
    tpu.enqueue_indirect_dma source(%dma_start3A_9 : memref<10000x128xf32, #tpu.memory_space<hbm>>) target(%dma_start3A_5 : memref<40x128xf32, #tpu.memory_space<vmem>>) offsets(%dma_start3A_6 : memref<40xi32, #tpu.memory_space<vmem>>) semaphore(%arg12 : memref<!tpu.dma_semaphore, #tpu.memory_space<semaphore_mem>>)
    %add3A_10 = arith.constant 40 : i32
    %add3A_11 = arith.addi %multiple_of3A_3, %add3A_10 : i32
    %dma_start3A_12 = arith.constant 40 : i32
    %dma_start3A_13 = arith.constant 0 : i32
    %dma_start3A_14 = tpu.memref_slice %arg9[%dma_start3A_12, %dma_start3A_13] : memref<80x128xf32, #tpu.memory_space<vmem>> -> memref<40x128xf32, #tpu.memory_space<vmem>>
    %dma_start3A_15 = tpu.memref_slice %arg7[%add3A_11] : memref<10000xi32, #tpu.memory_space<vmem>> -> memref<40xi32, #tpu.memory_space<vmem>>
    %dma_start3A_16 = arith.constant 0 : i32
    %dma_start3A_17 = arith.constant 0 : i32
    %dma_start3A_18 = tpu.memref_slice %arg2[%dma_start3A_16, %dma_start3A_17] : memref<10000x128xf32, #tpu.memory_space<hbm>> -> memref<10000x128xf32, #tpu.memory_space<hbm>>
    tpu.enqueue_indirect_dma source(%dma_start3A_18 : memref<10000x128xf32, #tpu.memory_space<hbm>>) target(%dma_start3A_14 : memref<40x128xf32, #tpu.memory_space<vmem>>) offsets(%dma_start3A_15 : memref<40xi32, #tpu.memory_space<vmem>>) semaphore(%arg13 : memref<!tpu.dma_semaphore, #tpu.memory_space<semaphore_mem>>)
    "tpu.region"() ({
      %run_scoped3A_80 = tpu.sem_alloc : memref<!tpu.dma_semaphore, #tpu.memory_space<semaphore_mem>>
      tpu.enqueue_dma source(%arg5 : memref<80x128xf32, #tpu.memory_space<hbm>>) target(%arg10 : memref<80x128xf32, #tpu.memory_space<vmem>>) target_semaphore(%run_scoped3A_80 : memref<!tpu.dma_semaphore, #tpu.memory_space<semaphore_mem>>)
      tpu.wait_dma2 semaphore(%run_scoped3A_80 : memref<!tpu.dma_semaphore, #tpu.memory_space<semaphore_mem>>) src(%arg5 : memref<80x128xf32, #tpu.memory_space<hbm>>) dst(%arg10 : memref<80x128xf32, #tpu.memory_space<vmem>>)
      tpu.yield
    }) : () -> ()
    %add3A_19 = arith.constant 0 : i32
    %add3A_20 = arith.addi %mul3A_2, %add3A_19 : i32
    "tpu.region"() ({
      %run_scoped3A_80 = tpu.sem_alloc : memref<!tpu.dma_semaphore, #tpu.memory_space<semaphore_mem>>
      %dma_start3A_81 = arith.constant 0 : i32
      %dma_start3A_82 = tpu.memref_slice %arg11[%add3A_20, %dma_start3A_81] : memref<10240x128xf32, #tpu.memory_space<vmem_shared>> -> memref<80x128xf32, #tpu.memory_space<vmem_shared>>
      %dma_start3A_83 = arith.constant 0 : i32
      %dma_start3A_84 = tpu.memref_slice %arg11[%add3A_20, %dma_start3A_83] : memref<10240x128xf32, #tpu.memory_space<vmem_shared>> -> memref<80x128xf32, #tpu.memory_space<vmem_shared>>
      tpu.enqueue_dma source(%arg10 : memref<80x128xf32, #tpu.memory_space<vmem>>) target(%dma_start3A_84 : memref<80x128xf32, #tpu.memory_space<vmem_shared>>) target_semaphore(%run_scoped3A_80 : memref<!tpu.dma_semaphore, #tpu.memory_space<semaphore_mem>>)
      %dma_wait3A_85 = arith.constant 0 : i32
      %dma_wait3A_86 = tpu.memref_slice %arg11[%add3A_20, %dma_wait3A_85] : memref<10240x128xf32, #tpu.memory_space<vmem_shared>> -> memref<80x128xf32, #tpu.memory_space<vmem_shared>>
      %dma_wait3A_87 = arith.constant 0 : i32
      %dma_wait3A_88 = tpu.memref_slice %arg11[%add3A_20, %dma_wait3A_87] : memref<10240x128xf32, #tpu.memory_space<vmem_shared>> -> memref<80x128xf32, #tpu.memory_space<vmem_shared>>
      tpu.wait_dma2 semaphore(%run_scoped3A_80 : memref<!tpu.dma_semaphore, #tpu.memory_space<semaphore_mem>>) src(%arg10 : memref<80x128xf32, #tpu.memory_space<vmem>>) dst(%dma_wait3A_88 : memref<80x128xf32, #tpu.memory_space<vmem_shared>>)
      tpu.yield
    }) : () -> ()
    %add3A_21 = arith.constant 80 : i32
    %add3A_22 = arith.addi %mul3A_2, %add3A_21 : i32
    "tpu.region"() ({
      %run_scoped3A_80 = tpu.sem_alloc : memref<!tpu.dma_semaphore, #tpu.memory_space<semaphore_mem>>
      %dma_start3A_81 = arith.constant 0 : i32
      %dma_start3A_82 = tpu.memref_slice %arg11[%add3A_22, %dma_start3A_81] : memref<10240x128xf32, #tpu.memory_space<vmem_shared>> -> memref<80x128xf32, #tpu.memory_space<vmem_shared>>
      %dma_start3A_83 = arith.constant 0 : i32
      %dma_start3A_84 = tpu.memref_slice %arg11[%add3A_22, %dma_start3A_83] : memref<10240x128xf32, #tpu.memory_space<vmem_shared>> -> memref<80x128xf32, #tpu.memory_space<vmem_shared>>
      tpu.enqueue_dma source(%arg10 : memref<80x128xf32, #tpu.memory_space<vmem>>) target(%dma_start3A_84 : memref<80x128xf32, #tpu.memory_space<vmem_shared>>) target_semaphore(%run_scoped3A_80 : memref<!tpu.dma_semaphore, #tpu.memory_space<semaphore_mem>>)
      %dma_wait3A_85 = arith.constant 0 : i32
      %dma_wait3A_86 = tpu.memref_slice %arg11[%add3A_22, %dma_wait3A_85] : memref<10240x128xf32, #tpu.memory_space<vmem_shared>> -> memref<80x128xf32, #tpu.memory_space<vmem_shared>>
      %dma_wait3A_87 = arith.constant 0 : i32
      %dma_wait3A_88 = tpu.memref_slice %arg11[%add3A_22, %dma_wait3A_87] : memref<10240x128xf32, #tpu.memory_space<vmem_shared>> -> memref<80x128xf32, #tpu.memory_space<vmem_shared>>
      tpu.wait_dma2 semaphore(%run_scoped3A_80 : memref<!tpu.dma_semaphore, #tpu.memory_space<semaphore_mem>>) src(%arg10 : memref<80x128xf32, #tpu.memory_space<vmem>>) dst(%dma_wait3A_88 : memref<80x128xf32, #tpu.memory_space<vmem_shared>>)
      tpu.yield
    }) : () -> ()
    %add3A_23 = arith.constant 160 : i32
    %add3A_24 = arith.addi %mul3A_2, %add3A_23 : i32
    "tpu.region"() ({
      %run_scoped3A_80 = tpu.sem_alloc : memref<!tpu.dma_semaphore, #tpu.memory_space<semaphore_mem>>
      %dma_start3A_81 = arith.constant 0 : i32
      %dma_start3A_82 = tpu.memref_slice %arg11[%add3A_24, %dma_start3A_81] : memref<10240x128xf32, #tpu.memory_space<vmem_shared>> -> memref<80x128xf32, #tpu.memory_space<vmem_shared>>
      %dma_start3A_83 = arith.constant 0 : i32
      %dma_start3A_84 = tpu.memref_slice %arg11[%add3A_24, %dma_start3A_83] : memref<10240x128xf32, #tpu.memory_space<vmem_shared>> -> memref<80x128xf32, #tpu.memory_space<vmem_shared>>
      tpu.enqueue_dma source(%arg10 : memref<80x128xf32, #tpu.memory_space<vmem>>) target(%dma_start3A_84 : memref<80x128xf32, #tpu.memory_space<vmem_shared>>) target_semaphore(%run_scoped3A_80 : memref<!tpu.dma_semaphore, #tpu.memory_space<semaphore_mem>>)
      %dma_wait3A_85 = arith.constant 0 : i32
      %dma_wait3A_86 = tpu.memref_slice %arg11[%add3A_24, %dma_wait3A_85] : memref<10240x128xf32, #tpu.memory_space<vmem_shared>> -> memref<80x128xf32, #tpu.memory_space<vmem_shared>>
      %dma_wait3A_87 = arith.constant 0 : i32
      %dma_wait3A_88 = tpu.memref_slice %arg11[%add3A_24, %dma_wait3A_87] : memref<10240x128xf32, #tpu.memory_space<vmem_shared>> -> memref<80x128xf32, #tpu.memory_space<vmem_shared>>
      tpu.wait_dma2 semaphore(%run_scoped3A_80 : memref<!tpu.dma_semaphore, #tpu.memory_space<semaphore_mem>>) src(%arg10 : memref<80x128xf32, #tpu.memory_space<vmem>>) dst(%dma_wait3A_88 : memref<80x128xf32, #tpu.memory_space<vmem_shared>>)
      tpu.yield
    }) : () -> ()
    %add3A_25 = arith.constant 240 : i32
    %add3A_26 = arith.addi %mul3A_2, %add3A_25 : i32
    "tpu.region"() ({
      %run_scoped3A_80 = tpu.sem_alloc : memref<!tpu.dma_semaphore, #tpu.memory_space<semaphore_mem>>
      %dma_start3A_81 = arith.constant 0 : i32
      %dma_start3A_82 = tpu.memref_slice %arg11[%add3A_26, %dma_start3A_81] : memref<10240x128xf32, #tpu.memory_space<vmem_shared>> -> memref<80x128xf32, #tpu.memory_space<vmem_shared>>
      %dma_start3A_83 = arith.constant 0 : i32
      %dma_start3A_84 = tpu.memref_slice %arg11[%add3A_26, %dma_start3A_83] : memref<10240x128xf32, #tpu.memory_space<vmem_shared>> -> memref<80x128xf32, #tpu.memory_space<vmem_shared>>
      tpu.enqueue_dma source(%arg10 : memref<80x128xf32, #tpu.memory_space<vmem>>) target(%dma_start3A_84 : memref<80x128xf32, #tpu.memory_space<vmem_shared>>) target_semaphore(%run_scoped3A_80 : memref<!tpu.dma_semaphore, #tpu.memory_space<semaphore_mem>>)
      %dma_wait3A_85 = arith.constant 0 : i32
      %dma_wait3A_86 = tpu.memref_slice %arg11[%add3A_26, %dma_wait3A_85] : memref<10240x128xf32, #tpu.memory_space<vmem_shared>> -> memref<80x128xf32, #tpu.memory_space<vmem_shared>>
      %dma_wait3A_87 = arith.constant 0 : i32
      %dma_wait3A_88 = tpu.memref_slice %arg11[%add3A_26, %dma_wait3A_87] : memref<10240x128xf32, #tpu.memory_space<vmem_shared>> -> memref<80x128xf32, #tpu.memory_space<vmem_shared>>
      tpu.wait_dma2 semaphore(%run_scoped3A_80 : memref<!tpu.dma_semaphore, #tpu.memory_space<semaphore_mem>>) src(%arg10 : memref<80x128xf32, #tpu.memory_space<vmem>>) dst(%dma_wait3A_88 : memref<80x128xf32, #tpu.memory_space<vmem_shared>>)
      tpu.yield
    }) : () -> ()
    %add3A_27 = arith.constant 320 : i32
    %add3A_28 = arith.addi %mul3A_2, %add3A_27 : i32
    "tpu.region"() ({
      %run_scoped3A_80 = tpu.sem_alloc : memref<!tpu.dma_semaphore, #tpu.memory_space<semaphore_mem>>
      %dma_start3A_81 = arith.constant 0 : i32
      %dma_start3A_82 = tpu.memref_slice %arg11[%add3A_28, %dma_start3A_81] : memref<10240x128xf32, #tpu.memory_space<vmem_shared>> -> memref<80x128xf32, #tpu.memory_space<vmem_shared>>
      %dma_start3A_83 = arith.constant 0 : i32
      %dma_start3A_84 = tpu.memref_slice %arg11[%add3A_28, %dma_start3A_83] : memref<10240x128xf32, #tpu.memory_space<vmem_shared>> -> memref<80x128xf32, #tpu.memory_space<vmem_shared>>
      tpu.enqueue_dma source(%arg10 : memref<80x128xf32, #tpu.memory_space<vmem>>) target(%dma_start3A_84 : memref<80x128xf32, #tpu.memory_space<vmem_shared>>) target_semaphore(%run_scoped3A_80 : memref<!tpu.dma_semaphore, #tpu.memory_space<semaphore_mem>>)
      %dma_wait3A_85 = arith.constant 0 : i32
      %dma_wait3A_86 = tpu.memref_slice %arg11[%add3A_28, %dma_wait3A_85] : memref<10240x128xf32, #tpu.memory_space<vmem_shared>> -> memref<80x128xf32, #tpu.memory_space<vmem_shared>>
      %dma_wait3A_87 = arith.constant 0 : i32
      %dma_wait3A_88 = tpu.memref_slice %arg11[%add3A_28, %dma_wait3A_87] : memref<10240x128xf32, #tpu.memory_space<vmem_shared>> -> memref<80x128xf32, #tpu.memory_space<vmem_shared>>
      tpu.wait_dma2 semaphore(%run_scoped3A_80 : memref<!tpu.dma_semaphore, #tpu.memory_space<semaphore_mem>>) src(%arg10 : memref<80x128xf32, #tpu.memory_space<vmem>>) dst(%dma_wait3A_88 : memref<80x128xf32, #tpu.memory_space<vmem_shared>>)
      tpu.yield
    }) : () -> ()
    %add3A_29 = arith.constant 400 : i32
    %add3A_30 = arith.addi %mul3A_2, %add3A_29 : i32
    "tpu.region"() ({
      %run_scoped3A_80 = tpu.sem_alloc : memref<!tpu.dma_semaphore, #tpu.memory_space<semaphore_mem>>
      %dma_start3A_81 = arith.constant 0 : i32
      %dma_start3A_82 = tpu.memref_slice %arg11[%add3A_30, %dma_start3A_81] : memref<10240x128xf32, #tpu.memory_space<vmem_shared>> -> memref<80x128xf32, #tpu.memory_space<vmem_shared>>
      %dma_start3A_83 = arith.constant 0 : i32
      %dma_start3A_84 = tpu.memref_slice %arg11[%add3A_30, %dma_start3A_83] : memref<10240x128xf32, #tpu.memory_space<vmem_shared>> -> memref<80x128xf32, #tpu.memory_space<vmem_shared>>
      tpu.enqueue_dma source(%arg10 : memref<80x128xf32, #tpu.memory_space<vmem>>) target(%dma_start3A_84 : memref<80x128xf32, #tpu.memory_space<vmem_shared>>) target_semaphore(%run_scoped3A_80 : memref<!tpu.dma_semaphore, #tpu.memory_space<semaphore_mem>>)
      %dma_wait3A_85 = arith.constant 0 : i32
      %dma_wait3A_86 = tpu.memref_slice %arg11[%add3A_30, %dma_wait3A_85] : memref<10240x128xf32, #tpu.memory_space<vmem_shared>> -> memref<80x128xf32, #tpu.memory_space<vmem_shared>>
      %dma_wait3A_87 = arith.constant 0 : i32
      %dma_wait3A_88 = tpu.memref_slice %arg11[%add3A_30, %dma_wait3A_87] : memref<10240x128xf32, #tpu.memory_space<vmem_shared>> -> memref<80x128xf32, #tpu.memory_space<vmem_shared>>
      tpu.wait_dma2 semaphore(%run_scoped3A_80 : memref<!tpu.dma_semaphore, #tpu.memory_space<semaphore_mem>>) src(%arg10 : memref<80x128xf32, #tpu.memory_space<vmem>>) dst(%dma_wait3A_88 : memref<80x128xf32, #tpu.memory_space<vmem_shared>>)
      tpu.yield
    }) : () -> ()
    %add3A_31 = arith.constant 480 : i32
    %add3A_32 = arith.addi %mul3A_2, %add3A_31 : i32
    "tpu.region"() ({
      %run_scoped3A_80 = tpu.sem_alloc : memref<!tpu.dma_semaphore, #tpu.memory_space<semaphore_mem>>
      %dma_start3A_81 = arith.constant 0 : i32
      %dma_start3A_82 = tpu.memref_slice %arg11[%add3A_32, %dma_start3A_81] : memref<10240x128xf32, #tpu.memory_space<vmem_shared>> -> memref<80x128xf32, #tpu.memory_space<vmem_shared>>
      %dma_start3A_83 = arith.constant 0 : i32
      %dma_start3A_84 = tpu.memref_slice %arg11[%add3A_32, %dma_start3A_83] : memref<10240x128xf32, #tpu.memory_space<vmem_shared>> -> memref<80x128xf32, #tpu.memory_space<vmem_shared>>
      tpu.enqueue_dma source(%arg10 : memref<80x128xf32, #tpu.memory_space<vmem>>) target(%dma_start3A_84 : memref<80x128xf32, #tpu.memory_space<vmem_shared>>) target_semaphore(%run_scoped3A_80 : memref<!tpu.dma_semaphore, #tpu.memory_space<semaphore_mem>>)
      %dma_wait3A_85 = arith.constant 0 : i32
      %dma_wait3A_86 = tpu.memref_slice %arg11[%add3A_32, %dma_wait3A_85] : memref<10240x128xf32, #tpu.memory_space<vmem_shared>> -> memref<80x128xf32, #tpu.memory_space<vmem_shared>>
      %dma_wait3A_87 = arith.constant 0 : i32
      %dma_wait3A_88 = tpu.memref_slice %arg11[%add3A_32, %dma_wait3A_87] : memref<10240x128xf32, #tpu.memory_space<vmem_shared>> -> memref<80x128xf32, #tpu.memory_space<vmem_shared>>
      tpu.wait_dma2 semaphore(%run_scoped3A_80 : memref<!tpu.dma_semaphore, #tpu.memory_space<semaphore_mem>>) src(%arg10 : memref<80x128xf32, #tpu.memory_space<vmem>>) dst(%dma_wait3A_88 : memref<80x128xf32, #tpu.memory_space<vmem_shared>>)
      tpu.yield
    }) : () -> ()
    %add3A_33 = arith.constant 560 : i32
    %add3A_34 = arith.addi %mul3A_2, %add3A_33 : i32
    "tpu.region"() ({
      %run_scoped3A_80 = tpu.sem_alloc : memref<!tpu.dma_semaphore, #tpu.memory_space<semaphore_mem>>
      %dma_start3A_81 = arith.constant 0 : i32
      %dma_start3A_82 = tpu.memref_slice %arg11[%add3A_34, %dma_start3A_81] : memref<10240x128xf32, #tpu.memory_space<vmem_shared>> -> memref<80x128xf32, #tpu.memory_space<vmem_shared>>
      %dma_start3A_83 = arith.constant 0 : i32
      %dma_start3A_84 = tpu.memref_slice %arg11[%add3A_34, %dma_start3A_83] : memref<10240x128xf32, #tpu.memory_space<vmem_shared>> -> memref<80x128xf32, #tpu.memory_space<vmem_shared>>
      tpu.enqueue_dma source(%arg10 : memref<80x128xf32, #tpu.memory_space<vmem>>) target(%dma_start3A_84 : memref<80x128xf32, #tpu.memory_space<vmem_shared>>) target_semaphore(%run_scoped3A_80 : memref<!tpu.dma_semaphore, #tpu.memory_space<semaphore_mem>>)
      %dma_wait3A_85 = arith.constant 0 : i32
      %dma_wait3A_86 = tpu.memref_slice %arg11[%add3A_34, %dma_wait3A_85] : memref<10240x128xf32, #tpu.memory_space<vmem_shared>> -> memref<80x128xf32, #tpu.memory_space<vmem_shared>>
      %dma_wait3A_87 = arith.constant 0 : i32
      %dma_wait3A_88 = tpu.memref_slice %arg11[%add3A_34, %dma_wait3A_87] : memref<10240x128xf32, #tpu.memory_space<vmem_shared>> -> memref<80x128xf32, #tpu.memory_space<vmem_shared>>
      tpu.wait_dma2 semaphore(%run_scoped3A_80 : memref<!tpu.dma_semaphore, #tpu.memory_space<semaphore_mem>>) src(%arg10 : memref<80x128xf32, #tpu.memory_space<vmem>>) dst(%dma_wait3A_88 : memref<80x128xf32, #tpu.memory_space<vmem_shared>>)
      tpu.yield
    }) : () -> ()
    %barrier3A = arith.constant 0 : index
    tpu.barrier barrier_id(%barrier3A)
    %scan3A = arith.constant 0 : i32
    %scan3A_35 = arith.constant 0 : i32
    %scan3A_36 = arith.constant 62 : i32
    %scan3A_37 = arith.addi %scan3A_35, %scan3A_36 : i32
    %scan3A_38 = arith.constant 1 : i32
    scf.for %scan3A_80 = %scan3A_35 to %scan3A_37 step %scan3A_38  : i32 {
      %mul3A_81 = arith.constant 2 : i32
      %mul3A_82 = arith.muli %mul3A_81, %scan3A_80 : i32
      %dma_wait3A_83 = arith.constant 0 : i32
      %dma_wait3A_84 = arith.constant 0 : i32
      %dma_wait3A_85 = tpu.memref_slice %arg9[%dma_wait3A_83, %dma_wait3A_84] : memref<80x128xf32, #tpu.memory_space<vmem>> -> memref<40x128xf32, #tpu.memory_space<vmem>>
      %dma_wait3A_86 = arith.constant 0 : i32
      %dma_wait3A_87 = arith.constant 0 : i32
      %dma_wait3A_88 = tpu.memref_slice %arg5[%dma_wait3A_86, %dma_wait3A_87] : memref<80x128xf32, #tpu.memory_space<hbm>> -> memref<40x128xf32, #tpu.memory_space<hbm>>
      %dma_wait3A_89 = arith.constant 0 : i32
      %dma_wait3A_90 = arith.constant 0 : i32
      %dma_wait3A_91 = tpu.memref_slice %arg9[%dma_wait3A_89, %dma_wait3A_90] : memref<80x128xf32, #tpu.memory_space<vmem>> -> memref<40x128xf32, #tpu.memory_space<vmem>>
      %dma_wait3A_92 = arith.constant 0 : i32
      %dma_wait3A_93 = arith.constant 0 : i32
      %dma_wait3A_94 = tpu.memref_slice %arg5[%dma_wait3A_92, %dma_wait3A_93] : memref<80x128xf32, #tpu.memory_space<hbm>> -> memref<40x128xf32, #tpu.memory_space<hbm>>
      tpu.wait_dma2 semaphore(%arg12 : memref<!tpu.dma_semaphore, #tpu.memory_space<semaphore_mem>>) src(%dma_wait3A_94 : memref<40x128xf32, #tpu.memory_space<hbm>>) dst(%dma_wait3A_91 : memref<40x128xf32, #tpu.memory_space<vmem>>)
      %dma_wait3A_95 = arith.constant 40 : i32
      %dma_wait3A_96 = arith.constant 0 : i32
      %dma_wait3A_97 = tpu.memref_slice %arg9[%dma_wait3A_95, %dma_wait3A_96] : memref<80x128xf32, #tpu.memory_space<vmem>> -> memref<40x128xf32, #tpu.memory_space<vmem>>
      %dma_wait3A_98 = arith.constant 0 : i32
      %dma_wait3A_99 = arith.constant 0 : i32
      %dma_wait3A_100 = tpu.memref_slice %arg5[%dma_wait3A_98, %dma_wait3A_99] : memref<80x128xf32, #tpu.memory_space<hbm>> -> memref<40x128xf32, #tpu.memory_space<hbm>>
      %dma_wait3A_101 = arith.constant 40 : i32
      %dma_wait3A_102 = arith.constant 0 : i32
      %dma_wait3A_103 = tpu.memref_slice %arg9[%dma_wait3A_101, %dma_wait3A_102] : memref<80x128xf32, #tpu.memory_space<vmem>> -> memref<40x128xf32, #tpu.memory_space<vmem>>
      %dma_wait3A_104 = arith.constant 0 : i32
      %dma_wait3A_105 = arith.constant 0 : i32
      %dma_wait3A_106 = tpu.memref_slice %arg5[%dma_wait3A_104, %dma_wait3A_105] : memref<80x128xf32, #tpu.memory_space<hbm>> -> memref<40x128xf32, #tpu.memory_space<hbm>>
      tpu.wait_dma2 semaphore(%arg13 : memref<!tpu.dma_semaphore, #tpu.memory_space<semaphore_mem>>) src(%dma_wait3A_106 : memref<40x128xf32, #tpu.memory_space<hbm>>) dst(%dma_wait3A_103 : memref<40x128xf32, #tpu.memory_space<vmem>>)
      %add3A_107 = arith.constant 1 : i32
      %add3A_108 = arith.addi %mul3A_82, %add3A_107 : i32
      %mul3A_109 = arith.constant 80 : i32
      %mul3A_110 = arith.muli %add3A_108, %mul3A_109 : i32
      %multiple_of3A_111 = tpu.assume_multiple %mul3A_110, 8 : i32
      %dma_start3A_112 = arith.constant 0 : i32
      %dma_start3A_113 = arith.constant 0 : i32
      %dma_start3A_114 = tpu.memref_slice %arg10[%dma_start3A_112, %dma_start3A_113] : memref<80x128xf32, #tpu.memory_space<vmem>> -> memref<40x128xf32, #tpu.memory_space<vmem>>
      %dma_start3A_115 = tpu.memref_slice %arg7[%multiple_of3A_111] : memref<10000xi32, #tpu.memory_space<vmem>> -> memref<40xi32, #tpu.memory_space<vmem>>
      %dma_start3A_116 = arith.constant 0 : i32
      %dma_start3A_117 = arith.constant 0 : i32
      %dma_start3A_118 = tpu.memref_slice %arg2[%dma_start3A_116, %dma_start3A_117] : memref<10000x128xf32, #tpu.memory_space<hbm>> -> memref<10000x128xf32, #tpu.memory_space<hbm>>
      tpu.enqueue_indirect_dma source(%dma_start3A_118 : memref<10000x128xf32, #tpu.memory_space<hbm>>) target(%dma_start3A_114 : memref<40x128xf32, #tpu.memory_space<vmem>>) offsets(%dma_start3A_115 : memref<40xi32, #tpu.memory_space<vmem>>) semaphore(%arg14 : memref<!tpu.dma_semaphore, #tpu.memory_space<semaphore_mem>>)
      %add3A_119 = arith.constant 40 : i32
      %add3A_120 = arith.addi %multiple_of3A_111, %add3A_119 : i32
      %dma_start3A_121 = arith.constant 40 : i32
      %dma_start3A_122 = arith.constant 0 : i32
      %dma_start3A_123 = tpu.memref_slice %arg10[%dma_start3A_121, %dma_start3A_122] : memref<80x128xf32, #tpu.memory_space<vmem>> -> memref<40x128xf32, #tpu.memory_space<vmem>>
      %dma_start3A_124 = tpu.memref_slice %arg7[%add3A_120] : memref<10000xi32, #tpu.memory_space<vmem>> -> memref<40xi32, #tpu.memory_space<vmem>>
      %dma_start3A_125 = arith.constant 0 : i32
      %dma_start3A_126 = arith.constant 0 : i32
      %dma_start3A_127 = tpu.memref_slice %arg2[%dma_start3A_125, %dma_start3A_126] : memref<10000x128xf32, #tpu.memory_space<hbm>> -> memref<10000x128xf32, #tpu.memory_space<hbm>>
      tpu.enqueue_indirect_dma source(%dma_start3A_127 : memref<10000x128xf32, #tpu.memory_space<hbm>>) target(%dma_start3A_123 : memref<40x128xf32, #tpu.memory_space<vmem>>) offsets(%dma_start3A_124 : memref<40xi32, #tpu.memory_space<vmem>>) semaphore(%arg15 : memref<!tpu.dma_semaphore, #tpu.memory_space<semaphore_mem>>)
      "tpu.region"() ({
        %run_scoped3A_175 = tpu.sem_alloc : memref<!tpu.dma_semaphore, #tpu.memory_space<semaphore_mem>>
        %dma_start3A_176 = arith.constant 0 : i32
        %dma_start3A_177 = tpu.memref_slice %arg8[%mul3A_82, %dma_start3A_176] : memref<125x80xi32, #tpu.memory_space<vmem>> -> memref<1x80xi32, #tpu.memory_space<vmem>>
        %dma_start3A_178 = tpu.memref_squeeze %dma_start3A_177 : memref<1x80xi32, #tpu.memory_space<vmem>> -> memref<80xi32, #tpu.memory_space<vmem>>
        %dma_start3A_179 = arith.constant 0 : i32
        %dma_start3A_180 = arith.constant 0 : i32
        %dma_start3A_181 = tpu.memref_slice %arg11[%dma_start3A_179, %dma_start3A_180] : memref<10240x128xf32, #tpu.memory_space<vmem_shared>> -> memref<10240x128xf32, #tpu.memory_space<vmem_shared>>
        tpu.enqueue_indirect_dma source(%arg9 : memref<80x128xf32, #tpu.memory_space<vmem>>) target(%dma_start3A_181 : memref<10240x128xf32, #tpu.memory_space<vmem_shared>>) offsets(%dma_start3A_178 : memref<80xi32, #tpu.memory_space<vmem>>) semaphore(%run_scoped3A_175 : memref<!tpu.dma_semaphore, #tpu.memory_space<semaphore_mem>>) {add = true}
        %dma_wait3A_182 = arith.constant 0 : i32
        %dma_wait3A_183 = tpu.memref_slice %arg8[%mul3A_82, %dma_wait3A_182] : memref<125x80xi32, #tpu.memory_space<vmem>> -> memref<1x80xi32, #tpu.memory_space<vmem>>
        %dma_wait3A_184 = tpu.memref_squeeze %dma_wait3A_183 : memref<1x80xi32, #tpu.memory_space<vmem>> -> memref<80xi32, #tpu.memory_space<vmem>>
        %dma_wait3A_185 = arith.constant 0 : i32
        %dma_wait3A_186 = arith.constant 0 : i32
        %dma_wait3A_187 = tpu.memref_slice %arg11[%dma_wait3A_185, %dma_wait3A_186] : memref<10240x128xf32, #tpu.memory_space<vmem_shared>> -> memref<10240x128xf32, #tpu.memory_space<vmem_shared>>
        tpu.wait_indirect_dma semaphore(%run_scoped3A_175 : memref<!tpu.dma_semaphore, #tpu.memory_space<semaphore_mem>>) src(%arg9 : memref<80x128xf32, #tpu.memory_space<vmem>>) dst(%dma_wait3A_187 : memref<10240x128xf32, #tpu.memory_space<vmem_shared>>)
        tpu.yield
      }) : () -> ()
      %dma_wait3A_128 = arith.constant 0 : i32
      %dma_wait3A_129 = arith.constant 0 : i32
      %dma_wait3A_130 = tpu.memref_slice %arg10[%dma_wait3A_128, %dma_wait3A_129] : memref<80x128xf32, #tpu.memory_space<vmem>> -> memref<40x128xf32, #tpu.memory_space<vmem>>
      %dma_wait3A_131 = arith.constant 0 : i32
      %dma_wait3A_132 = arith.constant 0 : i32
      %dma_wait3A_133 = tpu.memref_slice %arg5[%dma_wait3A_131, %dma_wait3A_132] : memref<80x128xf32, #tpu.memory_space<hbm>> -> memref<40x128xf32, #tpu.memory_space<hbm>>
      %dma_wait3A_134 = arith.constant 0 : i32
      %dma_wait3A_135 = arith.constant 0 : i32
      %dma_wait3A_136 = tpu.memref_slice %arg10[%dma_wait3A_134, %dma_wait3A_135] : memref<80x128xf32, #tpu.memory_space<vmem>> -> memref<40x128xf32, #tpu.memory_space<vmem>>
      %dma_wait3A_137 = arith.constant 0 : i32
      %dma_wait3A_138 = arith.constant 0 : i32
      %dma_wait3A_139 = tpu.memref_slice %arg5[%dma_wait3A_137, %dma_wait3A_138] : memref<80x128xf32, #tpu.memory_space<hbm>> -> memref<40x128xf32, #tpu.memory_space<hbm>>
      tpu.wait_dma2 semaphore(%arg14 : memref<!tpu.dma_semaphore, #tpu.memory_space<semaphore_mem>>) src(%dma_wait3A_139 : memref<40x128xf32, #tpu.memory_space<hbm>>) dst(%dma_wait3A_136 : memref<40x128xf32, #tpu.memory_space<vmem>>)
      %dma_wait3A_140 = arith.constant 40 : i32
      %dma_wait3A_141 = arith.constant 0 : i32
      %dma_wait3A_142 = tpu.memref_slice %arg10[%dma_wait3A_140, %dma_wait3A_141] : memref<80x128xf32, #tpu.memory_space<vmem>> -> memref<40x128xf32, #tpu.memory_space<vmem>>
      %dma_wait3A_143 = arith.constant 0 : i32
      %dma_wait3A_144 = arith.constant 0 : i32
      %dma_wait3A_145 = tpu.memref_slice %arg5[%dma_wait3A_143, %dma_wait3A_144] : memref<80x128xf32, #tpu.memory_space<hbm>> -> memref<40x128xf32, #tpu.memory_space<hbm>>
      %dma_wait3A_146 = arith.constant 40 : i32
      %dma_wait3A_147 = arith.constant 0 : i32
      %dma_wait3A_148 = tpu.memref_slice %arg10[%dma_wait3A_146, %dma_wait3A_147] : memref<80x128xf32, #tpu.memory_space<vmem>> -> memref<40x128xf32, #tpu.memory_space<vmem>>
      %dma_wait3A_149 = arith.constant 0 : i32
      %dma_wait3A_150 = arith.constant 0 : i32
      %dma_wait3A_151 = tpu.memref_slice %arg5[%dma_wait3A_149, %dma_wait3A_150] : memref<80x128xf32, #tpu.memory_space<hbm>> -> memref<40x128xf32, #tpu.memory_space<hbm>>
      tpu.wait_dma2 semaphore(%arg15 : memref<!tpu.dma_semaphore, #tpu.memory_space<semaphore_mem>>) src(%dma_wait3A_151 : memref<40x128xf32, #tpu.memory_space<hbm>>) dst(%dma_wait3A_148 : memref<40x128xf32, #tpu.memory_space<vmem>>)
      %add3A_152 = arith.constant 2 : i32
      %add3A_153 = arith.addi %mul3A_82, %add3A_152 : i32
      %mul3A_154 = arith.constant 80 : i32
      %mul3A_155 = arith.muli %add3A_153, %mul3A_154 : i32
      %multiple_of3A_156 = tpu.assume_multiple %mul3A_155, 8 : i32
      %dma_start3A_157 = arith.constant 0 : i32
      %dma_start3A_158 = arith.constant 0 : i32
      %dma_start3A_159 = tpu.memref_slice %arg9[%dma_start3A_157, %dma_start3A_158] : memref<80x128xf32, #tpu.memory_space<vmem>> -> memref<40x128xf32, #tpu.memory_space<vmem>>
      %dma_start3A_160 = tpu.memref_slice %arg7[%multiple_of3A_156] : memref<10000xi32, #tpu.memory_space<vmem>> -> memref<40xi32, #tpu.memory_space<vmem>>
      %dma_start3A_161 = arith.constant 0 : i32
      %dma_start3A_162 = arith.constant 0 : i32
      %dma_start3A_163 = tpu.memref_slice %arg2[%dma_start3A_161, %dma_start3A_162] : memref<10000x128xf32, #tpu.memory_space<hbm>> -> memref<10000x128xf32, #tpu.memory_space<hbm>>
      tpu.enqueue_indirect_dma source(%dma_start3A_163 : memref<10000x128xf32, #tpu.memory_space<hbm>>) target(%dma_start3A_159 : memref<40x128xf32, #tpu.memory_space<vmem>>) offsets(%dma_start3A_160 : memref<40xi32, #tpu.memory_space<vmem>>) semaphore(%arg12 : memref<!tpu.dma_semaphore, #tpu.memory_space<semaphore_mem>>)
      %add3A_164 = arith.constant 40 : i32
      %add3A_165 = arith.addi %multiple_of3A_156, %add3A_164 : i32
      %dma_start3A_166 = arith.constant 40 : i32
      %dma_start3A_167 = arith.constant 0 : i32
      %dma_start3A_168 = tpu.memref_slice %arg9[%dma_start3A_166, %dma_start3A_167] : memref<80x128xf32, #tpu.memory_space<vmem>> -> memref<40x128xf32, #tpu.memory_space<vmem>>
      %dma_start3A_169 = tpu.memref_slice %arg7[%add3A_165] : memref<10000xi32, #tpu.memory_space<vmem>> -> memref<40xi32, #tpu.memory_space<vmem>>
      %dma_start3A_170 = arith.constant 0 : i32
      %dma_start3A_171 = arith.constant 0 : i32
      %dma_start3A_172 = tpu.memref_slice %arg2[%dma_start3A_170, %dma_start3A_171] : memref<10000x128xf32, #tpu.memory_space<hbm>> -> memref<10000x128xf32, #tpu.memory_space<hbm>>
      tpu.enqueue_indirect_dma source(%dma_start3A_172 : memref<10000x128xf32, #tpu.memory_space<hbm>>) target(%dma_start3A_168 : memref<40x128xf32, #tpu.memory_space<vmem>>) offsets(%dma_start3A_169 : memref<40xi32, #tpu.memory_space<vmem>>) semaphore(%arg13 : memref<!tpu.dma_semaphore, #tpu.memory_space<semaphore_mem>>)
      %add3A_173 = arith.constant 1 : i32
      %add3A_174 = arith.addi %mul3A_82, %add3A_173 : i32
      "tpu.region"() ({
        %run_scoped3A_175 = tpu.sem_alloc : memref<!tpu.dma_semaphore, #tpu.memory_space<semaphore_mem>>
        %dma_start3A_176 = arith.constant 0 : i32
        %dma_start3A_177 = tpu.memref_slice %arg8[%add3A_174, %dma_start3A_176] : memref<125x80xi32, #tpu.memory_space<vmem>> -> memref<1x80xi32, #tpu.memory_space<vmem>>
        %dma_start3A_178 = tpu.memref_squeeze %dma_start3A_177 : memref<1x80xi32, #tpu.memory_space<vmem>> -> memref<80xi32, #tpu.memory_space<vmem>>
        %dma_start3A_179 = arith.constant 0 : i32
        %dma_start3A_180 = arith.constant 0 : i32
        %dma_start3A_181 = tpu.memref_slice %arg11[%dma_start3A_179, %dma_start3A_180] : memref<10240x128xf32, #tpu.memory_space<vmem_shared>> -> memref<10240x128xf32, #tpu.memory_space<vmem_shared>>
        tpu.enqueue_indirect_dma source(%arg10 : memref<80x128xf32, #tpu.memory_space<vmem>>) target(%dma_start3A_181 : memref<10240x128xf32, #tpu.memory_space<vmem_shared>>) offsets(%dma_start3A_178 : memref<80xi32, #tpu.memory_space<vmem>>) semaphore(%run_scoped3A_175 : memref<!tpu.dma_semaphore, #tpu.memory_space<semaphore_mem>>) {add = true}
        %dma_wait3A_182 = arith.constant 0 : i32
        %dma_wait3A_183 = tpu.memref_slice %arg8[%add3A_174, %dma_wait3A_182] : memref<125x80xi32, #tpu.memory_space<vmem>> -> memref<1x80xi32, #tpu.memory_space<vmem>>
        %dma_wait3A_184 = tpu.memref_squeeze %dma_wait3A_183 : memref<1x80xi32, #tpu.memory_space<vmem>> -> memref<80xi32, #tpu.memory_space<vmem>>
        %dma_wait3A_185 = arith.constant 0 : i32
        %dma_wait3A_186 = arith.constant 0 : i32
        %dma_wait3A_187 = tpu.memref_slice %arg11[%dma_wait3A_185, %dma_wait3A_186] : memref<10240x128xf32, #tpu.memory_space<vmem_shared>> -> memref<10240x128xf32, #tpu.memory_space<vmem_shared>>
        tpu.wait_indirect_dma semaphore(%run_scoped3A_175 : memref<!tpu.dma_semaphore, #tpu.memory_space<semaphore_mem>>) src(%arg10 : memref<80x128xf32, #tpu.memory_space<vmem>>) dst(%dma_wait3A_187 : memref<10240x128xf32, #tpu.memory_space<vmem_shared>>)
        tpu.yield
      }) : () -> ()
    }
    %scan3A_39 = arith.constant 62 : i32
    %dma_wait3A = arith.constant 0 : i32
    %dma_wait3A_40 = arith.constant 0 : i32
    %dma_wait3A_41 = tpu.memref_slice %arg9[%dma_wait3A, %dma_wait3A_40] : memref<80x128xf32, #tpu.memory_space<vmem>> -> memref<40x128xf32, #tpu.memory_space<vmem>>
    %dma_wait3A_42 = arith.constant 0 : i32
    %dma_wait3A_43 = arith.constant 0 : i32
    %dma_wait3A_44 = tpu.memref_slice %arg5[%dma_wait3A_42, %dma_wait3A_43] : memref<80x128xf32, #tpu.memory_space<hbm>> -> memref<40x128xf32, #tpu.memory_space<hbm>>
    %dma_wait3A_45 = arith.constant 0 : i32
    %dma_wait3A_46 = arith.constant 0 : i32
    %dma_wait3A_47 = tpu.memref_slice %arg9[%dma_wait3A_45, %dma_wait3A_46] : memref<80x128xf32, #tpu.memory_space<vmem>> -> memref<40x128xf32, #tpu.memory_space<vmem>>
    %dma_wait3A_48 = arith.constant 0 : i32
    %dma_wait3A_49 = arith.constant 0 : i32
    %dma_wait3A_50 = tpu.memref_slice %arg5[%dma_wait3A_48, %dma_wait3A_49] : memref<80x128xf32, #tpu.memory_space<hbm>> -> memref<40x128xf32, #tpu.memory_space<hbm>>
    tpu.wait_dma2 semaphore(%arg12 : memref<!tpu.dma_semaphore, #tpu.memory_space<semaphore_mem>>) src(%dma_wait3A_50 : memref<40x128xf32, #tpu.memory_space<hbm>>) dst(%dma_wait3A_47 : memref<40x128xf32, #tpu.memory_space<vmem>>)
    %dma_wait3A_51 = arith.constant 40 : i32
    %dma_wait3A_52 = arith.constant 0 : i32
    %dma_wait3A_53 = tpu.memref_slice %arg9[%dma_wait3A_51, %dma_wait3A_52] : memref<80x128xf32, #tpu.memory_space<vmem>> -> memref<40x128xf32, #tpu.memory_space<vmem>>
    %dma_wait3A_54 = arith.constant 0 : i32
    %dma_wait3A_55 = arith.constant 0 : i32
    %dma_wait3A_56 = tpu.memref_slice %arg5[%dma_wait3A_54, %dma_wait3A_55] : memref<80x128xf32, #tpu.memory_space<hbm>> -> memref<40x128xf32, #tpu.memory_space<hbm>>
    %dma_wait3A_57 = arith.constant 40 : i32
    %dma_wait3A_58 = arith.constant 0 : i32
    %dma_wait3A_59 = tpu.memref_slice %arg9[%dma_wait3A_57, %dma_wait3A_58] : memref<80x128xf32, #tpu.memory_space<vmem>> -> memref<40x128xf32, #tpu.memory_space<vmem>>
    %dma_wait3A_60 = arith.constant 0 : i32
    %dma_wait3A_61 = arith.constant 0 : i32
    %dma_wait3A_62 = tpu.memref_slice %arg5[%dma_wait3A_60, %dma_wait3A_61] : memref<80x128xf32, #tpu.memory_space<hbm>> -> memref<40x128xf32, #tpu.memory_space<hbm>>
    tpu.wait_dma2 semaphore(%arg13 : memref<!tpu.dma_semaphore, #tpu.memory_space<semaphore_mem>>) src(%dma_wait3A_62 : memref<40x128xf32, #tpu.memory_space<hbm>>) dst(%dma_wait3A_59 : memref<40x128xf32, #tpu.memory_space<vmem>>)
    %run_scoped3A = arith.constant 124 : i32
    "tpu.region"() ({
      %run_scoped3A_80 = tpu.sem_alloc : memref<!tpu.dma_semaphore, #tpu.memory_space<semaphore_mem>>
      %dma_start3A_81 = arith.constant 0 : i32
      %dma_start3A_82 = tpu.memref_slice %arg8[%run_scoped3A, %dma_start3A_81] : memref<125x80xi32, #tpu.memory_space<vmem>> -> memref<1x80xi32, #tpu.memory_space<vmem>>
      %dma_start3A_83 = tpu.memref_squeeze %dma_start3A_82 : memref<1x80xi32, #tpu.memory_space<vmem>> -> memref<80xi32, #tpu.memory_space<vmem>>
      %dma_start3A_84 = arith.constant 0 : i32
      %dma_start3A_85 = arith.constant 0 : i32
      %dma_start3A_86 = tpu.memref_slice %arg11[%dma_start3A_84, %dma_start3A_85] : memref<10240x128xf32, #tpu.memory_space<vmem_shared>> -> memref<10240x128xf32, #tpu.memory_space<vmem_shared>>
      tpu.enqueue_indirect_dma source(%arg9 : memref<80x128xf32, #tpu.memory_space<vmem>>) target(%dma_start3A_86 : memref<10240x128xf32, #tpu.memory_space<vmem_shared>>) offsets(%dma_start3A_83 : memref<80xi32, #tpu.memory_space<vmem>>) semaphore(%run_scoped3A_80 : memref<!tpu.dma_semaphore, #tpu.memory_space<semaphore_mem>>) {add = true}
      %dma_wait3A_87 = arith.constant 0 : i32
      %dma_wait3A_88 = tpu.memref_slice %arg8[%run_scoped3A, %dma_wait3A_87] : memref<125x80xi32, #tpu.memory_space<vmem>> -> memref<1x80xi32, #tpu.memory_space<vmem>>
      %dma_wait3A_89 = tpu.memref_squeeze %dma_wait3A_88 : memref<1x80xi32, #tpu.memory_space<vmem>> -> memref<80xi32, #tpu.memory_space<vmem>>
      %dma_wait3A_90 = arith.constant 0 : i32
      %dma_wait3A_91 = arith.constant 0 : i32
      %dma_wait3A_92 = tpu.memref_slice %arg11[%dma_wait3A_90, %dma_wait3A_91] : memref<10240x128xf32, #tpu.memory_space<vmem_shared>> -> memref<10240x128xf32, #tpu.memory_space<vmem_shared>>
      tpu.wait_indirect_dma semaphore(%run_scoped3A_80 : memref<!tpu.dma_semaphore, #tpu.memory_space<semaphore_mem>>) src(%arg9 : memref<80x128xf32, #tpu.memory_space<vmem>>) dst(%dma_wait3A_92 : memref<10240x128xf32, #tpu.memory_space<vmem_shared>>)
      tpu.yield
    }) : () -> ()
    %barrier3A_63 = arith.constant 0 : index
    tpu.barrier barrier_id(%barrier3A_63)
    %add3A_64 = arith.constant 0 : i32
    %add3A_65 = arith.addi %mul3A_2, %add3A_64 : i32
    "tpu.region"() ({
      %run_scoped3A_80 = tpu.sem_alloc : memref<!tpu.dma_semaphore, #tpu.memory_space<semaphore_mem>>
      %dma_start3A_81 = arith.constant 0 : i32
      %dma_start3A_82 = tpu.memref_slice %arg6[%arg0, %add3A_65, %dma_start3A_81] : memref<2x10240x128xf32, #tpu.memory_space<hbm>> -> memref<1x80x128xf32, #tpu.memory_space<hbm>>
      %dma_start3A_83 = tpu.memref_squeeze %dma_start3A_82 : memref<1x80x128xf32, #tpu.memory_space<hbm>> -> memref<80x128xf32, #tpu.memory_space<hbm>>
      %dma_start3A_84 = arith.constant 0 : i32
      %dma_start3A_85 = tpu.memref_slice %arg11[%add3A_65, %dma_start3A_84] : memref<10240x128xf32, #tpu.memory_space<vmem_shared>> -> memref<80x128xf32, #tpu.memory_space<vmem_shared>>
      tpu.enqueue_dma source(%dma_start3A_85 : memref<80x128xf32, #tpu.memory_space<vmem_shared>>) target(%dma_start3A_83 : memref<80x128xf32, #tpu.memory_space<hbm>>) target_semaphore(%run_scoped3A_80 : memref<!tpu.dma_semaphore, #tpu.memory_space<semaphore_mem>>)
      %dma_wait3A_86 = arith.constant 0 : i32
      %dma_wait3A_87 = tpu.memref_slice %arg6[%arg0, %add3A_65, %dma_wait3A_86] : memref<2x10240x128xf32, #tpu.memory_space<hbm>> -> memref<1x80x128xf32, #tpu.memory_space<hbm>>
      %dma_wait3A_88 = tpu.memref_squeeze %dma_wait3A_87 : memref<1x80x128xf32, #tpu.memory_space<hbm>> -> memref<80x128xf32, #tpu.memory_space<hbm>>
      %dma_wait3A_89 = arith.constant 0 : i32
      %dma_wait3A_90 = tpu.memref_slice %arg11[%add3A_65, %dma_wait3A_89] : memref<10240x128xf32, #tpu.memory_space<vmem_shared>> -> memref<80x128xf32, #tpu.memory_space<vmem_shared>>
      tpu.wait_dma2 semaphore(%run_scoped3A_80 : memref<!tpu.dma_semaphore, #tpu.memory_space<semaphore_mem>>) src(%dma_wait3A_90 : memref<80x128xf32, #tpu.memory_space<vmem_shared>>) dst(%dma_wait3A_88 : memref<80x128xf32, #tpu.memory_space<hbm>>)
      tpu.yield
    }) : () -> ()
    %add3A_66 = arith.constant 80 : i32
    %add3A_67 = arith.addi %mul3A_2, %add3A_66 : i32
    "tpu.region"() ({
      %run_scoped3A_80 = tpu.sem_alloc : memref<!tpu.dma_semaphore, #tpu.memory_space<semaphore_mem>>
      %dma_start3A_81 = arith.constant 0 : i32
      %dma_start3A_82 = tpu.memref_slice %arg6[%arg0, %add3A_67, %dma_start3A_81] : memref<2x10240x128xf32, #tpu.memory_space<hbm>> -> memref<1x80x128xf32, #tpu.memory_space<hbm>>
      %dma_start3A_83 = tpu.memref_squeeze %dma_start3A_82 : memref<1x80x128xf32, #tpu.memory_space<hbm>> -> memref<80x128xf32, #tpu.memory_space<hbm>>
      %dma_start3A_84 = arith.constant 0 : i32
      %dma_start3A_85 = tpu.memref_slice %arg11[%add3A_67, %dma_start3A_84] : memref<10240x128xf32, #tpu.memory_space<vmem_shared>> -> memref<80x128xf32, #tpu.memory_space<vmem_shared>>
      tpu.enqueue_dma source(%dma_start3A_85 : memref<80x128xf32, #tpu.memory_space<vmem_shared>>) target(%dma_start3A_83 : memref<80x128xf32, #tpu.memory_space<hbm>>) target_semaphore(%run_scoped3A_80 : memref<!tpu.dma_semaphore, #tpu.memory_space<semaphore_mem>>)
      %dma_wait3A_86 = arith.constant 0 : i32
      %dma_wait3A_87 = tpu.memref_slice %arg6[%arg0, %add3A_67, %dma_wait3A_86] : memref<2x10240x128xf32, #tpu.memory_space<hbm>> -> memref<1x80x128xf32, #tpu.memory_space<hbm>>
      %dma_wait3A_88 = tpu.memref_squeeze %dma_wait3A_87 : memref<1x80x128xf32, #tpu.memory_space<hbm>> -> memref<80x128xf32, #tpu.memory_space<hbm>>
      %dma_wait3A_89 = arith.constant 0 : i32
      %dma_wait3A_90 = tpu.memref_slice %arg11[%add3A_67, %dma_wait3A_89] : memref<10240x128xf32, #tpu.memory_space<vmem_shared>> -> memref<80x128xf32, #tpu.memory_space<vmem_shared>>
      tpu.wait_dma2 semaphore(%run_scoped3A_80 : memref<!tpu.dma_semaphore, #tpu.memory_space<semaphore_mem>>) src(%dma_wait3A_90 : memref<80x128xf32, #tpu.memory_space<vmem_shared>>) dst(%dma_wait3A_88 : memref<80x128xf32, #tpu.memory_space<hbm>>)
      tpu.yield
    }) : () -> ()
    %add3A_68 = arith.constant 160 : i32
    %add3A_69 = arith.addi %mul3A_2, %add3A_68 : i32
    "tpu.region"() ({
      %run_scoped3A_80 = tpu.sem_alloc : memref<!tpu.dma_semaphore, #tpu.memory_space<semaphore_mem>>
      %dma_start3A_81 = arith.constant 0 : i32
      %dma_start3A_82 = tpu.memref_slice %arg6[%arg0, %add3A_69, %dma_start3A_81] : memref<2x10240x128xf32, #tpu.memory_space<hbm>> -> memref<1x80x128xf32, #tpu.memory_space<hbm>>
      %dma_start3A_83 = tpu.memref_squeeze %dma_start3A_82 : memref<1x80x128xf32, #tpu.memory_space<hbm>> -> memref<80x128xf32, #tpu.memory_space<hbm>>
      %dma_start3A_84 = arith.constant 0 : i32
      %dma_start3A_85 = tpu.memref_slice %arg11[%add3A_69, %dma_start3A_84] : memref<10240x128xf32, #tpu.memory_space<vmem_shared>> -> memref<80x128xf32, #tpu.memory_space<vmem_shared>>
      tpu.enqueue_dma source(%dma_start3A_85 : memref<80x128xf32, #tpu.memory_space<vmem_shared>>) target(%dma_start3A_83 : memref<80x128xf32, #tpu.memory_space<hbm>>) target_semaphore(%run_scoped3A_80 : memref<!tpu.dma_semaphore, #tpu.memory_space<semaphore_mem>>)
      %dma_wait3A_86 = arith.constant 0 : i32
      %dma_wait3A_87 = tpu.memref_slice %arg6[%arg0, %add3A_69, %dma_wait3A_86] : memref<2x10240x128xf32, #tpu.memory_space<hbm>> -> memref<1x80x128xf32, #tpu.memory_space<hbm>>
      %dma_wait3A_88 = tpu.memref_squeeze %dma_wait3A_87 : memref<1x80x128xf32, #tpu.memory_space<hbm>> -> memref<80x128xf32, #tpu.memory_space<hbm>>
      %dma_wait3A_89 = arith.constant 0 : i32
      %dma_wait3A_90 = tpu.memref_slice %arg11[%add3A_69, %dma_wait3A_89] : memref<10240x128xf32, #tpu.memory_space<vmem_shared>> -> memref<80x128xf32, #tpu.memory_space<vmem_shared>>
      tpu.wait_dma2 semaphore(%run_scoped3A_80 : memref<!tpu.dma_semaphore, #tpu.memory_space<semaphore_mem>>) src(%dma_wait3A_90 : memref<80x128xf32, #tpu.memory_space<vmem_shared>>) dst(%dma_wait3A_88 : memref<80x128xf32, #tpu.memory_space<hbm>>)
      tpu.yield
    }) : () -> ()
    %add3A_70 = arith.constant 240 : i32
    %add3A_71 = arith.addi %mul3A_2, %add3A_70 : i32
    "tpu.region"() ({
      %run_scoped3A_80 = tpu.sem_alloc : memref<!tpu.dma_semaphore, #tpu.memory_space<semaphore_mem>>
      %dma_start3A_81 = arith.constant 0 : i32
      %dma_start3A_82 = tpu.memref_slice %arg6[%arg0, %add3A_71, %dma_start3A_81] : memref<2x10240x128xf32, #tpu.memory_space<hbm>> -> memref<1x80x128xf32, #tpu.memory_space<hbm>>
      %dma_start3A_83 = tpu.memref_squeeze %dma_start3A_82 : memref<1x80x128xf32, #tpu.memory_space<hbm>> -> memref<80x128xf32, #tpu.memory_space<hbm>>
      %dma_start3A_84 = arith.constant 0 : i32
      %dma_start3A_85 = tpu.memref_slice %arg11[%add3A_71, %dma_start3A_84] : memref<10240x128xf32, #tpu.memory_space<vmem_shared>> -> memref<80x128xf32, #tpu.memory_space<vmem_shared>>
      tpu.enqueue_dma source(%dma_start3A_85 : memref<80x128xf32, #tpu.memory_space<vmem_shared>>) target(%dma_start3A_83 : memref<80x128xf32, #tpu.memory_space<hbm>>) target_semaphore(%run_scoped3A_80 : memref<!tpu.dma_semaphore, #tpu.memory_space<semaphore_mem>>)
      %dma_wait3A_86 = arith.constant 0 : i32
      %dma_wait3A_87 = tpu.memref_slice %arg6[%arg0, %add3A_71, %dma_wait3A_86] : memref<2x10240x128xf32, #tpu.memory_space<hbm>> -> memref<1x80x128xf32, #tpu.memory_space<hbm>>
      %dma_wait3A_88 = tpu.memref_squeeze %dma_wait3A_87 : memref<1x80x128xf32, #tpu.memory_space<hbm>> -> memref<80x128xf32, #tpu.memory_space<hbm>>
      %dma_wait3A_89 = arith.constant 0 : i32
      %dma_wait3A_90 = tpu.memref_slice %arg11[%add3A_71, %dma_wait3A_89] : memref<10240x128xf32, #tpu.memory_space<vmem_shared>> -> memref<80x128xf32, #tpu.memory_space<vmem_shared>>
      tpu.wait_dma2 semaphore(%run_scoped3A_80 : memref<!tpu.dma_semaphore, #tpu.memory_space<semaphore_mem>>) src(%dma_wait3A_90 : memref<80x128xf32, #tpu.memory_space<vmem_shared>>) dst(%dma_wait3A_88 : memref<80x128xf32, #tpu.memory_space<hbm>>)
      tpu.yield
    }) : () -> ()
    %add3A_72 = arith.constant 320 : i32
    %add3A_73 = arith.addi %mul3A_2, %add3A_72 : i32
    "tpu.region"() ({
      %run_scoped3A_80 = tpu.sem_alloc : memref<!tpu.dma_semaphore, #tpu.memory_space<semaphore_mem>>
      %dma_start3A_81 = arith.constant 0 : i32
      %dma_start3A_82 = tpu.memref_slice %arg6[%arg0, %add3A_73, %dma_start3A_81] : memref<2x10240x128xf32, #tpu.memory_space<hbm>> -> memref<1x80x128xf32, #tpu.memory_space<hbm>>
      %dma_start3A_83 = tpu.memref_squeeze %dma_start3A_82 : memref<1x80x128xf32, #tpu.memory_space<hbm>> -> memref<80x128xf32, #tpu.memory_space<hbm>>
      %dma_start3A_84 = arith.constant 0 : i32
      %dma_start3A_85 = tpu.memref_slice %arg11[%add3A_73, %dma_start3A_84] : memref<10240x128xf32, #tpu.memory_space<vmem_shared>> -> memref<80x128xf32, #tpu.memory_space<vmem_shared>>
      tpu.enqueue_dma source(%dma_start3A_85 : memref<80x128xf32, #tpu.memory_space<vmem_shared>>) target(%dma_start3A_83 : memref<80x128xf32, #tpu.memory_space<hbm>>) target_semaphore(%run_scoped3A_80 : memref<!tpu.dma_semaphore, #tpu.memory_space<semaphore_mem>>)
      %dma_wait3A_86 = arith.constant 0 : i32
      %dma_wait3A_87 = tpu.memref_slice %arg6[%arg0, %add3A_73, %dma_wait3A_86] : memref<2x10240x128xf32, #tpu.memory_space<hbm>> -> memref<1x80x128xf32, #tpu.memory_space<hbm>>
      %dma_wait3A_88 = tpu.memref_squeeze %dma_wait3A_87 : memref<1x80x128xf32, #tpu.memory_space<hbm>> -> memref<80x128xf32, #tpu.memory_space<hbm>>
      %dma_wait3A_89 = arith.constant 0 : i32
      %dma_wait3A_90 = tpu.memref_slice %arg11[%add3A_73, %dma_wait3A_89] : memref<10240x128xf32, #tpu.memory_space<vmem_shared>> -> memref<80x128xf32, #tpu.memory_space<vmem_shared>>
      tpu.wait_dma2 semaphore(%run_scoped3A_80 : memref<!tpu.dma_semaphore, #tpu.memory_space<semaphore_mem>>) src(%dma_wait3A_90 : memref<80x128xf32, #tpu.memory_space<vmem_shared>>) dst(%dma_wait3A_88 : memref<80x128xf32, #tpu.memory_space<hbm>>)
      tpu.yield
    }) : () -> ()
    %add3A_74 = arith.constant 400 : i32
    %add3A_75 = arith.addi %mul3A_2, %add3A_74 : i32
    "tpu.region"() ({
      %run_scoped3A_80 = tpu.sem_alloc : memref<!tpu.dma_semaphore, #tpu.memory_space<semaphore_mem>>
      %dma_start3A_81 = arith.constant 0 : i32
      %dma_start3A_82 = tpu.memref_slice %arg6[%arg0, %add3A_75, %dma_start3A_81] : memref<2x10240x128xf32, #tpu.memory_space<hbm>> -> memref<1x80x128xf32, #tpu.memory_space<hbm>>
      %dma_start3A_83 = tpu.memref_squeeze %dma_start3A_82 : memref<1x80x128xf32, #tpu.memory_space<hbm>> -> memref<80x128xf32, #tpu.memory_space<hbm>>
      %dma_start3A_84 = arith.constant 0 : i32
      %dma_start3A_85 = tpu.memref_slice %arg11[%add3A_75, %dma_start3A_84] : memref<10240x128xf32, #tpu.memory_space<vmem_shared>> -> memref<80x128xf32, #tpu.memory_space<vmem_shared>>
      tpu.enqueue_dma source(%dma_start3A_85 : memref<80x128xf32, #tpu.memory_space<vmem_shared>>) target(%dma_start3A_83 : memref<80x128xf32, #tpu.memory_space<hbm>>) target_semaphore(%run_scoped3A_80 : memref<!tpu.dma_semaphore, #tpu.memory_space<semaphore_mem>>)
      %dma_wait3A_86 = arith.constant 0 : i32
      %dma_wait3A_87 = tpu.memref_slice %arg6[%arg0, %add3A_75, %dma_wait3A_86] : memref<2x10240x128xf32, #tpu.memory_space<hbm>> -> memref<1x80x128xf32, #tpu.memory_space<hbm>>
      %dma_wait3A_88 = tpu.memref_squeeze %dma_wait3A_87 : memref<1x80x128xf32, #tpu.memory_space<hbm>> -> memref<80x128xf32, #tpu.memory_space<hbm>>
      %dma_wait3A_89 = arith.constant 0 : i32
      %dma_wait3A_90 = tpu.memref_slice %arg11[%add3A_75, %dma_wait3A_89] : memref<10240x128xf32, #tpu.memory_space<vmem_shared>> -> memref<80x128xf32, #tpu.memory_space<vmem_shared>>
      tpu.wait_dma2 semaphore(%run_scoped3A_80 : memref<!tpu.dma_semaphore, #tpu.memory_space<semaphore_mem>>) src(%dma_wait3A_90 : memref<80x128xf32, #tpu.memory_space<vmem_shared>>) dst(%dma_wait3A_88 : memref<80x128xf32, #tpu.memory_space<hbm>>)
      tpu.yield
    }) : () -> ()
    %add3A_76 = arith.constant 480 : i32
    %add3A_77 = arith.addi %mul3A_2, %add3A_76 : i32
    "tpu.region"() ({
      %run_scoped3A_80 = tpu.sem_alloc : memref<!tpu.dma_semaphore, #tpu.memory_space<semaphore_mem>>
      %dma_start3A_81 = arith.constant 0 : i32
      %dma_start3A_82 = tpu.memref_slice %arg6[%arg0, %add3A_77, %dma_start3A_81] : memref<2x10240x128xf32, #tpu.memory_space<hbm>> -> memref<1x80x128xf32, #tpu.memory_space<hbm>>
      %dma_start3A_83 = tpu.memref_squeeze %dma_start3A_82 : memref<1x80x128xf32, #tpu.memory_space<hbm>> -> memref<80x128xf32, #tpu.memory_space<hbm>>
      %dma_start3A_84 = arith.constant 0 : i32
      %dma_start3A_85 = tpu.memref_slice %arg11[%add3A_77, %dma_start3A_84] : memref<10240x128xf32, #tpu.memory_space<vmem_shared>> -> memref<80x128xf32, #tpu.memory_space<vmem_shared>>
      tpu.enqueue_dma source(%dma_start3A_85 : memref<80x128xf32, #tpu.memory_space<vmem_shared>>) target(%dma_start3A_83 : memref<80x128xf32, #tpu.memory_space<hbm>>) target_semaphore(%run_scoped3A_80 : memref<!tpu.dma_semaphore, #tpu.memory_space<semaphore_mem>>)
      %dma_wait3A_86 = arith.constant 0 : i32
      %dma_wait3A_87 = tpu.memref_slice %arg6[%arg0, %add3A_77, %dma_wait3A_86] : memref<2x10240x128xf32, #tpu.memory_space<hbm>> -> memref<1x80x128xf32, #tpu.memory_space<hbm>>
      %dma_wait3A_88 = tpu.memref_squeeze %dma_wait3A_87 : memref<1x80x128xf32, #tpu.memory_space<hbm>> -> memref<80x128xf32, #tpu.memory_space<hbm>>
      %dma_wait3A_89 = arith.constant 0 : i32
      %dma_wait3A_90 = tpu.memref_slice %arg11[%add3A_77, %dma_wait3A_89] : memref<10240x128xf32, #tpu.memory_space<vmem_shared>> -> memref<80x128xf32, #tpu.memory_space<vmem_shared>>
      tpu.wait_dma2 semaphore(%run_scoped3A_80 : memref<!tpu.dma_semaphore, #tpu.memory_space<semaphore_mem>>) src(%dma_wait3A_90 : memref<80x128xf32, #tpu.memory_space<vmem_shared>>) dst(%dma_wait3A_88 : memref<80x128xf32, #tpu.memory_space<hbm>>)
      tpu.yield
    }) : () -> ()
    %add3A_78 = arith.constant 560 : i32
    %add3A_79 = arith.addi %mul3A_2, %add3A_78 : i32
    "tpu.region"() ({
      %run_scoped3A_80 = tpu.sem_alloc : memref<!tpu.dma_semaphore, #tpu.memory_space<semaphore_mem>>
      %dma_start3A_81 = arith.constant 0 : i32
      %dma_start3A_82 = tpu.memref_slice %arg6[%arg0, %add3A_79, %dma_start3A_81] : memref<2x10240x128xf32, #tpu.memory_space<hbm>> -> memref<1x80x128xf32, #tpu.memory_space<hbm>>
      %dma_start3A_83 = tpu.memref_squeeze %dma_start3A_82 : memref<1x80x128xf32, #tpu.memory_space<hbm>> -> memref<80x128xf32, #tpu.memory_space<hbm>>
      %dma_start3A_84 = arith.constant 0 : i32
      %dma_start3A_85 = tpu.memref_slice %arg11[%add3A_79, %dma_start3A_84] : memref<10240x128xf32, #tpu.memory_space<vmem_shared>> -> memref<80x128xf32, #tpu.memory_space<vmem_shared>>
      tpu.enqueue_dma source(%dma_start3A_85 : memref<80x128xf32, #tpu.memory_space<vmem_shared>>) target(%dma_start3A_83 : memref<80x128xf32, #tpu.memory_space<hbm>>) target_semaphore(%run_scoped3A_80 : memref<!tpu.dma_semaphore, #tpu.memory_space<semaphore_mem>>)
      %dma_wait3A_86 = arith.constant 0 : i32
      %dma_wait3A_87 = tpu.memref_slice %arg6[%arg0, %add3A_79, %dma_wait3A_86] : memref<2x10240x128xf32, #tpu.memory_space<hbm>> -> memref<1x80x128xf32, #tpu.memory_space<hbm>>
      %dma_wait3A_88 = tpu.memref_squeeze %dma_wait3A_87 : memref<1x80x128xf32, #tpu.memory_space<hbm>> -> memref<80x128xf32, #tpu.memory_space<hbm>>
      %dma_wait3A_89 = arith.constant 0 : i32
      %dma_wait3A_90 = tpu.memref_slice %arg11[%add3A_79, %dma_wait3A_89] : memref<10240x128xf32, #tpu.memory_space<vmem_shared>> -> memref<80x128xf32, #tpu.memory_space<vmem_shared>>
      tpu.wait_dma2 semaphore(%run_scoped3A_80 : memref<!tpu.dma_semaphore, #tpu.memory_space<semaphore_mem>>) src(%dma_wait3A_90 : memref<80x128xf32, #tpu.memory_space<vmem_shared>>) dst(%dma_wait3A_88 : memref<80x128xf32, #tpu.memory_space<hbm>>)
      tpu.yield
    }) : () -> ()
    return
  }
}

#map = affine_map<(d0, d1) -> (0, 0)>
#map1 = affine_map<(d0, d1) -> (0, 0, 0)>
module attributes {stable_mosaic.version = 14 : i64} {
  func.func @body(%arg0: i32, %arg1: i32, %arg2: memref<10000x128xf32, #tpu.memory_space<hbm>>, %arg3: memref<32x10000xi32, #tpu.memory_space<hbm>>, %arg4: memref<32x125x80xi32, #tpu.memory_space<hbm>>, %arg5: memref<80x128xf32, #tpu.memory_space<hbm>>, %arg6: memref<2x10240x128xf32, #tpu.memory_space<hbm>>, %arg7: memref<10000xi32, #tpu.memory_space<vmem>>, %arg8: memref<125x80xi32, #tpu.memory_space<vmem>>, %arg9: memref<80x128xf32, #tpu.memory_space<vmem>>, %arg10: memref<80x128xf32, #tpu.memory_space<vmem>>, %arg11: memref<10240x128xf32, #tpu.memory_space<vmem_shared>>, %arg12: memref<!tpu.dma_semaphore, #tpu.memory_space<semaphore_mem>>, %arg13: memref<!tpu.dma_semaphore, #tpu.memory_space<semaphore_mem>>, %arg14: memref<!tpu.dma_semaphore, #tpu.memory_space<semaphore_mem>>, %arg15: memref<!tpu.dma_semaphore, #tpu.memory_space<semaphore_mem>>) attributes {dimension_semantics = [#tpu.dimension_semantics<core_parallel>, #tpu.dimension_semantics<subcore_parallel>], iteration_bounds = array<i64: 2, 16>, scalar_prefetch = 0 : i64, scratch_operands = 9 : i64, tpu.core_type = #tpu.core_type<sc_vector_subcore>, window_params = [{transform_indices = #map}, {transform_indices = #map}, {transform_indices = #map1}, {transform_indices = #map}, {transform_indices = #map1}]} {
    %mul3A = arith.constant 16 : i32
    %mul3A_0 = arith.muli %arg0, %mul3A : i32
    %add3A = arith.addi %mul3A_0, %arg1 : i32
    %mul3A_1 = arith.constant 640 : i32
    %mul3A_2 = arith.muli %arg1, %mul3A_1 : i32
    "tpu.region"() ({
      %run_scoped3A_80 = tpu.sem_alloc : memref<!tpu.dma_semaphore, #tpu.memory_space<semaphore_mem>>
      %dma_start3A_81 = arith.constant 0 : i32
      %dma_start3A_82 = tpu.memref_slice %arg3[%add3A, %dma_start3A_81] : memref<32x10000xi32, #tpu.memory_space<hbm>> -> memref<1x10000xi32, #tpu.memory_space<hbm>>
      %dma_start3A_83 = tpu.memref_squeeze %dma_start3A_82 : memref<1x10000xi32, #tpu.memory_space<hbm>> -> memref<10000xi32, #tpu.memory_space<hbm>>
      %dma_start3A_84 = arith.constant 0 : i32
      %dma_start3A_85 = tpu.memref_slice %arg3[%add3A, %dma_start3A_84] : memref<32x10000xi32, #tpu.memory_space<hbm>> -> memref<1x10000xi32, #tpu.memory_space<hbm>>
      %dma_start3A_86 = tpu.memref_squeeze %dma_start3A_85 : memref<1x10000xi32, #tpu.memory_space<hbm>> -> memref<10000xi32, #tpu.memory_space<hbm>>
      tpu.enqueue_dma source(%dma_start3A_86 : memref<10000xi32, #tpu.memory_space<hbm>>) target(%arg7 : memref<10000xi32, #tpu.memory_space<vmem>>) target_semaphore(%run_scoped3A_80 : memref<!tpu.dma_semaphore, #tpu.memory_space<semaphore_mem>>)
      %dma_wait3A_87 = arith.constant 0 : i32
      %dma_wait3A_88 = tpu.memref_slice %arg3[%add3A, %dma_wait3A_87] : memref<32x10000xi32, #tpu.memory_space<hbm>> -> memref<1x10000xi32, #tpu.memory_space<hbm>>
      %dma_wait3A_89 = tpu.memref_squeeze %dma_wait3A_88 : memref<1x10000xi32, #tpu.memory_space<hbm>> -> memref<10000xi32, #tpu.memory_space<hbm>>
      %dma_wait3A_90 = arith.constant 0 : i32
      %dma_wait3A_91 = tpu.memref_slice %arg3[%add3A, %dma_wait3A_90] : memref<32x10000xi32, #tpu.memory_space<hbm>> -> memref<1x10000xi32, #tpu.memory_space<hbm>>
      %dma_wait3A_92 = tpu.memref_squeeze %dma_wait3A_91 : memref<1x10000xi32, #tpu.memory_space<hbm>> -> memref<10000xi32, #tpu.memory_space<hbm>>
      tpu.wait_dma2 semaphore(%run_scoped3A_80 : memref<!tpu.dma_semaphore, #tpu.memory_space<semaphore_mem>>) src(%dma_wait3A_92 : memref<10000xi32, #tpu.memory_space<hbm>>) dst(%arg7 : memref<10000xi32, #tpu.memory_space<vmem>>)
      tpu.yield
    }) : () -> ()
    "tpu.region"() ({
      %run_scoped3A_80 = tpu.sem_alloc : memref<!tpu.dma_semaphore, #tpu.memory_space<semaphore_mem>>
      %dma_start3A_81 = arith.constant 0 : i32
      %dma_start3A_82 = arith.constant 0 : i32
      %dma_start3A_83 = tpu.memref_slice %arg4[%add3A, %dma_start3A_81, %dma_start3A_82] : memref<32x125x80xi32, #tpu.memory_space<hbm>> -> memref<1x125x80xi32, #tpu.memory_space<hbm>>
      %dma_start3A_84 = tpu.memref_squeeze %dma_start3A_83 : memref<1x125x80xi32, #tpu.memory_space<hbm>> -> memref<125x80xi32, #tpu.memory_space<hbm>>
      %dma_start3A_85 = arith.constant 0 : i32
      %dma_start3A_86 = arith.constant 0 : i32
      %dma_start3A_87 = tpu.memref_slice %arg4[%add3A, %dma_start3A_85, %dma_start3A_86] : memref<32x125x80xi32, #tpu.memory_space<hbm>> -> memref<1x125x80xi32, #tpu.memory_space<hbm>>
      %dma_start3A_88 = tpu.memref_squeeze %dma_start3A_87 : memref<1x125x80xi32, #tpu.memory_space<hbm>> -> memref<125x80xi32, #tpu.memory_space<hbm>>
      tpu.enqueue_dma source(%dma_start3A_88 : memref<125x80xi32, #tpu.memory_space<hbm>>) target(%arg8 : memref<125x80xi32, #tpu.memory_space<vmem>>) target_semaphore(%run_scoped3A_80 : memref<!tpu.dma_semaphore, #tpu.memory_space<semaphore_mem>>)
      %dma_wait3A_89 = arith.constant 0 : i32
      %dma_wait3A_90 = arith.constant 0 : i32
      %dma_wait3A_91 = tpu.memref_slice %arg4[%add3A, %dma_wait3A_89, %dma_wait3A_90] : memref<32x125x80xi32, #tpu.memory_space<hbm>> -> memref<1x125x80xi32, #tpu.memory_space<hbm>>
      %dma_wait3A_92 = tpu.memref_squeeze %dma_wait3A_91 : memref<1x125x80xi32, #tpu.memory_space<hbm>> -> memref<125x80xi32, #tpu.memory_space<hbm>>
      %dma_wait3A_93 = arith.constant 0 : i32
      %dma_wait3A_94 = arith.constant 0 : i32
      %dma_wait3A_95 = tpu.memref_slice %arg4[%add3A, %dma_wait3A_93, %dma_wait3A_94] : memref<32x125x80xi32, #tpu.memory_space<hbm>> -> memref<1x125x80xi32, #tpu.memory_space<hbm>>
      %dma_wait3A_96 = tpu.memref_squeeze %dma_wait3A_95 : memref<1x125x80xi32, #tpu.memory_space<hbm>> -> memref<125x80xi32, #tpu.memory_space<hbm>>
      tpu.wait_dma2 semaphore(%run_scoped3A_80 : memref<!tpu.dma_semaphore, #tpu.memory_space<semaphore_mem>>) src(%dma_wait3A_96 : memref<125x80xi32, #tpu.memory_space<hbm>>) dst(%arg8 : memref<125x80xi32, #tpu.memory_space<vmem>>)
      tpu.yield
    }) : () -> ()
    %multiple_of3A = arith.constant 0 : i32
    %multiple_of3A_3 = tpu.assume_multiple %multiple_of3A, 8 : i32
    %dma_start3A = arith.constant 0 : i32
    %dma_start3A_4 = arith.constant 0 : i32
    %dma_start3A_5 = tpu.memref_slice %arg9[%dma_start3A, %dma_start3A_4] : memref<80x128xf32, #tpu.memory_space<vmem>> -> memref<40x128xf32, #tpu.memory_space<vmem>>
    %dma_start3A_6 = tpu.memref_slice %arg7[%multiple_of3A_3] : memref<10000xi32, #tpu.memory_space<vmem>> -> memref<40xi32, #tpu.memory_space<vmem>>
    %dma_start3A_7 = arith.constant 0 : i32
    %dma_start3A_8 = arith.constant 0 : i32
    %dma_start3A_9 = tpu.memref_slice %arg2[%dma_start3A_7, %dma_start3A_8] : memref<10000x128xf32, #tpu.memory_space<hbm>> -> memref<10000x128xf32, #tpu.memory_space<hbm>>
    tpu.enqueue_indirect_dma source(%dma_start3A_9 : memref<10000x128xf32, #tpu.memory_space<hbm>>) target(%dma_start3A_5 : memref<40x128xf32, #tpu.memory_space<vmem>>) offsets(%dma_start3A_6 : memref<40xi32, #tpu.memory_space<vmem>>) semaphore(%arg12 : memref<!tpu.dma_semaphore, #tpu.memory_space<semaphore_mem>>)
    %add3A_10 = arith.constant 40 : i32
    %add3A_11 = arith.addi %multiple_of3A_3, %add3A_10 : i32
    %dma_start3A_12 = arith.constant 40 : i32
    %dma_start3A_13 = arith.constant 0 : i32
    %dma_start3A_14 = tpu.memref_slice %arg9[%dma_start3A_12, %dma_start3A_13] : memref<80x128xf32, #tpu.memory_space<vmem>> -> memref<40x128xf32, #tpu.memory_space<vmem>>
    %dma_start3A_15 = tpu.memref_slice %arg7[%add3A_11] : memref<10000xi32, #tpu.memory_space<vmem>> -> memref<40xi32, #tpu.memory_space<vmem>>
    %dma_start3A_16 = arith.constant 0 : i32
    %dma_start3A_17 = arith.constant 0 : i32
    %dma_start3A_18 = tpu.memref_slice %arg2[%dma_start3A_16, %dma_start3A_17] : memref<10000x128xf32, #tpu.memory_space<hbm>> -> memref<10000x128xf32, #tpu.memory_space<hbm>>
    tpu.enqueue_indirect_dma source(%dma_start3A_18 : memref<10000x128xf32, #tpu.memory_space<hbm>>) target(%dma_start3A_14 : memref<40x128xf32, #tpu.memory_space<vmem>>) offsets(%dma_start3A_15 : memref<40xi32, #tpu.memory_space<vmem>>) semaphore(%arg13 : memref<!tpu.dma_semaphore, #tpu.memory_space<semaphore_mem>>)
    "tpu.region"() ({
      %run_scoped3A_80 = tpu.sem_alloc : memref<!tpu.dma_semaphore, #tpu.memory_space<semaphore_mem>>
      tpu.enqueue_dma source(%arg5 : memref<80x128xf32, #tpu.memory_space<hbm>>) target(%arg10 : memref<80x128xf32, #tpu.memory_space<vmem>>) target_semaphore(%run_scoped3A_80 : memref<!tpu.dma_semaphore, #tpu.memory_space<semaphore_mem>>)
      tpu.wait_dma2 semaphore(%run_scoped3A_80 : memref<!tpu.dma_semaphore, #tpu.memory_space<semaphore_mem>>) src(%arg5 : memref<80x128xf32, #tpu.memory_space<hbm>>) dst(%arg10 : memref<80x128xf32, #tpu.memory_space<vmem>>)
      tpu.yield
    }) : () -> ()
    %add3A_19 = arith.constant 0 : i32
    %add3A_20 = arith.addi %mul3A_2, %add3A_19 : i32
    "tpu.region"() ({
      %run_scoped3A_80 = tpu.sem_alloc : memref<!tpu.dma_semaphore, #tpu.memory_space<semaphore_mem>>
      %dma_start3A_81 = arith.constant 0 : i32
      %dma_start3A_82 = tpu.memref_slice %arg11[%add3A_20, %dma_start3A_81] : memref<10240x128xf32, #tpu.memory_space<vmem_shared>> -> memref<80x128xf32, #tpu.memory_space<vmem_shared>>
      %dma_start3A_83 = arith.constant 0 : i32
      %dma_start3A_84 = tpu.memref_slice %arg11[%add3A_20, %dma_start3A_83] : memref<10240x128xf32, #tpu.memory_space<vmem_shared>> -> memref<80x128xf32, #tpu.memory_space<vmem_shared>>
      tpu.enqueue_dma source(%arg10 : memref<80x128xf32, #tpu.memory_space<vmem>>) target(%dma_start3A_84 : memref<80x128xf32, #tpu.memory_space<vmem_shared>>) target_semaphore(%run_scoped3A_80 : memref<!tpu.dma_semaphore, #tpu.memory_space<semaphore_mem>>)
      %dma_wait3A_85 = arith.constant 0 : i32
      %dma_wait3A_86 = tpu.memref_slice %arg11[%add3A_20, %dma_wait3A_85] : memref<10240x128xf32, #tpu.memory_space<vmem_shared>> -> memref<80x128xf32, #tpu.memory_space<vmem_shared>>
      %dma_wait3A_87 = arith.constant 0 : i32
      %dma_wait3A_88 = tpu.memref_slice %arg11[%add3A_20, %dma_wait3A_87] : memref<10240x128xf32, #tpu.memory_space<vmem_shared>> -> memref<80x128xf32, #tpu.memory_space<vmem_shared>>
      tpu.wait_dma2 semaphore(%run_scoped3A_80 : memref<!tpu.dma_semaphore, #tpu.memory_space<semaphore_mem>>) src(%arg10 : memref<80x128xf32, #tpu.memory_space<vmem>>) dst(%dma_wait3A_88 : memref<80x128xf32, #tpu.memory_space<vmem_shared>>)
      tpu.yield
    }) : () -> ()
    %add3A_21 = arith.constant 80 : i32
    %add3A_22 = arith.addi %mul3A_2, %add3A_21 : i32
    "tpu.region"() ({
      %run_scoped3A_80 = tpu.sem_alloc : memref<!tpu.dma_semaphore, #tpu.memory_space<semaphore_mem>>
      %dma_start3A_81 = arith.constant 0 : i32
      %dma_start3A_82 = tpu.memref_slice %arg11[%add3A_22, %dma_start3A_81] : memref<10240x128xf32, #tpu.memory_space<vmem_shared>> -> memref<80x128xf32, #tpu.memory_space<vmem_shared>>
      %dma_start3A_83 = arith.constant 0 : i32
      %dma_start3A_84 = tpu.memref_slice %arg11[%add3A_22, %dma_start3A_83] : memref<10240x128xf32, #tpu.memory_space<vmem_shared>> -> memref<80x128xf32, #tpu.memory_space<vmem_shared>>
      tpu.enqueue_dma source(%arg10 : memref<80x128xf32, #tpu.memory_space<vmem>>) target(%dma_start3A_84 : memref<80x128xf32, #tpu.memory_space<vmem_shared>>) target_semaphore(%run_scoped3A_80 : memref<!tpu.dma_semaphore, #tpu.memory_space<semaphore_mem>>)
      %dma_wait3A_85 = arith.constant 0 : i32
      %dma_wait3A_86 = tpu.memref_slice %arg11[%add3A_22, %dma_wait3A_85] : memref<10240x128xf32, #tpu.memory_space<vmem_shared>> -> memref<80x128xf32, #tpu.memory_space<vmem_shared>>
      %dma_wait3A_87 = arith.constant 0 : i32
      %dma_wait3A_88 = tpu.memref_slice %arg11[%add3A_22, %dma_wait3A_87] : memref<10240x128xf32, #tpu.memory_space<vmem_shared>> -> memref<80x128xf32, #tpu.memory_space<vmem_shared>>
      tpu.wait_dma2 semaphore(%run_scoped3A_80 : memref<!tpu.dma_semaphore, #tpu.memory_space<semaphore_mem>>) src(%arg10 : memref<80x128xf32, #tpu.memory_space<vmem>>) dst(%dma_wait3A_88 : memref<80x128xf32, #tpu.memory_space<vmem_shared>>)
      tpu.yield
    }) : () -> ()
    %add3A_23 = arith.constant 160 : i32
    %add3A_24 = arith.addi %mul3A_2, %add3A_23 : i32
    "tpu.region"() ({
      %run_scoped3A_80 = tpu.sem_alloc : memref<!tpu.dma_semaphore, #tpu.memory_space<semaphore_mem>>
      %dma_start3A_81 = arith.constant 0 : i32
      %dma_start3A_82 = tpu.memref_slice %arg11[%add3A_24, %dma_start3A_81] : memref<10240x128xf32, #tpu.memory_space<vmem_shared>> -> memref<80x128xf32, #tpu.memory_space<vmem_shared>>
      %dma_start3A_83 = arith.constant 0 : i32
      %dma_start3A_84 = tpu.memref_slice %arg11[%add3A_24, %dma_start3A_83] : memref<10240x128xf32, #tpu.memory_space<vmem_shared>> -> memref<80x128xf32, #tpu.memory_space<vmem_shared>>
      tpu.enqueue_dma source(%arg10 : memref<80x128xf32, #tpu.memory_space<vmem>>) target(%dma_start3A_84 : memref<80x128xf32, #tpu.memory_space<vmem_shared>>) target_semaphore(%run_scoped3A_80 : memref<!tpu.dma_semaphore, #tpu.memory_space<semaphore_mem>>)
      %dma_wait3A_85 = arith.constant 0 : i32
      %dma_wait3A_86 = tpu.memref_slice %arg11[%add3A_24, %dma_wait3A_85] : memref<10240x128xf32, #tpu.memory_space<vmem_shared>> -> memref<80x128xf32, #tpu.memory_space<vmem_shared>>
      %dma_wait3A_87 = arith.constant 0 : i32
      %dma_wait3A_88 = tpu.memref_slice %arg11[%add3A_24, %dma_wait3A_87] : memref<10240x128xf32, #tpu.memory_space<vmem_shared>> -> memref<80x128xf32, #tpu.memory_space<vmem_shared>>
      tpu.wait_dma2 semaphore(%run_scoped3A_80 : memref<!tpu.dma_semaphore, #tpu.memory_space<semaphore_mem>>) src(%arg10 : memref<80x128xf32, #tpu.memory_space<vmem>>) dst(%dma_wait3A_88 : memref<80x128xf32, #tpu.memory_space<vmem_shared>>)
      tpu.yield
    }) : () -> ()
    %add3A_25 = arith.constant 240 : i32
    %add3A_26 = arith.addi %mul3A_2, %add3A_25 : i32
    "tpu.region"() ({
      %run_scoped3A_80 = tpu.sem_alloc : memref<!tpu.dma_semaphore, #tpu.memory_space<semaphore_mem>>
      %dma_start3A_81 = arith.constant 0 : i32
      %dma_start3A_82 = tpu.memref_slice %arg11[%add3A_26, %dma_start3A_81] : memref<10240x128xf32, #tpu.memory_space<vmem_shared>> -> memref<80x128xf32, #tpu.memory_space<vmem_shared>>
      %dma_start3A_83 = arith.constant 0 : i32
      %dma_start3A_84 = tpu.memref_slice %arg11[%add3A_26, %dma_start3A_83] : memref<10240x128xf32, #tpu.memory_space<vmem_shared>> -> memref<80x128xf32, #tpu.memory_space<vmem_shared>>
      tpu.enqueue_dma source(%arg10 : memref<80x128xf32, #tpu.memory_space<vmem>>) target(%dma_start3A_84 : memref<80x128xf32, #tpu.memory_space<vmem_shared>>) target_semaphore(%run_scoped3A_80 : memref<!tpu.dma_semaphore, #tpu.memory_space<semaphore_mem>>)
      %dma_wait3A_85 = arith.constant 0 : i32
      %dma_wait3A_86 = tpu.memref_slice %arg11[%add3A_26, %dma_wait3A_85] : memref<10240x128xf32, #tpu.memory_space<vmem_shared>> -> memref<80x128xf32, #tpu.memory_space<vmem_shared>>
      %dma_wait3A_87 = arith.constant 0 : i32
      %dma_wait3A_88 = tpu.memref_slice %arg11[%add3A_26, %dma_wait3A_87] : memref<10240x128xf32, #tpu.memory_space<vmem_shared>> -> memref<80x128xf32, #tpu.memory_space<vmem_shared>>
      tpu.wait_dma2 semaphore(%run_scoped3A_80 : memref<!tpu.dma_semaphore, #tpu.memory_space<semaphore_mem>>) src(%arg10 : memref<80x128xf32, #tpu.memory_space<vmem>>) dst(%dma_wait3A_88 : memref<80x128xf32, #tpu.memory_space<vmem_shared>>)
      tpu.yield
    }) : () -> ()
    %add3A_27 = arith.constant 320 : i32
    %add3A_28 = arith.addi %mul3A_2, %add3A_27 : i32
    "tpu.region"() ({
      %run_scoped3A_80 = tpu.sem_alloc : memref<!tpu.dma_semaphore, #tpu.memory_space<semaphore_mem>>
      %dma_start3A_81 = arith.constant 0 : i32
      %dma_start3A_82 = tpu.memref_slice %arg11[%add3A_28, %dma_start3A_81] : memref<10240x128xf32, #tpu.memory_space<vmem_shared>> -> memref<80x128xf32, #tpu.memory_space<vmem_shared>>
      %dma_start3A_83 = arith.constant 0 : i32
      %dma_start3A_84 = tpu.memref_slice %arg11[%add3A_28, %dma_start3A_83] : memref<10240x128xf32, #tpu.memory_space<vmem_shared>> -> memref<80x128xf32, #tpu.memory_space<vmem_shared>>
      tpu.enqueue_dma source(%arg10 : memref<80x128xf32, #tpu.memory_space<vmem>>) target(%dma_start3A_84 : memref<80x128xf32, #tpu.memory_space<vmem_shared>>) target_semaphore(%run_scoped3A_80 : memref<!tpu.dma_semaphore, #tpu.memory_space<semaphore_mem>>)
      %dma_wait3A_85 = arith.constant 0 : i32
      %dma_wait3A_86 = tpu.memref_slice %arg11[%add3A_28, %dma_wait3A_85] : memref<10240x128xf32, #tpu.memory_space<vmem_shared>> -> memref<80x128xf32, #tpu.memory_space<vmem_shared>>
      %dma_wait3A_87 = arith.constant 0 : i32
      %dma_wait3A_88 = tpu.memref_slice %arg11[%add3A_28, %dma_wait3A_87] : memref<10240x128xf32, #tpu.memory_space<vmem_shared>> -> memref<80x128xf32, #tpu.memory_space<vmem_shared>>
      tpu.wait_dma2 semaphore(%run_scoped3A_80 : memref<!tpu.dma_semaphore, #tpu.memory_space<semaphore_mem>>) src(%arg10 : memref<80x128xf32, #tpu.memory_space<vmem>>) dst(%dma_wait3A_88 : memref<80x128xf32, #tpu.memory_space<vmem_shared>>)
      tpu.yield
    }) : () -> ()
    %add3A_29 = arith.constant 400 : i32
    %add3A_30 = arith.addi %mul3A_2, %add3A_29 : i32
    "tpu.region"() ({
      %run_scoped3A_80 = tpu.sem_alloc : memref<!tpu.dma_semaphore, #tpu.memory_space<semaphore_mem>>
      %dma_start3A_81 = arith.constant 0 : i32
      %dma_start3A_82 = tpu.memref_slice %arg11[%add3A_30, %dma_start3A_81] : memref<10240x128xf32, #tpu.memory_space<vmem_shared>> -> memref<80x128xf32, #tpu.memory_space<vmem_shared>>
      %dma_start3A_83 = arith.constant 0 : i32
      %dma_start3A_84 = tpu.memref_slice %arg11[%add3A_30, %dma_start3A_83] : memref<10240x128xf32, #tpu.memory_space<vmem_shared>> -> memref<80x128xf32, #tpu.memory_space<vmem_shared>>
      tpu.enqueue_dma source(%arg10 : memref<80x128xf32, #tpu.memory_space<vmem>>) target(%dma_start3A_84 : memref<80x128xf32, #tpu.memory_space<vmem_shared>>) target_semaphore(%run_scoped3A_80 : memref<!tpu.dma_semaphore, #tpu.memory_space<semaphore_mem>>)
      %dma_wait3A_85 = arith.constant 0 : i32
      %dma_wait3A_86 = tpu.memref_slice %arg11[%add3A_30, %dma_wait3A_85] : memref<10240x128xf32, #tpu.memory_space<vmem_shared>> -> memref<80x128xf32, #tpu.memory_space<vmem_shared>>
      %dma_wait3A_87 = arith.constant 0 : i32
      %dma_wait3A_88 = tpu.memref_slice %arg11[%add3A_30, %dma_wait3A_87] : memref<10240x128xf32, #tpu.memory_space<vmem_shared>> -> memref<80x128xf32, #tpu.memory_space<vmem_shared>>
      tpu.wait_dma2 semaphore(%run_scoped3A_80 : memref<!tpu.dma_semaphore, #tpu.memory_space<semaphore_mem>>) src(%arg10 : memref<80x128xf32, #tpu.memory_space<vmem>>) dst(%dma_wait3A_88 : memref<80x128xf32, #tpu.memory_space<vmem_shared>>)
      tpu.yield
    }) : () -> ()
    %add3A_31 = arith.constant 480 : i32
    %add3A_32 = arith.addi %mul3A_2, %add3A_31 : i32
    "tpu.region"() ({
      %run_scoped3A_80 = tpu.sem_alloc : memref<!tpu.dma_semaphore, #tpu.memory_space<semaphore_mem>>
      %dma_start3A_81 = arith.constant 0 : i32
      %dma_start3A_82 = tpu.memref_slice %arg11[%add3A_32, %dma_start3A_81] : memref<10240x128xf32, #tpu.memory_space<vmem_shared>> -> memref<80x128xf32, #tpu.memory_space<vmem_shared>>
      %dma_start3A_83 = arith.constant 0 : i32
      %dma_start3A_84 = tpu.memref_slice %arg11[%add3A_32, %dma_start3A_83] : memref<10240x128xf32, #tpu.memory_space<vmem_shared>> -> memref<80x128xf32, #tpu.memory_space<vmem_shared>>
      tpu.enqueue_dma source(%arg10 : memref<80x128xf32, #tpu.memory_space<vmem>>) target(%dma_start3A_84 : memref<80x128xf32, #tpu.memory_space<vmem_shared>>) target_semaphore(%run_scoped3A_80 : memref<!tpu.dma_semaphore, #tpu.memory_space<semaphore_mem>>)
      %dma_wait3A_85 = arith.constant 0 : i32
      %dma_wait3A_86 = tpu.memref_slice %arg11[%add3A_32, %dma_wait3A_85] : memref<10240x128xf32, #tpu.memory_space<vmem_shared>> -> memref<80x128xf32, #tpu.memory_space<vmem_shared>>
      %dma_wait3A_87 = arith.constant 0 : i32
      %dma_wait3A_88 = tpu.memref_slice %arg11[%add3A_32, %dma_wait3A_87] : memref<10240x128xf32, #tpu.memory_space<vmem_shared>> -> memref<80x128xf32, #tpu.memory_space<vmem_shared>>
      tpu.wait_dma2 semaphore(%run_scoped3A_80 : memref<!tpu.dma_semaphore, #tpu.memory_space<semaphore_mem>>) src(%arg10 : memref<80x128xf32, #tpu.memory_space<vmem>>) dst(%dma_wait3A_88 : memref<80x128xf32, #tpu.memory_space<vmem_shared>>)
      tpu.yield
    }) : () -> ()
    %add3A_33 = arith.constant 560 : i32
    %add3A_34 = arith.addi %mul3A_2, %add3A_33 : i32
    "tpu.region"() ({
      %run_scoped3A_80 = tpu.sem_alloc : memref<!tpu.dma_semaphore, #tpu.memory_space<semaphore_mem>>
      %dma_start3A_81 = arith.constant 0 : i32
      %dma_start3A_82 = tpu.memref_slice %arg11[%add3A_34, %dma_start3A_81] : memref<10240x128xf32, #tpu.memory_space<vmem_shared>> -> memref<80x128xf32, #tpu.memory_space<vmem_shared>>
      %dma_start3A_83 = arith.constant 0 : i32
      %dma_start3A_84 = tpu.memref_slice %arg11[%add3A_34, %dma_start3A_83] : memref<10240x128xf32, #tpu.memory_space<vmem_shared>> -> memref<80x128xf32, #tpu.memory_space<vmem_shared>>
      tpu.enqueue_dma source(%arg10 : memref<80x128xf32, #tpu.memory_space<vmem>>) target(%dma_start3A_84 : memref<80x128xf32, #tpu.memory_space<vmem_shared>>) target_semaphore(%run_scoped3A_80 : memref<!tpu.dma_semaphore, #tpu.memory_space<semaphore_mem>>)
      %dma_wait3A_85 = arith.constant 0 : i32
      %dma_wait3A_86 = tpu.memref_slice %arg11[%add3A_34, %dma_wait3A_85] : memref<10240x128xf32, #tpu.memory_space<vmem_shared>> -> memref<80x128xf32, #tpu.memory_space<vmem_shared>>
      %dma_wait3A_87 = arith.constant 0 : i32
      %dma_wait3A_88 = tpu.memref_slice %arg11[%add3A_34, %dma_wait3A_87] : memref<10240x128xf32, #tpu.memory_space<vmem_shared>> -> memref<80x128xf32, #tpu.memory_space<vmem_shared>>
      tpu.wait_dma2 semaphore(%run_scoped3A_80 : memref<!tpu.dma_semaphore, #tpu.memory_space<semaphore_mem>>) src(%arg10 : memref<80x128xf32, #tpu.memory_space<vmem>>) dst(%dma_wait3A_88 : memref<80x128xf32, #tpu.memory_space<vmem_shared>>)
      tpu.yield
    }) : () -> ()
    %barrier3A = arith.constant 0 : index
    tpu.barrier barrier_id(%barrier3A)
    %scan3A = arith.constant 0 : i32
    %scan3A_35 = arith.constant 0 : i32
    %scan3A_36 = arith.constant 62 : i32
    %scan3A_37 = arith.addi %scan3A_35, %scan3A_36 : i32
    %scan3A_38 = arith.constant 1 : i32
    scf.for %scan3A_80 = %scan3A_35 to %scan3A_37 step %scan3A_38  : i32 {
      %mul3A_81 = arith.constant 2 : i32
      %mul3A_82 = arith.muli %mul3A_81, %scan3A_80 : i32
      %dma_wait3A_83 = arith.constant 0 : i32
      %dma_wait3A_84 = arith.constant 0 : i32
      %dma_wait3A_85 = tpu.memref_slice %arg9[%dma_wait3A_83, %dma_wait3A_84] : memref<80x128xf32, #tpu.memory_space<vmem>> -> memref<40x128xf32, #tpu.memory_space<vmem>>
      %dma_wait3A_86 = arith.constant 0 : i32
      %dma_wait3A_87 = arith.constant 0 : i32
      %dma_wait3A_88 = tpu.memref_slice %arg5[%dma_wait3A_86, %dma_wait3A_87] : memref<80x128xf32, #tpu.memory_space<hbm>> -> memref<40x128xf32, #tpu.memory_space<hbm>>
      %dma_wait3A_89 = arith.constant 0 : i32
      %dma_wait3A_90 = arith.constant 0 : i32
      %dma_wait3A_91 = tpu.memref_slice %arg9[%dma_wait3A_89, %dma_wait3A_90] : memref<80x128xf32, #tpu.memory_space<vmem>> -> memref<40x128xf32, #tpu.memory_space<vmem>>
      %dma_wait3A_92 = arith.constant 0 : i32
      %dma_wait3A_93 = arith.constant 0 : i32
      %dma_wait3A_94 = tpu.memref_slice %arg5[%dma_wait3A_92, %dma_wait3A_93] : memref<80x128xf32, #tpu.memory_space<hbm>> -> memref<40x128xf32, #tpu.memory_space<hbm>>
      tpu.wait_dma2 semaphore(%arg12 : memref<!tpu.dma_semaphore, #tpu.memory_space<semaphore_mem>>) src(%dma_wait3A_94 : memref<40x128xf32, #tpu.memory_space<hbm>>) dst(%dma_wait3A_91 : memref<40x128xf32, #tpu.memory_space<vmem>>)
      %dma_wait3A_95 = arith.constant 40 : i32
      %dma_wait3A_96 = arith.constant 0 : i32
      %dma_wait3A_97 = tpu.memref_slice %arg9[%dma_wait3A_95, %dma_wait3A_96] : memref<80x128xf32, #tpu.memory_space<vmem>> -> memref<40x128xf32, #tpu.memory_space<vmem>>
      %dma_wait3A_98 = arith.constant 0 : i32
      %dma_wait3A_99 = arith.constant 0 : i32
      %dma_wait3A_100 = tpu.memref_slice %arg5[%dma_wait3A_98, %dma_wait3A_99] : memref<80x128xf32, #tpu.memory_space<hbm>> -> memref<40x128xf32, #tpu.memory_space<hbm>>
      %dma_wait3A_101 = arith.constant 40 : i32
      %dma_wait3A_102 = arith.constant 0 : i32
      %dma_wait3A_103 = tpu.memref_slice %arg9[%dma_wait3A_101, %dma_wait3A_102] : memref<80x128xf32, #tpu.memory_space<vmem>> -> memref<40x128xf32, #tpu.memory_space<vmem>>
      %dma_wait3A_104 = arith.constant 0 : i32
      %dma_wait3A_105 = arith.constant 0 : i32
      %dma_wait3A_106 = tpu.memref_slice %arg5[%dma_wait3A_104, %dma_wait3A_105] : memref<80x128xf32, #tpu.memory_space<hbm>> -> memref<40x128xf32, #tpu.memory_space<hbm>>
      tpu.wait_dma2 semaphore(%arg13 : memref<!tpu.dma_semaphore, #tpu.memory_space<semaphore_mem>>) src(%dma_wait3A_106 : memref<40x128xf32, #tpu.memory_space<hbm>>) dst(%dma_wait3A_103 : memref<40x128xf32, #tpu.memory_space<vmem>>)
      %add3A_107 = arith.constant 1 : i32
      %add3A_108 = arith.addi %mul3A_82, %add3A_107 : i32
      %mul3A_109 = arith.constant 80 : i32
      %mul3A_110 = arith.muli %add3A_108, %mul3A_109 : i32
      %multiple_of3A_111 = tpu.assume_multiple %mul3A_110, 8 : i32
      %dma_start3A_112 = arith.constant 0 : i32
      %dma_start3A_113 = arith.constant 0 : i32
      %dma_start3A_114 = tpu.memref_slice %arg10[%dma_start3A_112, %dma_start3A_113] : memref<80x128xf32, #tpu.memory_space<vmem>> -> memref<40x128xf32, #tpu.memory_space<vmem>>
      %dma_start3A_115 = tpu.memref_slice %arg7[%multiple_of3A_111] : memref<10000xi32, #tpu.memory_space<vmem>> -> memref<40xi32, #tpu.memory_space<vmem>>
      %dma_start3A_116 = arith.constant 0 : i32
      %dma_start3A_117 = arith.constant 0 : i32
      %dma_start3A_118 = tpu.memref_slice %arg2[%dma_start3A_116, %dma_start3A_117] : memref<10000x128xf32, #tpu.memory_space<hbm>> -> memref<10000x128xf32, #tpu.memory_space<hbm>>
      tpu.enqueue_indirect_dma source(%dma_start3A_118 : memref<10000x128xf32, #tpu.memory_space<hbm>>) target(%dma_start3A_114 : memref<40x128xf32, #tpu.memory_space<vmem>>) offsets(%dma_start3A_115 : memref<40xi32, #tpu.memory_space<vmem>>) semaphore(%arg14 : memref<!tpu.dma_semaphore, #tpu.memory_space<semaphore_mem>>)
      %add3A_119 = arith.constant 40 : i32
      %add3A_120 = arith.addi %multiple_of3A_111, %add3A_119 : i32
      %dma_start3A_121 = arith.constant 40 : i32
      %dma_start3A_122 = arith.constant 0 : i32
      %dma_start3A_123 = tpu.memref_slice %arg10[%dma_start3A_121, %dma_start3A_122] : memref<80x128xf32, #tpu.memory_space<vmem>> -> memref<40x128xf32, #tpu.memory_space<vmem>>
      %dma_start3A_124 = tpu.memref_slice %arg7[%add3A_120] : memref<10000xi32, #tpu.memory_space<vmem>> -> memref<40xi32, #tpu.memory_space<vmem>>
      %dma_start3A_125 = arith.constant 0 : i32
      %dma_start3A_126 = arith.constant 0 : i32
      %dma_start3A_127 = tpu.memref_slice %arg2[%dma_start3A_125, %dma_start3A_126] : memref<10000x128xf32, #tpu.memory_space<hbm>> -> memref<10000x128xf32, #tpu.memory_space<hbm>>
      tpu.enqueue_indirect_dma source(%dma_start3A_127 : memref<10000x128xf32, #tpu.memory_space<hbm>>) target(%dma_start3A_123 : memref<40x128xf32, #tpu.memory_space<vmem>>) offsets(%dma_start3A_124 : memref<40xi32, #tpu.memory_space<vmem>>) semaphore(%arg15 : memref<!tpu.dma_semaphore, #tpu.memory_space<semaphore_mem>>)
      "tpu.region"() ({
        %run_scoped3A_175 = tpu.sem_alloc : memref<!tpu.dma_semaphore, #tpu.memory_space<semaphore_mem>>
        %dma_start3A_176 = arith.constant 0 : i32
        %dma_start3A_177 = tpu.memref_slice %arg8[%mul3A_82, %dma_start3A_176] : memref<125x80xi32, #tpu.memory_space<vmem>> -> memref<1x80xi32, #tpu.memory_space<vmem>>
        %dma_start3A_178 = tpu.memref_squeeze %dma_start3A_177 : memref<1x80xi32, #tpu.memory_space<vmem>> -> memref<80xi32, #tpu.memory_space<vmem>>
        %dma_start3A_179 = arith.constant 0 : i32
        %dma_start3A_180 = arith.constant 0 : i32
        %dma_start3A_181 = tpu.memref_slice %arg11[%dma_start3A_179, %dma_start3A_180] : memref<10240x128xf32, #tpu.memory_space<vmem_shared>> -> memref<10240x128xf32, #tpu.memory_space<vmem_shared>>
        tpu.enqueue_indirect_dma source(%arg9 : memref<80x128xf32, #tpu.memory_space<vmem>>) target(%dma_start3A_181 : memref<10240x128xf32, #tpu.memory_space<vmem_shared>>) offsets(%dma_start3A_178 : memref<80xi32, #tpu.memory_space<vmem>>) semaphore(%run_scoped3A_175 : memref<!tpu.dma_semaphore, #tpu.memory_space<semaphore_mem>>) {add = true}
        %dma_wait3A_182 = arith.constant 0 : i32
        %dma_wait3A_183 = tpu.memref_slice %arg8[%mul3A_82, %dma_wait3A_182] : memref<125x80xi32, #tpu.memory_space<vmem>> -> memref<1x80xi32, #tpu.memory_space<vmem>>
        %dma_wait3A_184 = tpu.memref_squeeze %dma_wait3A_183 : memref<1x80xi32, #tpu.memory_space<vmem>> -> memref<80xi32, #tpu.memory_space<vmem>>
        %dma_wait3A_185 = arith.constant 0 : i32
        %dma_wait3A_186 = arith.constant 0 : i32
        %dma_wait3A_187 = tpu.memref_slice %arg11[%dma_wait3A_185, %dma_wait3A_186] : memref<10240x128xf32, #tpu.memory_space<vmem_shared>> -> memref<10240x128xf32, #tpu.memory_space<vmem_shared>>
        tpu.wait_indirect_dma semaphore(%run_scoped3A_175 : memref<!tpu.dma_semaphore, #tpu.memory_space<semaphore_mem>>) src(%arg9 : memref<80x128xf32, #tpu.memory_space<vmem>>) dst(%dma_wait3A_187 : memref<10240x128xf32, #tpu.memory_space<vmem_shared>>)
        tpu.yield
      }) : () -> ()
      %dma_wait3A_128 = arith.constant 0 : i32
      %dma_wait3A_129 = arith.constant 0 : i32
      %dma_wait3A_130 = tpu.memref_slice %arg10[%dma_wait3A_128, %dma_wait3A_129] : memref<80x128xf32, #tpu.memory_space<vmem>> -> memref<40x128xf32, #tpu.memory_space<vmem>>
      %dma_wait3A_131 = arith.constant 0 : i32
      %dma_wait3A_132 = arith.constant 0 : i32
      %dma_wait3A_133 = tpu.memref_slice %arg5[%dma_wait3A_131, %dma_wait3A_132] : memref<80x128xf32, #tpu.memory_space<hbm>> -> memref<40x128xf32, #tpu.memory_space<hbm>>
      %dma_wait3A_134 = arith.constant 0 : i32
      %dma_wait3A_135 = arith.constant 0 : i32
      %dma_wait3A_136 = tpu.memref_slice %arg10[%dma_wait3A_134, %dma_wait3A_135] : memref<80x128xf32, #tpu.memory_space<vmem>> -> memref<40x128xf32, #tpu.memory_space<vmem>>
      %dma_wait3A_137 = arith.constant 0 : i32
      %dma_wait3A_138 = arith.constant 0 : i32
      %dma_wait3A_139 = tpu.memref_slice %arg5[%dma_wait3A_137, %dma_wait3A_138] : memref<80x128xf32, #tpu.memory_space<hbm>> -> memref<40x128xf32, #tpu.memory_space<hbm>>
      tpu.wait_dma2 semaphore(%arg14 : memref<!tpu.dma_semaphore, #tpu.memory_space<semaphore_mem>>) src(%dma_wait3A_139 : memref<40x128xf32, #tpu.memory_space<hbm>>) dst(%dma_wait3A_136 : memref<40x128xf32, #tpu.memory_space<vmem>>)
      %dma_wait3A_140 = arith.constant 40 : i32
      %dma_wait3A_141 = arith.constant 0 : i32
      %dma_wait3A_142 = tpu.memref_slice %arg10[%dma_wait3A_140, %dma_wait3A_141] : memref<80x128xf32, #tpu.memory_space<vmem>> -> memref<40x128xf32, #tpu.memory_space<vmem>>
      %dma_wait3A_143 = arith.constant 0 : i32
      %dma_wait3A_144 = arith.constant 0 : i32
      %dma_wait3A_145 = tpu.memref_slice %arg5[%dma_wait3A_143, %dma_wait3A_144] : memref<80x128xf32, #tpu.memory_space<hbm>> -> memref<40x128xf32, #tpu.memory_space<hbm>>
      %dma_wait3A_146 = arith.constant 40 : i32
      %dma_wait3A_147 = arith.constant 0 : i32
      %dma_wait3A_148 = tpu.memref_slice %arg10[%dma_wait3A_146, %dma_wait3A_147] : memref<80x128xf32, #tpu.memory_space<vmem>> -> memref<40x128xf32, #tpu.memory_space<vmem>>
      %dma_wait3A_149 = arith.constant 0 : i32
      %dma_wait3A_150 = arith.constant 0 : i32
      %dma_wait3A_151 = tpu.memref_slice %arg5[%dma_wait3A_149, %dma_wait3A_150] : memref<80x128xf32, #tpu.memory_space<hbm>> -> memref<40x128xf32, #tpu.memory_space<hbm>>
      tpu.wait_dma2 semaphore(%arg15 : memref<!tpu.dma_semaphore, #tpu.memory_space<semaphore_mem>>) src(%dma_wait3A_151 : memref<40x128xf32, #tpu.memory_space<hbm>>) dst(%dma_wait3A_148 : memref<40x128xf32, #tpu.memory_space<vmem>>)
      %add3A_152 = arith.constant 2 : i32
      %add3A_153 = arith.addi %mul3A_82, %add3A_152 : i32
      %mul3A_154 = arith.constant 80 : i32
      %mul3A_155 = arith.muli %add3A_153, %mul3A_154 : i32
      %multiple_of3A_156 = tpu.assume_multiple %mul3A_155, 8 : i32
      %dma_start3A_157 = arith.constant 0 : i32
      %dma_start3A_158 = arith.constant 0 : i32
      %dma_start3A_159 = tpu.memref_slice %arg9[%dma_start3A_157, %dma_start3A_158] : memref<80x128xf32, #tpu.memory_space<vmem>> -> memref<40x128xf32, #tpu.memory_space<vmem>>
      %dma_start3A_160 = tpu.memref_slice %arg7[%multiple_of3A_156] : memref<10000xi32, #tpu.memory_space<vmem>> -> memref<40xi32, #tpu.memory_space<vmem>>
      %dma_start3A_161 = arith.constant 0 : i32
      %dma_start3A_162 = arith.constant 0 : i32
      %dma_start3A_163 = tpu.memref_slice %arg2[%dma_start3A_161, %dma_start3A_162] : memref<10000x128xf32, #tpu.memory_space<hbm>> -> memref<10000x128xf32, #tpu.memory_space<hbm>>
      tpu.enqueue_indirect_dma source(%dma_start3A_163 : memref<10000x128xf32, #tpu.memory_space<hbm>>) target(%dma_start3A_159 : memref<40x128xf32, #tpu.memory_space<vmem>>) offsets(%dma_start3A_160 : memref<40xi32, #tpu.memory_space<vmem>>) semaphore(%arg12 : memref<!tpu.dma_semaphore, #tpu.memory_space<semaphore_mem>>)
      %add3A_164 = arith.constant 40 : i32
      %add3A_165 = arith.addi %multiple_of3A_156, %add3A_164 : i32
      %dma_start3A_166 = arith.constant 40 : i32
      %dma_start3A_167 = arith.constant 0 : i32
      %dma_start3A_168 = tpu.memref_slice %arg9[%dma_start3A_166, %dma_start3A_167] : memref<80x128xf32, #tpu.memory_space<vmem>> -> memref<40x128xf32, #tpu.memory_space<vmem>>
      %dma_start3A_169 = tpu.memref_slice %arg7[%add3A_165] : memref<10000xi32, #tpu.memory_space<vmem>> -> memref<40xi32, #tpu.memory_space<vmem>>
      %dma_start3A_170 = arith.constant 0 : i32
      %dma_start3A_171 = arith.constant 0 : i32
      %dma_start3A_172 = tpu.memref_slice %arg2[%dma_start3A_170, %dma_start3A_171] : memref<10000x128xf32, #tpu.memory_space<hbm>> -> memref<10000x128xf32, #tpu.memory_space<hbm>>
      tpu.enqueue_indirect_dma source(%dma_start3A_172 : memref<10000x128xf32, #tpu.memory_space<hbm>>) target(%dma_start3A_168 : memref<40x128xf32, #tpu.memory_space<vmem>>) offsets(%dma_start3A_169 : memref<40xi32, #tpu.memory_space<vmem>>) semaphore(%arg13 : memref<!tpu.dma_semaphore, #tpu.memory_space<semaphore_mem>>)
      %add3A_173 = arith.constant 1 : i32
      %add3A_174 = arith.addi %mul3A_82, %add3A_173 : i32
      "tpu.region"() ({
        %run_scoped3A_175 = tpu.sem_alloc : memref<!tpu.dma_semaphore, #tpu.memory_space<semaphore_mem>>
        %dma_start3A_176 = arith.constant 0 : i32
        %dma_start3A_177 = tpu.memref_slice %arg8[%add3A_174, %dma_start3A_176] : memref<125x80xi32, #tpu.memory_space<vmem>> -> memref<1x80xi32, #tpu.memory_space<vmem>>
        %dma_start3A_178 = tpu.memref_squeeze %dma_start3A_177 : memref<1x80xi32, #tpu.memory_space<vmem>> -> memref<80xi32, #tpu.memory_space<vmem>>
        %dma_start3A_179 = arith.constant 0 : i32
        %dma_start3A_180 = arith.constant 0 : i32
        %dma_start3A_181 = tpu.memref_slice %arg11[%dma_start3A_179, %dma_start3A_180] : memref<10240x128xf32, #tpu.memory_space<vmem_shared>> -> memref<10240x128xf32, #tpu.memory_space<vmem_shared>>
        tpu.enqueue_indirect_dma source(%arg10 : memref<80x128xf32, #tpu.memory_space<vmem>>) target(%dma_start3A_181 : memref<10240x128xf32, #tpu.memory_space<vmem_shared>>) offsets(%dma_start3A_178 : memref<80xi32, #tpu.memory_space<vmem>>) semaphore(%run_scoped3A_175 : memref<!tpu.dma_semaphore, #tpu.memory_space<semaphore_mem>>) {add = true}
        %dma_wait3A_182 = arith.constant 0 : i32
        %dma_wait3A_183 = tpu.memref_slice %arg8[%add3A_174, %dma_wait3A_182] : memref<125x80xi32, #tpu.memory_space<vmem>> -> memref<1x80xi32, #tpu.memory_space<vmem>>
        %dma_wait3A_184 = tpu.memref_squeeze %dma_wait3A_183 : memref<1x80xi32, #tpu.memory_space<vmem>> -> memref<80xi32, #tpu.memory_space<vmem>>
        %dma_wait3A_185 = arith.constant 0 : i32
        %dma_wait3A_186 = arith.constant 0 : i32
        %dma_wait3A_187 = tpu.memref_slice %arg11[%dma_wait3A_185, %dma_wait3A_186] : memref<10240x128xf32, #tpu.memory_space<vmem_shared>> -> memref<10240x128xf32, #tpu.memory_space<vmem_shared>>
        tpu.wait_indirect_dma semaphore(%run_scoped3A_175 : memref<!tpu.dma_semaphore, #tpu.memory_space<semaphore_mem>>) src(%arg10 : memref<80x128xf32, #tpu.memory_space<vmem>>) dst(%dma_wait3A_187 : memref<10240x128xf32, #tpu.memory_space<vmem_shared>>)
        tpu.yield
      }) : () -> ()
    }
    %scan3A_39 = arith.constant 62 : i32
    %dma_wait3A = arith.constant 0 : i32
    %dma_wait3A_40 = arith.constant 0 : i32
    %dma_wait3A_41 = tpu.memref_slice %arg9[%dma_wait3A, %dma_wait3A_40] : memref<80x128xf32, #tpu.memory_space<vmem>> -> memref<40x128xf32, #tpu.memory_space<vmem>>
    %dma_wait3A_42 = arith.constant 0 : i32
    %dma_wait3A_43 = arith.constant 0 : i32
    %dma_wait3A_44 = tpu.memref_slice %arg5[%dma_wait3A_42, %dma_wait3A_43] : memref<80x128xf32, #tpu.memory_space<hbm>> -> memref<40x128xf32, #tpu.memory_space<hbm>>
    %dma_wait3A_45 = arith.constant 0 : i32
    %dma_wait3A_46 = arith.constant 0 : i32
    %dma_wait3A_47 = tpu.memref_slice %arg9[%dma_wait3A_45, %dma_wait3A_46] : memref<80x128xf32, #tpu.memory_space<vmem>> -> memref<40x128xf32, #tpu.memory_space<vmem>>
    %dma_wait3A_48 = arith.constant 0 : i32
    %dma_wait3A_49 = arith.constant 0 : i32
    %dma_wait3A_50 = tpu.memref_slice %arg5[%dma_wait3A_48, %dma_wait3A_49] : memref<80x128xf32, #tpu.memory_space<hbm>> -> memref<40x128xf32, #tpu.memory_space<hbm>>
    tpu.wait_dma2 semaphore(%arg12 : memref<!tpu.dma_semaphore, #tpu.memory_space<semaphore_mem>>) src(%dma_wait3A_50 : memref<40x128xf32, #tpu.memory_space<hbm>>) dst(%dma_wait3A_47 : memref<40x128xf32, #tpu.memory_space<vmem>>)
    %dma_wait3A_51 = arith.constant 40 : i32
    %dma_wait3A_52 = arith.constant 0 : i32
    %dma_wait3A_53 = tpu.memref_slice %arg9[%dma_wait3A_51, %dma_wait3A_52] : memref<80x128xf32, #tpu.memory_space<vmem>> -> memref<40x128xf32, #tpu.memory_space<vmem>>
    %dma_wait3A_54 = arith.constant 0 : i32
    %dma_wait3A_55 = arith.constant 0 : i32
    %dma_wait3A_56 = tpu.memref_slice %arg5[%dma_wait3A_54, %dma_wait3A_55] : memref<80x128xf32, #tpu.memory_space<hbm>> -> memref<40x128xf32, #tpu.memory_space<hbm>>
    %dma_wait3A_57 = arith.constant 40 : i32
    %dma_wait3A_58 = arith.constant 0 : i32
    %dma_wait3A_59 = tpu.memref_slice %arg9[%dma_wait3A_57, %dma_wait3A_58] : memref<80x128xf32, #tpu.memory_space<vmem>> -> memref<40x128xf32, #tpu.memory_space<vmem>>
    %dma_wait3A_60 = arith.constant 0 : i32
    %dma_wait3A_61 = arith.constant 0 : i32
    %dma_wait3A_62 = tpu.memref_slice %arg5[%dma_wait3A_60, %dma_wait3A_61] : memref<80x128xf32, #tpu.memory_space<hbm>> -> memref<40x128xf32, #tpu.memory_space<hbm>>
    tpu.wait_dma2 semaphore(%arg13 : memref<!tpu.dma_semaphore, #tpu.memory_space<semaphore_mem>>) src(%dma_wait3A_62 : memref<40x128xf32, #tpu.memory_space<hbm>>) dst(%dma_wait3A_59 : memref<40x128xf32, #tpu.memory_space<vmem>>)
    %run_scoped3A = arith.constant 124 : i32
    "tpu.region"() ({
      %run_scoped3A_80 = tpu.sem_alloc : memref<!tpu.dma_semaphore, #tpu.memory_space<semaphore_mem>>
      %dma_start3A_81 = arith.constant 0 : i32
      %dma_start3A_82 = tpu.memref_slice %arg8[%run_scoped3A, %dma_start3A_81] : memref<125x80xi32, #tpu.memory_space<vmem>> -> memref<1x80xi32, #tpu.memory_space<vmem>>
      %dma_start3A_83 = tpu.memref_squeeze %dma_start3A_82 : memref<1x80xi32, #tpu.memory_space<vmem>> -> memref<80xi32, #tpu.memory_space<vmem>>
      %dma_start3A_84 = arith.constant 0 : i32
      %dma_start3A_85 = arith.constant 0 : i32
      %dma_start3A_86 = tpu.memref_slice %arg11[%dma_start3A_84, %dma_start3A_85] : memref<10240x128xf32, #tpu.memory_space<vmem_shared>> -> memref<10240x128xf32, #tpu.memory_space<vmem_shared>>
      tpu.enqueue_indirect_dma source(%arg9 : memref<80x128xf32, #tpu.memory_space<vmem>>) target(%dma_start3A_86 : memref<10240x128xf32, #tpu.memory_space<vmem_shared>>) offsets(%dma_start3A_83 : memref<80xi32, #tpu.memory_space<vmem>>) semaphore(%run_scoped3A_80 : memref<!tpu.dma_semaphore, #tpu.memory_space<semaphore_mem>>) {add = true}
      %dma_wait3A_87 = arith.constant 0 : i32
      %dma_wait3A_88 = tpu.memref_slice %arg8[%run_scoped3A, %dma_wait3A_87] : memref<125x80xi32, #tpu.memory_space<vmem>> -> memref<1x80xi32, #tpu.memory_space<vmem>>
      %dma_wait3A_89 = tpu.memref_squeeze %dma_wait3A_88 : memref<1x80xi32, #tpu.memory_space<vmem>> -> memref<80xi32, #tpu.memory_space<vmem>>
      %dma_wait3A_90 = arith.constant 0 : i32
      %dma_wait3A_91 = arith.constant 0 : i32
      %dma_wait3A_92 = tpu.memref_slice %arg11[%dma_wait3A_90, %dma_wait3A_91] : memref<10240x128xf32, #tpu.memory_space<vmem_shared>> -> memref<10240x128xf32, #tpu.memory_space<vmem_shared>>
      tpu.wait_indirect_dma semaphore(%run_scoped3A_80 : memref<!tpu.dma_semaphore, #tpu.memory_space<semaphore_mem>>) src(%arg9 : memref<80x128xf32, #tpu.memory_space<vmem>>) dst(%dma_wait3A_92 : memref<10240x128xf32, #tpu.memory_space<vmem_shared>>)
      tpu.yield
    }) : () -> ()
    %barrier3A_63 = arith.constant 0 : index
    tpu.barrier barrier_id(%barrier3A_63)
    %add3A_64 = arith.constant 0 : i32
    %add3A_65 = arith.addi %mul3A_2, %add3A_64 : i32
    "tpu.region"() ({
      %run_scoped3A_80 = tpu.sem_alloc : memref<!tpu.dma_semaphore, #tpu.memory_space<semaphore_mem>>
      %dma_start3A_81 = arith.constant 0 : i32
      %dma_start3A_82 = tpu.memref_slice %arg6[%arg0, %add3A_65, %dma_start3A_81] : memref<2x10240x128xf32, #tpu.memory_space<hbm>> -> memref<1x80x128xf32, #tpu.memory_space<hbm>>
      %dma_start3A_83 = tpu.memref_squeeze %dma_start3A_82 : memref<1x80x128xf32, #tpu.memory_space<hbm>> -> memref<80x128xf32, #tpu.memory_space<hbm>>
      %dma_start3A_84 = arith.constant 0 : i32
      %dma_start3A_85 = tpu.memref_slice %arg11[%add3A_65, %dma_start3A_84] : memref<10240x128xf32, #tpu.memory_space<vmem_shared>> -> memref<80x128xf32, #tpu.memory_space<vmem_shared>>
      tpu.enqueue_dma source(%dma_start3A_85 : memref<80x128xf32, #tpu.memory_space<vmem_shared>>) target(%dma_start3A_83 : memref<80x128xf32, #tpu.memory_space<hbm>>) target_semaphore(%run_scoped3A_80 : memref<!tpu.dma_semaphore, #tpu.memory_space<semaphore_mem>>)
      %dma_wait3A_86 = arith.constant 0 : i32
      %dma_wait3A_87 = tpu.memref_slice %arg6[%arg0, %add3A_65, %dma_wait3A_86] : memref<2x10240x128xf32, #tpu.memory_space<hbm>> -> memref<1x80x128xf32, #tpu.memory_space<hbm>>
      %dma_wait3A_88 = tpu.memref_squeeze %dma_wait3A_87 : memref<1x80x128xf32, #tpu.memory_space<hbm>> -> memref<80x128xf32, #tpu.memory_space<hbm>>
      %dma_wait3A_89 = arith.constant 0 : i32
      %dma_wait3A_90 = tpu.memref_slice %arg11[%add3A_65, %dma_wait3A_89] : memref<10240x128xf32, #tpu.memory_space<vmem_shared>> -> memref<80x128xf32, #tpu.memory_space<vmem_shared>>
      tpu.wait_dma2 semaphore(%run_scoped3A_80 : memref<!tpu.dma_semaphore, #tpu.memory_space<semaphore_mem>>) src(%dma_wait3A_90 : memref<80x128xf32, #tpu.memory_space<vmem_shared>>) dst(%dma_wait3A_88 : memref<80x128xf32, #tpu.memory_space<hbm>>)
      tpu.yield
    }) : () -> ()
    %add3A_66 = arith.constant 80 : i32
    %add3A_67 = arith.addi %mul3A_2, %add3A_66 : i32
    "tpu.region"() ({
      %run_scoped3A_80 = tpu.sem_alloc : memref<!tpu.dma_semaphore, #tpu.memory_space<semaphore_mem>>
      %dma_start3A_81 = arith.constant 0 : i32
      %dma_start3A_82 = tpu.memref_slice %arg6[%arg0, %add3A_67, %dma_start3A_81] : memref<2x10240x128xf32, #tpu.memory_space<hbm>> -> memref<1x80x128xf32, #tpu.memory_space<hbm>>
      %dma_start3A_83 = tpu.memref_squeeze %dma_start3A_82 : memref<1x80x128xf32, #tpu.memory_space<hbm>> -> memref<80x128xf32, #tpu.memory_space<hbm>>
      %dma_start3A_84 = arith.constant 0 : i32
      %dma_start3A_85 = tpu.memref_slice %arg11[%add3A_67, %dma_start3A_84] : memref<10240x128xf32, #tpu.memory_space<vmem_shared>> -> memref<80x128xf32, #tpu.memory_space<vmem_shared>>
      tpu.enqueue_dma source(%dma_start3A_85 : memref<80x128xf32, #tpu.memory_space<vmem_shared>>) target(%dma_start3A_83 : memref<80x128xf32, #tpu.memory_space<hbm>>) target_semaphore(%run_scoped3A_80 : memref<!tpu.dma_semaphore, #tpu.memory_space<semaphore_mem>>)
      %dma_wait3A_86 = arith.constant 0 : i32
      %dma_wait3A_87 = tpu.memref_slice %arg6[%arg0, %add3A_67, %dma_wait3A_86] : memref<2x10240x128xf32, #tpu.memory_space<hbm>> -> memref<1x80x128xf32, #tpu.memory_space<hbm>>
      %dma_wait3A_88 = tpu.memref_squeeze %dma_wait3A_87 : memref<1x80x128xf32, #tpu.memory_space<hbm>> -> memref<80x128xf32, #tpu.memory_space<hbm>>
      %dma_wait3A_89 = arith.constant 0 : i32
      %dma_wait3A_90 = tpu.memref_slice %arg11[%add3A_67, %dma_wait3A_89] : memref<10240x128xf32, #tpu.memory_space<vmem_shared>> -> memref<80x128xf32, #tpu.memory_space<vmem_shared>>
      tpu.wait_dma2 semaphore(%run_scoped3A_80 : memref<!tpu.dma_semaphore, #tpu.memory_space<semaphore_mem>>) src(%dma_wait3A_90 : memref<80x128xf32, #tpu.memory_space<vmem_shared>>) dst(%dma_wait3A_88 : memref<80x128xf32, #tpu.memory_space<hbm>>)
      tpu.yield
    }) : () -> ()
    %add3A_68 = arith.constant 160 : i32
    %add3A_69 = arith.addi %mul3A_2, %add3A_68 : i32
    "tpu.region"() ({
      %run_scoped3A_80 = tpu.sem_alloc : memref<!tpu.dma_semaphore, #tpu.memory_space<semaphore_mem>>
      %dma_start3A_81 = arith.constant 0 : i32
      %dma_start3A_82 = tpu.memref_slice %arg6[%arg0, %add3A_69, %dma_start3A_81] : memref<2x10240x128xf32, #tpu.memory_space<hbm>> -> memref<1x80x128xf32, #tpu.memory_space<hbm>>
      %dma_start3A_83 = tpu.memref_squeeze %dma_start3A_82 : memref<1x80x128xf32, #tpu.memory_space<hbm>> -> memref<80x128xf32, #tpu.memory_space<hbm>>
      %dma_start3A_84 = arith.constant 0 : i32
      %dma_start3A_85 = tpu.memref_slice %arg11[%add3A_69, %dma_start3A_84] : memref<10240x128xf32, #tpu.memory_space<vmem_shared>> -> memref<80x128xf32, #tpu.memory_space<vmem_shared>>
      tpu.enqueue_dma source(%dma_start3A_85 : memref<80x128xf32, #tpu.memory_space<vmem_shared>>) target(%dma_start3A_83 : memref<80x128xf32, #tpu.memory_space<hbm>>) target_semaphore(%run_scoped3A_80 : memref<!tpu.dma_semaphore, #tpu.memory_space<semaphore_mem>>)
      %dma_wait3A_86 = arith.constant 0 : i32
      %dma_wait3A_87 = tpu.memref_slice %arg6[%arg0, %add3A_69, %dma_wait3A_86] : memref<2x10240x128xf32, #tpu.memory_space<hbm>> -> memref<1x80x128xf32, #tpu.memory_space<hbm>>
      %dma_wait3A_88 = tpu.memref_squeeze %dma_wait3A_87 : memref<1x80x128xf32, #tpu.memory_space<hbm>> -> memref<80x128xf32, #tpu.memory_space<hbm>>
      %dma_wait3A_89 = arith.constant 0 : i32
      %dma_wait3A_90 = tpu.memref_slice %arg11[%add3A_69, %dma_wait3A_89] : memref<10240x128xf32, #tpu.memory_space<vmem_shared>> -> memref<80x128xf32, #tpu.memory_space<vmem_shared>>
      tpu.wait_dma2 semaphore(%run_scoped3A_80 : memref<!tpu.dma_semaphore, #tpu.memory_space<semaphore_mem>>) src(%dma_wait3A_90 : memref<80x128xf32, #tpu.memory_space<vmem_shared>>) dst(%dma_wait3A_88 : memref<80x128xf32, #tpu.memory_space<hbm>>)
      tpu.yield
    }) : () -> ()
    %add3A_70 = arith.constant 240 : i32
    %add3A_71 = arith.addi %mul3A_2, %add3A_70 : i32
    "tpu.region"() ({
      %run_scoped3A_80 = tpu.sem_alloc : memref<!tpu.dma_semaphore, #tpu.memory_space<semaphore_mem>>
      %dma_start3A_81 = arith.constant 0 : i32
      %dma_start3A_82 = tpu.memref_slice %arg6[%arg0, %add3A_71, %dma_start3A_81] : memref<2x10240x128xf32, #tpu.memory_space<hbm>> -> memref<1x80x128xf32, #tpu.memory_space<hbm>>
      %dma_start3A_83 = tpu.memref_squeeze %dma_start3A_82 : memref<1x80x128xf32, #tpu.memory_space<hbm>> -> memref<80x128xf32, #tpu.memory_space<hbm>>
      %dma_start3A_84 = arith.constant 0 : i32
      %dma_start3A_85 = tpu.memref_slice %arg11[%add3A_71, %dma_start3A_84] : memref<10240x128xf32, #tpu.memory_space<vmem_shared>> -> memref<80x128xf32, #tpu.memory_space<vmem_shared>>
      tpu.enqueue_dma source(%dma_start3A_85 : memref<80x128xf32, #tpu.memory_space<vmem_shared>>) target(%dma_start3A_83 : memref<80x128xf32, #tpu.memory_space<hbm>>) target_semaphore(%run_scoped3A_80 : memref<!tpu.dma_semaphore, #tpu.memory_space<semaphore_mem>>)
      %dma_wait3A_86 = arith.constant 0 : i32
      %dma_wait3A_87 = tpu.memref_slice %arg6[%arg0, %add3A_71, %dma_wait3A_86] : memref<2x10240x128xf32, #tpu.memory_space<hbm>> -> memref<1x80x128xf32, #tpu.memory_space<hbm>>
      %dma_wait3A_88 = tpu.memref_squeeze %dma_wait3A_87 : memref<1x80x128xf32, #tpu.memory_space<hbm>> -> memref<80x128xf32, #tpu.memory_space<hbm>>
      %dma_wait3A_89 = arith.constant 0 : i32
      %dma_wait3A_90 = tpu.memref_slice %arg11[%add3A_71, %dma_wait3A_89] : memref<10240x128xf32, #tpu.memory_space<vmem_shared>> -> memref<80x128xf32, #tpu.memory_space<vmem_shared>>
      tpu.wait_dma2 semaphore(%run_scoped3A_80 : memref<!tpu.dma_semaphore, #tpu.memory_space<semaphore_mem>>) src(%dma_wait3A_90 : memref<80x128xf32, #tpu.memory_space<vmem_shared>>) dst(%dma_wait3A_88 : memref<80x128xf32, #tpu.memory_space<hbm>>)
      tpu.yield
    }) : () -> ()
    %add3A_72 = arith.constant 320 : i32
    %add3A_73 = arith.addi %mul3A_2, %add3A_72 : i32
    "tpu.region"() ({
      %run_scoped3A_80 = tpu.sem_alloc : memref<!tpu.dma_semaphore, #tpu.memory_space<semaphore_mem>>
      %dma_start3A_81 = arith.constant 0 : i32
      %dma_start3A_82 = tpu.memref_slice %arg6[%arg0, %add3A_73, %dma_start3A_81] : memref<2x10240x128xf32, #tpu.memory_space<hbm>> -> memref<1x80x128xf32, #tpu.memory_space<hbm>>
      %dma_start3A_83 = tpu.memref_squeeze %dma_start3A_82 : memref<1x80x128xf32, #tpu.memory_space<hbm>> -> memref<80x128xf32, #tpu.memory_space<hbm>>
      %dma_start3A_84 = arith.constant 0 : i32
      %dma_start3A_85 = tpu.memref_slice %arg11[%add3A_73, %dma_start3A_84] : memref<10240x128xf32, #tpu.memory_space<vmem_shared>> -> memref<80x128xf32, #tpu.memory_space<vmem_shared>>
      tpu.enqueue_dma source(%dma_start3A_85 : memref<80x128xf32, #tpu.memory_space<vmem_shared>>) target(%dma_start3A_83 : memref<80x128xf32, #tpu.memory_space<hbm>>) target_semaphore(%run_scoped3A_80 : memref<!tpu.dma_semaphore, #tpu.memory_space<semaphore_mem>>)
      %dma_wait3A_86 = arith.constant 0 : i32
      %dma_wait3A_87 = tpu.memref_slice %arg6[%arg0, %add3A_73, %dma_wait3A_86] : memref<2x10240x128xf32, #tpu.memory_space<hbm>> -> memref<1x80x128xf32, #tpu.memory_space<hbm>>
      %dma_wait3A_88 = tpu.memref_squeeze %dma_wait3A_87 : memref<1x80x128xf32, #tpu.memory_space<hbm>> -> memref<80x128xf32, #tpu.memory_space<hbm>>
      %dma_wait3A_89 = arith.constant 0 : i32
      %dma_wait3A_90 = tpu.memref_slice %arg11[%add3A_73, %dma_wait3A_89] : memref<10240x128xf32, #tpu.memory_space<vmem_shared>> -> memref<80x128xf32, #tpu.memory_space<vmem_shared>>
      tpu.wait_dma2 semaphore(%run_scoped3A_80 : memref<!tpu.dma_semaphore, #tpu.memory_space<semaphore_mem>>) src(%dma_wait3A_90 : memref<80x128xf32, #tpu.memory_space<vmem_shared>>) dst(%dma_wait3A_88 : memref<80x128xf32, #tpu.memory_space<hbm>>)
      tpu.yield
    }) : () -> ()
    %add3A_74 = arith.constant 400 : i32
    %add3A_75 = arith.addi %mul3A_2, %add3A_74 : i32
    "tpu.region"() ({
      %run_scoped3A_80 = tpu.sem_alloc : memref<!tpu.dma_semaphore, #tpu.memory_space<semaphore_mem>>
      %dma_start3A_81 = arith.constant 0 : i32
      %dma_start3A_82 = tpu.memref_slice %arg6[%arg0, %add3A_75, %dma_start3A_81] : memref<2x10240x128xf32, #tpu.memory_space<hbm>> -> memref<1x80x128xf32, #tpu.memory_space<hbm>>
      %dma_start3A_83 = tpu.memref_squeeze %dma_start3A_82 : memref<1x80x128xf32, #tpu.memory_space<hbm>> -> memref<80x128xf32, #tpu.memory_space<hbm>>
      %dma_start3A_84 = arith.constant 0 : i32
      %dma_start3A_85 = tpu.memref_slice %arg11[%add3A_75, %dma_start3A_84] : memref<10240x128xf32, #tpu.memory_space<vmem_shared>> -> memref<80x128xf32, #tpu.memory_space<vmem_shared>>
      tpu.enqueue_dma source(%dma_start3A_85 : memref<80x128xf32, #tpu.memory_space<vmem_shared>>) target(%dma_start3A_83 : memref<80x128xf32, #tpu.memory_space<hbm>>) target_semaphore(%run_scoped3A_80 : memref<!tpu.dma_semaphore, #tpu.memory_space<semaphore_mem>>)
      %dma_wait3A_86 = arith.constant 0 : i32
      %dma_wait3A_87 = tpu.memref_slice %arg6[%arg0, %add3A_75, %dma_wait3A_86] : memref<2x10240x128xf32, #tpu.memory_space<hbm>> -> memref<1x80x128xf32, #tpu.memory_space<hbm>>
      %dma_wait3A_88 = tpu.memref_squeeze %dma_wait3A_87 : memref<1x80x128xf32, #tpu.memory_space<hbm>> -> memref<80x128xf32, #tpu.memory_space<hbm>>
      %dma_wait3A_89 = arith.constant 0 : i32
      %dma_wait3A_90 = tpu.memref_slice %arg11[%add3A_75, %dma_wait3A_89] : memref<10240x128xf32, #tpu.memory_space<vmem_shared>> -> memref<80x128xf32, #tpu.memory_space<vmem_shared>>
      tpu.wait_dma2 semaphore(%run_scoped3A_80 : memref<!tpu.dma_semaphore, #tpu.memory_space<semaphore_mem>>) src(%dma_wait3A_90 : memref<80x128xf32, #tpu.memory_space<vmem_shared>>) dst(%dma_wait3A_88 : memref<80x128xf32, #tpu.memory_space<hbm>>)
      tpu.yield
    }) : () -> ()
    %add3A_76 = arith.constant 480 : i32
    %add3A_77 = arith.addi %mul3A_2, %add3A_76 : i32
    "tpu.region"() ({
      %run_scoped3A_80 = tpu.sem_alloc : memref<!tpu.dma_semaphore, #tpu.memory_space<semaphore_mem>>
      %dma_start3A_81 = arith.constant 0 : i32
      %dma_start3A_82 = tpu.memref_slice %arg6[%arg0, %add3A_77, %dma_start3A_81] : memref<2x10240x128xf32, #tpu.memory_space<hbm>> -> memref<1x80x128xf32, #tpu.memory_space<hbm>>
      %dma_start3A_83 = tpu.memref_squeeze %dma_start3A_82 : memref<1x80x128xf32, #tpu.memory_space<hbm>> -> memref<80x128xf32, #tpu.memory_space<hbm>>
      %dma_start3A_84 = arith.constant 0 : i32
      %dma_start3A_85 = tpu.memref_slice %arg11[%add3A_77, %dma_start3A_84] : memref<10240x128xf32, #tpu.memory_space<vmem_shared>> -> memref<80x128xf32, #tpu.memory_space<vmem_shared>>
      tpu.enqueue_dma source(%dma_start3A_85 : memref<80x128xf32, #tpu.memory_space<vmem_shared>>) target(%dma_start3A_83 : memref<80x128xf32, #tpu.memory_space<hbm>>) target_semaphore(%run_scoped3A_80 : memref<!tpu.dma_semaphore, #tpu.memory_space<semaphore_mem>>)
      %dma_wait3A_86 = arith.constant 0 : i32
      %dma_wait3A_87 = tpu.memref_slice %arg6[%arg0, %add3A_77, %dma_wait3A_86] : memref<2x10240x128xf32, #tpu.memory_space<hbm>> -> memref<1x80x128xf32, #tpu.memory_space<hbm>>
      %dma_wait3A_88 = tpu.memref_squeeze %dma_wait3A_87 : memref<1x80x128xf32, #tpu.memory_space<hbm>> -> memref<80x128xf32, #tpu.memory_space<hbm>>
      %dma_wait3A_89 = arith.constant 0 : i32
      %dma_wait3A_90 = tpu.memref_slice %arg11[%add3A_77, %dma_wait3A_89] : memref<10240x128xf32, #tpu.memory_space<vmem_shared>> -> memref<80x128xf32, #tpu.memory_space<vmem_shared>>
      tpu.wait_dma2 semaphore(%run_scoped3A_80 : memref<!tpu.dma_semaphore, #tpu.memory_space<semaphore_mem>>) src(%dma_wait3A_90 : memref<80x128xf32, #tpu.memory_space<vmem_shared>>) dst(%dma_wait3A_88 : memref<80x128xf32, #tpu.memory_space<hbm>>)
      tpu.yield
    }) : () -> ()
    %add3A_78 = arith.constant 560 : i32
    %add3A_79 = arith.addi %mul3A_2, %add3A_78 : i32
    "tpu.region"() ({
      %run_scoped3A_80 = tpu.sem_alloc : memref<!tpu.dma_semaphore, #tpu.memory_space<semaphore_mem>>
      %dma_start3A_81 = arith.constant 0 : i32
      %dma_start3A_82 = tpu.memref_slice %arg6[%arg0, %add3A_79, %dma_start3A_81] : memref<2x10240x128xf32, #tpu.memory_space<hbm>> -> memref<1x80x128xf32, #tpu.memory_space<hbm>>
      %dma_start3A_83 = tpu.memref_squeeze %dma_start3A_82 : memref<1x80x128xf32, #tpu.memory_space<hbm>> -> memref<80x128xf32, #tpu.memory_space<hbm>>
      %dma_start3A_84 = arith.constant 0 : i32
      %dma_start3A_85 = tpu.memref_slice %arg11[%add3A_79, %dma_start3A_84] : memref<10240x128xf32, #tpu.memory_space<vmem_shared>> -> memref<80x128xf32, #tpu.memory_space<vmem_shared>>
      tpu.enqueue_dma source(%dma_start3A_85 : memref<80x128xf32, #tpu.memory_space<vmem_shared>>) target(%dma_start3A_83 : memref<80x128xf32, #tpu.memory_space<hbm>>) target_semaphore(%run_scoped3A_80 : memref<!tpu.dma_semaphore, #tpu.memory_space<semaphore_mem>>)
      %dma_wait3A_86 = arith.constant 0 : i32
      %dma_wait3A_87 = tpu.memref_slice %arg6[%arg0, %add3A_79, %dma_wait3A_86] : memref<2x10240x128xf32, #tpu.memory_space<hbm>> -> memref<1x80x128xf32, #tpu.memory_space<hbm>>
      %dma_wait3A_88 = tpu.memref_squeeze %dma_wait3A_87 : memref<1x80x128xf32, #tpu.memory_space<hbm>> -> memref<80x128xf32, #tpu.memory_space<hbm>>
      %dma_wait3A_89 = arith.constant 0 : i32
      %dma_wait3A_90 = tpu.memref_slice %arg11[%add3A_79, %dma_wait3A_89] : memref<10240x128xf32, #tpu.memory_space<vmem_shared>> -> memref<80x128xf32, #tpu.memory_space<vmem_shared>>
      tpu.wait_dma2 semaphore(%run_scoped3A_80 : memref<!tpu.dma_semaphore, #tpu.memory_space<semaphore_mem>>) src(%dma_wait3A_90 : memref<80x128xf32, #tpu.memory_space<vmem_shared>>) dst(%dma_wait3A_88 : memref<80x128xf32, #tpu.memory_space<hbm>>)
      tpu.yield
    }) : () -> ()
    return
  }
}

module attributes {stable_mosaic.version = 14 : i64} {
  func.func @_dense_body(%arg0: i32, %arg1: memref<2x2000x128xf32, #tpu.memory_space<vmem>>, %arg2: memref<2000x1xf32, #tpu.memory_space<vmem>>, %arg3: memref<2000x1xf32, #tpu.memory_space<vmem>>, %arg4: memref<2000x128xf32, #tpu.memory_space<vmem>>, %arg5: memref<128x128xf32, #tpu.memory_space<vmem>>, %arg6: memref<128xf32, #tpu.memory_space<vmem>>, %arg7: memref<128x128xf32, #tpu.memory_space<vmem>>, %arg8: memref<2000x128xf32, #tpu.memory_space<vmem>>) attributes {dimension_semantics = [#tpu.dimension_semantics<arbitrary>], iteration_bounds = array<i64: 5>, scalar_prefetch = 0 : i64, scratch_operands = 0 : i64, tpu.core_type = #tpu.core_type<tc>, window_params = [{transform_indices = @transform_0, window_bounds = array<i64: 2, 2000, 128>}, {transform_indices = @transform_1, window_bounds = array<i64: 2000, 1>}, {transform_indices = @transform_2, window_bounds = array<i64: 2000, 1>}, {transform_indices = @transform_3, window_bounds = array<i64: 2000, 128>}, {pipeline_mode = #tpu.pipeline_mode<synchronous>, transform_indices = @transform_4, window_bounds = array<i64: 128, 128>}, {pipeline_mode = #tpu.pipeline_mode<synchronous>, transform_indices = @transform_5, window_bounds = array<i64: 128>}, {pipeline_mode = #tpu.pipeline_mode<synchronous>, transform_indices = @transform_6, window_bounds = array<i64: 128, 128>}, {transform_indices = @transform_7, window_bounds = array<i64: 2000, 128>}]} {
    %get3A = arith.constant 0 : index
    %get3A_0 = arith.constant 0 : index
    %get3A_1 = arith.constant 0 : index
    %get3A_2 = vector.load %arg1[%get3A, %get3A_0, %get3A_1] : memref<2x2000x128xf32, #tpu.memory_space<vmem>>, vector<1x2000x128xf32>
    %get3A_3 = vector.shape_cast %get3A_2 : vector<1x2000x128xf32> to vector<2000x128xf32>
    %get3A_4 = arith.constant 1 : index
    %get3A_5 = arith.constant 0 : index
    %get3A_6 = arith.constant 0 : index
    %get3A_7 = vector.load %arg1[%get3A_4, %get3A_5, %get3A_6] : memref<2x2000x128xf32, #tpu.memory_space<vmem>>, vector<1x2000x128xf32>
    %get3A_8 = vector.shape_cast %get3A_7 : vector<1x2000x128xf32> to vector<2000x128xf32>
    %add3A = arith.addf %get3A_3, %get3A_8 : vector<2000x128xf32>
    %get3A_9 = arith.constant 0 : index
    %get3A_10 = arith.constant 0 : index
    %get3A_11 = vector.load %arg2[%get3A_9, %get3A_10] : memref<2000x1xf32, #tpu.memory_space<vmem>>, vector<2000x1xf32>
    %get3A_12 = arith.constant 0 : index
    %get3A_13 = arith.constant 0 : index
    %get3A_14 = vector.load %arg3[%get3A_12, %get3A_13] : memref<2000x1xf32, #tpu.memory_space<vmem>>, vector<2000x1xf32>
    %add3A_15 = arith.addf %get3A_11, %get3A_14 : vector<2000x1xf32>
    %max3A = arith.constant 1.000000e+00 : f32
    %max3A_16 = vector.broadcast %max3A : f32 to vector<2000x1xf32>
    %max3A_17 = arith.maximumf %add3A_15, %max3A_16 : vector<2000x1xf32>
    %div3A = vector.broadcast %max3A_17 : vector<2000x1xf32> to vector<2000x128xf32>
    %div3A_18 = arith.divf %add3A, %div3A : vector<2000x128xf32>
    %get3A_19 = arith.constant 0 : index
    %get3A_20 = arith.constant 0 : index
    %get3A_21 = vector.load %arg5[%get3A_19, %get3A_20] : memref<128x128xf32, #tpu.memory_space<vmem>>, vector<128x128xf32>
    %dot_general3A = arith.constant dense<0.000000e+00> : vector<2000x128xf32>
    %dot_general3A_22 = tpu.matmul %div3A_18, %get3A_21, %dot_general3A {dimension_numbers = #tpu.dot_dimension_numbers<[1], [0], [0], [1], [0, 0, 1, 1], [], []>, transpose_lhs_hint = false} : vector<2000x128xf32>, vector<128x128xf32>, vector<2000x128xf32> -> vector<2000x128xf32>
    %get3A_23 = arith.constant 0 : index
    %get3A_24 = vector.load %arg6[%get3A_23] : memref<128xf32, #tpu.memory_space<vmem>>, vector<128xf32>
    %broadcast_in_dim3A = vector.shape_cast %get3A_24 : vector<128xf32> to vector<1x128xf32>
    %add3A_25 = vector.broadcast %broadcast_in_dim3A : vector<1x128xf32> to vector<2000x128xf32>
    %add3A_26 = arith.addf %dot_general3A_22, %add3A_25 : vector<2000x128xf32>
    %get3A_27 = arith.constant 0 : index
    %get3A_28 = arith.constant 0 : index
    %get3A_29 = vector.load %arg4[%get3A_27, %get3A_28] : memref<2000x128xf32, #tpu.memory_space<vmem>>, vector<2000x128xf32>
    %get3A_30 = arith.constant 0 : index
    %get3A_31 = arith.constant 0 : index
    %get3A_32 = vector.load %arg7[%get3A_30, %get3A_31] : memref<128x128xf32, #tpu.memory_space<vmem>>, vector<128x128xf32>
    %dot_general3A_33 = arith.constant dense<0.000000e+00> : vector<2000x128xf32>
    %dot_general3A_34 = tpu.matmul %get3A_29, %get3A_32, %dot_general3A_33 {dimension_numbers = #tpu.dot_dimension_numbers<[1], [0], [0], [1], [0, 0, 1, 1], [], []>, transpose_lhs_hint = false} : vector<2000x128xf32>, vector<128x128xf32>, vector<2000x128xf32> -> vector<2000x128xf32>
    %add3A_35 = arith.addf %add3A_26, %dot_general3A_34 : vector<2000x128xf32>
    %max3A_36 = arith.constant 0.000000e+00 : f32
    %max3A_37 = vector.broadcast %max3A_36 : f32 to vector<2000x128xf32>
    %max3A_38 = arith.maximumf %add3A_35, %max3A_37 : vector<2000x128xf32>
    %swap3A = arith.constant 0 : index
    %swap3A_39 = arith.constant 0 : index
    %swap3A_40 = vector.load %arg8[%swap3A, %swap3A_39] : memref<2000x128xf32, #tpu.memory_space<vmem>>, vector<2000x128xf32>
    tpu.vector_store %arg8[%swap3A, %swap3A_39], %max3A_38 {strides = array<i32>} : memref<2000x128xf32, #tpu.memory_space<vmem>>, vector<2000x128xf32>,
    return
  }
  func.func @transform_0(%arg0: i32) -> (i32, i32, i32) {
    %c0_i32 = arith.constant 0 : i32
    %c0_i32_0 = arith.constant 0 : i32
    %c0_i32_1 = arith.constant 0 : i32
    return %c0_i32, %arg0, %c0_i32_0 : i32, i32, i32
  }
  func.func @transform_1(%arg0: i32) -> (i32, i32) {
    %c0_i32 = arith.constant 0 : i32
    %c0_i32_0 = arith.constant 0 : i32
    return %arg0, %c0_i32 : i32, i32
  }
  func.func @transform_2(%arg0: i32) -> (i32, i32) {
    %c0_i32 = arith.constant 0 : i32
    %c0_i32_0 = arith.constant 0 : i32
    return %arg0, %c0_i32 : i32, i32
  }
  func.func @transform_3(%arg0: i32) -> (i32, i32) {
    %c0_i32 = arith.constant 0 : i32
    %c0_i32_0 = arith.constant 0 : i32
    return %arg0, %c0_i32 : i32, i32
  }
  func.func @transform_4(%arg0: i32) -> (i32, i32) {
    %c0_i32 = arith.constant 0 : i32
    %c0_i32_0 = arith.constant 0 : i32
    %c0_i32_1 = arith.constant 0 : i32
    return %c0_i32, %c0_i32_0 : i32, i32
  }
  func.func @transform_5(%arg0: i32) -> i32 {
    %c0_i32 = arith.constant 0 : i32
    %c0_i32_0 = arith.constant 0 : i32
    return %c0_i32 : i32
  }
  func.func @transform_6(%arg0: i32) -> (i32, i32) {
    %c0_i32 = arith.constant 0 : i32
    %c0_i32_0 = arith.constant 0 : i32
    %c0_i32_1 = arith.constant 0 : i32
    return %c0_i32, %c0_i32_0 : i32, i32
  }
  func.func @transform_7(%arg0: i32) -> (i32, i32) {
    %c0_i32 = arith.constant 0 : i32
    %c0_i32_0 = arith.constant 0 : i32
    return %arg0, %c0_i32 : i32, i32
  }
}

module attributes {stable_mosaic.version = 14 : i64} {
  func.func @_final_body(%arg0: i32, %arg1: memref<2x2000x128xf32, #tpu.memory_space<vmem>>, %arg2: memref<2000x1xf32, #tpu.memory_space<vmem>>, %arg3: memref<2000x1xf32, #tpu.memory_space<vmem>>, %arg4: memref<2000x128xf32, #tpu.memory_space<vmem>>, %arg5: memref<128x128xf32, #tpu.memory_space<vmem>>, %arg6: memref<128xf32, #tpu.memory_space<vmem>>, %arg7: memref<128x128xf32, #tpu.memory_space<vmem>>, %arg8: memref<1x1x2000xi32, #tpu.memory_space<vmem>>, %arg9: memref<128x128xf32, #tpu.memory_space<vmem>>, %arg10: memref<128xf32, #tpu.memory_space<vmem>>, %arg11: memref<128x2xf32, #tpu.memory_space<vmem>>, %arg12: memref<2xf32, #tpu.memory_space<vmem>>, %arg13: memref<64x2xf32, #tpu.memory_space<vmem>>, %arg14: memref<64x128xf32, #tpu.memory_space<vmem>>, %arg15: memref<64x128xf32, #tpu.memory_space<vmem>>) attributes {dimension_semantics = [#tpu.dimension_semantics<arbitrary>], iteration_bounds = array<i64: 5>, scalar_prefetch = 0 : i64, scratch_operands = 2 : i64, tpu.core_type = #tpu.core_type<tc>, window_params = [{transform_indices = @transform_0, window_bounds = array<i64: 2, 2000, 128>}, {transform_indices = @transform_1, window_bounds = array<i64: 2000, 1>}, {transform_indices = @transform_2, window_bounds = array<i64: 2000, 1>}, {transform_indices = @transform_3, window_bounds = array<i64: 2000, 128>}, {pipeline_mode = #tpu.pipeline_mode<synchronous>, transform_indices = @transform_4, window_bounds = array<i64: 128, 128>}, {pipeline_mode = #tpu.pipeline_mode<synchronous>, transform_indices = @transform_5, window_bounds = array<i64: 128>}, {pipeline_mode = #tpu.pipeline_mode<synchronous>, transform_indices = @transform_6, window_bounds = array<i64: 128, 128>}, {transform_indices = @transform_7, window_bounds = array<i64: 1, 1, 2000>}, {pipeline_mode = #tpu.pipeline_mode<synchronous>, transform_indices = @transform_8, window_bounds = array<i64: 128, 128>}, {pipeline_mode = #tpu.pipeline_mode<synchronous>, transform_indices = @transform_9, window_bounds = array<i64: 128>}, {pipeline_mode = #tpu.pipeline_mode<synchronous>, transform_indices = @transform_10, window_bounds = array<i64: 128, 2>}, {pipeline_mode = #tpu.pipeline_mode<synchronous>, transform_indices = @transform_11, window_bounds = array<i64: 2>}, {pipeline_mode = #tpu.pipeline_mode<synchronous>, transform_indices = @transform_12, window_bounds = array<i64: 64, 2>}]} {
    %eq3A = arith.constant 0 : i32
    %eq3A_0 = arith.cmpi eq, %arg0, %eq3A : i32
    %convert_element_type3A = arith.extui %eq3A_0 : i1 to i32
    %cond3A = arith.constant 0 : i32
    %cond3A_1 = arith.cmpi ne, %convert_element_type3A, %cond3A : i32
    scf.if %cond3A_1 {
      %broadcast_in_dim3A_75 = arith.constant 0.000000e+00 : f32
      %broadcast_in_dim3A_76 = vector.broadcast %broadcast_in_dim3A_75 : f32 to vector<64x128xf32>
      %swap3A_77 = arith.constant 0 : index
      %swap3A_78 = arith.constant 0 : index
      %swap3A_79 = vector.load %arg14[%swap3A_77, %swap3A_78] : memref<64x128xf32, #tpu.memory_space<vmem>>, vector<64x128xf32>
      tpu.vector_store %arg14[%swap3A_77, %swap3A_78], %broadcast_in_dim3A_76 {strides = array<i32>} : memref<64x128xf32, #tpu.memory_space<vmem>>, vector<64x128xf32>,
      %broadcast_in_dim3A_80 = arith.constant 0.000000e+00 : f32
      %broadcast_in_dim3A_81 = vector.broadcast %broadcast_in_dim3A_80 : f32 to vector<64x128xf32>
      %swap3A_82 = arith.constant 0 : index
      %swap3A_83 = arith.constant 0 : index
      %swap3A_84 = vector.load %arg15[%swap3A_82, %swap3A_83] : memref<64x128xf32, #tpu.memory_space<vmem>>, vector<64x128xf32>
      tpu.vector_store %arg15[%swap3A_82, %swap3A_83], %broadcast_in_dim3A_81 {strides = array<i32>} : memref<64x128xf32, #tpu.memory_space<vmem>>, vector<64x128xf32>,
    } else {
    }
    %get3A = arith.constant 0 : index
    %get3A_2 = arith.constant 0 : index
    %get3A_3 = arith.constant 0 : index
    %get3A_4 = vector.load %arg1[%get3A, %get3A_2, %get3A_3] : memref<2x2000x128xf32, #tpu.memory_space<vmem>>, vector<1x2000x128xf32>
    %get3A_5 = vector.shape_cast %get3A_4 : vector<1x2000x128xf32> to vector<2000x128xf32>
    %get3A_6 = arith.constant 1 : index
    %get3A_7 = arith.constant 0 : index
    %get3A_8 = arith.constant 0 : index
    %get3A_9 = vector.load %arg1[%get3A_6, %get3A_7, %get3A_8] : memref<2x2000x128xf32, #tpu.memory_space<vmem>>, vector<1x2000x128xf32>
    %get3A_10 = vector.shape_cast %get3A_9 : vector<1x2000x128xf32> to vector<2000x128xf32>
    %add3A = arith.addf %get3A_5, %get3A_10 : vector<2000x128xf32>
    %get3A_11 = arith.constant 0 : index
    %get3A_12 = arith.constant 0 : index
    %get3A_13 = vector.load %arg2[%get3A_11, %get3A_12] : memref<2000x1xf32, #tpu.memory_space<vmem>>, vector<2000x1xf32>
    %get3A_14 = arith.constant 0 : index
    %get3A_15 = arith.constant 0 : index
    %get3A_16 = vector.load %arg3[%get3A_14, %get3A_15] : memref<2000x1xf32, #tpu.memory_space<vmem>>, vector<2000x1xf32>
    %add3A_17 = arith.addf %get3A_13, %get3A_16 : vector<2000x1xf32>
    %max3A = arith.constant 1.000000e+00 : f32
    %max3A_18 = vector.broadcast %max3A : f32 to vector<2000x1xf32>
    %max3A_19 = arith.maximumf %add3A_17, %max3A_18 : vector<2000x1xf32>
    %div3A = vector.broadcast %max3A_19 : vector<2000x1xf32> to vector<2000x128xf32>
    %div3A_20 = arith.divf %add3A, %div3A : vector<2000x128xf32>
    %get3A_21 = arith.constant 0 : index
    %get3A_22 = arith.constant 0 : index
    %get3A_23 = vector.load %arg5[%get3A_21, %get3A_22] : memref<128x128xf32, #tpu.memory_space<vmem>>, vector<128x128xf32>
    %dot_general3A = arith.constant dense<0.000000e+00> : vector<2000x128xf32>
    %dot_general3A_24 = tpu.matmul %div3A_20, %get3A_23, %dot_general3A {dimension_numbers = #tpu.dot_dimension_numbers<[1], [0], [0], [1], [0, 0, 1, 1], [], []>, transpose_lhs_hint = false} : vector<2000x128xf32>, vector<128x128xf32>, vector<2000x128xf32> -> vector<2000x128xf32>
    %get3A_25 = arith.constant 0 : index
    %get3A_26 = vector.load %arg6[%get3A_25] : memref<128xf32, #tpu.memory_space<vmem>>, vector<128xf32>
    %broadcast_in_dim3A = vector.shape_cast %get3A_26 : vector<128xf32> to vector<1x128xf32>
    %add3A_27 = vector.broadcast %broadcast_in_dim3A : vector<1x128xf32> to vector<2000x128xf32>
    %add3A_28 = arith.addf %dot_general3A_24, %add3A_27 : vector<2000x128xf32>
    %get3A_29 = arith.constant 0 : index
    %get3A_30 = arith.constant 0 : index
    %get3A_31 = vector.load %arg4[%get3A_29, %get3A_30] : memref<2000x128xf32, #tpu.memory_space<vmem>>, vector<2000x128xf32>
    %get3A_32 = arith.constant 0 : index
    %get3A_33 = arith.constant 0 : index
    %get3A_34 = vector.load %arg7[%get3A_32, %get3A_33] : memref<128x128xf32, #tpu.memory_space<vmem>>, vector<128x128xf32>
    %dot_general3A_35 = arith.constant dense<0.000000e+00> : vector<2000x128xf32>
    %dot_general3A_36 = tpu.matmul %get3A_31, %get3A_34, %dot_general3A_35 {dimension_numbers = #tpu.dot_dimension_numbers<[1], [0], [0], [1], [0, 0, 1, 1], [], []>, transpose_lhs_hint = false} : vector<2000x128xf32>, vector<128x128xf32>, vector<2000x128xf32> -> vector<2000x128xf32>
    %add3A_37 = arith.addf %add3A_28, %dot_general3A_36 : vector<2000x128xf32>
    %max3A_38 = arith.constant 0.000000e+00 : f32
    %max3A_39 = vector.broadcast %max3A_38 : f32 to vector<2000x128xf32>
    %max3A_40 = arith.maximumf %add3A_37, %max3A_39 : vector<2000x128xf32>
    %get3A_41 = arith.constant 0 : index
    %get3A_42 = arith.constant 0 : index
    %get3A_43 = arith.constant 0 : index
    %get3A_44 = vector.load %arg8[%get3A_41, %get3A_42, %get3A_43] : memref<1x1x2000xi32, #tpu.memory_space<vmem>>, vector<1x1x2000xi32>
    %get3A_45 = vector.shape_cast %get3A_44 : vector<1x1x2000xi32> to vector<1x2000xi32>
    %iota3A = tpu.iota {dimensions = array<i32: 0>} : vector<64x2000xi32>
    %broadcast_in_dim3A_46 = vector.shape_cast %get3A_45 : vector<1x2000xi32> to vector<1x2000xi32>
    %broadcast_in_dim3A_47 = vector.broadcast %broadcast_in_dim3A_46 : vector<1x2000xi32> to vector<64x2000xi32>
    %eq3A_48 = arith.cmpi eq, %iota3A, %broadcast_in_dim3A_47 : vector<64x2000xi32>
    %convert_element_type3A_49 = arith.extui %eq3A_48 : vector<64x2000xi1> to vector<64x2000xi32>
    %convert_element_type3A_50 = arith.sitofp %convert_element_type3A_49 : vector<64x2000xi32> to vector<64x2000xf32>
    %get3A_51 = arith.constant 0 : index
    %get3A_52 = arith.constant 0 : index
    %get3A_53 = vector.load %arg14[%get3A_51, %get3A_52] : memref<64x128xf32, #tpu.memory_space<vmem>>, vector<64x128xf32>
    %dot_general3A_54 = arith.constant dense<0.000000e+00> : vector<64x128xf32>
    %dot_general3A_55 = tpu.matmul %convert_element_type3A_50, %max3A_40, %dot_general3A_54 {dimension_numbers = #tpu.dot_dimension_numbers<[1], [0], [0], [1], [0, 0, 1, 1], [], []>, precision = #tpu.contract_precision<fp32>, transpose_lhs_hint = false} : vector<64x2000xf32>, vector<2000x128xf32>, vector<64x128xf32> -> vector<64x128xf32>
    %add3A_56 = arith.addf %get3A_53, %dot_general3A_55 : vector<64x128xf32>
    %swap3A = arith.constant 0 : index
    %swap3A_57 = arith.constant 0 : index
    %swap3A_58 = vector.load %arg14[%swap3A, %swap3A_57] : memref<64x128xf32, #tpu.memory_space<vmem>>, vector<64x128xf32>
    tpu.vector_store %arg14[%swap3A, %swap3A_57], %add3A_56 {strides = array<i32>} : memref<64x128xf32, #tpu.memory_space<vmem>>, vector<64x128xf32>,
    %get3A_59 = arith.constant 0 : index
    %get3A_60 = arith.constant 0 : index
    %get3A_61 = vector.load %arg15[%get3A_59, %get3A_60] : memref<64x128xf32, #tpu.memory_space<vmem>>, vector<64x128xf32>
    %reduce_sum3A = arith.constant dense<0.000000e+00> : vector<64xf32>
    %reduce_sum3A_62 = vector.multi_reduction <add>, %convert_element_type3A_50, %reduce_sum3A [1] : vector<64x2000xf32> to vector<64xf32>
    %broadcast_in_dim3A_63 = vector.shape_cast %reduce_sum3A_62 : vector<64xf32> to vector<64x1xf32>
    %broadcast_in_dim3A_64 = vector.shape_cast %broadcast_in_dim3A_63 : vector<64x1xf32> to vector<64x1xf32>
    %broadcast_in_dim3A_65 = vector.broadcast %broadcast_in_dim3A_64 : vector<64x1xf32> to vector<64x128xf32>
    %add3A_66 = arith.addf %get3A_61, %broadcast_in_dim3A_65 : vector<64x128xf32>
    %swap3A_67 = arith.constant 0 : index
    %swap3A_68 = arith.constant 0 : index
    %swap3A_69 = vector.load %arg15[%swap3A_67, %swap3A_68] : memref<64x128xf32, #tpu.memory_space<vmem>>, vector<64x128xf32>
    tpu.vector_store %arg15[%swap3A_67, %swap3A_68], %add3A_66 {strides = array<i32>} : memref<64x128xf32, #tpu.memory_space<vmem>>, vector<64x128xf32>,
    %eq3A_70 = arith.constant 4 : i32
    %eq3A_71 = arith.cmpi eq, %arg0, %eq3A_70 : i32
    %convert_element_type3A_72 = arith.extui %eq3A_71 : i1 to i32
    %cond3A_73 = arith.constant 0 : i32
    %cond3A_74 = arith.cmpi ne, %convert_element_type3A_72, %cond3A_73 : i32
    scf.if %cond3A_74 {
      %get3A_75 = arith.constant 0 : index
      %get3A_76 = arith.constant 0 : index
      %get3A_77 = vector.load %arg14[%get3A_75, %get3A_76] : memref<64x128xf32, #tpu.memory_space<vmem>>, vector<64x128xf32>
      %get3A_78 = arith.constant 0 : index
      %get3A_79 = arith.constant 0 : index
      %get3A_80 = vector.load %arg15[%get3A_78, %get3A_79] : memref<64x128xf32, #tpu.memory_space<vmem>>, vector<64x128xf32>
      %max3A_81 = arith.constant 1.000000e+00 : f32
      %max3A_82 = vector.broadcast %max3A_81 : f32 to vector<64x128xf32>
      %max3A_83 = arith.maximumf %get3A_80, %max3A_82 : vector<64x128xf32>
      %div3A_84 = arith.divf %get3A_77, %max3A_83 : vector<64x128xf32>
      %get3A_85 = arith.constant 0 : index
      %get3A_86 = arith.constant 0 : index
      %get3A_87 = vector.load %arg9[%get3A_85, %get3A_86] : memref<128x128xf32, #tpu.memory_space<vmem>>, vector<128x128xf32>
      %dot_general3A_88 = arith.constant dense<0.000000e+00> : vector<64x128xf32>
      %dot_general3A_89 = tpu.matmul %div3A_84, %get3A_87, %dot_general3A_88 {dimension_numbers = #tpu.dot_dimension_numbers<[1], [0], [0], [1], [0, 0, 1, 1], [], []>, transpose_lhs_hint = false} : vector<64x128xf32>, vector<128x128xf32>, vector<64x128xf32> -> vector<64x128xf32>
      %get3A_90 = arith.constant 0 : index
      %get3A_91 = vector.load %arg10[%get3A_90] : memref<128xf32, #tpu.memory_space<vmem>>, vector<128xf32>
      %broadcast_in_dim3A_92 = vector.shape_cast %get3A_91 : vector<128xf32> to vector<1x128xf32>
      %add3A_93 = vector.broadcast %broadcast_in_dim3A_92 : vector<1x128xf32> to vector<64x128xf32>
      %add3A_94 = arith.addf %dot_general3A_89, %add3A_93 : vector<64x128xf32>
      %max3A_95 = arith.constant 0.000000e+00 : f32
      %max3A_96 = vector.broadcast %max3A_95 : f32 to vector<64x128xf32>
      %max3A_97 = arith.maximumf %add3A_94, %max3A_96 : vector<64x128xf32>
      %get3A_98 = arith.constant 0 : index
      %get3A_99 = arith.constant 0 : index
      %get3A_100 = vector.load %arg11[%get3A_98, %get3A_99] : memref<128x2xf32, #tpu.memory_space<vmem>>, vector<128x2xf32>
      %dot_general3A_101 = arith.constant dense<0.000000e+00> : vector<64x2xf32>
      %dot_general3A_102 = tpu.matmul %max3A_97, %get3A_100, %dot_general3A_101 {dimension_numbers = #tpu.dot_dimension_numbers<[1], [0], [0], [1], [0, 0, 1, 1], [], []>, transpose_lhs_hint = false} : vector<64x128xf32>, vector<128x2xf32>, vector<64x2xf32> -> vector<64x2xf32>
      %get3A_103 = arith.constant 0 : index
      %get3A_104 = vector.load %arg12[%get3A_103] : memref<2xf32, #tpu.memory_space<vmem>>, vector<2xf32>
      %broadcast_in_dim3A_105 = vector.shape_cast %get3A_104 : vector<2xf32> to vector<1x2xf32>
      %add3A_106 = vector.broadcast %broadcast_in_dim3A_105 : vector<1x2xf32> to vector<64x2xf32>
      %add3A_107 = arith.addf %dot_general3A_102, %add3A_106 : vector<64x2xf32>
      %swap3A_108 = arith.constant 0 : index
      %swap3A_109 = arith.constant 0 : index
      %swap3A_110 = vector.load %arg13[%swap3A_108, %swap3A_109] : memref<64x2xf32, #tpu.memory_space<vmem>>, vector<64x2xf32>
      tpu.vector_store %arg13[%swap3A_108, %swap3A_109], %add3A_107 {strides = array<i32>} : memref<64x2xf32, #tpu.memory_space<vmem>>, vector<64x2xf32>,
    } else {
    }
    return
  }
  func.func @transform_0(%arg0: i32) -> (i32, i32, i32) {
    %c0_i32 = arith.constant 0 : i32
    %c0_i32_0 = arith.constant 0 : i32
    %c0_i32_1 = arith.constant 0 : i32
    return %c0_i32, %arg0, %c0_i32_0 : i32, i32, i32
  }
  func.func @transform_1(%arg0: i32) -> (i32, i32) {
    %c0_i32 = arith.constant 0 : i32
    %c0_i32_0 = arith.constant 0 : i32
    return %arg0, %c0_i32 : i32, i32
  }
  func.func @transform_2(%arg0: i32) -> (i32, i32) {
    %c0_i32 = arith.constant 0 : i32
    %c0_i32_0 = arith.constant 0 : i32
    return %arg0, %c0_i32 : i32, i32
  }
  func.func @transform_3(%arg0: i32) -> (i32, i32) {
    %c0_i32 = arith.constant 0 : i32
    %c0_i32_0 = arith.constant 0 : i32
    return %arg0, %c0_i32 : i32, i32
  }
  func.func @transform_4(%arg0: i32) -> (i32, i32) {
    %c0_i32 = arith.constant 0 : i32
    %c0_i32_0 = arith.constant 0 : i32
    %c0_i32_1 = arith.constant 0 : i32
    return %c0_i32, %c0_i32_0 : i32, i32
  }
  func.func @transform_5(%arg0: i32) -> i32 {
    %c0_i32 = arith.constant 0 : i32
    %c0_i32_0 = arith.constant 0 : i32
    return %c0_i32 : i32
  }
  func.func @transform_6(%arg0: i32) -> (i32, i32) {
    %c0_i32 = arith.constant 0 : i32
    %c0_i32_0 = arith.constant 0 : i32
    %c0_i32_1 = arith.constant 0 : i32
    return %c0_i32, %c0_i32_0 : i32, i32
  }
  func.func @transform_7(%arg0: i32) -> (i32, i32, i32) {
    %c0_i32 = arith.constant 0 : i32
    %c0_i32_0 = arith.constant 0 : i32
    %c0_i32_1 = arith.constant 0 : i32
    return %arg0, %c0_i32, %c0_i32_0 : i32, i32, i32
  }
  func.func @transform_8(%arg0: i32) -> (i32, i32) {
    %c0_i32 = arith.constant 0 : i32
    %c0_i32_0 = arith.constant 0 : i32
    %c0_i32_1 = arith.constant 0 : i32
    return %c0_i32, %c0_i32_0 : i32, i32
  }
  func.func @transform_9(%arg0: i32) -> i32 {
    %c0_i32 = arith.constant 0 : i32
    %c0_i32_0 = arith.constant 0 : i32
    return %c0_i32 : i32
  }
  func.func @transform_10(%arg0: i32) -> (i32, i32) {
    %c0_i32 = arith.constant 0 : i32
    %c0_i32_0 = arith.constant 0 : i32
    %c0_i32_1 = arith.constant 0 : i32
    return %c0_i32, %c0_i32_0 : i32, i32
  }
  func.func @transform_11(%arg0: i32) -> i32 {
    %c0_i32 = arith.constant 0 : i32
    %c0_i32_0 = arith.constant 0 : i32
    return %c0_i32 : i32
  }
  func.func @transform_12(%arg0: i32) -> (i32, i32) {
    %c0_i32 = arith.constant 0 : i32
    %c0_i32_0 = arith.constant 0 : i32
    %c0_i32_1 = arith.constant 0 : i32
    return %c0_i32, %c0_i32_0 : i32, i32
  }
}

</mosaic_0001>

<sc_bundles>
// kernel: kernel.12.cloned.1.call-start
scs
__scs_entry_jumppad:
0x0: {  	(pc) =	sbr.rel $0x88, $3  }
0x1: {  	(tag) =	ssettag $0x0;
	lr =	simm.s32 $0x1  }
0x2: {  	[smem:$0x3F91] =	sst lr;
	_ =	strace $0xD0000000  }
0x3: {  	_ = 	snop  }
0x4: {  	_ = 	snop  }
0x5: {  	_ = 	snop  }
0x6: {  	_ = 	snop  }
0x7: {  	_ = 	snop  }
__scs_overlays_trampoline_lowered:
0x8: {  	[smem:$0x3FA0] =	sst s0  }
0x9: {  	[smem:$0x3FA1] =	sst s1  }
0xa: {  	[smem:$0x3FA2] =	sst s2  }
0xb: {  	[smem:$0x3FA3] =	sst s3  }
0xc: {  	[smem:$0x3FA4] =	sst s4  }
0xd: {  	[smem:$0x3FA5] =	sst s5  }
0xe: {  	[smem:$0x3FA6] =	sst s6  }
0xf: {  	[smem:$0x3FA7] =	sst s7  }
0x10: {  	[smem:$0x3FA8] =	sst s8  }
0x11: {  	[smem:$0x3FA9] =	sst s9;
	s0 =	simm.s32 @!p0 $0x0  }
0x12: {  	s1 =	sld [smem:$0x3F8F];
	s0 =	simm.s32 @p0 $0x1  }
0x13: {  	[smem:$0x3FAA] =	sst s0;
	s0 =	simm.s32 @!p1 $0x0  }
0x14: {  	s2 =	sld [smem:$0x3F8E];
	s0 =	simm.s32 @p1 $0x1  }
0x15: {  	[smem:$0x3FAB] =	sst s0;
	s0 =	simm.s32 @!p2 $0x0  }
0x16: {  	s3 =	sld [smem:$0x3FDB];
	s0 =	simm.s32 @p2 $0x1  }
0x17: {  	s4 =	simm.s32 $0x1BF5;
	[smem:$0x3FAD] =	sst s0  }
0x18: {  	s0 =	sld [smem:$0x3F90];
	_ =	swait.ge [sflag:s4], $0x0  }
0x19: {  	s7 =	sld [smem:$0x3F91]  }
0x1a: {  	s8 =	sadd.s32 $0xFFFFE003, lr  }
0x1b: {  	s9 =	sadd.s32 $0xFFFFFEF7, lr;
	s5 =	simm.s32 $0xFFFFFFFF;
	p2 =	slt.u32 s8, $0xFFFFF086  }
0x1c: {  	p1 =	slt.u32 s9, $0xF7A;
	s5 =	simm.s32 @!p2 $0x0  }
0x1d: {  	s5 =	simm.s32 @p1 $0x1;
	p0 =	seq.s32 s7, s2  }
0x1e: {  	s7 =	smul.u32 @!p0 $0xF7A, s2;
	p2 =	seq.s32 @!p0 s5, $0x0  }
0x1f: {  	s9 =	smul.u32 $0xF7A, s1;
	s8 =	simm.s32 @!p0 $0x1BF5;
	p2 =	por !p2, p0  }
0x20: {  	[sflag:s8] =	ssyncset.s32 @!p0 $0xFFFFF086;
	s6 =	sadd.s32 @!p0 s3, s7;
	s7 =	simm.s32 @!p0 $0x108  }
0x21: {  	s3 =	sadd.s32 s3, s9;
	s6 =	sadd.s32 @!p0 $0x88, s6;
	s7 =	simm.s32 @p2 $0x1082  }
0x22: {  	[simem:s7], [sflag:s8] =	dma.local @!p0 [hbm:s6], $0xF7A  }
0x23: {  	s9 =	sor.u32 $0xD0000000, s2;
	s6 =	simm.s32 $0x108;
	_ =	swait.ge @!p0 [sflag:s8], $0x0  }
0x24: {  	s3 =	sadd.s32 $0x88, s3;
	s6 =	simm.s32 @!p1 $0x1082;
	[sflag:s4] =	ssyncset.s32 $0xFFFFF086  }
0x25: {  	[simem:s6], [sflag:s4] =	dma.local [hbm:s3], $0xF7A  }
0x26: {  	[smem:$0x3F91] =	sst s1;
	(tag) =	ssettag s2;
	_ =	strace s9  }
0x27: {  	s1 =	sld [smem:$0x3FA1]  }
0x28: {  	s2 =	sld [smem:$0x3FA2]  }
0x29: {  	s4 =	sld [smem:$0x3FA4]  }
0x2a: {  	p0 =	seq.s32 s5, $0x0;
	s5 =	sld [smem:$0x3FA5]  }
0x2b: {  	s6 =	sld [smem:$0x3FA6]  }
0x2c: {  	s7 =	sld [smem:$0x3FA7]  }
0x2d: {  	s3 =	simm.s32 $0x108;
	s8 =	sld [smem:$0x3FA8]  }
0x2e: {  	s3 =	simm.s32 @!p0 $0x1082;
	s9 =	sld [smem:$0x3FA9]  }
0x2f: {  	lr =	sadd.s32 s0, s3;
	s0 =	sld [smem:$0x3FA0]  }
0x30: {  	s3 =	sld [smem:$0x3FA3]  }
0x31: {  	[smem:$0x3FAC] =	sst s10  }
0x32: {  	s10 =	sld [smem:$0x3FAA];
	_ =	sdelay $0x3  }
0x33: {  	p0 =	seq.s32 s10, $0x1;
	s10 =	sld [smem:$0x3FAC];
	_ =	sdelay $0x3  }
0x34: {  	[smem:$0x3FAC] =	sst s10  }
0x35: {  	s10 =	sld [smem:$0x3FAB];
	_ =	sdelay $0x3  }
0x36: {  	p1 =	seq.s32 s10, $0x1;
	s10 =	sld [smem:$0x3FAC];
	_ =	sdelay $0x3  }
0x37: {  	[smem:$0x3FAC] =	sst s10  }
0x38: {  	s10 =	sld [smem:$0x3FAD]  }
0x39: {  	_ = 	snop;
	(pc) =	sbr.ind lr, $3  }
0x3a: {  	_ = 	snop  }
0x3b: {  	_ = 	snop  }
0x3c: {  	p2 =	seq.s32 s10, $0x1;
	s10 =	sld [smem:$0x3FAC]  }
0x3d: {  	_ =	shalt  }
0x3e: {  	_ =	shalt  }
0x3f: {  	_ =	shalt  }
0x40: {  	_ =	shalt  }
0x41: {  	_ =	shalt  }
0x42: {  	_ =	shalt  }
0x43: {  	_ =	shalt  }
0x44: {  	_ =	shalt  }
0x45: {  	_ =	shalt  }
0x46: {  	_ =	shalt  }
0x47: {  	_ =	shalt  }
0x48: {  	_ =	shalt  }
0x49: {  	_ =	shalt  }
0x4a: {  	_ =	shalt  }
0x4b: {  	_ =	shalt  }
0x4c: {  	_ =	shalt  }
0x4d: {  	_ =	shalt  }
0x4e: {  	_ =	shalt  }
0x4f: {  	_ =	shalt  }
0x50: {  	_ =	shalt  }
0x51: {  	_ =	shalt  }
0x52: {  	_ =	shalt  }
0x53: {  	_ =	shalt  }
0x54: {  	_ =	shalt  }
0x55: {  	_ =	shalt  }
0x56: {  	_ =	shalt  }
0x57: {  	_ =	shalt  }
0x58: {  	_ =	shalt  }
0x59: {  	_ =	shalt  }
0x5a: {  	_ =	shalt  }
0x5b: {  	_ =	shalt  }
0x5c: {  	_ =	shalt  }
0x5d: {  	_ =	shalt  }
0x5e: {  	_ =	shalt  }
0x5f: {  	_ =	shalt  }
0x60: {  	_ =	shalt  }
0x61: {  	_ =	shalt  }
0x62: {  	_ =	shalt  }
0x63: {  	_ =	shalt  }
0x64: {  	_ =	shalt  }
0x65: {  	_ =	shalt  }
0x66: {  	_ =	shalt  }
0x67: {  	_ =	shalt  }
0x68: {  	_ =	shalt  }
0x69: {  	_ =	shalt  }
0x6a: {  	_ =	shalt  }
0x6b: {  	_ =	shalt  }
0x6c: {  	_ =	shalt  }
0x6d: {  	_ =	shalt  }
0x6e: {  	_ =	shalt  }
0x6f: {  	_ =	shalt  }
0x70: {  	_ =	shalt  }
0x71: {  	_ =	shalt  }
0x72: {  	_ =	shalt  }
0x73: {  	_ =	shalt  }
0x74: {  	_ =	shalt  }
0x75: {  	_ =	shalt  }
0x76: {  	_ =	shalt  }
0x77: {  	_ =	shalt  }
0x78: {  	_ =	shalt  }
0x79: {  	_ =	shalt  }
0x7a: {  	_ =	shalt  }
0x7b: {  	_ =	shalt  }
0x7c: {  	_ =	shalt  }
0x7d: {  	_ =	shalt  }
0x7e: {  	_ =	shalt  }
0x7f: {  	_ =	shalt  }
0x80: {  	_ =	shalt  }
0x81: {  	_ =	shalt  }
0x82: {  	_ =	shalt  }
0x83: {  	_ =	shalt  }
0x84: {  	_ =	shalt  }
0x85: {  	_ =	shalt  }
0x86: {  	_ =	shalt  }
0x87: {  	_ =	shalt  }
.Lfunc_end0:
.L_simem_size_0:
called_computation.1_lowered:
.L_overlay_start_0:
0x88: {  	s2 =	sld [smem:$0x3FD9]  }
0x89: {  	s3 =	sld [smem:$0x3FFE];
	_ =	sdelay $0x1  }
0x8a: {  	s1 =	srdreg.scid  }
0x8b: {  	s0 =	sand.u32 $0x1, s1  }
0x8c: {  	s17 =	sshll.u32 s0, $0xA;
	s2 =	sadd.s32 s3, s2  }
0x8d: {  	s2 =	sadd.s32 s2, s17  }
0x8e: {  	[smem:$0x3FB8] =	sst s2  }
0x8f: {  	_ = 	snop  }
0x90: {  	s18 =	sld [smem:$0x3FC9];
	(tm) =	ssettm $0x1  }
0x91: {  	s19 =	sld [smem:$0x3FFB];
	_ =	sdelay $0x3  }
0x92: {  	_ =	strace s19  }
0x93: {  	s2 =	sld [smem:$0x3FFC];
	_ =	sdelay $0x3  }
0x94: {  	_ =	strace s2  }
0x95: {  	s2 =	sld [smem:$0x3FFD];
	_ =	sdelay $0x3  }
0x96: {  	_ =	strace s2  }
0x97: {  	_ =	strace $0x8FFFFFFF  }
0x98: {  	s20 =	sld [smem:$0x3FDB];
	_ =	sdelay $0x1  }
0x99: {  	s4 =	simm.s32 $_scs_section_size  }
0x9a: {  	s5 =	simm.s32 $_size__tile_overlayer_lowered;
	s6 =	simm.s32 $_tile_overlayer_lowered  }
0x9b: {  	s7 =	simm.s32 $0x1BFF;
	s21 =	sshll.u32 s6, $0x1;
	s4 =	sadd.s32 s4, s20  }
0x9c: {  	s22 =	simm.s32 $0x0;
	s5 =	sshll.u32 s5, $0x1;
	s6 =	sadd.s32 s21, s4  }
0x9d: {  	[timem:s22], [sflag:s7] =	dma.local [hbm:s6], s5  }
0x9e: {  	_ =	swait.ge [sflag:s7], s5  }
0x9f: {  	s5 =	ssub.s32 $0x0, s5;
	[sflag:s7] =	ssyncset.done $0x0  }
0xa0: {  	[sflag:s7] =	ssyncadd.s32 s5;
	_ =	sdelay $0x1  }
0xa1: {  	s23 =	simm.s32 $0x1B8B  }
0xa2: {  	_ =	swait.ge [sflag:s23], $0x1  }
0xa3: {  	[sflag:s23] =	ssyncset.done $0x0  }
0xa4: {  	[sflag:s23] =	ssyncadd.s32 $0xFFFFFFFF  }
0xa5: {  	s5 =	sld [smem:$0x0]  }
0xa6: {  	s6 =	sand.u32 $0xFFFFFFFE, s1  }
0xa7: {  	p0 =	sne.s32 s1, s6  }
0xa8: {  	s6 =	sshll.u32 @p0 s6, $0xE  }
0xa9: {  	s6 =	sadd.s32 @p0 $0x11B8D, s6;
	s7 =	sshll.u32 @p0 s5, $0x11  }
0xaa: {  	s6 =	sor.u32 @p0 s7, s6  }
0xab: {  	[sflag:s6] =	ssyncadd.remote.s32 @p0 $0x1;
	_ =	sdelay $0x1  }
0xac: {  	s6 =	simm.s32 @p0 $0x1B8D  }
0xad: {  	_ =	swait.eq @p0 [sflag:s6], $0x1  }
0xae: {  	[sflag:s6] =	ssyncadd.s32 @p0 $0xFFFFFFFF  }
0xaf: {  	s7 =	sshll.u32 @!p0 s1, $0xE  }
0xb0: {  	s7 =	sor.u32 @!p0 $0x4000, s7;
	s6 =	simm.s32 @!p0 $0x1B8D  }
0xb1: {  	s5 =	sshll.u32 @!p0 s5, $0x11;
	s7 =	sadd.s32 @!p0 $0x11B8D, s7;
	_ =	swait.eq @!p0 [sflag:s6], $0x1  }
0xb2: {  	s5 =	sor.u32 @!p0 s5, s7;
	[sflag:s6] =	ssyncadd.s32 @!p0 $0xFFFFFFFF  }
0xb3: {  	s25 =	simm.s32 $0x1B8E;
	s24 =	sld [smem:$0x3FFE];
	[sflag:s5] =	ssyncadd.remote.s32 @!p0 $0x1  }
0xb4: {  	s26 =	simm.s32 $execute0_lowered;
	[smem:$0x3FD2] =	sst s25  }
0xb5: {  	s6 =	sshll.u32 s26, $0x1;
	_ =	strace $0x80000049;
	[dreg:$0x1] =	wrdreg $0xFFFFFFFF  }
0xb6: {  	s28 =	simm.s32 $_size_execute0_lowered;
	s4 =	sadd.s32 s4, s6;
	[dreg:$0x0] =	wrdreg $0x0  }
0xb7: {  	s6 =	sshll.u32 s28, $0x1;
	[dreg:$0x2] =	wrdreg s4  }
0xb8: {  	[dreg:$0x3] =	wrdreg s6  }
0xb9: {  	[dreg:$0x4] =	wrdreg $0xC0  }
0xba: {  	_ =	task [dreg:s22], $0x5FFFF  }
0xbb: {  	[dreg:$0x1] =	wrdreg $0xFFFFFFFF  }
0xbc: {  	[dreg:$0x0] =	wrdreg $0x60  }
0xbd: {  	[dreg:$0x2] =	wrdreg s18  }
0xbe: {  	[dreg:$0x3] =	wrdreg s24  }
0xbf: {  	[dreg:$0x4] =	wrdreg $0xB7800  }
0xc0: {  	[dreg:$0x5] =	wrdreg $0xA  }
0xc1: {  	_ =	task.clear_ibuf [dreg:s22], $0x6FFFF;
	_ =	strace $0x90000049  }
0xc2: {  	s29 =	simm.s32 $0xA;
	_ =	strace $0x8000004B  }
0xc3: {  	_ =	swait.ge [sflag:s29], $0x1  }
0xc4: {  	[sflag:s29] =	ssyncadd.s32 $0xFFFFFFFF  }
0xc5: {  	_ =	strace $0x9000004B  }
0xc6: {  	_ =	sfence  }
0xc7: {  	s30 =	sld [smem:$0x0];
	_ =	sdelay $0x2  }
0xc8: {  	s31 =	sshll.u32 s1, $0xD;
	s1 =	sshrl.u32 s1, $0x2  }
0xc9: {  	s4 =	sand.u32 $0x4000, s31;
	s1 =	sadd.s32 s1, s30  }
0xca: {  	s0 =	sor.u32 s4, s0;
	s1 =	sshll.u32 s1, $0x11  }
0xcb: {  	s0 =	sor.u32 s1, s0  }
0xcc: {  	s0 =	sadd.s32 $0x8F2B, s0  }
0xcd: {  	[sflag:s0] =	ssyncadd.remote.s32 $0x1  }
0xce: {  	_ =	sfence.sel $0xFFFF  }
0xcf: {  	[dreg:$0x0] =	wrdreg $0xFFFFFFFF;
	(pc) =	sbr.abs _section_cstart, $3  }
0xd0: {  	[dreg:$0x1] =	wrdreg $0xFFFFFFFF  }
0xd1: {  	_ =	task.clear_ibuf [dreg:s22], $0x2FFFF;
	_ =	strace $0x9FFFFFFF  }
0xd2: {  	(tm) =	ssettm $0x7FFFFFFF  }
0xd3: {  	_ =	shalt  }
tec
execute0_lowered:
.L_overlay_start_1:
0x0: {  	(tag) =	ssettag $0x1  }
0x1: {  	s0 =	srdreg.scid  }
0x2: {  	s10 =	stileid.u32;
	s5 =	rddreg [dreg:$0x1];
	s28 =	simm.s32 $0x5  }
0x3: {  	s29 =	simm.s32 $0x28;
	s30 =	simm.s32 $0x6780;
	s31 =	simm.s32 $0x7B80  }
0x4: {  	s0 =	sand.u32 $0x1, s0;
	s4 =	sshll.u32 s10, $0x7;
	s8 =	smul.u32 $0x50000, s10  }
0x5: {  	s21 =	sadd.s32 $0x1DE00, s5;
	s15 =	smul.u32 $0x14000, s10;
	s1 =	sshll.u32 s0, $0x4  }
0x6: {  	s7 =	sand.u32 $0x380, s4;
	s4 =	simm.s32 $0x0;
	s22 =	ssub.s32 $0x2, s0  }
0x7: {  	s0 =	smul.u32 $0x140000, s0;
	s2 =	sor.u32 s10, s1;
	s1 =	rddreg [dreg:$0x0]  }
0x8: {  	[smem:$0x7FF] =	sst s4;
	s9 =	sshrl.u32 s22, $0x1;
	s23 =	sshrl.u32 s8, $0x2  }
0x9: {  	s24 =	sor.u32 $0x2800, s15;
	s25 =	sadd.s32 $0x5000, s15;
	s16 =	sadd.s32 $0x7800, s15  }
0xa: {  	s17 =	sadd.s32 $0xA000, s15;
	s18 =	sadd.s32 $0xC800, s15;
	s19 =	sadd.s32 $0xF000, s15  }
0xb: {  	s20 =	sadd.s32 $0x11800, s15;
	s3 =	sshrl.u32 s2, $0x3;
	s2 =	sshll.u32 s2, $0xB  }
0xc: {  	s6 =	smul.u32 $0x13C00, s3;
	s3 =	rddreg [dreg:$0x2];
	_ =	strace $0x8000004A  }
0xd: {  	s2 =	sadd.s32 s2, s5;
	[dreg:$0x4] =	wrdreg s21;
	s21 =	sadd.s32 s15, s0  }
0xe: {  	s2 =	sadd.s32 $0x3600, s2;
	s8 =	sadd.s32 s23, s3;
	s10 =	sadd.s32 s25, s3  }
0xf: {  	s11 =	sadd.s32 s16, s3;
	s12 =	sadd.s32 s17, s3;
	s13 =	sadd.s32 s18, s3  }
0x10: {  	s14 =	sadd.s32 s19, s3;
	s16 =	sadd.s32 s0, s16;
	s17 =	sadd.s32 s0, s17  }
0x11: {  	s18 =	sadd.s32 s0, s18;
	s15 =	sadd.s32 s20, s3;
	s26 =	sshrl.u32 s21, $0x3  }
0x12: {  	s6 =	sor.u32 s7, s6;
	s7 =	ssub.s32 s22, s9;
	[dreg:$0x6] =	wrdreg s2  }
0x13: {  	s9 =	sadd.s32 s24, s3;
	s2 =	sadd.s32 s0, s24;
	s6 =	sshrl.u32 s6, $0x3  }
0x14: {  	s22 =	sadd.s32 s0, s19;
	s21 =	sshrl.u32 s16, $0x3;
	s6 =	sadd.s32 s6, s5  }
0x15: {  	s23 =	sshrl.u32 s17, $0x3;
	s5 =	sadd.s32 $0x1E400, s5;
	s6 =	sadd.s32 $0x14000, s6  }
0x16: {  	s2 =	sshrl.u32 s2, $0x3;
	s19 =	sadd.s32 s5, s26;
	[dreg:$0x5] =	wrdreg s6  }
0x17: {  	s16 =	simm.s32 $0x0;
	s2 =	sadd.s32 s5, s2;
	[dreg:$0x7] =	wrdreg s19  }
0x18: {  	s24 =	sadd.s32 s5, s23;
	s26 =	sshrl.u32 s22, $0x3;
	[dreg:$0x8] =	wrdreg s2  }
0x19: {  	s6 =	sadd.s32 s0, s25;
	s0 =	sadd.s32 s0, s20;
	[dreg:$0xb] =	wrdreg s24  }
0x1a: {  	s25 =	sshrl.u32 s18, $0x3;
	s22 =	sadd.s32 s5, s26;
	s24 =	smax.u32 s7, $0x1  }
0x1b: {  	s26 =	simm.s32 $0xA380;
	s7 =	simm.s32 $0x4;
	s20 =	sshrl.u32 s6, $0x3  }
0x1c: {  	s0 =	sshrl.u32 s0, $0x3;
	s6 =	simm.s32 $0x3;
	s2 =	sadd.s32 s5, s20  }
0x1d: {  	s23 =	sadd.s32 s5, s0;
	s0 =	simm.s32 $0x1;
	[dreg:$0x9] =	wrdreg s2  }
0x1e: {  	s2 =	sadd.s32 s5, s21;
	s21 =	sadd.s32 s5, s25;
	s25 =	simm.s32 $0x2  }
0x1f: {  	s5 =	simm.s32 $0x50;
	[dreg:$0xa] =	wrdreg s2;
	s2 =	simm.s32 $0x8F80  }
.LBB2_1:
0x20: {  	s17 =	rddreg [dreg:$0x5];
	s18 =	simm.s32 $0x80;
	s19 =	simm.s32 $0x400  }
0x21: {  	[tilespmem:s4], [sflag:$0x5] =	stream.strided.gather [hbm4b:s17+s18], $0x2780, s19, s18, $0x38;
	[tilespmem:$0x1F780] =	vst v63  }
0x22: {  	_ =	swait.ge [sflag:s28], $0x2780  }
0x23: {  	[sflag:s28] =	ssyncset.done $0x0  }
0x24: {  	s17 =	simm.s32 $0x2780;
	s20 =	rddreg [dreg:$0x6];
	[sflag:s28] =	ssyncadd.s32 $0xFFFFD880  }
0x25: {  	[tilespmem:s17], [sflag:$0x5] =	stream.linear.gather [hbm4b:s20+s4], $0x3E80, $0x38;
	[tilespmem:$0x1F780] =	vst v63  }
0x26: {  	_ =	swait.ge [sflag:s28], $0x3E80  }
0x27: {  	[sflag:s28] =	ssyncset.done $0x0  }
0x28: {  	[sflag:s28] =	ssyncadd.s32 $0xFFFFC180  }
0x29: {  	[tilespmem:s30], [sflag:$0x1] =	stream.indirect.gather [hbm4b:s1+s29], $0x80, s4, s29, $0xb8;
	[tilespmem:$0x1F780] =	vst v63  }
0x2a: {  	_ = 	snop  }
0x2b: {  	[tilespmem:s31], [sflag:$0x2] =	stream.indirect.gather [hbm4b:s1+s29], $0x80, s29, s29, $0xb8;
	[tilespmem:$0x1F780] =	vst v63  }
0x2c: {  	s19 =	rddreg [dreg:$0x4]  }
0x2d: {  	[tilespmem:s2], [sflag:$0x5] =	stream.linear.gather [hbm4b:s19+s4], $0x2800, $0x38;
	[tilespmem:$0x1F780] =	vst v63  }
0x2e: {  	_ =	swait.ge [sflag:s28], $0x2800  }
0x2f: {  	[sflag:s28] =	ssyncset.done $0x0  }
0x30: {  	[sflag:s28] =	ssyncadd.s32 $0xFFFFD800  }
0x31: {  	[spmem:s8] =	stream.linear.scatter [tilespmem:s2], [sflag:$0x5], $0x2800, $0x38;
	[tilespmem:$0x1F780] =	vst v63  }
0x32: {  	_ =	swait.ge [sflag:s28], $0x2800  }
0x33: {  	[sflag:s28] =	ssyncset.done $0x0  }
0x34: {  	[sflag:s28] =	ssyncadd.s32 $0xFFFFD800  }
0x35: {  	[spmem:s9] =	stream.linear.scatter [tilespmem:s2], [sflag:$0x5], $0x2800, $0x38;
	[tilespmem:$0x1F780] =	vst v63  }
0x36: {  	_ =	swait.ge [sflag:s28], $0x2800  }
0x37: {  	[sflag:s28] =	ssyncset.done $0x0  }
0x38: {  	[sflag:s28] =	ssyncadd.s32 $0xFFFFD800  }
0x39: {  	[spmem:s10] =	stream.linear.scatter [tilespmem:s2], [sflag:$0x5], $0x2800, $0x38;
	[tilespmem:$0x1F780] =	vst v63  }
0x3a: {  	_ =	swait.ge [sflag:s28], $0x2800  }
0x3b: {  	[sflag:s28] =	ssyncset.done $0x0  }
0x3c: {  	[sflag:s28] =	ssyncadd.s32 $0xFFFFD800  }
0x3d: {  	[spmem:s11] =	stream.linear.scatter [tilespmem:s2], [sflag:$0x5], $0x2800, $0x38;
	[tilespmem:$0x1F780] =	vst v63  }
0x3e: {  	_ =	swait.ge [sflag:s28], $0x2800  }
0x3f: {  	[sflag:s28] =	ssyncset.done $0x0  }
0x40: {  	[sflag:s28] =	ssyncadd.s32 $0xFFFFD800  }
0x41: {  	[spmem:s12] =	stream.linear.scatter [tilespmem:s2], [sflag:$0x5], $0x2800, $0x38;
	[tilespmem:$0x1F780] =	vst v63  }
0x42: {  	_ =	swait.ge [sflag:s28], $0x2800  }
0x43: {  	[sflag:s28] =	ssyncset.done $0x0  }
0x44: {  	[sflag:s28] =	ssyncadd.s32 $0xFFFFD800  }
0x45: {  	[spmem:s13] =	stream.linear.scatter [tilespmem:s2], [sflag:$0x5], $0x2800, $0x38;
	[tilespmem:$0x1F780] =	vst v63  }
0x46: {  	_ =	swait.ge [sflag:s28], $0x2800  }
0x47: {  	[sflag:s28] =	ssyncset.done $0x0  }
0x48: {  	[sflag:s28] =	ssyncadd.s32 $0xFFFFD800  }
0x49: {  	[spmem:s14] =	stream.linear.scatter [tilespmem:s2], [sflag:$0x5], $0x2800, $0x38;
	[tilespmem:$0x1F780] =	vst v63  }
0x4a: {  	_ =	swait.ge [sflag:s28], $0x2800  }
0x4b: {  	[sflag:s28] =	ssyncset.done $0x0  }
0x4c: {  	[sflag:s28] =	ssyncadd.s32 $0xFFFFD800  }
0x4d: {  	[spmem:s15] =	stream.linear.scatter [tilespmem:s2], [sflag:$0x5], $0x2800, $0x38;
	[tilespmem:$0x1F780] =	vst v63  }
0x4e: {  	_ =	swait.ge [sflag:s28], $0x2800  }
0x4f: {  	[sflag:s28] =	ssyncset.done $0x0  }
0x50: {  	[sflag:s28] =	ssyncadd.s32 $0xFFFFD800  }
0x51: {  	[bflag:$0x0] =	sbarrier.arrive $0xFFFF  }
0x52: {  	_ =	swait.ge [sflag:s0], $0x1400  }
0x53: {  	[sflag:s0] =	ssyncset.done $0x0  }
0x54: {  	[sflag:s0] =	ssyncadd.s32 $0xFFFFEC00  }
0x55: {  	_ =	swait.ge [sflag:s25], $0x1400  }
0x56: {  	[sflag:s25] =	ssyncset.done $0x0  }
0x57: {  	s20 =	simm.s32 $0x50;
	[sflag:s25] =	ssyncadd.s32 $0xFFFFEC00  }
0x58: {  	[tilespmem:s2], [sflag:$0x3] =	stream.indirect.gather [hbm4b:s1+s29], $0x80, s20, s29, $0xb8;
	[tilespmem:$0x1F780] =	vst v63  }
0x59: {  	s19 =	simm.s32 $0x78  }
0x5a: {  	[tilespmem:s26], [sflag:$0x4] =	stream.indirect.gather [hbm4b:s1+s29], $0x80, s19, s29, $0xb8;
	[tilespmem:$0x1F780] =	vst v63  }
0x5b: {  	_ = 	snop  }
0x5c: {  	[spmem:s3] =	stream.indirect.scatter.add.f32 [tilespmem:s30], [sflag:$0x5], $0x80, s17, s5, $0xb8;
	[tilespmem:$0x1F780] =	vst v63  }
0x5d: {  	_ =	swait.ge [sflag:s28], $0x2800  }
0x5e: {  	[sflag:s28] =	ssyncset.done $0x0  }
0x5f: {  	[sflag:s28] =	ssyncadd.s32 $0xFFFFD800  }
0x60: {  	_ =	swait.ge [sflag:s6], $0x1400  }
0x61: {  	[sflag:s6] =	ssyncset.done $0x0  }
0x62: {  	[sflag:s6] =	ssyncadd.s32 $0xFFFFEC00  }
0x63: {  	_ =	swait.ge [sflag:s7], $0x1400  }
0x64: {  	[sflag:s7] =	ssyncset.done $0x0  }
0x65: {  	s20 =	simm.s32 $0xA0;
	[sflag:s7] =	ssyncadd.s32 $0xFFFFEC00  }
0x66: {  	[tilespmem:s30], [sflag:$0x1] =	stream.indirect.gather [hbm4b:s1+s29], $0x80, s20, s29, $0xb8;
	[tilespmem:$0x1F780] =	vst v63  }
0x67: {  	s19 =	simm.s32 $0xC8  }
0x68: {  	[tilespmem:s31], [sflag:$0x2] =	stream.indirect.gather [hbm4b:s1+s29], $0x80, s19, s29, $0xb8;
	[tilespmem:$0x1F780] =	vst v63  }
0x69: {  	s20 =	simm.s32 $0x2800  }
0x6a: {  	[spmem:s3] =	stream.indirect.scatter.add.f32 [tilespmem:s2], [sflag:$0x5], $0x80, s20, s5, $0xb8;
	[tilespmem:$0x1F780] =	vst v63  }
0x6b: {  	_ =	swait.ge [sflag:s28], $0x2800  }
0x6c: {  	s18 =	simm.s32 $0x280;
	[sflag:s28] =	ssyncset.done $0x0  }
.LBB2_2:
0x6d: {  	p0 =	sne.s32 s18, $0x9880;
	[sflag:s28] =	ssyncadd.s32 $0xFFFFD800;
	s17 =	sadd.s32 $0x100, s17  }
0x6e: {  	s19 =	smov.u32 s18;
	s18 =	sadd.s32 $0x280, s18  }
0x6f: {  	_ =	swait.ge [sflag:s0], $0x1400  }
0x70: {  	[sflag:s0] =	ssyncset.done $0x0  }
0x71: {  	[sflag:s0] =	ssyncadd.s32 $0xFFFFEC00  }
0x72: {  	_ =	swait.ge [sflag:s25], $0x1400  }
0x73: {  	s19 =	sshra.s32 s19, $0x2;
	[sflag:s25] =	ssyncset.done $0x0  }
0x74: {  	s20 =	sadd.s32 $0x50, s19;
	[sflag:s25] =	ssyncadd.s32 $0xFFFFEC00  }
0x75: {  	[tilespmem:s2], [sflag:$0x3] =	stream.indirect.gather [hbm4b:s1+s29], $0x80, s20, s29, $0xb8;
	[tilespmem:$0x1F780] =	vst v63  }
0x76: {  	s20 =	sadd.s32 $0x78, s19  }
0x77: {  	[tilespmem:s26], [sflag:$0x4] =	stream.indirect.gather [hbm4b:s1+s29], $0x80, s20, s29, $0xb8;
	[tilespmem:$0x1F780] =	vst v63  }
0x78: {  	_ = 	snop  }
0x79: {  	[spmem:s3] =	stream.indirect.scatter.add.f32 [tilespmem:s30], [sflag:$0x5], $0x80, s17, s5, $0xb8;
	[tilespmem:$0x1F780] =	vst v63  }
0x7a: {  	_ =	swait.ge [sflag:s28], $0x2800  }
0x7b: {  	[sflag:s28] =	ssyncset.done $0x0  }
0x7c: {  	[sflag:s28] =	ssyncadd.s32 $0xFFFFD800  }
0x7d: {  	_ =	swait.ge [sflag:s6], $0x1400  }
0x7e: {  	[sflag:s6] =	ssyncset.done $0x0  }
0x7f: {  	[sflag:s6] =	ssyncadd.s32 $0xFFFFEC00  }
0x80: {  	_ =	swait.ge [sflag:s7], $0x1400  }
0x81: {  	[sflag:s7] =	ssyncset.done $0x0  }
0x82: {  	s20 =	sadd.s32 $0xA0, s19;
	[sflag:s7] =	ssyncadd.s32 $0xFFFFEC00  }
0x83: {  	[tilespmem:s30], [sflag:$0x1] =	stream.indirect.gather [hbm4b:s1+s29], $0x80, s20, s29, $0xb8;
	[tilespmem:$0x1F780] =	vst v63  }
0x84: {  	s19 =	sadd.s32 $0xC8, s19  }
0x85: {  	[tilespmem:s31], [sflag:$0x2] =	stream.indirect.gather [hbm4b:s1+s29], $0x80, s19, s29, $0xb8;
	[tilespmem:$0x1F780] =	vst v63  }
.Ltmp0:
0x86: {  	_ = 	snop;
	(pc) =	sbr.rel @p0 .LBB2_2-.Ltmp0, $4  }
0x87: {  	s19 =	sadd.s32 $0x80, s17  }
0x88: {  	[spmem:s3] =	stream.indirect.scatter.add.f32 [tilespmem:s2], [sflag:$0x5], $0x80, s19, s5, $0xb8;
	[tilespmem:$0x1F780] =	vst v63  }
0x89: {  	_ =	swait.ge [sflag:s28], $0x2800  }
0x8a: {  	[sflag:s28] =	ssyncset.done $0x0  }
0x8b: {  	[sflag:s28] =	ssyncadd.s32 $0xFFFFD800  }
0x8c: {  	_ =	swait.ge [sflag:s0], $0x1400  }
0x8d: {  	[sflag:s0] =	ssyncset.done $0x0  }
0x8e: {  	[sflag:s0] =	ssyncadd.s32 $0xFFFFEC00  }
0x8f: {  	_ =	swait.ge [sflag:s25], $0x1400  }
0x90: {  	[sflag:s25] =	ssyncset.done $0x0  }
0x91: {  	s17 =	simm.s32 $0x6580;
	[sflag:s25] =	ssyncadd.s32 $0xFFFFEC00  }
0x92: {  	[spmem:s3] =	stream.indirect.scatter.add.f32 [tilespmem:s30], [sflag:$0x5], $0x80, s17, s5, $0xb8;
	[tilespmem:$0x1F780] =	vst v63  }
0x93: {  	_ =	swait.ge [sflag:s28], $0x2800  }
0x94: {  	[sflag:s28] =	ssyncset.done $0x0  }
0x95: {  	s18 =	stileid.u32;
	[sflag:s28] =	ssyncadd.s32 $0xFFFFD800  }
0x96: {  	s17 =	sshll.u32 s18, $0x6;
	[bflag:$0x0] =	sbarrier.arrive $0xFFFF  }
0x97: {  	s18 =	sshrl.u32 s8, $0x3;
	s17 =	sor.u32 $0x1C05, s17;
	s19 =	rddreg [dreg:$0x7]  }
0x98: {  	[hbm:s19], [sflag:s17] =	dma.local [spmem:s18], $0x500  }
0x99: {  	_ =	swait.ge [sflag:s28], $0x500  }
0x9a: {  	[sflag:s28] =	ssyncset.done $0x0  }
0x9b: {  	s19 =	sshrl.u32 s9, $0x3;
	s20 =	rddreg [dreg:$0x8];
	[sflag:s28] =	ssyncadd.s32 $0xFFFFFB00  }
0x9c: {  	[hbm:s20], [sflag:s17] =	dma.local [spmem:s19], $0x500  }
0x9d: {  	_ =	swait.ge [sflag:s28], $0x500  }
0x9e: {  	[sflag:s28] =	ssyncset.done $0x0  }
0x9f: {  	s19 =	sshrl.u32 s10, $0x3;
	s20 =	rddreg [dreg:$0x9];
	[sflag:s28] =	ssyncadd.s32 $0xFFFFFB00  }
0xa0: {  	[hbm:s20], [sflag:s17] =	dma.local [spmem:s19], $0x500  }
0xa1: {  	_ =	swait.ge [sflag:s28], $0x500  }
0xa2: {  	[sflag:s28] =	ssyncset.done $0x0  }
0xa3: {  	s19 =	sshrl.u32 s11, $0x3;
	s20 =	rddreg [dreg:$0xa];
	[sflag:s28] =	ssyncadd.s32 $0xFFFFFB00  }
0xa4: {  	[hbm:s20], [sflag:s17] =	dma.local [spmem:s19], $0x500  }
0xa5: {  	_ =	swait.ge [sflag:s28], $0x500  }
0xa6: {  	[sflag:s28] =	ssyncset.done $0x0  }
0xa7: {  	s19 =	sshrl.u32 s12, $0x3;
	s20 =	rddreg [dreg:$0xb];
	[sflag:s28] =	ssyncadd.s32 $0xFFFFFB00  }
0xa8: {  	[hbm:s20], [sflag:s17] =	dma.local [spmem:s19], $0x500  }
0xa9: {  	_ =	swait.ge [sflag:s28], $0x500  }
0xaa: {  	[sflag:s28] =	ssyncset.done $0x0  }
0xab: {  	s20 =	sshrl.u32 s13, $0x3;
	[sflag:s28] =	ssyncadd.s32 $0xFFFFFB00  }
0xac: {  	[hbm:s21], [sflag:s17] =	dma.local [spmem:s20], $0x500  }
0xad: {  	_ =	swait.ge [sflag:s28], $0x500  }
0xae: {  	[sflag:s28] =	ssyncset.done $0x0  }
0xaf: {  	s19 =	sshrl.u32 s14, $0x3;
	[sflag:s28] =	ssyncadd.s32 $0xFFFFFB00  }
0xb0: {  	[hbm:s22], [sflag:s17] =	dma.local [spmem:s19], $0x500  }
0xb1: {  	s16 =	sadd.s32 $0x1, s16;
	_ =	swait.ge [sflag:s28], $0x500  }
0xb2: {  	p0 =	sne.s32 s16, s24;
	[sflag:s28] =	ssyncset.done $0x0  }
.Ltmp1:
0xb3: {  	s20 =	sshrl.u32 s15, $0x3;
	[sflag:s28] =	ssyncadd.s32 $0xFFFFFB00;
	(pc) =	sbr.rel @p0 .LBB2_1-.Ltmp1, $4  }
0xb4: {  	[hbm:s23], [sflag:s17] =	dma.local [spmem:s20], $0x500  }
0xb5: {  	_ =	swait.ge [sflag:s28], $0x500  }
0xb6: {  	[sflag:s28] =	ssyncset.done $0x0  }
0xb7: {  	[sflag:s28] =	ssyncadd.s32 $0xFFFFFB00  }
0xb8: {  	_ =	sfence.sel $0x180000  }
0xb9: {  	[bflag:$0x0] =	sbarrier.arrive $0xFFFF  }
0xba: {  	_ =	strace $0x9000004A  }
0xbb: {  	s0 =	stileid.u32;
	[bflag:$0x2] =	sbarrier.arrive $0xFFFF  }
0xbc: {  	p0 =	sne.s32 s0, $0x0;
	s0 =	rddreg [dreg:$0x3]  }
0xbd: {  	s0 =	sadd.s32 @!p0 $0x100000, s0  }
0xbe: {  	[sflag:s0] =	ssyncadd.tile.s32 @!p0 $0x1;
	_ =	shalt  }
.Lfunc_end2:
_tile_overlayer_lowered:
.L_overlay_start_2:
0xbf: {  	(tag) =	ssettag $0x2  }
0xc0: {  	s0 =	rddreg [dreg:$0x0];
	s2 =	stileid.u32  }
0xc1: {  	s1 =	rddreg [dreg:$0x1];
	p0 =	sne.s32 s2, $0x0  }
0xc2: {  	s3 =	rddreg [dreg:$0x2];
	[bflag:$0x3] =	sbarrier.arrive $0xFFFF;
	s2 =	simm.s32 @!p0 $0x1C05  }
0xc3: {  	[timem:s3], [sflag:s2] =	dma.local @!p0 [hbm:s0], s1  }
0xc4: {  	s0 =	simm.s32 @!p0 $0x5  }
0xc5: {  	_ =	swait.ge @!p0 [sflag:s0], s1  }
0xc6: {  	s1 =	ssub.s32 @!p0 $0x0, s1;
	[sflag:s0] =	ssyncset.done @!p0 $0x0  }
0xc7: {  	[sflag:s0] =	ssyncadd.s32 @!p0 s1  }
0xc8: {  	[bflag:$0x3] =	sbarrier.arrive $0xFFFF  }
0xc9: {  	_ =	shalt  }

// kernel: kernel.15.cloned.1.call-start
scs
__scs_entry_jumppad:
0x0: {  	(pc) =	sbr.rel $0x88, $3  }
0x1: {  	(tag) =	ssettag $0x0;
	lr =	simm.s32 $0x1  }
0x2: {  	[smem:$0x3F91] =	sst lr;
	_ =	strace $0xD0000000  }
0x3: {  	_ = 	snop  }
0x4: {  	_ = 	snop  }
0x5: {  	_ = 	snop  }
0x6: {  	_ = 	snop  }
0x7: {  	_ = 	snop  }
__scs_overlays_trampoline_lowered:
0x8: {  	[smem:$0x3FA0] =	sst s0  }
0x9: {  	[smem:$0x3FA1] =	sst s1  }
0xa: {  	[smem:$0x3FA2] =	sst s2  }
0xb: {  	[smem:$0x3FA3] =	sst s3  }
0xc: {  	[smem:$0x3FA4] =	sst s4  }
0xd: {  	[smem:$0x3FA5] =	sst s5  }
0xe: {  	[smem:$0x3FA6] =	sst s6  }
0xf: {  	[smem:$0x3FA7] =	sst s7  }
0x10: {  	[smem:$0x3FA8] =	sst s8  }
0x11: {  	[smem:$0x3FA9] =	sst s9;
	s0 =	simm.s32 @!p0 $0x0  }
0x12: {  	s1 =	sld [smem:$0x3F8F];
	s0 =	simm.s32 @p0 $0x1  }
0x13: {  	[smem:$0x3FAA] =	sst s0;
	s0 =	simm.s32 @!p1 $0x0  }
0x14: {  	s2 =	sld [smem:$0x3F8E];
	s0 =	simm.s32 @p1 $0x1  }
0x15: {  	[smem:$0x3FAB] =	sst s0;
	s0 =	simm.s32 @!p2 $0x0  }
0x16: {  	s3 =	sld [smem:$0x3FDB];
	s0 =	simm.s32 @p2 $0x1  }
0x17: {  	s4 =	simm.s32 $0x1BF5;
	[smem:$0x3FAD] =	sst s0  }
0x18: {  	s0 =	sld [smem:$0x3F90];
	_ =	swait.ge [sflag:s4], $0x0  }
0x19: {  	s7 =	sld [smem:$0x3F91]  }
0x1a: {  	s8 =	sadd.s32 $0xFFFFE003, lr  }
0x1b: {  	s9 =	sadd.s32 $0xFFFFFEF7, lr;
	s5 =	simm.s32 $0xFFFFFFFF;
	p2 =	slt.u32 s8, $0xFFFFF086  }
0x1c: {  	p1 =	slt.u32 s9, $0xF7A;
	s5 =	simm.s32 @!p2 $0x0  }
0x1d: {  	s5 =	simm.s32 @p1 $0x1;
	p0 =	seq.s32 s7, s2  }
0x1e: {  	s7 =	smul.u32 @!p0 $0xF7A, s2;
	p2 =	seq.s32 @!p0 s5, $0x0  }
0x1f: {  	s9 =	smul.u32 $0xF7A, s1;
	s8 =	simm.s32 @!p0 $0x1BF5;
	p2 =	por !p2, p0  }
0x20: {  	[sflag:s8] =	ssyncset.s32 @!p0 $0xFFFFF086;
	s6 =	sadd.s32 @!p0 s3, s7;
	s7 =	simm.s32 @!p0 $0x108  }
0x21: {  	s3 =	sadd.s32 s3, s9;
	s6 =	sadd.s32 @!p0 $0x88, s6;
	s7 =	simm.s32 @p2 $0x1082  }
0x22: {  	[simem:s7], [sflag:s8] =	dma.local @!p0 [hbm:s6], $0xF7A  }
0x23: {  	s9 =	sor.u32 $0xD0000000, s2;
	s6 =	simm.s32 $0x108;
	_ =	swait.ge @!p0 [sflag:s8], $0x0  }
0x24: {  	s3 =	sadd.s32 $0x88, s3;
	s6 =	simm.s32 @!p1 $0x1082;
	[sflag:s4] =	ssyncset.s32 $0xFFFFF086  }
0x25: {  	[simem:s6], [sflag:s4] =	dma.local [hbm:s3], $0xF7A  }
0x26: {  	[smem:$0x3F91] =	sst s1;
	(tag) =	ssettag s2;
	_ =	strace s9  }
0x27: {  	s1 =	sld [smem:$0x3FA1]  }
0x28: {  	s2 =	sld [smem:$0x3FA2]  }
0x29: {  	s4 =	sld [smem:$0x3FA4]  }
0x2a: {  	p0 =	seq.s32 s5, $0x0;
	s5 =	sld [smem:$0x3FA5]  }
0x2b: {  	s6 =	sld [smem:$0x3FA6]  }
0x2c: {  	s7 =	sld [smem:$0x3FA7]  }
0x2d: {  	s3 =	simm.s32 $0x108;
	s8 =	sld [smem:$0x3FA8]  }
0x2e: {  	s3 =	simm.s32 @!p0 $0x1082;
	s9 =	sld [smem:$0x3FA9]  }
0x2f: {  	lr =	sadd.s32 s0, s3;
	s0 =	sld [smem:$0x3FA0]  }
0x30: {  	s3 =	sld [smem:$0x3FA3]  }
0x31: {  	[smem:$0x3FAC] =	sst s10  }
0x32: {  	s10 =	sld [smem:$0x3FAA];
	_ =	sdelay $0x3  }
0x33: {  	p0 =	seq.s32 s10, $0x1;
	s10 =	sld [smem:$0x3FAC];
	_ =	sdelay $0x3  }
0x34: {  	[smem:$0x3FAC] =	sst s10  }
0x35: {  	s10 =	sld [smem:$0x3FAB];
	_ =	sdelay $0x3  }
0x36: {  	p1 =	seq.s32 s10, $0x1;
	s10 =	sld [smem:$0x3FAC];
	_ =	sdelay $0x3  }
0x37: {  	[smem:$0x3FAC] =	sst s10  }
0x38: {  	s10 =	sld [smem:$0x3FAD]  }
0x39: {  	_ = 	snop;
	(pc) =	sbr.ind lr, $3  }
0x3a: {  	_ = 	snop  }
0x3b: {  	_ = 	snop  }
0x3c: {  	p2 =	seq.s32 s10, $0x1;
	s10 =	sld [smem:$0x3FAC]  }
0x3d: {  	_ =	shalt  }
0x3e: {  	_ =	shalt  }
0x3f: {  	_ =	shalt  }
0x40: {  	_ =	shalt  }
0x41: {  	_ =	shalt  }
0x42: {  	_ =	shalt  }
0x43: {  	_ =	shalt  }
0x44: {  	_ =	shalt  }
0x45: {  	_ =	shalt  }
0x46: {  	_ =	shalt  }
0x47: {  	_ =	shalt  }
0x48: {  	_ =	shalt  }
0x49: {  	_ =	shalt  }
0x4a: {  	_ =	shalt  }
0x4b: {  	_ =	shalt  }
0x4c: {  	_ =	shalt  }
0x4d: {  	_ =	shalt  }
0x4e: {  	_ =	shalt  }
0x4f: {  	_ =	shalt  }
0x50: {  	_ =	shalt  }
0x51: {  	_ =	shalt  }
0x52: {  	_ =	shalt  }
0x53: {  	_ =	shalt  }
0x54: {  	_ =	shalt  }
0x55: {  	_ =	shalt  }
0x56: {  	_ =	shalt  }
0x57: {  	_ =	shalt  }
0x58: {  	_ =	shalt  }
0x59: {  	_ =	shalt  }
0x5a: {  	_ =	shalt  }
0x5b: {  	_ =	shalt  }
0x5c: {  	_ =	shalt  }
0x5d: {  	_ =	shalt  }
0x5e: {  	_ =	shalt  }
0x5f: {  	_ =	shalt  }
0x60: {  	_ =	shalt  }
0x61: {  	_ =	shalt  }
0x62: {  	_ =	shalt  }
0x63: {  	_ =	shalt  }
0x64: {  	_ =	shalt  }
0x65: {  	_ =	shalt  }
0x66: {  	_ =	shalt  }
0x67: {  	_ =	shalt  }
0x68: {  	_ =	shalt  }
0x69: {  	_ =	shalt  }
0x6a: {  	_ =	shalt  }
0x6b: {  	_ =	shalt  }
0x6c: {  	_ =	shalt  }
0x6d: {  	_ =	shalt  }
0x6e: {  	_ =	shalt  }
0x6f: {  	_ =	shalt  }
0x70: {  	_ =	shalt  }
0x71: {  	_ =	shalt  }
0x72: {  	_ =	shalt  }
0x73: {  	_ =	shalt  }
0x74: {  	_ =	shalt  }
0x75: {  	_ =	shalt  }
0x76: {  	_ =	shalt  }
0x77: {  	_ =	shalt  }
0x78: {  	_ =	shalt  }
0x79: {  	_ =	shalt  }
0x7a: {  	_ =	shalt  }
0x7b: {  	_ =	shalt  }
0x7c: {  	_ =	shalt  }
0x7d: {  	_ =	shalt  }
0x7e: {  	_ =	shalt  }
0x7f: {  	_ =	shalt  }
0x80: {  	_ =	shalt  }
0x81: {  	_ =	shalt  }
0x82: {  	_ =	shalt  }
0x83: {  	_ =	shalt  }
0x84: {  	_ =	shalt  }
0x85: {  	_ =	shalt  }
0x86: {  	_ =	shalt  }
0x87: {  	_ =	shalt  }
.Lfunc_end0:
.L_simem_size_0:
called_computation.2_lowered:
.L_overlay_start_0:
0x88: {  	s2 =	sld [smem:$0x3FD9]  }
0x89: {  	s3 =	sld [smem:$0x3FFE];
	_ =	sdelay $0x1  }
0x8a: {  	s1 =	srdreg.scid  }
0x8b: {  	s0 =	sand.u32 $0x1, s1  }
0x8c: {  	s16 =	sshll.u32 s0, $0xA;
	s2 =	sadd.s32 s3, s2  }
0x8d: {  	s2 =	sadd.s32 s2, s16  }
0x8e: {  	[smem:$0x3FB8] =	sst s2  }
0x8f: {  	_ = 	snop  }
0x90: {  	(tm) =	ssettm $0x1  }
0x91: {  	s17 =	sld [smem:$0x3FFB];
	_ =	sdelay $0x3  }
0x92: {  	_ =	strace s17  }
0x93: {  	s2 =	sld [smem:$0x3FFC];
	_ =	sdelay $0x3  }
0x94: {  	_ =	strace s2  }
0x95: {  	s2 =	sld [smem:$0x3FFD];
	_ =	sdelay $0x3  }
0x96: {  	_ =	strace s2  }
0x97: {  	_ =	strace $0x8FFFFFFF  }
0x98: {  	s18 =	sld [smem:$0x3FDB];
	_ =	sdelay $0x1  }
0x99: {  	s19 =	simm.s32 $_scs_section_size  }
0x9a: {  	s4 =	simm.s32 $_size__tile_overlayer_lowered;
	s5 =	simm.s32 $_tile_overlayer_lowered  }
0x9b: {  	s22 =	simm.s32 $0x1BFF;
	s21 =	sshll.u32 s5, $0x1;
	s2 =	sadd.s32 s19, s18  }
0x9c: {  	s6 =	simm.s32 $0x0;
	s20 =	sshll.u32 s4, $0x1;
	s4 =	sadd.s32 s21, s2  }
0x9d: {  	[timem:s6], [sflag:s22] =	dma.local [hbm:s4], s20  }
0x9e: {  	_ =	swait.ge [sflag:s22], s20  }
0x9f: {  	s3 =	ssub.s32 $0x0, s20;
	[sflag:s22] =	ssyncset.done $0x0  }
0xa0: {  	[sflag:s22] =	ssyncadd.s32 s3;
	_ =	sdelay $0x1  }
0xa1: {  	s23 =	simm.s32 $0x1B8B  }
0xa2: {  	_ =	swait.ge [sflag:s23], $0x1  }
0xa3: {  	[sflag:s23] =	ssyncset.done $0x0  }
0xa4: {  	s25 =	simm.s32 $0x1B8E;
	s24 =	sld [smem:$0x3FFE];
	[sflag:s23] =	ssyncadd.s32 $0xFFFFFFFF  }
0xa5: {  	s26 =	simm.s32 $execute0_lowered;
	[smem:$0x3FD2] =	sst s25  }
0xa6: {  	s4 =	sshll.u32 s26, $0x1;
	_ =	strace $0x8000004C;
	[dreg:$0x1] =	wrdreg $0xFFFFFFFF  }
0xa7: {  	s28 =	simm.s32 $_size_execute0_lowered;
	s2 =	sadd.s32 s2, s4;
	[dreg:$0x0] =	wrdreg $0x0  }
0xa8: {  	s4 =	sshll.u32 s28, $0x1;
	[dreg:$0x2] =	wrdreg s2  }
0xa9: {  	[dreg:$0x3] =	wrdreg s4  }
0xaa: {  	[dreg:$0x4] =	wrdreg $0xC0  }
0xab: {  	_ =	task [dreg:s6], $0x5FFFF  }
0xac: {  	[dreg:$0x1] =	wrdreg $0xFFFFFFFF  }
0xad: {  	[dreg:$0x0] =	wrdreg $0x60  }
0xae: {  	[dreg:$0x2] =	wrdreg s24  }
0xaf: {  	[dreg:$0x3] =	wrdreg $0xB7800  }
0xb0: {  	[dreg:$0x4] =	wrdreg $0x9  }
0xb1: {  	_ =	task.clear_ibuf [dreg:s6], $0x5FFFF;
	_ =	strace $0x9000004C  }
0xb2: {  	s29 =	simm.s32 $0x9;
	_ =	strace $0x8000004E  }
0xb3: {  	_ =	swait.ge [sflag:s29], $0x1  }
0xb4: {  	[sflag:s29] =	ssyncadd.s32 $0xFFFFFFFF  }
0xb5: {  	_ =	strace $0x9000004E  }
0xb6: {  	_ =	sfence  }
0xb7: {  	s30 =	sld [smem:$0x0];
	_ =	sdelay $0x2  }
0xb8: {  	s31 =	sshll.u32 s1, $0xD;
	s1 =	sshrl.u32 s1, $0x2  }
0xb9: {  	s3 =	sand.u32 $0x4000, s31;
	s1 =	sadd.s32 s1, s30  }
0xba: {  	s0 =	sor.u32 s3, s0;
	s1 =	sshll.u32 s1, $0x11  }
0xbb: {  	s0 =	sor.u32 s1, s0  }
0xbc: {  	s0 =	sadd.s32 $0x8F2B, s0  }
0xbd: {  	[sflag:s0] =	ssyncadd.remote.s32 $0x1  }
0xbe: {  	_ =	sfence.sel $0xFFFF  }
0xbf: {  	[dreg:$0x0] =	wrdreg $0xFFFFFFFF;
	(pc) =	sbr.abs _section_cstart, $3  }
0xc0: {  	[dreg:$0x1] =	wrdreg $0xFFFFFFFF  }
0xc1: {  	_ =	task.clear_ibuf [dreg:s6], $0x2FFFF;
	_ =	strace $0x9FFFFFFF  }
0xc2: {  	(tm) =	ssettm $0x7FFFFFFF  }
0xc3: {  	_ =	shalt  }
tec
execute0_lowered:
.L_overlay_start_1:
0x0: {  	(tag) =	ssettag $0x1  }
0x1: {  	s0 =	srdreg.scid;
	s5 =	rddreg [dreg:$0x0]  }
0x2: {  	s10 =	stileid.u32;
	s2 =	rddreg [dreg:$0x1]  }
0x3: {  	s28 =	simm.s32 $0x5;
	s29 =	simm.s32 $0x28;
	s30 =	simm.s32 $0x6780  }
0x4: {  	s31 =	simm.s32 $0x7B80;
	s0 =	sand.u32 $0x1, s0;
	s8 =	smul.u32 $0x50000, s10  }
0x5: {  	s6 =	sshll.u32 s10, $0x7;
	s7 =	sadd.s32 $0x1DE00, s5;
	s15 =	smul.u32 $0x14000, s10  }
0x6: {  	s1 =	sshll.u32 s0, $0x4;
	s6 =	sand.u32 $0x380, s6;
	s22 =	ssub.s32 $0x2, s0  }
0x7: {  	s0 =	smul.u32 $0x140000, s0;
	s1 =	sor.u32 s10, s1;
	s9 =	sshrl.u32 s22, $0x1  }
0x8: {  	s23 =	sshrl.u32 s8, $0x2;
	s24 =	sor.u32 $0x2800, s15;
	s25 =	sadd.s32 $0x5000, s15  }
0x9: {  	s16 =	sadd.s32 $0x7800, s15;
	s17 =	sadd.s32 $0xA000, s15;
	s18 =	sadd.s32 $0xC800, s15  }
0xa: {  	s19 =	sadd.s32 $0xF000, s15;
	s20 =	sadd.s32 $0x11800, s15;
	s3 =	sshrl.u32 s1, $0x3  }
0xb: {  	s1 =	sshll.u32 s1, $0xB;
	s8 =	sadd.s32 s23, s2;
	s10 =	sadd.s32 s25, s2  }
0xc: {  	s11 =	sadd.s32 s16, s2;
	s12 =	sadd.s32 s17, s2;
	s13 =	sadd.s32 s18, s2  }
0xd: {  	s14 =	sadd.s32 s19, s2;
	s21 =	sadd.s32 s15, s0;
	s16 =	sadd.s32 s0, s16  }
0xe: {  	s17 =	sadd.s32 s0, s17;
	s18 =	sadd.s32 s0, s18;
	s15 =	sadd.s32 s20, s2  }
0xf: {  	s4 =	smul.u32 $0x13C00, s3;
	s3 =	simm.s32 $0x0;
	s1 =	sadd.s32 s1, s5  }
0x10: {  	s26 =	sshrl.u32 s21, $0x3;
	s21 =	sshrl.u32 s16, $0x3;
	s23 =	sshrl.u32 s17, $0x3  }
0x11: {  	s16 =	simm.s32 $0x0;
	[smem:$0x7FF] =	sst s3;
	s1 =	sadd.s32 $0x3600, s1  }
0x12: {  	s4 =	sor.u32 s6, s4;
	_ =	strace $0x8000004D;
	[dreg:$0x3] =	wrdreg s7  }
0x13: {  	s7 =	ssub.s32 s22, s9;
	[dreg:$0x5] =	wrdreg s1;
	s6 =	sshrl.u32 s4, $0x3  }
0x14: {  	s1 =	sadd.s32 s0, s24;
	s22 =	sadd.s32 s0, s19;
	s6 =	sadd.s32 s6, s5  }
0x15: {  	s4 =	sadd.s32 $0x1E400, s5;
	s5 =	sadd.s32 $0x45600, s5;
	s6 =	sadd.s32 $0x14000, s6  }
0x16: {  	s1 =	sshrl.u32 s1, $0x3;
	s19 =	sadd.s32 s5, s26;
	[dreg:$0x4] =	wrdreg s6  }
0x17: {  	s9 =	sadd.s32 s24, s2;
	s1 =	sadd.s32 s5, s1;
	[dreg:$0x6] =	wrdreg s19  }
0x18: {  	s24 =	sadd.s32 s5, s23;
	s26 =	sshrl.u32 s22, $0x3;
	[dreg:$0x7] =	wrdreg s1  }
0x19: {  	s6 =	sadd.s32 s0, s25;
	s0 =	sadd.s32 s0, s20;
	[dreg:$0xa] =	wrdreg s24  }
0x1a: {  	s25 =	sshrl.u32 s18, $0x3;
	s22 =	sadd.s32 s5, s26;
	s24 =	smax.u32 s7, $0x1  }
0x1b: {  	s26 =	simm.s32 $0xA380;
	s7 =	simm.s32 $0x4;
	s20 =	sshrl.u32 s6, $0x3  }
0x1c: {  	s0 =	sshrl.u32 s0, $0x3;
	s6 =	simm.s32 $0x3;
	s1 =	sadd.s32 s5, s20  }
0x1d: {  	s23 =	sadd.s32 s5, s0;
	s0 =	simm.s32 $0x1;
	[dreg:$0x8] =	wrdreg s1  }
0x1e: {  	s1 =	sadd.s32 s5, s21;
	s21 =	sadd.s32 s5, s25;
	s25 =	simm.s32 $0x2  }
0x1f: {  	s5 =	simm.s32 $0x50;
	[dreg:$0x9] =	wrdreg s1;
	s1 =	simm.s32 $0x8F80  }
.LBB2_1:
0x20: {  	s17 =	rddreg [dreg:$0x4];
	s18 =	simm.s32 $0x80;
	s19 =	simm.s32 $0x400  }
0x21: {  	[tilespmem:s3], [sflag:$0x5] =	stream.strided.gather [hbm4b:s17+s18], $0x2780, s19, s18, $0x38;
	[tilespmem:$0x1F780] =	vst v63  }
0x22: {  	_ =	swait.ge [sflag:s28], $0x2780  }
0x23: {  	[sflag:s28] =	ssyncset.done $0x0  }
0x24: {  	s17 =	simm.s32 $0x2780;
	s20 =	rddreg [dreg:$0x5];
	[sflag:s28] =	ssyncadd.s32 $0xFFFFD880  }
0x25: {  	[tilespmem:s17], [sflag:$0x5] =	stream.linear.gather [hbm4b:s20+s3], $0x3E80, $0x38;
	[tilespmem:$0x1F780] =	vst v63  }
0x26: {  	_ =	swait.ge [sflag:s28], $0x3E80  }
0x27: {  	[sflag:s28] =	ssyncset.done $0x0  }
0x28: {  	[sflag:s28] =	ssyncadd.s32 $0xFFFFC180  }
0x29: {  	[tilespmem:s30], [sflag:$0x1] =	stream.indirect.gather [hbm4b:s4+s29], $0x80, s3, s29, $0xb8;
	[tilespmem:$0x1F780] =	vst v63  }
0x2a: {  	_ = 	snop  }
0x2b: {  	[tilespmem:s31], [sflag:$0x2] =	stream.indirect.gather [hbm4b:s4+s29], $0x80, s29, s29, $0xb8;
	[tilespmem:$0x1F780] =	vst v63  }
0x2c: {  	s19 =	rddreg [dreg:$0x3]  }
0x2d: {  	[tilespmem:s1], [sflag:$0x5] =	stream.linear.gather [hbm4b:s19+s3], $0x2800, $0x38;
	[tilespmem:$0x1F780] =	vst v63  }
0x2e: {  	_ =	swait.ge [sflag:s28], $0x2800  }
0x2f: {  	[sflag:s28] =	ssyncset.done $0x0  }
0x30: {  	[sflag:s28] =	ssyncadd.s32 $0xFFFFD800  }
0x31: {  	[spmem:s8] =	stream.linear.scatter [tilespmem:s1], [sflag:$0x5], $0x2800, $0x38;
	[tilespmem:$0x1F780] =	vst v63  }
0x32: {  	_ =	swait.ge [sflag:s28], $0x2800  }
0x33: {  	[sflag:s28] =	ssyncset.done $0x0  }
0x34: {  	[sflag:s28] =	ssyncadd.s32 $0xFFFFD800  }
0x35: {  	[spmem:s9] =	stream.linear.scatter [tilespmem:s1], [sflag:$0x5], $0x2800, $0x38;
	[tilespmem:$0x1F780] =	vst v63  }
0x36: {  	_ =	swait.ge [sflag:s28], $0x2800  }
0x37: {  	[sflag:s28] =	ssyncset.done $0x0  }
0x38: {  	[sflag:s28] =	ssyncadd.s32 $0xFFFFD800  }
0x39: {  	[spmem:s10] =	stream.linear.scatter [tilespmem:s1], [sflag:$0x5], $0x2800, $0x38;
	[tilespmem:$0x1F780] =	vst v63  }
0x3a: {  	_ =	swait.ge [sflag:s28], $0x2800  }
0x3b: {  	[sflag:s28] =	ssyncset.done $0x0  }
0x3c: {  	[sflag:s28] =	ssyncadd.s32 $0xFFFFD800  }
0x3d: {  	[spmem:s11] =	stream.linear.scatter [tilespmem:s1], [sflag:$0x5], $0x2800, $0x38;
	[tilespmem:$0x1F780] =	vst v63  }
0x3e: {  	_ =	swait.ge [sflag:s28], $0x2800  }
0x3f: {  	[sflag:s28] =	ssyncset.done $0x0  }
0x40: {  	[sflag:s28] =	ssyncadd.s32 $0xFFFFD800  }
0x41: {  	[spmem:s12] =	stream.linear.scatter [tilespmem:s1], [sflag:$0x5], $0x2800, $0x38;
	[tilespmem:$0x1F780] =	vst v63  }
0x42: {  	_ =	swait.ge [sflag:s28], $0x2800  }
0x43: {  	[sflag:s28] =	ssyncset.done $0x0  }
0x44: {  	[sflag:s28] =	ssyncadd.s32 $0xFFFFD800  }
0x45: {  	[spmem:s13] =	stream.linear.scatter [tilespmem:s1], [sflag:$0x5], $0x2800, $0x38;
	[tilespmem:$0x1F780] =	vst v63  }
0x46: {  	_ =	swait.ge [sflag:s28], $0x2800  }
0x47: {  	[sflag:s28] =	ssyncset.done $0x0  }
0x48: {  	[sflag:s28] =	ssyncadd.s32 $0xFFFFD800  }
0x49: {  	[spmem:s14] =	stream.linear.scatter [tilespmem:s1], [sflag:$0x5], $0x2800, $0x38;
	[tilespmem:$0x1F780] =	vst v63  }
0x4a: {  	_ =	swait.ge [sflag:s28], $0x2800  }
0x4b: {  	[sflag:s28] =	ssyncset.done $0x0  }
0x4c: {  	[sflag:s28] =	ssyncadd.s32 $0xFFFFD800  }
0x4d: {  	[spmem:s15] =	stream.linear.scatter [tilespmem:s1], [sflag:$0x5], $0x2800, $0x38;
	[tilespmem:$0x1F780] =	vst v63  }
0x4e: {  	_ =	swait.ge [sflag:s28], $0x2800  }
0x4f: {  	[sflag:s28] =	ssyncset.done $0x0  }
0x50: {  	[sflag:s28] =	ssyncadd.s32 $0xFFFFD800  }
0x51: {  	[bflag:$0x0] =	sbarrier.arrive $0xFFFF  }
0x52: {  	_ =	swait.ge [sflag:s0], $0x1400  }
0x53: {  	[sflag:s0] =	ssyncset.done $0x0  }
0x54: {  	[sflag:s0] =	ssyncadd.s32 $0xFFFFEC00  }
0x55: {  	_ =	swait.ge [sflag:s25], $0x1400  }
0x56: {  	[sflag:s25] =	ssyncset.done $0x0  }
0x57: {  	s20 =	simm.s32 $0x50;
	[sflag:s25] =	ssyncadd.s32 $0xFFFFEC00  }
0x58: {  	[tilespmem:s1], [sflag:$0x3] =	stream.indirect.gather [hbm4b:s4+s29], $0x80, s20, s29, $0xb8;
	[tilespmem:$0x1F780] =	vst v63  }
0x59: {  	s19 =	simm.s32 $0x78  }
0x5a: {  	[tilespmem:s26], [sflag:$0x4] =	stream.indirect.gather [hbm4b:s4+s29], $0x80, s19, s29, $0xb8;
	[tilespmem:$0x1F780] =	vst v63  }
0x5b: {  	_ = 	snop  }
0x5c: {  	[spmem:s2] =	stream.indirect.scatter.add.f32 [tilespmem:s30], [sflag:$0x5], $0x80, s17, s5, $0xb8;
	[tilespmem:$0x1F780] =	vst v63  }
0x5d: {  	_ =	swait.ge [sflag:s28], $0x2800  }
0x5e: {  	[sflag:s28] =	ssyncset.done $0x0  }
0x5f: {  	[sflag:s28] =	ssyncadd.s32 $0xFFFFD800  }
0x60: {  	_ =	swait.ge [sflag:s6], $0x1400  }
0x61: {  	[sflag:s6] =	ssyncset.done $0x0  }
0x62: {  	[sflag:s6] =	ssyncadd.s32 $0xFFFFEC00  }
0x63: {  	_ =	swait.ge [sflag:s7], $0x1400  }
0x64: {  	[sflag:s7] =	ssyncset.done $0x0  }
0x65: {  	s20 =	simm.s32 $0xA0;
	[sflag:s7] =	ssyncadd.s32 $0xFFFFEC00  }
0x66: {  	[tilespmem:s30], [sflag:$0x1] =	stream.indirect.gather [hbm4b:s4+s29], $0x80, s20, s29, $0xb8;
	[tilespmem:$0x1F780] =	vst v63  }
0x67: {  	s19 =	simm.s32 $0xC8  }
0x68: {  	[tilespmem:s31], [sflag:$0x2] =	stream.indirect.gather [hbm4b:s4+s29], $0x80, s19, s29, $0xb8;
	[tilespmem:$0x1F780] =	vst v63  }
0x69: {  	s20 =	simm.s32 $0x2800  }
0x6a: {  	[spmem:s2] =	stream.indirect.scatter.add.f32 [tilespmem:s1], [sflag:$0x5], $0x80, s20, s5, $0xb8;
	[tilespmem:$0x1F780] =	vst v63  }
0x6b: {  	_ =	swait.ge [sflag:s28], $0x2800  }
0x6c: {  	s18 =	simm.s32 $0x280;
	[sflag:s28] =	ssyncset.done $0x0  }
.LBB2_2:
0x6d: {  	p0 =	sne.s32 s18, $0x9880;
	[sflag:s28] =	ssyncadd.s32 $0xFFFFD800;
	s17 =	sadd.s32 $0x100, s17  }
0x6e: {  	s19 =	smov.u32 s18;
	s18 =	sadd.s32 $0x280, s18  }
0x6f: {  	_ =	swait.ge [sflag:s0], $0x1400  }
0x70: {  	[sflag:s0] =	ssyncset.done $0x0  }
0x71: {  	[sflag:s0] =	ssyncadd.s32 $0xFFFFEC00  }
0x72: {  	_ =	swait.ge [sflag:s25], $0x1400  }
0x73: {  	s19 =	sshra.s32 s19, $0x2;
	[sflag:s25] =	ssyncset.done $0x0  }
0x74: {  	s20 =	sadd.s32 $0x50, s19;
	[sflag:s25] =	ssyncadd.s32 $0xFFFFEC00  }
0x75: {  	[tilespmem:s1], [sflag:$0x3] =	stream.indirect.gather [hbm4b:s4+s29], $0x80, s20, s29, $0xb8;
	[tilespmem:$0x1F780] =	vst v63  }
0x76: {  	s20 =	sadd.s32 $0x78, s19  }
0x77: {  	[tilespmem:s26], [sflag:$0x4] =	stream.indirect.gather [hbm4b:s4+s29], $0x80, s20, s29, $0xb8;
	[tilespmem:$0x1F780] =	vst v63  }
0x78: {  	_ = 	snop  }
0x79: {  	[spmem:s2] =	stream.indirect.scatter.add.f32 [tilespmem:s30], [sflag:$0x5], $0x80, s17, s5, $0xb8;
	[tilespmem:$0x1F780] =	vst v63  }
0x7a: {  	_ =	swait.ge [sflag:s28], $0x2800  }
0x7b: {  	[sflag:s28] =	ssyncset.done $0x0  }
0x7c: {  	[sflag:s28] =	ssyncadd.s32 $0xFFFFD800  }
0x7d: {  	_ =	swait.ge [sflag:s6], $0x1400  }
0x7e: {  	[sflag:s6] =	ssyncset.done $0x0  }
0x7f: {  	[sflag:s6] =	ssyncadd.s32 $0xFFFFEC00  }
0x80: {  	_ =	swait.ge [sflag:s7], $0x1400  }
0x81: {  	[sflag:s7] =	ssyncset.done $0x0  }
0x82: {  	s20 =	sadd.s32 $0xA0, s19;
	[sflag:s7] =	ssyncadd.s32 $0xFFFFEC00  }
0x83: {  	[tilespmem:s30], [sflag:$0x1] =	stream.indirect.gather [hbm4b:s4+s29], $0x80, s20, s29, $0xb8;
	[tilespmem:$0x1F780] =	vst v63  }
0x84: {  	s19 =	sadd.s32 $0xC8, s19  }
0x85: {  	[tilespmem:s31], [sflag:$0x2] =	stream.indirect.gather [hbm4b:s4+s29], $0x80, s19, s29, $0xb8;
	[tilespmem:$0x1F780] =	vst v63  }
.Ltmp0:
0x86: {  	_ = 	snop;
	(pc) =	sbr.rel @p0 .LBB2_2-.Ltmp0, $4  }
0x87: {  	s19 =	sadd.s32 $0x80, s17  }
0x88: {  	[spmem:s2] =	stream.indirect.scatter.add.f32 [tilespmem:s1], [sflag:$0x5], $0x80, s19, s5, $0xb8;
	[tilespmem:$0x1F780] =	vst v63  }
0x89: {  	_ =	swait.ge [sflag:s28], $0x2800  }
0x8a: {  	[sflag:s28] =	ssyncset.done $0x0  }
0x8b: {  	[sflag:s28] =	ssyncadd.s32 $0xFFFFD800  }
0x8c: {  	_ =	swait.ge [sflag:s0], $0x1400  }
0x8d: {  	[sflag:s0] =	ssyncset.done $0x0  }
0x8e: {  	[sflag:s0] =	ssyncadd.s32 $0xFFFFEC00  }
0x8f: {  	_ =	swait.ge [sflag:s25], $0x1400  }
0x90: {  	[sflag:s25] =	ssyncset.done $0x0  }
0x91: {  	s17 =	simm.s32 $0x6580;
	[sflag:s25] =	ssyncadd.s32 $0xFFFFEC00  }
0x92: {  	[spmem:s2] =	stream.indirect.scatter.add.f32 [tilespmem:s30], [sflag:$0x5], $0x80, s17, s5, $0xb8;
	[tilespmem:$0x1F780] =	vst v63  }
0x93: {  	_ =	swait.ge [sflag:s28], $0x2800  }
0x94: {  	[sflag:s28] =	ssyncset.done $0x0  }
0x95: {  	s18 =	stileid.u32;
	[sflag:s28] =	ssyncadd.s32 $0xFFFFD800  }
0x96: {  	s17 =	sshll.u32 s18, $0x6;
	[bflag:$0x0] =	sbarrier.arrive $0xFFFF  }
0x97: {  	s18 =	sshrl.u32 s8, $0x3;
	s17 =	sor.u32 $0x1C05, s17;
	s19 =	rddreg [dreg:$0x6]  }
0x98: {  	[hbm:s19], [sflag:s17] =	dma.local [spmem:s18], $0x500  }
0x99: {  	_ =	swait.ge [sflag:s28], $0x500  }
0x9a: {  	[sflag:s28] =	ssyncset.done $0x0  }
0x9b: {  	s19 =	sshrl.u32 s9, $0x3;
	s20 =	rddreg [dreg:$0x7];
	[sflag:s28] =	ssyncadd.s32 $0xFFFFFB00  }
0x9c: {  	[hbm:s20], [sflag:s17] =	dma.local [spmem:s19], $0x500  }
0x9d: {  	_ =	swait.ge [sflag:s28], $0x500  }
0x9e: {  	[sflag:s28] =	ssyncset.done $0x0  }
0x9f: {  	s19 =	sshrl.u32 s10, $0x3;
	s20 =	rddreg [dreg:$0x8];
	[sflag:s28] =	ssyncadd.s32 $0xFFFFFB00  }
0xa0: {  	[hbm:s20], [sflag:s17] =	dma.local [spmem:s19], $0x500  }
0xa1: {  	_ =	swait.ge [sflag:s28], $0x500  }
0xa2: {  	[sflag:s28] =	ssyncset.done $0x0  }
0xa3: {  	s19 =	sshrl.u32 s11, $0x3;
	s20 =	rddreg [dreg:$0x9];
	[sflag:s28] =	ssyncadd.s32 $0xFFFFFB00  }
0xa4: {  	[hbm:s20], [sflag:s17] =	dma.local [spmem:s19], $0x500  }
0xa5: {  	_ =	swait.ge [sflag:s28], $0x500  }
0xa6: {  	[sflag:s28] =	ssyncset.done $0x0  }
0xa7: {  	s19 =	sshrl.u32 s12, $0x3;
	s20 =	rddreg [dreg:$0xa];
	[sflag:s28] =	ssyncadd.s32 $0xFFFFFB00  }
0xa8: {  	[hbm:s20], [sflag:s17] =	dma.local [spmem:s19], $0x500  }
0xa9: {  	_ =	swait.ge [sflag:s28], $0x500  }
0xaa: {  	[sflag:s28] =	ssyncset.done $0x0  }
0xab: {  	s20 =	sshrl.u32 s13, $0x3;
	[sflag:s28] =	ssyncadd.s32 $0xFFFFFB00  }
0xac: {  	[hbm:s21], [sflag:s17] =	dma.local [spmem:s20], $0x500  }
0xad: {  	_ =	swait.ge [sflag:s28], $0x500  }
0xae: {  	[sflag:s28] =	ssyncset.done $0x0  }
0xaf: {  	s19 =	sshrl.u32 s14, $0x3;
	[sflag:s28] =	ssyncadd.s32 $0xFFFFFB00  }
0xb0: {  	[hbm:s22], [sflag:s17] =	dma.local [spmem:s19], $0x500  }
0xb1: {  	s16 =	sadd.s32 $0x1, s16;
	_ =	swait.ge [sflag:s28], $0x500  }
0xb2: {  	p0 =	sne.s32 s16, s24;
	[sflag:s28] =	ssyncset.done $0x0  }
.Ltmp1:
0xb3: {  	s20 =	sshrl.u32 s15, $0x3;
	[sflag:s28] =	ssyncadd.s32 $0xFFFFFB00;
	(pc) =	sbr.rel @p0 .LBB2_1-.Ltmp1, $4  }
0xb4: {  	[hbm:s23], [sflag:s17] =	dma.local [spmem:s20], $0x500  }
0xb5: {  	_ =	swait.ge [sflag:s28], $0x500  }
0xb6: {  	[sflag:s28] =	ssyncset.done $0x0  }
0xb7: {  	[sflag:s28] =	ssyncadd.s32 $0xFFFFFB00  }
0xb8: {  	_ =	sfence.sel $0x180000  }
0xb9: {  	[bflag:$0x0] =	sbarrier.arrive $0xFFFF  }
0xba: {  	_ =	strace $0x9000004D  }
0xbb: {  	s0 =	stileid.u32;
	[bflag:$0x2] =	sbarrier.arrive $0xFFFF  }
0xbc: {  	p0 =	sne.s32 s0, $0x0;
	s0 =	rddreg [dreg:$0x2]  }
0xbd: {  	s0 =	sadd.s32 @!p0 $0x100000, s0  }
0xbe: {  	[sflag:s0] =	ssyncadd.tile.s32 @!p0 $0x1;
	_ =	shalt  }
.Lfunc_end2:
_tile_overlayer_lowered:
.L_overlay_start_2:
0xbf: {  	(tag) =	ssettag $0x2  }
0xc0: {  	s0 =	rddreg [dreg:$0x0];
	s2 =	stileid.u32  }
0xc1: {  	s1 =	rddreg [dreg:$0x1];
	p0 =	sne.s32 s2, $0x0  }
0xc2: {  	s3 =	rddreg [dreg:$0x2];
	[bflag:$0x3] =	sbarrier.arrive $0xFFFF;
	s2 =	simm.s32 @!p0 $0x1C05  }
0xc3: {  	[timem:s3], [sflag:s2] =	dma.local @!p0 [hbm:s0], s1  }
0xc4: {  	s0 =	simm.s32 @!p0 $0x5  }
0xc5: {  	_ =	swait.ge @!p0 [sflag:s0], s1  }
0xc6: {  	s1 =	ssub.s32 @!p0 $0x0, s1;
	[sflag:s0] =	ssyncset.done @!p0 $0x0  }
0xc7: {  	[sflag:s0] =	ssyncadd.s32 @!p0 s1  }
0xc8: {  	[bflag:$0x3] =	sbarrier.arrive $0xFFFF  }
0xc9: {  	_ =	shalt  }

// kernel: kernel.18.cloned.1.call-start
scs
__scs_entry_jumppad:
0x0: {  	(pc) =	sbr.rel $0x88, $3  }
0x1: {  	(tag) =	ssettag $0x0;
	lr =	simm.s32 $0x1  }
0x2: {  	[smem:$0x3F91] =	sst lr;
	_ =	strace $0xD0000000  }
0x3: {  	_ = 	snop  }
0x4: {  	_ = 	snop  }
0x5: {  	_ = 	snop  }
0x6: {  	_ = 	snop  }
0x7: {  	_ = 	snop  }
__scs_overlays_trampoline_lowered:
0x8: {  	[smem:$0x3FA0] =	sst s0  }
0x9: {  	[smem:$0x3FA1] =	sst s1  }
0xa: {  	[smem:$0x3FA2] =	sst s2  }
0xb: {  	[smem:$0x3FA3] =	sst s3  }
0xc: {  	[smem:$0x3FA4] =	sst s4  }
0xd: {  	[smem:$0x3FA5] =	sst s5  }
0xe: {  	[smem:$0x3FA6] =	sst s6  }
0xf: {  	[smem:$0x3FA7] =	sst s7  }
0x10: {  	[smem:$0x3FA8] =	sst s8  }
0x11: {  	[smem:$0x3FA9] =	sst s9;
	s0 =	simm.s32 @!p0 $0x0  }
0x12: {  	s1 =	sld [smem:$0x3F8F];
	s0 =	simm.s32 @p0 $0x1  }
0x13: {  	[smem:$0x3FAA] =	sst s0;
	s0 =	simm.s32 @!p1 $0x0  }
0x14: {  	s2 =	sld [smem:$0x3F8E];
	s0 =	simm.s32 @p1 $0x1  }
0x15: {  	[smem:$0x3FAB] =	sst s0;
	s0 =	simm.s32 @!p2 $0x0  }
0x16: {  	s3 =	sld [smem:$0x3FDB];
	s0 =	simm.s32 @p2 $0x1  }
0x17: {  	s4 =	simm.s32 $0x1BF5;
	[smem:$0x3FAD] =	sst s0  }
0x18: {  	s0 =	sld [smem:$0x3F90];
	_ =	swait.ge [sflag:s4], $0x0  }
0x19: {  	s7 =	sld [smem:$0x3F91]  }
0x1a: {  	s8 =	sadd.s32 $0xFFFFE003, lr  }
0x1b: {  	s9 =	sadd.s32 $0xFFFFFEF7, lr;
	s5 =	simm.s32 $0xFFFFFFFF;
	p2 =	slt.u32 s8, $0xFFFFF086  }
0x1c: {  	p1 =	slt.u32 s9, $0xF7A;
	s5 =	simm.s32 @!p2 $0x0  }
0x1d: {  	s5 =	simm.s32 @p1 $0x1;
	p0 =	seq.s32 s7, s2  }
0x1e: {  	s7 =	smul.u32 @!p0 $0xF7A, s2;
	p2 =	seq.s32 @!p0 s5, $0x0  }
0x1f: {  	s9 =	smul.u32 $0xF7A, s1;
	s8 =	simm.s32 @!p0 $0x1BF5;
	p2 =	por !p2, p0  }
0x20: {  	[sflag:s8] =	ssyncset.s32 @!p0 $0xFFFFF086;
	s6 =	sadd.s32 @!p0 s3, s7;
	s7 =	simm.s32 @!p0 $0x108  }
0x21: {  	s3 =	sadd.s32 s3, s9;
	s6 =	sadd.s32 @!p0 $0x88, s6;
	s7 =	simm.s32 @p2 $0x1082  }
0x22: {  	[simem:s7], [sflag:s8] =	dma.local @!p0 [hbm:s6], $0xF7A  }
0x23: {  	s9 =	sor.u32 $0xD0000000, s2;
	s6 =	simm.s32 $0x108;
	_ =	swait.ge @!p0 [sflag:s8], $0x0  }
0x24: {  	s3 =	sadd.s32 $0x88, s3;
	s6 =	simm.s32 @!p1 $0x1082;
	[sflag:s4] =	ssyncset.s32 $0xFFFFF086  }
0x25: {  	[simem:s6], [sflag:s4] =	dma.local [hbm:s3], $0xF7A  }
0x26: {  	[smem:$0x3F91] =	sst s1;
	(tag) =	ssettag s2;
	_ =	strace s9  }
0x27: {  	s1 =	sld [smem:$0x3FA1]  }
0x28: {  	s2 =	sld [smem:$0x3FA2]  }
0x29: {  	s4 =	sld [smem:$0x3FA4]  }
0x2a: {  	p0 =	seq.s32 s5, $0x0;
	s5 =	sld [smem:$0x3FA5]  }
0x2b: {  	s6 =	sld [smem:$0x3FA6]  }
0x2c: {  	s7 =	sld [smem:$0x3FA7]  }
0x2d: {  	s3 =	simm.s32 $0x108;
	s8 =	sld [smem:$0x3FA8]  }
0x2e: {  	s3 =	simm.s32 @!p0 $0x1082;
	s9 =	sld [smem:$0x3FA9]  }
0x2f: {  	lr =	sadd.s32 s0, s3;
	s0 =	sld [smem:$0x3FA0]  }
0x30: {  	s3 =	sld [smem:$0x3FA3]  }
0x31: {  	[smem:$0x3FAC] =	sst s10  }
0x32: {  	s10 =	sld [smem:$0x3FAA];
	_ =	sdelay $0x3  }
0x33: {  	p0 =	seq.s32 s10, $0x1;
	s10 =	sld [smem:$0x3FAC];
	_ =	sdelay $0x3  }
0x34: {  	[smem:$0x3FAC] =	sst s10  }
0x35: {  	s10 =	sld [smem:$0x3FAB];
	_ =	sdelay $0x3  }
0x36: {  	p1 =	seq.s32 s10, $0x1;
	s10 =	sld [smem:$0x3FAC];
	_ =	sdelay $0x3  }
0x37: {  	[smem:$0x3FAC] =	sst s10  }
0x38: {  	s10 =	sld [smem:$0x3FAD]  }
0x39: {  	_ = 	snop;
	(pc) =	sbr.ind lr, $3  }
0x3a: {  	_ = 	snop  }
0x3b: {  	_ = 	snop  }
0x3c: {  	p2 =	seq.s32 s10, $0x1;
	s10 =	sld [smem:$0x3FAC]  }
0x3d: {  	_ =	shalt  }
0x3e: {  	_ =	shalt  }
0x3f: {  	_ =	shalt  }
0x40: {  	_ =	shalt  }
0x41: {  	_ =	shalt  }
0x42: {  	_ =	shalt  }
0x43: {  	_ =	shalt  }
0x44: {  	_ =	shalt  }
0x45: {  	_ =	shalt  }
0x46: {  	_ =	shalt  }
0x47: {  	_ =	shalt  }
0x48: {  	_ =	shalt  }
0x49: {  	_ =	shalt  }
0x4a: {  	_ =	shalt  }
0x4b: {  	_ =	shalt  }
0x4c: {  	_ =	shalt  }
0x4d: {  	_ =	shalt  }
0x4e: {  	_ =	shalt  }
0x4f: {  	_ =	shalt  }
0x50: {  	_ =	shalt  }
0x51: {  	_ =	shalt  }
0x52: {  	_ =	shalt  }
0x53: {  	_ =	shalt  }
0x54: {  	_ =	shalt  }
0x55: {  	_ =	shalt  }
0x56: {  	_ =	shalt  }
0x57: {  	_ =	shalt  }
0x58: {  	_ =	shalt  }
0x59: {  	_ =	shalt  }
0x5a: {  	_ =	shalt  }
0x5b: {  	_ =	shalt  }
0x5c: {  	_ =	shalt  }
0x5d: {  	_ =	shalt  }
0x5e: {  	_ =	shalt  }
0x5f: {  	_ =	shalt  }
0x60: {  	_ =	shalt  }
0x61: {  	_ =	shalt  }
0x62: {  	_ =	shalt  }
0x63: {  	_ =	shalt  }
0x64: {  	_ =	shalt  }
0x65: {  	_ =	shalt  }
0x66: {  	_ =	shalt  }
0x67: {  	_ =	shalt  }
0x68: {  	_ =	shalt  }
0x69: {  	_ =	shalt  }
0x6a: {  	_ =	shalt  }
0x6b: {  	_ =	shalt  }
0x6c: {  	_ =	shalt  }
0x6d: {  	_ =	shalt  }
0x6e: {  	_ =	shalt  }
0x6f: {  	_ =	shalt  }
0x70: {  	_ =	shalt  }
0x71: {  	_ =	shalt  }
0x72: {  	_ =	shalt  }
0x73: {  	_ =	shalt  }
0x74: {  	_ =	shalt  }
0x75: {  	_ =	shalt  }
0x76: {  	_ =	shalt  }
0x77: {  	_ =	shalt  }
0x78: {  	_ =	shalt  }
0x79: {  	_ =	shalt  }
0x7a: {  	_ =	shalt  }
0x7b: {  	_ =	shalt  }
0x7c: {  	_ =	shalt  }
0x7d: {  	_ =	shalt  }
0x7e: {  	_ =	shalt  }
0x7f: {  	_ =	shalt  }
0x80: {  	_ =	shalt  }
0x81: {  	_ =	shalt  }
0x82: {  	_ =	shalt  }
0x83: {  	_ =	shalt  }
0x84: {  	_ =	shalt  }
0x85: {  	_ =	shalt  }
0x86: {  	_ =	shalt  }
0x87: {  	_ =	shalt  }
.Lfunc_end0:
.L_simem_size_0:
called_computation.3_lowered:
.L_overlay_start_0:
0x88: {  	s2 =	sld [smem:$0x3FD9]  }
0x89: {  	s3 =	sld [smem:$0x3FFE];
	_ =	sdelay $0x1  }
0x8a: {  	s1 =	srdreg.scid  }
0x8b: {  	s0 =	sand.u32 $0x1, s1  }
0x8c: {  	s16 =	sshll.u32 s0, $0xA;
	s2 =	sadd.s32 s3, s2  }
0x8d: {  	s2 =	sadd.s32 s2, s16  }
0x8e: {  	[smem:$0x3FB8] =	sst s2  }
0x8f: {  	_ = 	snop  }
0x90: {  	(tm) =	ssettm $0x1  }
0x91: {  	s17 =	sld [smem:$0x3FFB];
	_ =	sdelay $0x3  }
0x92: {  	_ =	strace s17  }
0x93: {  	s2 =	sld [smem:$0x3FFC];
	_ =	sdelay $0x3  }
0x94: {  	_ =	strace s2  }
0x95: {  	s2 =	sld [smem:$0x3FFD];
	_ =	sdelay $0x3  }
0x96: {  	_ =	strace s2  }
0x97: {  	_ =	strace $0x8FFFFFFF  }
0x98: {  	s18 =	sld [smem:$0x3FDB];
	_ =	sdelay $0x1  }
0x99: {  	s19 =	simm.s32 $_scs_section_size  }
0x9a: {  	s4 =	simm.s32 $_size__tile_overlayer_lowered;
	s5 =	simm.s32 $_tile_overlayer_lowered  }
0x9b: {  	s22 =	simm.s32 $0x1BFF;
	s21 =	sshll.u32 s5, $0x1;
	s2 =	sadd.s32 s19, s18  }
0x9c: {  	s6 =	simm.s32 $0x0;
	s20 =	sshll.u32 s4, $0x1;
	s4 =	sadd.s32 s21, s2  }
0x9d: {  	[timem:s6], [sflag:s22] =	dma.local [hbm:s4], s20  }
0x9e: {  	_ =	swait.ge [sflag:s22], s20  }
0x9f: {  	s3 =	ssub.s32 $0x0, s20;
	[sflag:s22] =	ssyncset.done $0x0  }
0xa0: {  	[sflag:s22] =	ssyncadd.s32 s3;
	_ =	sdelay $0x1  }
0xa1: {  	s23 =	simm.s32 $0x1B8B  }
0xa2: {  	_ =	swait.ge [sflag:s23], $0x1  }
0xa3: {  	[sflag:s23] =	ssyncset.done $0x0  }
0xa4: {  	s25 =	simm.s32 $0x1B8E;
	s24 =	sld [smem:$0x3FFE];
	[sflag:s23] =	ssyncadd.s32 $0xFFFFFFFF  }
0xa5: {  	s26 =	simm.s32 $execute0_lowered;
	[smem:$0x3FD2] =	sst s25  }
0xa6: {  	s4 =	sshll.u32 s26, $0x1;
	_ =	strace $0x8000004F;
	[dreg:$0x1] =	wrdreg $0xFFFFFFFF  }
0xa7: {  	s28 =	simm.s32 $_size_execute0_lowered;
	s2 =	sadd.s32 s2, s4;
	[dreg:$0x0] =	wrdreg $0x0  }
0xa8: {  	s4 =	sshll.u32 s28, $0x1;
	[dreg:$0x2] =	wrdreg s2  }
0xa9: {  	[dreg:$0x3] =	wrdreg s4  }
0xaa: {  	[dreg:$0x4] =	wrdreg $0xC0  }
0xab: {  	_ =	task [dreg:s6], $0x5FFFF  }
0xac: {  	[dreg:$0x1] =	wrdreg $0xFFFFFFFF  }
0xad: {  	[dreg:$0x0] =	wrdreg $0x60  }
0xae: {  	[dreg:$0x2] =	wrdreg s24  }
0xaf: {  	[dreg:$0x3] =	wrdreg $0xB7800  }
0xb0: {  	[dreg:$0x4] =	wrdreg $0x9  }
0xb1: {  	_ =	task.clear_ibuf [dreg:s6], $0x5FFFF;
	_ =	strace $0x9000004F  }
0xb2: {  	s29 =	simm.s32 $0x9;
	_ =	strace $0x80000051  }
0xb3: {  	_ =	swait.ge [sflag:s29], $0x1  }
0xb4: {  	[sflag:s29] =	ssyncadd.s32 $0xFFFFFFFF  }
0xb5: {  	_ =	strace $0x90000051  }
0xb6: {  	_ =	sfence  }
0xb7: {  	s30 =	sld [smem:$0x0];
	_ =	sdelay $0x2  }
0xb8: {  	s31 =	sshll.u32 s1, $0xD;
	s1 =	sshrl.u32 s1, $0x2  }
0xb9: {  	s3 =	sand.u32 $0x4000, s31;
	s1 =	sadd.s32 s1, s30  }
0xba: {  	s0 =	sor.u32 s3, s0;
	s1 =	sshll.u32 s1, $0x11  }
0xbb: {  	s0 =	sor.u32 s1, s0  }
0xbc: {  	s0 =	sadd.s32 $0x8F2B, s0  }
0xbd: {  	[sflag:s0] =	ssyncadd.remote.s32 $0x1  }
0xbe: {  	_ =	sfence.sel $0xFFFF  }
0xbf: {  	[dreg:$0x0] =	wrdreg $0xFFFFFFFF;
	(pc) =	sbr.abs _section_cstart, $3  }
0xc0: {  	[dreg:$0x1] =	wrdreg $0xFFFFFFFF  }
0xc1: {  	_ =	task.clear_ibuf [dreg:s6], $0x2FFFF;
	_ =	strace $0x9FFFFFFF  }
0xc2: {  	(tm) =	ssettm $0x7FFFFFFF  }
0xc3: {  	_ =	shalt  }
tec
execute0_lowered:
.L_overlay_start_1:
0x0: {  	(tag) =	ssettag $0x1  }
0x1: {  	s0 =	srdreg.scid;
	s5 =	rddreg [dreg:$0x0]  }
0x2: {  	s10 =	stileid.u32;
	s2 =	rddreg [dreg:$0x1]  }
0x3: {  	s28 =	simm.s32 $0x5;
	s29 =	simm.s32 $0x28;
	s30 =	simm.s32 $0x6780  }
0x4: {  	s31 =	simm.s32 $0x7B80;
	s0 =	sand.u32 $0x1, s0;
	s8 =	smul.u32 $0x50000, s10  }
0x5: {  	s6 =	sshll.u32 s10, $0x7;
	s7 =	sadd.s32 $0x1DE00, s5;
	s15 =	smul.u32 $0x14000, s10  }
0x6: {  	s1 =	sshll.u32 s0, $0x4;
	s6 =	sand.u32 $0x380, s6;
	s22 =	ssub.s32 $0x2, s0  }
0x7: {  	s0 =	smul.u32 $0x140000, s0;
	s1 =	sor.u32 s10, s1;
	s9 =	sshrl.u32 s22, $0x1  }
0x8: {  	s23 =	sshrl.u32 s8, $0x2;
	s24 =	sor.u32 $0x2800, s15;
	s25 =	sadd.s32 $0x5000, s15  }
0x9: {  	s16 =	sadd.s32 $0x7800, s15;
	s17 =	sadd.s32 $0xA000, s15;
	s18 =	sadd.s32 $0xC800, s15  }
0xa: {  	s19 =	sadd.s32 $0xF000, s15;
	s20 =	sadd.s32 $0x11800, s15;
	s3 =	sshrl.u32 s1, $0x3  }
0xb: {  	s1 =	sshll.u32 s1, $0xB;
	s8 =	sadd.s32 s23, s2;
	s10 =	sadd.s32 s25, s2  }
0xc: {  	s11 =	sadd.s32 s16, s2;
	s12 =	sadd.s32 s17, s2;
	s13 =	sadd.s32 s18, s2  }
0xd: {  	s14 =	sadd.s32 s19, s2;
	s21 =	sadd.s32 s15, s0;
	s16 =	sadd.s32 s0, s16  }
0xe: {  	s17 =	sadd.s32 s0, s17;
	s18 =	sadd.s32 s0, s18;
	s15 =	sadd.s32 s20, s2  }
0xf: {  	s4 =	smul.u32 $0x13C00, s3;
	s3 =	simm.s32 $0x0;
	s1 =	sadd.s32 s1, s5  }
0x10: {  	s26 =	sshrl.u32 s21, $0x3;
	s21 =	sshrl.u32 s16, $0x3;
	s23 =	sshrl.u32 s17, $0x3  }
0x11: {  	s16 =	simm.s32 $0x0;
	[smem:$0x7FF] =	sst s3;
	s1 =	sadd.s32 $0x3600, s1  }
0x12: {  	s4 =	sor.u32 s6, s4;
	_ =	strace $0x80000050;
	[dreg:$0x3] =	wrdreg s7  }
0x13: {  	s7 =	ssub.s32 s22, s9;
	[dreg:$0x5] =	wrdreg s1;
	s6 =	sshrl.u32 s4, $0x3  }
0x14: {  	s1 =	sadd.s32 s0, s24;
	s22 =	sadd.s32 s0, s19;
	s6 =	sadd.s32 s6, s5  }
0x15: {  	s4 =	sadd.s32 $0x1E400, s5;
	s5 =	sadd.s32 $0x45600, s5;
	s6 =	sadd.s32 $0x14000, s6  }
0x16: {  	s1 =	sshrl.u32 s1, $0x3;
	s19 =	sadd.s32 s5, s26;
	[dreg:$0x4] =	wrdreg s6  }
0x17: {  	s9 =	sadd.s32 s24, s2;
	s1 =	sadd.s32 s5, s1;
	[dreg:$0x6] =	wrdreg s19  }
0x18: {  	s24 =	sadd.s32 s5, s23;
	s26 =	sshrl.u32 s22, $0x3;
	[dreg:$0x7] =	wrdreg s1  }
0x19: {  	s6 =	sadd.s32 s0, s25;
	s0 =	sadd.s32 s0, s20;
	[dreg:$0xa] =	wrdreg s24  }
0x1a: {  	s25 =	sshrl.u32 s18, $0x3;
	s22 =	sadd.s32 s5, s26;
	s24 =	smax.u32 s7, $0x1  }
0x1b: {  	s26 =	simm.s32 $0xA380;
	s7 =	simm.s32 $0x4;
	s20 =	sshrl.u32 s6, $0x3  }
0x1c: {  	s0 =	sshrl.u32 s0, $0x3;
	s6 =	simm.s32 $0x3;
	s1 =	sadd.s32 s5, s20  }
0x1d: {  	s23 =	sadd.s32 s5, s0;
	s0 =	simm.s32 $0x1;
	[dreg:$0x8] =	wrdreg s1  }
0x1e: {  	s1 =	sadd.s32 s5, s21;
	s21 =	sadd.s32 s5, s25;
	s25 =	simm.s32 $0x2  }
0x1f: {  	s5 =	simm.s32 $0x50;
	[dreg:$0x9] =	wrdreg s1;
	s1 =	simm.s32 $0x8F80  }
.LBB2_1:
0x20: {  	s17 =	rddreg [dreg:$0x4];
	s18 =	simm.s32 $0x80;
	s19 =	simm.s32 $0x400  }
0x21: {  	[tilespmem:s3], [sflag:$0x5] =	stream.strided.gather [hbm4b:s17+s18], $0x2780, s19, s18, $0x38;
	[tilespmem:$0x1F780] =	vst v63  }
0x22: {  	_ =	swait.ge [sflag:s28], $0x2780  }
0x23: {  	[sflag:s28] =	ssyncset.done $0x0  }
0x24: {  	s17 =	simm.s32 $0x2780;
	s20 =	rddreg [dreg:$0x5];
	[sflag:s28] =	ssyncadd.s32 $0xFFFFD880  }
0x25: {  	[tilespmem:s17], [sflag:$0x5] =	stream.linear.gather [hbm4b:s20+s3], $0x3E80, $0x38;
	[tilespmem:$0x1F780] =	vst v63  }
0x26: {  	_ =	swait.ge [sflag:s28], $0x3E80  }
0x27: {  	[sflag:s28] =	ssyncset.done $0x0  }
0x28: {  	[sflag:s28] =	ssyncadd.s32 $0xFFFFC180  }
0x29: {  	[tilespmem:s30], [sflag:$0x1] =	stream.indirect.gather [hbm4b:s4+s29], $0x80, s3, s29, $0xb8;
	[tilespmem:$0x1F780] =	vst v63  }
0x2a: {  	_ = 	snop  }
0x2b: {  	[tilespmem:s31], [sflag:$0x2] =	stream.indirect.gather [hbm4b:s4+s29], $0x80, s29, s29, $0xb8;
	[tilespmem:$0x1F780] =	vst v63  }
0x2c: {  	s19 =	rddreg [dreg:$0x3]  }
0x2d: {  	[tilespmem:s1], [sflag:$0x5] =	stream.linear.gather [hbm4b:s19+s3], $0x2800, $0x38;
	[tilespmem:$0x1F780] =	vst v63  }
0x2e: {  	_ =	swait.ge [sflag:s28], $0x2800  }
0x2f: {  	[sflag:s28] =	ssyncset.done $0x0  }
0x30: {  	[sflag:s28] =	ssyncadd.s32 $0xFFFFD800  }
0x31: {  	[spmem:s8] =	stream.linear.scatter [tilespmem:s1], [sflag:$0x5], $0x2800, $0x38;
	[tilespmem:$0x1F780] =	vst v63  }
0x32: {  	_ =	swait.ge [sflag:s28], $0x2800  }
0x33: {  	[sflag:s28] =	ssyncset.done $0x0  }
0x34: {  	[sflag:s28] =	ssyncadd.s32 $0xFFFFD800  }
0x35: {  	[spmem:s9] =	stream.linear.scatter [tilespmem:s1], [sflag:$0x5], $0x2800, $0x38;
	[tilespmem:$0x1F780] =	vst v63  }
0x36: {  	_ =	swait.ge [sflag:s28], $0x2800  }
0x37: {  	[sflag:s28] =	ssyncset.done $0x0  }
0x38: {  	[sflag:s28] =	ssyncadd.s32 $0xFFFFD800  }
0x39: {  	[spmem:s10] =	stream.linear.scatter [tilespmem:s1], [sflag:$0x5], $0x2800, $0x38;
	[tilespmem:$0x1F780] =	vst v63  }
0x3a: {  	_ =	swait.ge [sflag:s28], $0x2800  }
0x3b: {  	[sflag:s28] =	ssyncset.done $0x0  }
0x3c: {  	[sflag:s28] =	ssyncadd.s32 $0xFFFFD800  }
0x3d: {  	[spmem:s11] =	stream.linear.scatter [tilespmem:s1], [sflag:$0x5], $0x2800, $0x38;
	[tilespmem:$0x1F780] =	vst v63  }
0x3e: {  	_ =	swait.ge [sflag:s28], $0x2800  }
0x3f: {  	[sflag:s28] =	ssyncset.done $0x0  }
0x40: {  	[sflag:s28] =	ssyncadd.s32 $0xFFFFD800  }
0x41: {  	[spmem:s12] =	stream.linear.scatter [tilespmem:s1], [sflag:$0x5], $0x2800, $0x38;
	[tilespmem:$0x1F780] =	vst v63  }
0x42: {  	_ =	swait.ge [sflag:s28], $0x2800  }
0x43: {  	[sflag:s28] =	ssyncset.done $0x0  }
0x44: {  	[sflag:s28] =	ssyncadd.s32 $0xFFFFD800  }
0x45: {  	[spmem:s13] =	stream.linear.scatter [tilespmem:s1], [sflag:$0x5], $0x2800, $0x38;
	[tilespmem:$0x1F780] =	vst v63  }
0x46: {  	_ =	swait.ge [sflag:s28], $0x2800  }
0x47: {  	[sflag:s28] =	ssyncset.done $0x0  }
0x48: {  	[sflag:s28] =	ssyncadd.s32 $0xFFFFD800  }
0x49: {  	[spmem:s14] =	stream.linear.scatter [tilespmem:s1], [sflag:$0x5], $0x2800, $0x38;
	[tilespmem:$0x1F780] =	vst v63  }
0x4a: {  	_ =	swait.ge [sflag:s28], $0x2800  }
0x4b: {  	[sflag:s28] =	ssyncset.done $0x0  }
0x4c: {  	[sflag:s28] =	ssyncadd.s32 $0xFFFFD800  }
0x4d: {  	[spmem:s15] =	stream.linear.scatter [tilespmem:s1], [sflag:$0x5], $0x2800, $0x38;
	[tilespmem:$0x1F780] =	vst v63  }
0x4e: {  	_ =	swait.ge [sflag:s28], $0x2800  }
0x4f: {  	[sflag:s28] =	ssyncset.done $0x0  }
0x50: {  	[sflag:s28] =	ssyncadd.s32 $0xFFFFD800  }
0x51: {  	[bflag:$0x0] =	sbarrier.arrive $0xFFFF  }
0x52: {  	_ =	swait.ge [sflag:s0], $0x1400  }
0x53: {  	[sflag:s0] =	ssyncset.done $0x0  }
0x54: {  	[sflag:s0] =	ssyncadd.s32 $0xFFFFEC00  }
0x55: {  	_ =	swait.ge [sflag:s25], $0x1400  }
0x56: {  	[sflag:s25] =	ssyncset.done $0x0  }
0x57: {  	s20 =	simm.s32 $0x50;
	[sflag:s25] =	ssyncadd.s32 $0xFFFFEC00  }
0x58: {  	[tilespmem:s1], [sflag:$0x3] =	stream.indirect.gather [hbm4b:s4+s29], $0x80, s20, s29, $0xb8;
	[tilespmem:$0x1F780] =	vst v63  }
0x59: {  	s19 =	simm.s32 $0x78  }
0x5a: {  	[tilespmem:s26], [sflag:$0x4] =	stream.indirect.gather [hbm4b:s4+s29], $0x80, s19, s29, $0xb8;
	[tilespmem:$0x1F780] =	vst v63  }
0x5b: {  	_ = 	snop  }
0x5c: {  	[spmem:s2] =	stream.indirect.scatter.add.f32 [tilespmem:s30], [sflag:$0x5], $0x80, s17, s5, $0xb8;
	[tilespmem:$0x1F780] =	vst v63  }
0x5d: {  	_ =	swait.ge [sflag:s28], $0x2800  }
0x5e: {  	[sflag:s28] =	ssyncset.done $0x0  }
0x5f: {  	[sflag:s28] =	ssyncadd.s32 $0xFFFFD800  }
0x60: {  	_ =	swait.ge [sflag:s6], $0x1400  }
0x61: {  	[sflag:s6] =	ssyncset.done $0x0  }
0x62: {  	[sflag:s6] =	ssyncadd.s32 $0xFFFFEC00  }
0x63: {  	_ =	swait.ge [sflag:s7], $0x1400  }
0x64: {  	[sflag:s7] =	ssyncset.done $0x0  }
0x65: {  	s20 =	simm.s32 $0xA0;
	[sflag:s7] =	ssyncadd.s32 $0xFFFFEC00  }
0x66: {  	[tilespmem:s30], [sflag:$0x1] =	stream.indirect.gather [hbm4b:s4+s29], $0x80, s20, s29, $0xb8;
	[tilespmem:$0x1F780] =	vst v63  }
0x67: {  	s19 =	simm.s32 $0xC8  }
0x68: {  	[tilespmem:s31], [sflag:$0x2] =	stream.indirect.gather [hbm4b:s4+s29], $0x80, s19, s29, $0xb8;
	[tilespmem:$0x1F780] =	vst v63  }
0x69: {  	s20 =	simm.s32 $0x2800  }
0x6a: {  	[spmem:s2] =	stream.indirect.scatter.add.f32 [tilespmem:s1], [sflag:$0x5], $0x80, s20, s5, $0xb8;
	[tilespmem:$0x1F780] =	vst v63  }
0x6b: {  	_ =	swait.ge [sflag:s28], $0x2800  }
0x6c: {  	s18 =	simm.s32 $0x280;
	[sflag:s28] =	ssyncset.done $0x0  }
.LBB2_2:
0x6d: {  	p0 =	sne.s32 s18, $0x9880;
	[sflag:s28] =	ssyncadd.s32 $0xFFFFD800;
	s17 =	sadd.s32 $0x100, s17  }
0x6e: {  	s19 =	smov.u32 s18;
	s18 =	sadd.s32 $0x280, s18  }
0x6f: {  	_ =	swait.ge [sflag:s0], $0x1400  }
0x70: {  	[sflag:s0] =	ssyncset.done $0x0  }
0x71: {  	[sflag:s0] =	ssyncadd.s32 $0xFFFFEC00  }
0x72: {  	_ =	swait.ge [sflag:s25], $0x1400  }
0x73: {  	s19 =	sshra.s32 s19, $0x2;
	[sflag:s25] =	ssyncset.done $0x0  }
0x74: {  	s20 =	sadd.s32 $0x50, s19;
	[sflag:s25] =	ssyncadd.s32 $0xFFFFEC00  }
0x75: {  	[tilespmem:s1], [sflag:$0x3] =	stream.indirect.gather [hbm4b:s4+s29], $0x80, s20, s29, $0xb8;
	[tilespmem:$0x1F780] =	vst v63  }
0x76: {  	s20 =	sadd.s32 $0x78, s19  }
0x77: {  	[tilespmem:s26], [sflag:$0x4] =	stream.indirect.gather [hbm4b:s4+s29], $0x80, s20, s29, $0xb8;
	[tilespmem:$0x1F780] =	vst v63  }
0x78: {  	_ = 	snop  }
0x79: {  	[spmem:s2] =	stream.indirect.scatter.add.f32 [tilespmem:s30], [sflag:$0x5], $0x80, s17, s5, $0xb8;
	[tilespmem:$0x1F780] =	vst v63  }
0x7a: {  	_ =	swait.ge [sflag:s28], $0x2800  }
0x7b: {  	[sflag:s28] =	ssyncset.done $0x0  }
0x7c: {  	[sflag:s28] =	ssyncadd.s32 $0xFFFFD800  }
0x7d: {  	_ =	swait.ge [sflag:s6], $0x1400  }
0x7e: {  	[sflag:s6] =	ssyncset.done $0x0  }
0x7f: {  	[sflag:s6] =	ssyncadd.s32 $0xFFFFEC00  }
0x80: {  	_ =	swait.ge [sflag:s7], $0x1400  }
0x81: {  	[sflag:s7] =	ssyncset.done $0x0  }
0x82: {  	s20 =	sadd.s32 $0xA0, s19;
	[sflag:s7] =	ssyncadd.s32 $0xFFFFEC00  }
0x83: {  	[tilespmem:s30], [sflag:$0x1] =	stream.indirect.gather [hbm4b:s4+s29], $0x80, s20, s29, $0xb8;
	[tilespmem:$0x1F780] =	vst v63  }
0x84: {  	s19 =	sadd.s32 $0xC8, s19  }
0x85: {  	[tilespmem:s31], [sflag:$0x2] =	stream.indirect.gather [hbm4b:s4+s29], $0x80, s19, s29, $0xb8;
	[tilespmem:$0x1F780] =	vst v63  }
.Ltmp0:
0x86: {  	_ = 	snop;
	(pc) =	sbr.rel @p0 .LBB2_2-.Ltmp0, $4  }
0x87: {  	s19 =	sadd.s32 $0x80, s17  }
0x88: {  	[spmem:s2] =	stream.indirect.scatter.add.f32 [tilespmem:s1], [sflag:$0x5], $0x80, s19, s5, $0xb8;
	[tilespmem:$0x1F780] =	vst v63  }
0x89: {  	_ =	swait.ge [sflag:s28], $0x2800  }
0x8a: {  	[sflag:s28] =	ssyncset.done $0x0  }
0x8b: {  	[sflag:s28] =	ssyncadd.s32 $0xFFFFD800  }
0x8c: {  	_ =	swait.ge [sflag:s0], $0x1400  }
0x8d: {  	[sflag:s0] =	ssyncset.done $0x0  }
0x8e: {  	[sflag:s0] =	ssyncadd.s32 $0xFFFFEC00  }
0x8f: {  	_ =	swait.ge [sflag:s25], $0x1400  }
0x90: {  	[sflag:s25] =	ssyncset.done $0x0  }
0x91: {  	s17 =	simm.s32 $0x6580;
	[sflag:s25] =	ssyncadd.s32 $0xFFFFEC00  }
0x92: {  	[spmem:s2] =	stream.indirect.scatter.add.f32 [tilespmem:s30], [sflag:$0x5], $0x80, s17, s5, $0xb8;
	[tilespmem:$0x1F780] =	vst v63  }
0x93: {  	_ =	swait.ge [sflag:s28], $0x2800  }
0x94: {  	[sflag:s28] =	ssyncset.done $0x0  }
0x95: {  	s18 =	stileid.u32;
	[sflag:s28] =	ssyncadd.s32 $0xFFFFD800  }
0x96: {  	s17 =	sshll.u32 s18, $0x6;
	[bflag:$0x0] =	sbarrier.arrive $0xFFFF  }
0x97: {  	s18 =	sshrl.u32 s8, $0x3;
	s17 =	sor.u32 $0x1C05, s17;
	s19 =	rddreg [dreg:$0x6]  }
0x98: {  	[hbm:s19], [sflag:s17] =	dma.local [spmem:s18], $0x500  }
0x99: {  	_ =	swait.ge [sflag:s28], $0x500  }
0x9a: {  	[sflag:s28] =	ssyncset.done $0x0  }
0x9b: {  	s19 =	sshrl.u32 s9, $0x3;
	s20 =	rddreg [dreg:$0x7];
	[sflag:s28] =	ssyncadd.s32 $0xFFFFFB00  }
0x9c: {  	[hbm:s20], [sflag:s17] =	dma.local [spmem:s19], $0x500  }
0x9d: {  	_ =	swait.ge [sflag:s28], $0x500  }
0x9e: {  	[sflag:s28] =	ssyncset.done $0x0  }
0x9f: {  	s19 =	sshrl.u32 s10, $0x3;
	s20 =	rddreg [dreg:$0x8];
	[sflag:s28] =	ssyncadd.s32 $0xFFFFFB00  }
0xa0: {  	[hbm:s20], [sflag:s17] =	dma.local [spmem:s19], $0x500  }
0xa1: {  	_ =	swait.ge [sflag:s28], $0x500  }
0xa2: {  	[sflag:s28] =	ssyncset.done $0x0  }
0xa3: {  	s19 =	sshrl.u32 s11, $0x3;
	s20 =	rddreg [dreg:$0x9];
	[sflag:s28] =	ssyncadd.s32 $0xFFFFFB00  }
0xa4: {  	[hbm:s20], [sflag:s17] =	dma.local [spmem:s19], $0x500  }
0xa5: {  	_ =	swait.ge [sflag:s28], $0x500  }
0xa6: {  	[sflag:s28] =	ssyncset.done $0x0  }
0xa7: {  	s19 =	sshrl.u32 s12, $0x3;
	s20 =	rddreg [dreg:$0xa];
	[sflag:s28] =	ssyncadd.s32 $0xFFFFFB00  }
0xa8: {  	[hbm:s20], [sflag:s17] =	dma.local [spmem:s19], $0x500  }
0xa9: {  	_ =	swait.ge [sflag:s28], $0x500  }
0xaa: {  	[sflag:s28] =	ssyncset.done $0x0  }
0xab: {  	s20 =	sshrl.u32 s13, $0x3;
	[sflag:s28] =	ssyncadd.s32 $0xFFFFFB00  }
0xac: {  	[hbm:s21], [sflag:s17] =	dma.local [spmem:s20], $0x500  }
0xad: {  	_ =	swait.ge [sflag:s28], $0x500  }
0xae: {  	[sflag:s28] =	ssyncset.done $0x0  }
0xaf: {  	s19 =	sshrl.u32 s14, $0x3;
	[sflag:s28] =	ssyncadd.s32 $0xFFFFFB00  }
0xb0: {  	[hbm:s22], [sflag:s17] =	dma.local [spmem:s19], $0x500  }
0xb1: {  	s16 =	sadd.s32 $0x1, s16;
	_ =	swait.ge [sflag:s28], $0x500  }
0xb2: {  	p0 =	sne.s32 s16, s24;
	[sflag:s28] =	ssyncset.done $0x0  }
.Ltmp1:
0xb3: {  	s20 =	sshrl.u32 s15, $0x3;
	[sflag:s28] =	ssyncadd.s32 $0xFFFFFB00;
	(pc) =	sbr.rel @p0 .LBB2_1-.Ltmp1, $4  }
0xb4: {  	[hbm:s23], [sflag:s17] =	dma.local [spmem:s20], $0x500  }
0xb5: {  	_ =	swait.ge [sflag:s28], $0x500  }
0xb6: {  	[sflag:s28] =	ssyncset.done $0x0  }
0xb7: {  	[sflag:s28] =	ssyncadd.s32 $0xFFFFFB00  }
0xb8: {  	_ =	sfence.sel $0x180000  }
0xb9: {  	[bflag:$0x0] =	sbarrier.arrive $0xFFFF  }
0xba: {  	_ =	strace $0x90000050  }
0xbb: {  	s0 =	stileid.u32;
	[bflag:$0x2] =	sbarrier.arrive $0xFFFF  }
0xbc: {  	p0 =	sne.s32 s0, $0x0;
	s0 =	rddreg [dreg:$0x2]  }
0xbd: {  	s0 =	sadd.s32 @!p0 $0x100000, s0  }
0xbe: {  	[sflag:s0] =	ssyncadd.tile.s32 @!p0 $0x1;
	_ =	shalt  }
.Lfunc_end2:
_tile_overlayer_lowered:
.L_overlay_start_2:
0xbf: {  	(tag) =	ssettag $0x2  }
0xc0: {  	s0 =	rddreg [dreg:$0x0];
	s2 =	stileid.u32  }
0xc1: {  	s1 =	rddreg [dreg:$0x1];
	p0 =	sne.s32 s2, $0x0  }
0xc2: {  	s3 =	rddreg [dreg:$0x2];
	[bflag:$0x3] =	sbarrier.arrive $0xFFFF;
	s2 =	simm.s32 @!p0 $0x1C05  }
0xc3: {  	[timem:s3], [sflag:s2] =	dma.local @!p0 [hbm:s0], s1  }
0xc4: {  	s0 =	simm.s32 @!p0 $0x5  }
0xc5: {  	_ =	swait.ge @!p0 [sflag:s0], s1  }
0xc6: {  	s1 =	ssub.s32 @!p0 $0x0, s1;
	[sflag:s0] =	ssyncset.done @!p0 $0x0  }
0xc7: {  	[sflag:s0] =	ssyncadd.s32 @!p0 s1  }
0xc8: {  	[bflag:$0x3] =	sbarrier.arrive $0xFFFF  }
0xc9: {  	_ =	shalt  }

// kernel: kernel.9.cloned.1.call-start
scs
__scs_entry_jumppad:
0x0: {  	(pc) =	sbr.rel $0x88, $3  }
0x1: {  	(tag) =	ssettag $0x0;
	lr =	simm.s32 $0x1  }
0x2: {  	[smem:$0x3F91] =	sst lr;
	_ =	strace $0xD0000000  }
0x3: {  	_ = 	snop  }
0x4: {  	_ = 	snop  }
0x5: {  	_ = 	snop  }
0x6: {  	_ = 	snop  }
0x7: {  	_ = 	snop  }
__scs_overlays_trampoline_lowered:
0x8: {  	[smem:$0x3FA0] =	sst s0  }
0x9: {  	[smem:$0x3FA1] =	sst s1  }
0xa: {  	[smem:$0x3FA2] =	sst s2  }
0xb: {  	[smem:$0x3FA3] =	sst s3  }
0xc: {  	[smem:$0x3FA4] =	sst s4  }
0xd: {  	[smem:$0x3FA5] =	sst s5  }
0xe: {  	[smem:$0x3FA6] =	sst s6  }
0xf: {  	[smem:$0x3FA7] =	sst s7  }
0x10: {  	[smem:$0x3FA8] =	sst s8  }
0x11: {  	[smem:$0x3FA9] =	sst s9;
	s0 =	simm.s32 @!p0 $0x0  }
0x12: {  	s1 =	sld [smem:$0x3F8F];
	s0 =	simm.s32 @p0 $0x1  }
0x13: {  	[smem:$0x3FAA] =	sst s0;
	s0 =	simm.s32 @!p1 $0x0  }
0x14: {  	s2 =	sld [smem:$0x3F8E];
	s0 =	simm.s32 @p1 $0x1  }
0x15: {  	[smem:$0x3FAB] =	sst s0;
	s0 =	simm.s32 @!p2 $0x0  }
0x16: {  	s3 =	sld [smem:$0x3FDB];
	s0 =	simm.s32 @p2 $0x1  }
0x17: {  	s4 =	simm.s32 $0x1BF5;
	[smem:$0x3FAD] =	sst s0  }
0x18: {  	s0 =	sld [smem:$0x3F90];
	_ =	swait.ge [sflag:s4], $0x0  }
0x19: {  	s7 =	sld [smem:$0x3F91]  }
0x1a: {  	s8 =	sadd.s32 $0xFFFFE003, lr  }
0x1b: {  	s9 =	sadd.s32 $0xFFFFFEF7, lr;
	s5 =	simm.s32 $0xFFFFFFFF;
	p2 =	slt.u32 s8, $0xFFFFF086  }
0x1c: {  	p1 =	slt.u32 s9, $0xF7A;
	s5 =	simm.s32 @!p2 $0x0  }
0x1d: {  	s5 =	simm.s32 @p1 $0x1;
	p0 =	seq.s32 s7, s2  }
0x1e: {  	s7 =	smul.u32 @!p0 $0xF7A, s2;
	p2 =	seq.s32 @!p0 s5, $0x0  }
0x1f: {  	s9 =	smul.u32 $0xF7A, s1;
	s8 =	simm.s32 @!p0 $0x1BF5;
	p2 =	por !p2, p0  }
0x20: {  	[sflag:s8] =	ssyncset.s32 @!p0 $0xFFFFF086;
	s6 =	sadd.s32 @!p0 s3, s7;
	s7 =	simm.s32 @!p0 $0x108  }
0x21: {  	s3 =	sadd.s32 s3, s9;
	s6 =	sadd.s32 @!p0 $0x88, s6;
	s7 =	simm.s32 @p2 $0x1082  }
0x22: {  	[simem:s7], [sflag:s8] =	dma.local @!p0 [hbm:s6], $0xF7A  }
0x23: {  	s9 =	sor.u32 $0xD0000000, s2;
	s6 =	simm.s32 $0x108;
	_ =	swait.ge @!p0 [sflag:s8], $0x0  }
0x24: {  	s3 =	sadd.s32 $0x88, s3;
	s6 =	simm.s32 @!p1 $0x1082;
	[sflag:s4] =	ssyncset.s32 $0xFFFFF086  }
0x25: {  	[simem:s6], [sflag:s4] =	dma.local [hbm:s3], $0xF7A  }
0x26: {  	[smem:$0x3F91] =	sst s1;
	(tag) =	ssettag s2;
	_ =	strace s9  }
0x27: {  	s1 =	sld [smem:$0x3FA1]  }
0x28: {  	s2 =	sld [smem:$0x3FA2]  }
0x29: {  	s4 =	sld [smem:$0x3FA4]  }
0x2a: {  	p0 =	seq.s32 s5, $0x0;
	s5 =	sld [smem:$0x3FA5]  }
0x2b: {  	s6 =	sld [smem:$0x3FA6]  }
0x2c: {  	s7 =	sld [smem:$0x3FA7]  }
0x2d: {  	s3 =	simm.s32 $0x108;
	s8 =	sld [smem:$0x3FA8]  }
0x2e: {  	s3 =	simm.s32 @!p0 $0x1082;
	s9 =	sld [smem:$0x3FA9]  }
0x2f: {  	lr =	sadd.s32 s0, s3;
	s0 =	sld [smem:$0x3FA0]  }
0x30: {  	s3 =	sld [smem:$0x3FA3]  }
0x31: {  	[smem:$0x3FAC] =	sst s10  }
0x32: {  	s10 =	sld [smem:$0x3FAA];
	_ =	sdelay $0x3  }
0x33: {  	p0 =	seq.s32 s10, $0x1;
	s10 =	sld [smem:$0x3FAC];
	_ =	sdelay $0x3  }
0x34: {  	[smem:$0x3FAC] =	sst s10  }
0x35: {  	s10 =	sld [smem:$0x3FAB];
	_ =	sdelay $0x3  }
0x36: {  	p1 =	seq.s32 s10, $0x1;
	s10 =	sld [smem:$0x3FAC];
	_ =	sdelay $0x3  }
0x37: {  	[smem:$0x3FAC] =	sst s10  }
0x38: {  	s10 =	sld [smem:$0x3FAD]  }
0x39: {  	_ = 	snop;
	(pc) =	sbr.ind lr, $3  }
0x3a: {  	_ = 	snop  }
0x3b: {  	_ = 	snop  }
0x3c: {  	p2 =	seq.s32 s10, $0x1;
	s10 =	sld [smem:$0x3FAC]  }
0x3d: {  	_ =	shalt  }
0x3e: {  	_ =	shalt  }
0x3f: {  	_ =	shalt  }
0x40: {  	_ =	shalt  }
0x41: {  	_ =	shalt  }
0x42: {  	_ =	shalt  }
0x43: {  	_ =	shalt  }
0x44: {  	_ =	shalt  }
0x45: {  	_ =	shalt  }
0x46: {  	_ =	shalt  }
0x47: {  	_ =	shalt  }
0x48: {  	_ =	shalt  }
0x49: {  	_ =	shalt  }
0x4a: {  	_ =	shalt  }
0x4b: {  	_ =	shalt  }
0x4c: {  	_ =	shalt  }
0x4d: {  	_ =	shalt  }
0x4e: {  	_ =	shalt  }
0x4f: {  	_ =	shalt  }
0x50: {  	_ =	shalt  }
0x51: {  	_ =	shalt  }
0x52: {  	_ =	shalt  }
0x53: {  	_ =	shalt  }
0x54: {  	_ =	shalt  }
0x55: {  	_ =	shalt  }
0x56: {  	_ =	shalt  }
0x57: {  	_ =	shalt  }
0x58: {  	_ =	shalt  }
0x59: {  	_ =	shalt  }
0x5a: {  	_ =	shalt  }
0x5b: {  	_ =	shalt  }
0x5c: {  	_ =	shalt  }
0x5d: {  	_ =	shalt  }
0x5e: {  	_ =	shalt  }
0x5f: {  	_ =	shalt  }
0x60: {  	_ =	shalt  }
0x61: {  	_ =	shalt  }
0x62: {  	_ =	shalt  }
0x63: {  	_ =	shalt  }
0x64: {  	_ =	shalt  }
0x65: {  	_ =	shalt  }
0x66: {  	_ =	shalt  }
0x67: {  	_ =	shalt  }
0x68: {  	_ =	shalt  }
0x69: {  	_ =	shalt  }
0x6a: {  	_ =	shalt  }
0x6b: {  	_ =	shalt  }
0x6c: {  	_ =	shalt  }
0x6d: {  	_ =	shalt  }
0x6e: {  	_ =	shalt  }
0x6f: {  	_ =	shalt  }
0x70: {  	_ =	shalt  }
0x71: {  	_ =	shalt  }
0x72: {  	_ =	shalt  }
0x73: {  	_ =	shalt  }
0x74: {  	_ =	shalt  }
0x75: {  	_ =	shalt  }
0x76: {  	_ =	shalt  }
0x77: {  	_ =	shalt  }
0x78: {  	_ =	shalt  }
0x79: {  	_ =	shalt  }
0x7a: {  	_ =	shalt  }
0x7b: {  	_ =	shalt  }
0x7c: {  	_ =	shalt  }
0x7d: {  	_ =	shalt  }
0x7e: {  	_ =	shalt  }
0x7f: {  	_ =	shalt  }
0x80: {  	_ =	shalt  }
0x81: {  	_ =	shalt  }
0x82: {  	_ =	shalt  }
0x83: {  	_ =	shalt  }
0x84: {  	_ =	shalt  }
0x85: {  	_ =	shalt  }
0x86: {  	_ =	shalt  }
0x87: {  	_ =	shalt  }
.Lfunc_end0:
.L_simem_size_0:
called_computation_lowered:
.L_overlay_start_0:
0x88: {  	s2 =	sld [smem:$0x3FD9]  }
0x89: {  	s3 =	sld [smem:$0x3FFE];
	_ =	sdelay $0x1  }
0x8a: {  	s1 =	srdreg.scid  }
0x8b: {  	s0 =	sand.u32 $0x1, s1  }
0x8c: {  	s16 =	sshll.u32 s0, $0xA;
	s2 =	sadd.s32 s3, s2  }
0x8d: {  	s2 =	sadd.s32 s2, s16  }
0x8e: {  	[smem:$0x3FB8] =	sst s2  }
0x8f: {  	_ = 	snop  }
0x90: {  	(tm) =	ssettm $0x1  }
0x91: {  	s17 =	sld [smem:$0x3FFB];
	_ =	sdelay $0x3  }
0x92: {  	_ =	strace s17  }
0x93: {  	s2 =	sld [smem:$0x3FFC];
	_ =	sdelay $0x3  }
0x94: {  	_ =	strace s2  }
0x95: {  	s2 =	sld [smem:$0x3FFD];
	_ =	sdelay $0x3  }
0x96: {  	_ =	strace s2  }
0x97: {  	_ =	strace $0x8FFFFFFF  }
0x98: {  	s18 =	sld [smem:$0x3FDB];
	_ =	sdelay $0x1  }
0x99: {  	s19 =	simm.s32 $_scs_section_size  }
0x9a: {  	s4 =	simm.s32 $_size__tile_overlayer_lowered;
	s5 =	simm.s32 $_tile_overlayer_lowered  }
0x9b: {  	s22 =	simm.s32 $0x1BFF;
	s21 =	sshll.u32 s5, $0x1;
	s2 =	sadd.s32 s19, s18  }
0x9c: {  	s6 =	simm.s32 $0x0;
	s20 =	sshll.u32 s4, $0x1;
	s4 =	sadd.s32 s21, s2  }
0x9d: {  	[timem:s6], [sflag:s22] =	dma.local [hbm:s4], s20  }
0x9e: {  	_ =	swait.ge [sflag:s22], s20  }
0x9f: {  	s3 =	ssub.s32 $0x0, s20;
	[sflag:s22] =	ssyncset.done $0x0  }
0xa0: {  	[sflag:s22] =	ssyncadd.s32 s3;
	_ =	sdelay $0x1  }
0xa1: {  	s23 =	simm.s32 $0x1B8B  }
0xa2: {  	_ =	swait.ge [sflag:s23], $0x1  }
0xa3: {  	[sflag:s23] =	ssyncset.done $0x0  }
0xa4: {  	s25 =	simm.s32 $0x1B8E;
	s24 =	sld [smem:$0x3FFE];
	[sflag:s23] =	ssyncadd.s32 $0xFFFFFFFF  }
0xa5: {  	s26 =	simm.s32 $execute0_lowered;
	[smem:$0x3FD2] =	sst s25  }
0xa6: {  	s4 =	sshll.u32 s26, $0x1;
	_ =	strace $0x80000046;
	[dreg:$0x1] =	wrdreg $0xFFFFFFFF  }
0xa7: {  	s28 =	simm.s32 $_size_execute0_lowered;
	s2 =	sadd.s32 s2, s4;
	[dreg:$0x0] =	wrdreg $0x0  }
0xa8: {  	s4 =	sshll.u32 s28, $0x1;
	[dreg:$0x2] =	wrdreg s2  }
0xa9: {  	[dreg:$0x3] =	wrdreg s4  }
0xaa: {  	[dreg:$0x4] =	wrdreg $0xC0  }
0xab: {  	_ =	task [dreg:s6], $0x5FFFF  }
0xac: {  	[dreg:$0x1] =	wrdreg $0xFFFFFFFF  }
0xad: {  	[dreg:$0x0] =	wrdreg $0x60  }
0xae: {  	[dreg:$0x2] =	wrdreg s24  }
0xaf: {  	[dreg:$0x3] =	wrdreg $0x6D000  }
0xb0: {  	[dreg:$0x4] =	wrdreg $0x9  }
0xb1: {  	_ =	task.clear_ibuf [dreg:s6], $0x5FFFF;
	_ =	strace $0x90000046  }
0xb2: {  	s29 =	simm.s32 $0x9;
	_ =	strace $0x80000048  }
0xb3: {  	_ =	swait.ge [sflag:s29], $0x1  }
0xb4: {  	[sflag:s29] =	ssyncadd.s32 $0xFFFFFFFF  }
0xb5: {  	_ =	strace $0x90000048  }
0xb6: {  	_ =	sfence  }
0xb7: {  	s30 =	sld [smem:$0x0];
	_ =	sdelay $0x2  }
0xb8: {  	s31 =	sshll.u32 s1, $0xD;
	s1 =	sshrl.u32 s1, $0x2  }
0xb9: {  	s3 =	sand.u32 $0x4000, s31;
	s1 =	sadd.s32 s1, s30  }
0xba: {  	s0 =	sor.u32 s3, s0;
	s1 =	sshll.u32 s1, $0x11  }
0xbb: {  	s0 =	sor.u32 s1, s0  }
0xbc: {  	s0 =	sadd.s32 $0x8F2B, s0  }
0xbd: {  	[sflag:s0] =	ssyncadd.remote.s32 $0x1  }
0xbe: {  	_ =	sfence.sel $0xFFFF  }
0xbf: {  	[dreg:$0x0] =	wrdreg $0xFFFFFFFF;
	(pc) =	sbr.abs _section_cstart, $3  }
0xc0: {  	[dreg:$0x1] =	wrdreg $0xFFFFFFFF  }
0xc1: {  	_ =	task.clear_ibuf [dreg:s6], $0x2FFFF;
	_ =	strace $0x9FFFFFFF  }
0xc2: {  	(tm) =	ssettm $0x7FFFFFFF  }
0xc3: {  	_ =	shalt  }
tec
execute0_lowered:
.L_overlay_start_1:
0x0: {  	(tag) =	ssettag $0x1  }
0x1: {  	s3 =	rddreg [dreg:$0x0]  }
0x2: {  	s5 =	rddreg [dreg:$0x1]  }
0x3: {  	s0 =	rddreg [dreg:$0x2]  }
0x4: {  	s1 =	stileid.u32;
	s4 =	srdreg.scid;
	s2 =	simm.s32 $0x0  }
0x5: {  	s23 =	simm.s32 $0x1;
	s24 =	simm.s32 $0x4000;
	s25 =	simm.s32 $0x6800  }
0x6: {  	s26 =	simm.s32 $0x6A80;
	s28 =	simm.s32 $0x0;
	s6 =	smul.u32 $0x280, s1  }
0x7: {  	s4 =	sand.u32 $0x1, s4;
	[smem:$0x7FF] =	sst s2;
	s11 =	smul.u32 $0xA000, s1  }
0x8: {  	s8 =	sshll.u32 s1, $0xB;
	s7 =	smul.u32 $0x2800, s4;
	_ =	strace $0x80000047  }
0x9: {  	s8 =	sadd.s32 s8, s3;
	s9 =	ssub.s32 $0x2, s4;
	s30 =	sshll.u32 s4, $0xF  }
0xa: {  	s10 =	sshrl.u32 s9, $0x1;
	s4 =	sadd.s32 s30, s8;
	s7 =	sadd.s32 s6, s7  }
0xb: {  	s31 =	sshrl.u32 s11, $0x2;
	s22 =	ssub.s32 s9, s10;
	s7 =	sshrl.u32 s7, $0x3  }
0xc: {  	s4 =	sadd.s32 $0x3600, s4;
	s21 =	sadd.s32 s7, s3;
	s3 =	sadd.s32 s6, s5  }
0xd: {  	s22 =	smax.u32 s22, $0x1;
	s5 =	sadd.s32 s31, s5;
	s6 =	sadd.s32 $0x2800, s3  }
0xe: {  	s7 =	sadd.s32 $0x5000, s3;
	s8 =	sadd.s32 $0x7800, s3;
	s9 =	sadd.s32 $0xA000, s3  }
0xf: {  	s10 =	sadd.s32 $0xC800, s3;
	s11 =	sadd.s32 $0xF000, s3;
	s12 =	sadd.s32 $0x11800, s3  }
0x10: {  	s13 =	sadd.s32 $0x14000, s3;
	s14 =	sadd.s32 $0x16800, s3;
	s15 =	sadd.s32 $0x19000, s3  }
0x11: {  	s16 =	sadd.s32 $0x1B800, s3;
	s17 =	sadd.s32 $0x1E000, s3;
	s18 =	sadd.s32 $0x20800, s3  }
0x12: {  	v0 =	vimm.f32 $0.0e+00;
	v1 =	vimm.f32 $1.000000000e+00;
	s19 =	sadd.s32 $0x23000, s3;
	s20 =	sadd.s32 $0x25800, s3;
	s21 =	sadd.s32 $0x13600, s21  }
.LBB2_1:
0x13: {  	[tilespmem:s2], [sflag:$0x1] =	stream.linear.gather [hbm4b:s4+s2], $0x3E80, $0x38;
	[tilespmem:$0x9500] =	vst v63  }
0x14: {  	_ =	swait.ge [sflag:s23], $0x3E80  }
0x15: {  	[sflag:s23] =	ssyncset.done $0x0  }
0x16: {  	s29 =	simm.s32 $0x0;
	[sflag:s23] =	ssyncadd.s32 $0xFFFFC180  }
.LBB2_2:
0x17: {  	p0 =	sne.s32 s29, $0x9FC0  }
.Ltmp0:
0x18: {  	_ = 	snop;
	(pc) =	sbr.rel @p0 .LBB2_2-.Ltmp0, $3  }
0x19: {  	_ =	sdelay $0x1  }
0x1a: {  	s30 =	sshra.s32 s29, $0x2  }
0x1b: {  	s29 =	sadd.s32 $0x40, s29;
	[tilespmem:s30+$0x4000] =	vst v0  }
0x1c: {  	s29 =	simm.s32 $0x0  }
.LBB2_4:
0x1d: {  	s30 =	sshra.s32 s29, $0x2  }
0x1e: {  	v2 =	vld [tilespmem:s30+$0x0];
	_ =	sdelay $0x7  }
0x1f: {  	[tilespmem:v2+s24+$0x0] =	vst.idx.add.f32.msk $0xffff, v1  }
0x20: {  	v2 =	vld [tilespmem:s30+$0x10];
	_ =	sdelay $0x7  }
0x21: {  	[tilespmem:v2+s24+$0x0] =	vst.idx.add.f32.msk $0xffff, v1  }
0x22: {  	v2 =	vld [tilespmem:s30+$0x20];
	_ =	sdelay $0x7  }
0x23: {  	[tilespmem:v2+s24+$0x0] =	vst.idx.add.f32.msk $0xffff, v1  }
0x24: {  	v2 =	vld [tilespmem:s30+$0x30];
	_ =	sdelay $0x7  }
0x25: {  	[tilespmem:v2+s24+$0x0] =	vst.idx.add.f32.msk $0xffff, v1  }
0x26: {  	v2 =	vld [tilespmem:s30+$0x40];
	_ =	sdelay $0x2  }
0x27: {  	p0 =	sne.s32 s29, $0xF800  }
.Ltmp1:
0x28: {  	_ = 	snop;
	(pc) =	sbr.rel @p0 .LBB2_4-.Ltmp1, $2  }
0x29: {  	_ =	sdelay $0x2  }
0x2a: {  	s29 =	sadd.s32 $0x200, s29;
	[tilespmem:v2+s24+$0x0] =	vst.idx.add.f32.msk $0xffff, v1  }
0x2b: {  	[spmem:s5] =	stream.linear.scatter [tilespmem:s24], [sflag:$0x1], $0x2800, $0x38;
	[tilespmem:$0x9500] =	vst v63  }
0x2c: {  	_ =	swait.ge [sflag:s23], $0x2800  }
0x2d: {  	[sflag:s23] =	ssyncset.done $0x0  }
0x2e: {  	[sflag:s23] =	ssyncadd.s32 $0xFFFFD800  }
0x2f: {  	[bflag:$0x0] =	sbarrier.arrive $0xFFFF  }
0x30: {  	[tilespmem:s25], [sflag:$0x1] =	stream.linear.gather [spmem:s3], $0x280, $0x38;
	[tilespmem:$0x9500] =	vst v63  }
0x31: {  	_ =	swait.ge [sflag:s23], $0x280  }
0x32: {  	[sflag:s23] =	ssyncset.done $0x0  }
0x33: {  	s29 =	simm.s32 $0x0;
	[sflag:s23] =	ssyncadd.s32 $0xFFFFFD80  }
0x34: {  	s30 =	simm.s32 $0x40;
	v2 =	vld [tilespmem:s29+$0x6800]  }
.LBB2_6:
0x35: {  	p0 =	sne.s32 s30, $0x9C0  }
.Ltmp2:
0x36: {  	_ = 	snop;
	(pc) =	sbr.rel @p0 .LBB2_6-.Ltmp2, $3  }
0x37: {  	_ =	sdelay $0x1  }
0x38: {  	[tilespmem:s29+$0x6A80] =	vst v2;
	s29 =	sshra.s32 s30, $0x2;
	s30 =	sadd.s32 $0x40, s30  }
0x39: {  	v2 =	vld [tilespmem:s29+$0x6800]  }
0x3a: {  	_ =	sdelay $0x3  }
0x3b: {  	[tilespmem:s29+$0x6A80] =	vst v2  }
0x3c: {  	[tilespmem:s25], [sflag:$0x1] =	stream.linear.gather [spmem:s6], $0x280, $0x38;
	[tilespmem:$0x9500] =	vst v63  }
0x3d: {  	_ =	swait.ge [sflag:s23], $0x280  }
0x3e: {  	[sflag:s23] =	ssyncset.done $0x0  }
0x3f: {  	s29 =	simm.s32 $0x0;
	[sflag:s23] =	ssyncadd.s32 $0xFFFFFD80  }
0x40: {  	s30 =	simm.s32 $0x40;
	v2 =	vld [tilespmem:s29+$0x6800]  }
.LBB2_8:
0x41: {  	p0 =	sne.s32 s30, $0x9C0;
	v3 =	vld [tilespmem:s29+$0x6A80];
	_ =	sdelay $0x2  }
.Ltmp3:
0x42: {  	(pc) =	sbr.rel @p0 .LBB2_8-.Ltmp3, $4  }
0x43: {  	_ = 	snop  }
0x44: {  	v3 =	vadd.f32 v2, v3  }
0x45: {  	s31 =	sshra.s32 s30, $0x2  }
0x46: {  	s30 =	sadd.s32 $0x40, s30;
	v2 =	vld [tilespmem:s31+$0x6800];
	[tilespmem:s29+$0x6A80] =	vst v3;
	s29 =	smov.u32 s31  }
0x47: {  	v3 =	vld [tilespmem:s29+$0x6A80];
	_ =	sdelay $0x4  }
0x48: {  	v2 =	vadd.f32 v2, v3;
	_ =	sdelay $0x1  }
0x49: {  	[tilespmem:s29+$0x6A80] =	vst v2  }
0x4a: {  	[tilespmem:s25], [sflag:$0x1] =	stream.linear.gather [spmem:s7], $0x280, $0x38;
	[tilespmem:$0x9500] =	vst v63  }
0x4b: {  	_ =	swait.ge [sflag:s23], $0x280  }
0x4c: {  	[sflag:s23] =	ssyncset.done $0x0  }
0x4d: {  	s29 =	simm.s32 $0x0;
	[sflag:s23] =	ssyncadd.s32 $0xFFFFFD80  }
0x4e: {  	s30 =	simm.s32 $0x40;
	v2 =	vld [tilespmem:s29+$0x6800]  }
.LBB2_10:
0x4f: {  	p0 =	sne.s32 s30, $0x9C0;
	v3 =	vld [tilespmem:s29+$0x6A80];
	_ =	sdelay $0x2  }
.Ltmp4:
0x50: {  	(pc) =	sbr.rel @p0 .LBB2_10-.Ltmp4, $4  }
0x51: {  	_ = 	snop  }
0x52: {  	v3 =	vadd.f32 v2, v3  }
0x53: {  	s31 =	sshra.s32 s30, $0x2  }
0x54: {  	s30 =	sadd.s32 $0x40, s30;
	v2 =	vld [tilespmem:s31+$0x6800];
	[tilespmem:s29+$0x6A80] =	vst v3;
	s29 =	smov.u32 s31  }
0x55: {  	v3 =	vld [tilespmem:s29+$0x6A80];
	_ =	sdelay $0x4  }
0x56: {  	v2 =	vadd.f32 v2, v3;
	_ =	sdelay $0x1  }
0x57: {  	[tilespmem:s29+$0x6A80] =	vst v2  }
0x58: {  	[tilespmem:s25], [sflag:$0x1] =	stream.linear.gather [spmem:s8], $0x280, $0x38;
	[tilespmem:$0x9500] =	vst v63  }
0x59: {  	_ =	swait.ge [sflag:s23], $0x280  }
0x5a: {  	[sflag:s23] =	ssyncset.done $0x0  }
0x5b: {  	s29 =	simm.s32 $0x0;
	[sflag:s23] =	ssyncadd.s32 $0xFFFFFD80  }
0x5c: {  	s30 =	simm.s32 $0x40;
	v2 =	vld [tilespmem:s29+$0x6800]  }
.LBB2_12:
0x5d: {  	p0 =	sne.s32 s30, $0x9C0;
	v3 =	vld [tilespmem:s29+$0x6A80];
	_ =	sdelay $0x2  }
.Ltmp5:
0x5e: {  	(pc) =	sbr.rel @p0 .LBB2_12-.Ltmp5, $4  }
0x5f: {  	_ = 	snop  }
0x60: {  	v3 =	vadd.f32 v2, v3  }
0x61: {  	s31 =	sshra.s32 s30, $0x2  }
0x62: {  	s30 =	sadd.s32 $0x40, s30;
	v2 =	vld [tilespmem:s31+$0x6800];
	[tilespmem:s29+$0x6A80] =	vst v3;
	s29 =	smov.u32 s31  }
0x63: {  	v3 =	vld [tilespmem:s29+$0x6A80];
	_ =	sdelay $0x4  }
0x64: {  	v2 =	vadd.f32 v2, v3;
	_ =	sdelay $0x1  }
0x65: {  	[tilespmem:s29+$0x6A80] =	vst v2  }
0x66: {  	[tilespmem:s25], [sflag:$0x1] =	stream.linear.gather [spmem:s9], $0x280, $0x38;
	[tilespmem:$0x9500] =	vst v63  }
0x67: {  	_ =	swait.ge [sflag:s23], $0x280  }
0x68: {  	[sflag:s23] =	ssyncset.done $0x0  }
0x69: {  	s29 =	simm.s32 $0x0;
	[sflag:s23] =	ssyncadd.s32 $0xFFFFFD80  }
0x6a: {  	s30 =	simm.s32 $0x40;
	v2 =	vld [tilespmem:s29+$0x6800]  }
.LBB2_14:
0x6b: {  	p0 =	sne.s32 s30, $0x9C0;
	v3 =	vld [tilespmem:s29+$0x6A80];
	_ =	sdelay $0x2  }
.Ltmp6:
0x6c: {  	(pc) =	sbr.rel @p0 .LBB2_14-.Ltmp6, $4  }
0x6d: {  	_ = 	snop  }
0x6e: {  	v3 =	vadd.f32 v2, v3  }
0x6f: {  	s31 =	sshra.s32 s30, $0x2  }
0x70: {  	s30 =	sadd.s32 $0x40, s30;
	v2 =	vld [tilespmem:s31+$0x6800];
	[tilespmem:s29+$0x6A80] =	vst v3;
	s29 =	smov.u32 s31  }
0x71: {  	v3 =	vld [tilespmem:s29+$0x6A80];
	_ =	sdelay $0x4  }
0x72: {  	v2 =	vadd.f32 v2, v3;
	_ =	sdelay $0x1  }
0x73: {  	[tilespmem:s29+$0x6A80] =	vst v2  }
0x74: {  	[tilespmem:s25], [sflag:$0x1] =	stream.linear.gather [spmem:s10], $0x280, $0x38;
	[tilespmem:$0x9500] =	vst v63  }
0x75: {  	_ =	swait.ge [sflag:s23], $0x280  }
0x76: {  	[sflag:s23] =	ssyncset.done $0x0  }
0x77: {  	s29 =	simm.s32 $0x0;
	[sflag:s23] =	ssyncadd.s32 $0xFFFFFD80  }
0x78: {  	s30 =	simm.s32 $0x40;
	v2 =	vld [tilespmem:s29+$0x6800]  }
.LBB2_16:
0x79: {  	p0 =	sne.s32 s30, $0x9C0;
	v3 =	vld [tilespmem:s29+$0x6A80];
	_ =	sdelay $0x2  }
.Ltmp7:
0x7a: {  	(pc) =	sbr.rel @p0 .LBB2_16-.Ltmp7, $4  }
0x7b: {  	_ = 	snop  }
0x7c: {  	v3 =	vadd.f32 v2, v3  }
0x7d: {  	s31 =	sshra.s32 s30, $0x2  }
0x7e: {  	s30 =	sadd.s32 $0x40, s30;
	v2 =	vld [tilespmem:s31+$0x6800];
	[tilespmem:s29+$0x6A80] =	vst v3;
	s29 =	smov.u32 s31  }
0x7f: {  	v3 =	vld [tilespmem:s29+$0x6A80];
	_ =	sdelay $0x4  }
0x80: {  	v2 =	vadd.f32 v2, v3;
	_ =	sdelay $0x1  }
0x81: {  	[tilespmem:s29+$0x6A80] =	vst v2  }
0x82: {  	[tilespmem:s25], [sflag:$0x1] =	stream.linear.gather [spmem:s11], $0x280, $0x38;
	[tilespmem:$0x9500] =	vst v63  }
0x83: {  	_ =	swait.ge [sflag:s23], $0x280  }
0x84: {  	[sflag:s23] =	ssyncset.done $0x0  }
0x85: {  	s29 =	simm.s32 $0x0;
	[sflag:s23] =	ssyncadd.s32 $0xFFFFFD80  }
0x86: {  	s30 =	simm.s32 $0x40;
	v2 =	vld [tilespmem:s29+$0x6800]  }
.LBB2_18:
0x87: {  	p0 =	sne.s32 s30, $0x9C0;
	v3 =	vld [tilespmem:s29+$0x6A80];
	_ =	sdelay $0x2  }
.Ltmp8:
0x88: {  	(pc) =	sbr.rel @p0 .LBB2_18-.Ltmp8, $4  }
0x89: {  	_ = 	snop  }
0x8a: {  	v3 =	vadd.f32 v2, v3  }
0x8b: {  	s31 =	sshra.s32 s30, $0x2  }
0x8c: {  	s30 =	sadd.s32 $0x40, s30;
	v2 =	vld [tilespmem:s31+$0x6800];
	[tilespmem:s29+$0x6A80] =	vst v3;
	s29 =	smov.u32 s31  }
0x8d: {  	v3 =	vld [tilespmem:s29+$0x6A80];
	_ =	sdelay $0x4  }
0x8e: {  	v2 =	vadd.f32 v2, v3;
	_ =	sdelay $0x1  }
0x8f: {  	[tilespmem:s29+$0x6A80] =	vst v2  }
0x90: {  	[tilespmem:s25], [sflag:$0x1] =	stream.linear.gather [spmem:s12], $0x280, $0x38;
	[tilespmem:$0x9500] =	vst v63  }
0x91: {  	_ =	swait.ge [sflag:s23], $0x280  }
0x92: {  	[sflag:s23] =	ssyncset.done $0x0  }
0x93: {  	s29 =	simm.s32 $0x0;
	[sflag:s23] =	ssyncadd.s32 $0xFFFFFD80  }
0x94: {  	s30 =	simm.s32 $0x40;
	v2 =	vld [tilespmem:s29+$0x6800]  }
.LBB2_20:
0x95: {  	p0 =	sne.s32 s30, $0x9C0;
	v3 =	vld [tilespmem:s29+$0x6A80];
	_ =	sdelay $0x2  }
.Ltmp9:
0x96: {  	(pc) =	sbr.rel @p0 .LBB2_20-.Ltmp9, $4  }
0x97: {  	_ = 	snop  }
0x98: {  	v3 =	vadd.f32 v2, v3  }
0x99: {  	s31 =	sshra.s32 s30, $0x2  }
0x9a: {  	s30 =	sadd.s32 $0x40, s30;
	v2 =	vld [tilespmem:s31+$0x6800];
	[tilespmem:s29+$0x6A80] =	vst v3;
	s29 =	smov.u32 s31  }
0x9b: {  	v3 =	vld [tilespmem:s29+$0x6A80];
	_ =	sdelay $0x4  }
0x9c: {  	v2 =	vadd.f32 v2, v3;
	_ =	sdelay $0x1  }
0x9d: {  	[tilespmem:s29+$0x6A80] =	vst v2  }
0x9e: {  	[tilespmem:s25], [sflag:$0x1] =	stream.linear.gather [spmem:s13], $0x280, $0x38;
	[tilespmem:$0x9500] =	vst v63  }
0x9f: {  	_ =	swait.ge [sflag:s23], $0x280  }
0xa0: {  	[sflag:s23] =	ssyncset.done $0x0  }
0xa1: {  	s29 =	simm.s32 $0x0;
	[sflag:s23] =	ssyncadd.s32 $0xFFFFFD80  }
0xa2: {  	s30 =	simm.s32 $0x40;
	v2 =	vld [tilespmem:s29+$0x6800]  }
.LBB2_22:
0xa3: {  	p0 =	sne.s32 s30, $0x9C0;
	v3 =	vld [tilespmem:s29+$0x6A80];
	_ =	sdelay $0x2  }
.Ltmp10:
0xa4: {  	(pc) =	sbr.rel @p0 .LBB2_22-.Ltmp10, $4  }
0xa5: {  	_ = 	snop  }
0xa6: {  	v3 =	vadd.f32 v2, v3  }
0xa7: {  	s31 =	sshra.s32 s30, $0x2  }
0xa8: {  	s30 =	sadd.s32 $0x40, s30;
	v2 =	vld [tilespmem:s31+$0x6800];
	[tilespmem:s29+$0x6A80] =	vst v3;
	s29 =	smov.u32 s31  }
0xa9: {  	v3 =	vld [tilespmem:s29+$0x6A80];
	_ =	sdelay $0x4  }
0xaa: {  	v2 =	vadd.f32 v2, v3;
	_ =	sdelay $0x1  }
0xab: {  	[tilespmem:s29+$0x6A80] =	vst v2  }
0xac: {  	[tilespmem:s25], [sflag:$0x1] =	stream.linear.gather [spmem:s14], $0x280, $0x38;
	[tilespmem:$0x9500] =	vst v63  }
0xad: {  	_ =	swait.ge [sflag:s23], $0x280  }
0xae: {  	[sflag:s23] =	ssyncset.done $0x0  }
0xaf: {  	s29 =	simm.s32 $0x0;
	[sflag:s23] =	ssyncadd.s32 $0xFFFFFD80  }
0xb0: {  	s30 =	simm.s32 $0x40;
	v2 =	vld [tilespmem:s29+$0x6800]  }
.LBB2_24:
0xb1: {  	p0 =	sne.s32 s30, $0x9C0;
	v3 =	vld [tilespmem:s29+$0x6A80];
	_ =	sdelay $0x2  }
.Ltmp11:
0xb2: {  	(pc) =	sbr.rel @p0 .LBB2_24-.Ltmp11, $4  }
0xb3: {  	_ = 	snop  }
0xb4: {  	v3 =	vadd.f32 v2, v3  }
0xb5: {  	s31 =	sshra.s32 s30, $0x2  }
0xb6: {  	s30 =	sadd.s32 $0x40, s30;
	v2 =	vld [tilespmem:s31+$0x6800];
	[tilespmem:s29+$0x6A80] =	vst v3;
	s29 =	smov.u32 s31  }
0xb7: {  	v3 =	vld [tilespmem:s29+$0x6A80];
	_ =	sdelay $0x4  }
0xb8: {  	v2 =	vadd.f32 v2, v3;
	_ =	sdelay $0x1  }
0xb9: {  	[tilespmem:s29+$0x6A80] =	vst v2  }
0xba: {  	[tilespmem:s25], [sflag:$0x1] =	stream.linear.gather [spmem:s15], $0x280, $0x38;
	[tilespmem:$0x9500] =	vst v63  }
0xbb: {  	_ =	swait.ge [sflag:s23], $0x280  }
0xbc: {  	[sflag:s23] =	ssyncset.done $0x0  }
0xbd: {  	s29 =	simm.s32 $0x0;
	[sflag:s23] =	ssyncadd.s32 $0xFFFFFD80  }
0xbe: {  	s30 =	simm.s32 $0x40;
	v2 =	vld [tilespmem:s29+$0x6800]  }
.LBB2_26:
0xbf: {  	p0 =	sne.s32 s30, $0x9C0;
	v3 =	vld [tilespmem:s29+$0x6A80];
	_ =	sdelay $0x2  }
.Ltmp12:
0xc0: {  	(pc) =	sbr.rel @p0 .LBB2_26-.Ltmp12, $4  }
0xc1: {  	_ = 	snop  }
0xc2: {  	v3 =	vadd.f32 v2, v3  }
0xc3: {  	s31 =	sshra.s32 s30, $0x2  }
0xc4: {  	s30 =	sadd.s32 $0x40, s30;
	v2 =	vld [tilespmem:s31+$0x6800];
	[tilespmem:s29+$0x6A80] =	vst v3;
	s29 =	smov.u32 s31  }
0xc5: {  	v3 =	vld [tilespmem:s29+$0x6A80];
	_ =	sdelay $0x4  }
0xc6: {  	v2 =	vadd.f32 v2, v3;
	_ =	sdelay $0x1  }
0xc7: {  	[tilespmem:s29+$0x6A80] =	vst v2  }
0xc8: {  	[tilespmem:s25], [sflag:$0x1] =	stream.linear.gather [spmem:s16], $0x280, $0x38;
	[tilespmem:$0x9500] =	vst v63  }
0xc9: {  	_ =	swait.ge [sflag:s23], $0x280  }
0xca: {  	[sflag:s23] =	ssyncset.done $0x0  }
0xcb: {  	s29 =	simm.s32 $0x0;
	[sflag:s23] =	ssyncadd.s32 $0xFFFFFD80  }
0xcc: {  	s30 =	simm.s32 $0x40;
	v2 =	vld [tilespmem:s29+$0x6800]  }
.LBB2_28:
0xcd: {  	p0 =	sne.s32 s30, $0x9C0;
	v3 =	vld [tilespmem:s29+$0x6A80];
	_ =	sdelay $0x2  }
.Ltmp13:
0xce: {  	(pc) =	sbr.rel @p0 .LBB2_28-.Ltmp13, $4  }
0xcf: {  	_ = 	snop  }
0xd0: {  	v3 =	vadd.f32 v2, v3  }
0xd1: {  	s31 =	sshra.s32 s30, $0x2  }
0xd2: {  	s30 =	sadd.s32 $0x40, s30;
	v2 =	vld [tilespmem:s31+$0x6800];
	[tilespmem:s29+$0x6A80] =	vst v3;
	s29 =	smov.u32 s31  }
0xd3: {  	v3 =	vld [tilespmem:s29+$0x6A80];
	_ =	sdelay $0x4  }
0xd4: {  	v2 =	vadd.f32 v2, v3;
	_ =	sdelay $0x1  }
0xd5: {  	[tilespmem:s29+$0x6A80] =	vst v2  }
0xd6: {  	[tilespmem:s25], [sflag:$0x1] =	stream.linear.gather [spmem:s17], $0x280, $0x38;
	[tilespmem:$0x9500] =	vst v63  }
0xd7: {  	_ =	swait.ge [sflag:s23], $0x280  }
0xd8: {  	[sflag:s23] =	ssyncset.done $0x0  }
0xd9: {  	s29 =	simm.s32 $0x0;
	[sflag:s23] =	ssyncadd.s32 $0xFFFFFD80  }
0xda: {  	s30 =	simm.s32 $0x40;
	v2 =	vld [tilespmem:s29+$0x6800]  }
.LBB2_30:
0xdb: {  	p0 =	sne.s32 s30, $0x9C0;
	v3 =	vld [tilespmem:s29+$0x6A80];
	_ =	sdelay $0x2  }
.Ltmp14:
0xdc: {  	(pc) =	sbr.rel @p0 .LBB2_30-.Ltmp14, $4  }
0xdd: {  	_ = 	snop  }
0xde: {  	v3 =	vadd.f32 v2, v3  }
0xdf: {  	s31 =	sshra.s32 s30, $0x2  }
0xe0: {  	s30 =	sadd.s32 $0x40, s30;
	v2 =	vld [tilespmem:s31+$0x6800];
	[tilespmem:s29+$0x6A80] =	vst v3;
	s29 =	smov.u32 s31  }
0xe1: {  	v3 =	vld [tilespmem:s29+$0x6A80];
	_ =	sdelay $0x4  }
0xe2: {  	v2 =	vadd.f32 v2, v3;
	_ =	sdelay $0x1  }
0xe3: {  	[tilespmem:s29+$0x6A80] =	vst v2  }
0xe4: {  	[tilespmem:s25], [sflag:$0x1] =	stream.linear.gather [spmem:s18], $0x280, $0x38;
	[tilespmem:$0x9500] =	vst v63  }
0xe5: {  	_ =	swait.ge [sflag:s23], $0x280  }
0xe6: {  	[sflag:s23] =	ssyncset.done $0x0  }
0xe7: {  	s29 =	simm.s32 $0x0;
	[sflag:s23] =	ssyncadd.s32 $0xFFFFFD80  }
0xe8: {  	s30 =	simm.s32 $0x40;
	v2 =	vld [tilespmem:s29+$0x6800]  }
.LBB2_32:
0xe9: {  	p0 =	sne.s32 s30, $0x9C0;
	v3 =	vld [tilespmem:s29+$0x6A80];
	_ =	sdelay $0x2  }
.Ltmp15:
0xea: {  	(pc) =	sbr.rel @p0 .LBB2_32-.Ltmp15, $4  }
0xeb: {  	_ = 	snop  }
0xec: {  	v3 =	vadd.f32 v2, v3  }
0xed: {  	s31 =	sshra.s32 s30, $0x2  }
0xee: {  	s30 =	sadd.s32 $0x40, s30;
	v2 =	vld [tilespmem:s31+$0x6800];
	[tilespmem:s29+$0x6A80] =	vst v3;
	s29 =	smov.u32 s31  }
0xef: {  	v3 =	vld [tilespmem:s29+$0x6A80];
	_ =	sdelay $0x4  }
0xf0: {  	v2 =	vadd.f32 v2, v3;
	_ =	sdelay $0x1  }
0xf1: {  	[tilespmem:s29+$0x6A80] =	vst v2  }
0xf2: {  	[tilespmem:s25], [sflag:$0x1] =	stream.linear.gather [spmem:s19], $0x280, $0x38;
	[tilespmem:$0x9500] =	vst v63  }
0xf3: {  	_ =	swait.ge [sflag:s23], $0x280  }
0xf4: {  	[sflag:s23] =	ssyncset.done $0x0  }
0xf5: {  	s29 =	simm.s32 $0x0;
	[sflag:s23] =	ssyncadd.s32 $0xFFFFFD80  }
0xf6: {  	s30 =	simm.s32 $0x40;
	v2 =	vld [tilespmem:s29+$0x6800]  }
.LBB2_34:
0xf7: {  	p0 =	sne.s32 s30, $0x9C0;
	v3 =	vld [tilespmem:s29+$0x6A80];
	_ =	sdelay $0x2  }
.Ltmp16:
0xf8: {  	(pc) =	sbr.rel @p0 .LBB2_34-.Ltmp16, $4  }
0xf9: {  	_ = 	snop  }
0xfa: {  	v3 =	vadd.f32 v2, v3  }
0xfb: {  	s31 =	sshra.s32 s30, $0x2  }
0xfc: {  	s30 =	sadd.s32 $0x40, s30;
	v2 =	vld [tilespmem:s31+$0x6800];
	[tilespmem:s29+$0x6A80] =	vst v3;
	s29 =	smov.u32 s31  }
0xfd: {  	v3 =	vld [tilespmem:s29+$0x6A80];
	_ =	sdelay $0x4  }
0xfe: {  	v2 =	vadd.f32 v2, v3;
	_ =	sdelay $0x1  }
0xff: {  	[tilespmem:s29+$0x6A80] =	vst v2  }
0x100: {  	[tilespmem:s25], [sflag:$0x1] =	stream.linear.gather [spmem:s20], $0x280, $0x38;
	[tilespmem:$0x9500] =	vst v63  }
0x101: {  	_ =	swait.ge [sflag:s23], $0x280  }
0x102: {  	[sflag:s23] =	ssyncset.done $0x0  }
0x103: {  	s29 =	simm.s32 $0x0;
	[sflag:s23] =	ssyncadd.s32 $0xFFFFFD80  }
0x104: {  	s30 =	simm.s32 $0x40;
	v2 =	vld [tilespmem:s29+$0x6800]  }
.LBB2_36:
0x105: {  	p0 =	sne.s32 s30, $0x9C0;
	v3 =	vld [tilespmem:s29+$0x6A80];
	_ =	sdelay $0x2  }
.Ltmp17:
0x106: {  	(pc) =	sbr.rel @p0 .LBB2_36-.Ltmp17, $4  }
0x107: {  	_ = 	snop  }
0x108: {  	v3 =	vadd.f32 v2, v3  }
0x109: {  	s31 =	sshra.s32 s30, $0x2  }
0x10a: {  	s30 =	sadd.s32 $0x40, s30;
	v2 =	vld [tilespmem:s31+$0x6800];
	[tilespmem:s29+$0x6A80] =	vst v3;
	s29 =	smov.u32 s31  }
0x10b: {  	v3 =	vld [tilespmem:s29+$0x6A80];
	_ =	sdelay $0x4  }
0x10c: {  	s28 =	sadd.s32 $0x1, s28;
	v2 =	vadd.f32 v2, v3  }
0x10d: {  	p0 =	sne.s32 s28, s22  }
.Ltmp18:
0x10e: {  	[tilespmem:s29+$0x6A80] =	vst v2;
	(pc) =	sbr.rel @p0 .LBB2_1-.Ltmp18, $4  }
0x10f: {  	[hbm4b:s21+s2] =	stream.linear.scatter [tilespmem:s26], [sflag:$0x1], $0x280, $0x38;
	[tilespmem:$0x9500] =	vst v63  }
0x110: {  	_ =	swait.ge [sflag:s23], $0x280  }
0x111: {  	[sflag:s23] =	ssyncset.done $0x0  }
0x112: {  	[sflag:s23] =	ssyncadd.s32 $0xFFFFFD80  }
0x113: {  	_ =	sfence.sel $0x180000  }
0x114: {  	[bflag:$0x0] =	sbarrier.arrive $0xFFFF  }
0x115: {  	p0 =	sne.s32 s1, $0x0;
	_ =	strace $0x90000047  }
0x116: {  	s0 =	sadd.s32 @!p0 $0x100000, s0;
	[bflag:$0x2] =	sbarrier.arrive $0xFFFF  }
0x117: {  	[sflag:s0] =	ssyncadd.tile.s32 @!p0 $0x1;
	_ =	shalt  }
.Lfunc_end2:
_tile_overlayer_lowered:
.L_overlay_start_2:
0x118: {  	(tag) =	ssettag $0x2  }
0x119: {  	s0 =	rddreg [dreg:$0x0];
	s2 =	stileid.u32  }
0x11a: {  	s1 =	rddreg [dreg:$0x1];
	p0 =	sne.s32 s2, $0x0  }
0x11b: {  	s3 =	rddreg [dreg:$0x2];
	[bflag:$0x3] =	sbarrier.arrive $0xFFFF;
	s2 =	simm.s32 @!p0 $0x1C01  }
0x11c: {  	[timem:s3], [sflag:s2] =	dma.local @!p0 [hbm:s0], s1  }
0x11d: {  	s0 =	simm.s32 @!p0 $0x1  }
0x11e: {  	_ =	swait.ge @!p0 [sflag:s0], s1  }
0x11f: {  	s1 =	ssub.s32 @!p0 $0x0, s1;
	[sflag:s0] =	ssyncset.done @!p0 $0x0  }
0x120: {  	[sflag:s0] =	ssyncadd.s32 @!p0 s1  }
0x121: {  	[bflag:$0x3] =	sbarrier.arrive $0xFFFF  }
0x122: {  	_ =	shalt  }

</sc_bundles>
